<compile_context>
chip_gen: v7x
topology: tpu7x:2x2x1
jax: 0.10.2.dev20260603
libtpu: 0.0.44.dev20260713+nightly
codegen_flags: <defaults>
</compile_context>

<pallas_src>
import jax
import jax.numpy as jnp
from jax import lax
from jax.experimental import pallas as pl
from jax.experimental.pallas import tpu as pltpu
from jax.experimental.pallas import tpu_sc as plsc

N = 50000
E = 1600000
F_IN = 4
HEADS = 4
EMB = 8
HD = HEADS * EMB
AW = 8
EW = 8
HID = 128
B = 1024

NC = 2
NS = 16
NW = NC * NS
TILE_E = E // NW
SUB = 2000
NSUB = TILE_E // SUB
BLK = 512
CAP = ((TILE_E + BLK - 1) // BLK) * BLK
STAGE = TILE_E + BLK
C3 = 1280
MBLK = 10000


def _i32(x):
    return x.astype(jnp.int32)


def _k1_body(x_ref, w_ref, a_ref, h_out, a_out):
    xb = x_ref[...]
    h_out[...] = jnp.dot(xb, w_ref[...], preferred_element_type=jnp.float32)
    a_out[...] = jnp.dot(xb, a_ref[...], preferred_element_type=jnp.float32)


def _k1(xp, W, A):
    grid = N // MBLK
    return pl.pallas_call(
        _k1_body,
        grid=(grid,),
        in_specs=[
            pl.BlockSpec((MBLK, F_IN), lambda i: (i, 0)),
            pl.BlockSpec((F_IN, HD), lambda i: (0, 0)),
            pl.BlockSpec((F_IN, AW), lambda i: (0, 0)),
        ],
        out_specs=[
            pl.BlockSpec((MBLK, HD), lambda i: (i, 0)),
            pl.BlockSpec((MBLK, AW), lambda i: (i, 0)),
        ],
        out_shape=[
            jax.ShapeDtypeStruct((N, HD), jnp.float32),
            jax.ShapeDtypeStruct((N, AW), jnp.float32),
        ],
    )(xp, W, A)


def _k2_body(ei_hbm, slot_hbm, tgt_hbm,
             comp_hbm, cnt_hbm, st_hbm,
             slot_v, d0, s0, d1, s1, d2, s2, d3, s3, d4, s4,
             stage_v, tgt_v, st_v, cbuf_v,
             sm0, sm1, sm2, sm3, sm4):
    c = lax.axis_index("c")
    s = lax.axis_index("s")
    wid = s * NC + c
    ebase = wid * TILE_E
    lane = lax.iota(jnp.int32, 16)
    pltpu.sync_copy(slot_hbm, slot_v)

    def proc(dbuf, sbuf, off_vec):
        def vec(v, off_vec):
            for k in range(5):
                vv = v * 5 + k
                d16 = dbuf[pl.ds(vv * 16, 16)]
                s16 = sbuf[pl.ds(vv * 16, 16)]
                sl16 = plsc.load_gather(slot_v, [d16])
                msk = sl16 >= 0
                key = s16 * 1024 + sl16
                one = jnp.where(msk, 1, 0).astype(jnp.int32)
                idx = off_vec + plsc.cumsum(one) - 1
                plsc.store_scatter(stage_v, [idx], key, mask=msk)
                off_vec = off_vec + plsc.all_reduce_population_count(msk)
            return off_vec
        return lax.fori_loop(0, SUB // 80, vec, off_vec)

    bufs = [(d0, s0, sm0), (d1, s1, sm1), (d2, s2, sm2),
            (d3, s3, sm3), (d4, s4, sm4)]

    def start(chunk, k):
        dbuf, sbuf, sem = bufs[k]
        o = pl.multiple_of(ebase + chunk * SUB, 8)
        pltpu.async_copy(ei_hbm.at[1].at[pl.ds(o, SUB)], dbuf, sem)
        pltpu.async_copy(ei_hbm.at[0].at[pl.ds(o, SUB)], sbuf, sem)

    def wait(k):
        dbuf, sbuf, sem = bufs[k]
        pltpu.make_async_copy(ei_hbm.at[1].at[pl.ds(0, SUB)], dbuf, sem).wait()
        pltpu.make_async_copy(ei_hbm.at[0].at[pl.ds(0, SUB)], sbuf, sem).wait()

    for k in range(5):
        start(k, k)

    def grp(p, off_vec):
        for k in range(5):
            wait(k)
            off_vec = proc(bufs[k][0], bufs[k][1], off_vec)
            start(5 * p + k + 5, k)
        return off_vec

    off_vec = lax.fori_loop(0, NSUB // 5 - 1, grp,
                            jnp.zeros((16,), jnp.int32))
    for k in range(5):
        wait(k)
        off_vec = proc(bufs[k][0], bufs[k][1], off_vec)
    off = jnp.max(off_vec)

    for kk in range(BLK // 16):
        pos = off_vec + (kk * 16) + lane
        plsc.store_scatter(stage_v, [pos], (pos & 8191) * 1024)

    nblk = (off + BLK - 1) // BLK

    def flush(bk, _):
        pltpu.sync_copy(
            stage_v.at[pl.ds(bk * BLK, BLK)],
            comp_hbm.at[pl.ds(pl.multiple_of(wid * CAP, 8) + bk * BLK, BLK)])
        return 0

    lax.fori_loop(0, nblk, flush, 0)

    cbuf_v[...] = off_vec
    pltpu.sync_copy(cbuf_v, cnt_hbm.at[pl.ds(wid * 16, 16)])

    @pl.when(wid == 0)
    def _():
        pltpu.sync_copy(tgt_hbm, tgt_v)

        def g(i, _):
            t16 = tgt_v[pl.ds(i * 16, 16)]
            st_v[pl.ds(i * 16, 16)] = plsc.load_gather(slot_v, [t16])
            return 0

        lax.fori_loop(0, B // 16, g, 0)
        pltpu.sync_copy(st_v, st_hbm)


def _k2(ei, slot_tbl, tgt):
    mesh = plsc.VectorSubcoreMesh(
        core_axis_name="c", subcore_axis_name="s",
        num_cores=NC, num_subcores=NS)
    return pl.kernel(
        _k2_body,
        out_type=[
            jax.ShapeDtypeStruct((NW * CAP,), jnp.int32),
            jax.ShapeDtypeStruct((NW * 16,), jnp.int32),
            jax.ShapeDtypeStruct((B,), jnp.int32),
        ],
        mesh=mesh,
        compiler_params=pltpu.CompilerParams(needs_layout_passes=False,
                                             use_tc_tiling_on_sc=False),
        scratch_types=(
            [pltpu.VMEM((N,), jnp.int32)]
            + [pltpu.VMEM((SUB,), jnp.int32) for _ in range(10)]
            + [pltpu.VMEM((STAGE,), jnp.int32),
               pltpu.VMEM((B,), jnp.int32),
               pltpu.VMEM((B,), jnp.int32),
               pltpu.VMEM((16,), jnp.int32)]
            + [pltpu.SemaphoreType.DMA for _ in range(5)]
        ),
    )(ei, slot_tbl, tgt)


def _k3_body(comp_hbm, cnt_hbm, tgt_hbm, a_hbm, h_hbm,
             dpart_hbm, mpart_hbm,
             comp_v, srcs_v, slots_v, arows_v, hrows_v, eexp_v,
             adt_v, tgtl_v, cbuf_v, zb_d, zb_m, denom_s, macc_s, sema, semh):
    c = lax.axis_index("c")
    s = lax.axis_index("s")
    wid = s * NC + c
    lane = lax.iota(jnp.int32, 16)

    zrow = B // NS
    z16f = jnp.zeros((16,), jnp.float32)

    def zset(i, _):
        g = i * 16 + lane
        plsc.store_scatter(zb_m, [lax.shift_right_logical(g, 5),
                                  jnp.bitwise_and(g, 31)], z16f)
        return 0

    lax.fori_loop(0, (zrow * HD) // 16, zset, 0)

    def zsetd(i, _):
        g = i * 16 + lane
        plsc.store_scatter(zb_d, [lax.shift_right_logical(g, 3),
                                  jnp.bitwise_and(g, 7)], z16f)
        return 0

    lax.fori_loop(0, (zrow * EW) // 16, zsetd, 0)
    pltpu.sync_copy(zb_d, denom_s.at[pl.ds(s * zrow, zrow)])
    pltpu.sync_copy(zb_m, macc_s.at[pl.ds(s * zrow, zrow)])
    plsc.subcore_barrier()

    pltpu.sync_copy(tgt_hbm, tgtl_v)
    pltpu.async_copy(a_hbm.at[tgtl_v], adt_v, sema).wait()

    pltpu.sync_copy(cnt_hbm.at[pl.ds(wid * 16, 16)], cbuf_v)
    cnt = jnp.max(cbuf_v[...])
    cntv = jnp.full((16,), cnt, dtype=jnp.int32)
    nch = (cnt + C3 - 1) // C3

    def chunk(ch, _):
        base = pl.multiple_of(wid * CAP, 8) + ch * C3
        pltpu.sync_copy(comp_hbm.at[pl.ds(base, C3)], comp_v)

        def unp(v, _):
            k16 = comp_v[pl.ds(v * 16, 16)]
            src16 = jnp.minimum(lax.shift_right_logical(k16, 10),
                                jnp.int32(N - 1))
            sl16 = jnp.bitwise_and(k16, 1023)
            srcs_v[pl.ds(v * 16, 16)] = src16
            slots_v[pl.ds(v * 16, 16)] = sl16
            return 0

        lax.fori_loop(0, C3 // 16, unp, 0)

        cpa = pltpu.async_copy(a_hbm.at[srcs_v], arows_v, sema)
        cph = pltpu.async_copy(h_hbm.at[srcs_v], hrows_v, semh)
        cpa.wait()

        def edge(g, _):
            i16 = lane + g * 16
            slot16 = slots_v[pl.ds(g * 16, 16)]
            msk = (i16 + ch * C3) < cntv
            exl = []
            for hh in range(HEADS):
                fh = jnp.full((16,), hh, dtype=jnp.int32)
                asr = plsc.load_gather(arows_v, [i16, fh])
                ad = plsc.load_gather(adt_v, [slot16, fh + 4])
                e = asr + ad
                e = jnp.maximum(e, 0.2 * e)
                ex = jnp.where(msk, jnp.exp(e), 0.0)
                plsc.store_scatter(eexp_v, [i16, fh], ex)
                exl.append(ex)
            return exl

        def edge2(g, _):
            exl = edge(g, _)
            i16 = lane + g * 16
            for cc in range(HD):
                fc = jnp.full((16,), cc, dtype=jnp.int32)
                hv = plsc.load_gather(hrows_v, [i16, fc])
                plsc.store_scatter(hrows_v, [i16, fc], hv * exl[cc // EMB])
            return 0

        cph.wait()
        lax.fori_loop(0, C3 // 16, edge2, 0)

        cpd = pltpu.async_copy(eexp_v, denom_s.at[slots_v], sema, add=True)
        cpm = pltpu.async_copy(hrows_v, macc_s.at[slots_v], semh, add=True)
        cpd.wait()
        cpm.wait()
        return 0

    lax.fori_loop(0, nch, chunk, 0)

    plsc.subcore_barrier()

    @pl.when(s == 0)
    def _():
        pltpu.sync_copy(denom_s, dpart_hbm.at[c])
        pltpu.sync_copy(macc_s, mpart_hbm.at[c])


def _k3(comp, cnts, tgt, a, h):
    mesh = plsc.VectorSubcoreMesh(
        core_axis_name="c", subcore_axis_name="s",
        num_cores=NC, num_subcores=NS)
    return pl.kernel(
        _k3_body,
        out_type=[
            jax.ShapeDtypeStruct((NC, B, EW), jnp.float32),
            jax.ShapeDtypeStruct((NC, B, HD), jnp.float32),
        ],
        mesh=mesh,
        compiler_params=pltpu.CompilerParams(needs_layout_passes=False,
                                             use_tc_tiling_on_sc=False),
        scratch_types=[
            pltpu.VMEM((C3,), jnp.int32),
            pltpu.VMEM((C3,), jnp.int32),
            pltpu.VMEM((C3,), jnp.int32),
            pltpu.VMEM((C3, AW), jnp.float32),
            pltpu.VMEM((C3, HD), jnp.float32),
            pltpu.VMEM((C3, EW), jnp.float32),
            pltpu.VMEM((B, AW), jnp.float32),
            pltpu.VMEM((B,), jnp.int32),
            pltpu.VMEM((16,), jnp.int32),
            pltpu.VMEM((B // NS, EW), jnp.float32),
            pltpu.VMEM((B // NS, HD), jnp.float32),
            pltpu.VMEM_SHARED((B, EW), jnp.float32),
            pltpu.VMEM_SHARED((B, HD), jnp.float32),
            pltpu.SemaphoreType.DMA,
            pltpu.SemaphoreType.DMA,
        ],
    )(comp, cnts, tgt, a, h)


def _k5_body(dpart_hbm, mpart_hbm, st_hbm, res_hbm,
             st_v, stp_v, d0_v, d1_v, m0_v, m1_v, semg):
    c = lax.axis_index("c")
    s = lax.axis_index("s")
    wid = s * NC + c
    per = B // NW
    lane = lax.iota(jnp.int32, 16)

    pltpu.sync_copy(st_hbm.at[pl.ds(wid * per, per)], st_v)

    def addb(v, _):
        stp_v[pl.ds(v * 16, 16)] = st_v[pl.ds(v * 16, 16)] + B
        return 0

    lax.fori_loop(0, per // 16, addb, 0)

    cps = [pltpu.async_copy(dpart_hbm.at[st_v], d0_v, semg),
           pltpu.async_copy(dpart_hbm.at[stp_v], d1_v, semg),
           pltpu.async_copy(mpart_hbm.at[st_v], m0_v, semg),
           pltpu.async_copy(mpart_hbm.at[stp_v], m1_v, semg)]
    for cp in cps:
        cp.wait()

    def finrow(g, _):
        i16 = lane + g * 16
        rds = []
        for hh in range(HEADS):
            fh = jnp.full((16,), hh, dtype=jnp.int32)
            d = (plsc.load_gather(d0_v, [i16, fh])
                 + plsc.load_gather(d1_v, [i16, fh]))
            rds.append(1.0 / (d + 1e-16))
        for cc in range(HD):
            fc = jnp.full((16,), cc, dtype=jnp.int32)
            m = (plsc.load_gather(m0_v, [i16, fc])
                 + plsc.load_gather(m1_v, [i16, fc]))
            plsc.store_scatter(m0_v, [i16, fc], m * rds[cc // EMB])
        return 0

    lax.fori_loop(0, per // 16, finrow, 0)

    pltpu.sync_copy(m0_v, res_hbm.at[pl.ds(wid * per, per)])


def _k5(dpart2, mpart2, st):
    mesh = plsc.VectorSubcoreMesh(
        core_axis_name="c", subcore_axis_name="s",
        num_cores=NC, num_subcores=NS)
    return pl.kernel(
        _k5_body,
        out_type=jax.ShapeDtypeStruct((B, HD), jnp.float32),
        mesh=mesh,
        compiler_params=pltpu.CompilerParams(needs_layout_passes=False,
                                             use_tc_tiling_on_sc=False),
        scratch_types=[
            pltpu.VMEM((B // NW,), jnp.int32),
            pltpu.VMEM((B // NW,), jnp.int32),
            pltpu.VMEM((B // NW, EW), jnp.float32),
            pltpu.VMEM((B // NW, EW), jnp.float32),
            pltpu.VMEM((B // NW, HD), jnp.float32),
            pltpu.VMEM((B // NW, HD), jnp.float32),
            pltpu.SemaphoreType.DMA,
        ],
    )(dpart2, mpart2, st)


def _k6_body(res_ref, bias_ref, w_ref, fcb_ref, o_ref):
    t = res_ref[...] + bias_ref[...]
    o_ref[...] = (jnp.dot(t, w_ref[...], preferred_element_type=jnp.float32)
                  + fcb_ref[...])


def _k6(res, bias2, fc_W, fcb2):
    return pl.pallas_call(
        _k6_body,
        out_shape=jax.ShapeDtypeStruct((B, HID), jnp.float32),
    )(res, bias2, fc_W, fcb2)


def kernel(x, edge_index, target_node_idx, W, att_src, att_dst, bias, fc_W,
           fc_b):
    ei = _i32(edge_index)
    tgt = _i32(target_node_idx)

    W3 = W.reshape(F_IN, HEADS, EMB)
    As = jnp.einsum("fhd,hd->fh", W3, att_src)
    Ad = jnp.einsum("fhd,hd->fh", W3, att_dst)
    A = jnp.concatenate([As, Ad], axis=1)

    slot_tbl = jnp.full((N,), -1, dtype=jnp.int32).at[tgt].set(
        jnp.arange(B, dtype=jnp.int32), mode="drop")

    h, a = _k1(x, W, A)
    comp, cnts, st = _k2(ei, slot_tbl, tgt)
    dpart, mpart = _k3(comp, cnts, tgt, a, h)
    res = _k5(dpart.reshape(NC * B, EW), mpart.reshape(NC * B, HD), st)
    o = _k6(res, bias.reshape(1, HD), fc_W, fc_b.reshape(1, HID))
    return o

# --- scband reference (transcript-rebuilt; emitter-appended) ---
"""Pipeline reference for scband-sender-gat-20693152432916 (READ-ONLY COPY).

The authoritative reference and input builder live on the scoring server;
editing this copy changes nothing except your own understanding.
"""

import jax, jax.numpy as jnp
import numpy as np

N = 50000
E = 1600000
F_IN = 4
HEADS = 4
EMB = 8
HID = 128
B = 1024


def setup_inputs(seed: int = 0) -> dict:
    key = jax.random.key(seed)
    ks = jax.random.split(key, 9)
    x = jax.random.normal(ks[0], (N, F_IN), dtype=jnp.float32)
    edge_index = jax.random.randint(ks[1], (2, E), 0, N, dtype=jnp.int64)
    target_node_idx = jax.random.randint(ks[2], (B,), 0, N, dtype=jnp.int64)
    W = jax.random.normal(ks[3], (F_IN, HEADS * EMB), dtype=jnp.float32) * 0.1
    att_src = jax.random.normal(ks[4], (HEADS, EMB), dtype=jnp.float32) * 0.1
    att_dst = jax.random.normal(ks[5], (HEADS, EMB), dtype=jnp.float32) * 0.1
    bias = jnp.zeros((HEADS * EMB,), dtype=jnp.float32)
    fc_W = jax.random.normal(ks[6], (HEADS * EMB, HID), dtype=jnp.float32) * 0.1
    fc_b = jnp.zeros((HID,), dtype=jnp.float32)
    return {"x": x, "edge_index": edge_index, "target_node_idx": target_node_idx,
            "W": W, "att_src": att_src, "att_dst": att_dst, "bias": bias,
            "fc_W": fc_W, "fc_b": fc_b}


def reference(x, edge_index, target_node_idx, W, att_src, att_dst, bias, fc_W, fc_b):
    src = edge_index[0]
    dst = edge_index[1]
    # GAT layer (single GATConv, concat heads)
    h = (x @ W).reshape(N, HEADS, EMB)  # [N, H, D]
    a_src = (h * att_src[None, :, :]).sum(-1)  # [N, H]
    a_dst = (h * att_dst[None, :, :]).sum(-1)  # [N, H]
    e = jax.nn.leaky_relu(a_src[src] + a_dst[dst], negative_slope=0.2)  # [E, H]
    # segment softmax over incoming edges per dst node
    m = jax.ops.segment_max(e, dst, num_segments=N)  # [N, H]
    m = jnp.where(jnp.isfinite(m), m, 0.0)
    e_exp = jnp.exp(e - jax.lax.stop_gradient(m[dst]))
    denom = jax.ops.segment_sum(e_exp, dst, num_segments=N)  # [N, H]
    alpha = e_exp / (denom[dst] + 1e-16)  # [E, H]
    msg = h[src] * alpha[:, :, None]  # [E, H, D]
    out = jax.ops.segment_sum(msg, dst, num_segments=N).reshape(N, HEADS * EMB) + bias
    # SenderGAT head: gather target nodes, linear
    tgt = out[target_node_idx]  # [B, H*D]
    o = tgt @ fc_W + fc_b
    return o.reshape(-1, HID)

if __name__ == "__main__":
    import jax
    _d = setup_inputs()
    print(jax.jit(kernel)(*tuple(_d.values())))

</pallas_src>

<mosaic_0001>
#map = affine_map<(d0, d1) -> (0, 0)>
#map1 = affine_map<(d0, d1) -> (0)>
module attributes {stable_mosaic.version = 14 : i64} {
  func.func @_k5_body(%arg0: i32, %arg1: i32, %arg2: memref<2048x8xf32, #tpu.memory_space<hbm>>, %arg3: memref<2048x32xf32, #tpu.memory_space<hbm>>, %arg4: memref<1024xi32, #tpu.memory_space<hbm>>, %arg5: memref<1024x32xf32, #tpu.memory_space<hbm>>, %arg6: memref<32xi32, #tpu.memory_space<vmem>>, %arg7: memref<32xi32, #tpu.memory_space<vmem>>, %arg8: memref<32x8xf32, #tpu.memory_space<vmem>>, %arg9: memref<32x8xf32, #tpu.memory_space<vmem>>, %arg10: memref<32x32xf32, #tpu.memory_space<vmem>>, %arg11: memref<32x32xf32, #tpu.memory_space<vmem>>, %arg12: memref<!tpu.dma_semaphore, #tpu.memory_space<semaphore_mem>>) attributes {dimension_semantics = [#tpu.dimension_semantics<core_parallel>, #tpu.dimension_semantics<subcore_parallel>], iteration_bounds = array<i64: 2, 16>, scalar_prefetch = 0 : i64, scratch_operands = 7 : i64, tpu.core_type = #tpu.core_type<sc_vector_subcore>, window_params = [{transform_indices = #map}, {transform_indices = #map}, {transform_indices = #map1}, {transform_indices = #map}]} {
    %mul3A = arith.constant 2 : i32
    %mul3A_0 = arith.muli %arg1, %mul3A : i32
    %add3A = arith.addi %mul3A_0, %arg0 : i32
    %iota3A = tpu.iota {dimensions = array<i32: 0>} : vector<16xi32>
    %mul3A_1 = arith.constant 32 : i32
    %mul3A_2 = arith.muli %add3A, %mul3A_1 : i32
    "tpu.region"() ({
      %run_scoped3A = tpu.sem_alloc : memref<!tpu.dma_semaphore, #tpu.memory_space<semaphore_mem>>
      %dma_start3A_40 = tpu.memref_slice %arg4[%mul3A_2] : memref<1024xi32, #tpu.memory_space<hbm>> -> memref<32xi32, #tpu.memory_space<hbm>>
      %dma_start3A_41 = tpu.memref_slice %arg4[%mul3A_2] : memref<1024xi32, #tpu.memory_space<hbm>> -> memref<32xi32, #tpu.memory_space<hbm>>
      tpu.enqueue_dma source(%dma_start3A_41 : memref<32xi32, #tpu.memory_space<hbm>>) target(%arg6 : memref<32xi32, #tpu.memory_space<vmem>>) target_semaphore(%run_scoped3A : memref<!tpu.dma_semaphore, #tpu.memory_space<semaphore_mem>>)
      %dma_wait3A_42 = tpu.memref_slice %arg4[%mul3A_2] : memref<1024xi32, #tpu.memory_space<hbm>> -> memref<32xi32, #tpu.memory_space<hbm>>
      %dma_wait3A_43 = tpu.memref_slice %arg4[%mul3A_2] : memref<1024xi32, #tpu.memory_space<hbm>> -> memref<32xi32, #tpu.memory_space<hbm>>
      tpu.wait_dma2 semaphore(%run_scoped3A : memref<!tpu.dma_semaphore, #tpu.memory_space<semaphore_mem>>) src(%dma_wait3A_43 : memref<32xi32, #tpu.memory_space<hbm>>) dst(%arg6 : memref<32xi32, #tpu.memory_space<vmem>>)
      tpu.yield
    }) : () -> ()
    %scan3A = arith.constant 0 : i32
    %scan3A_3 = arith.constant 0 : i32
    %scan3A_4 = arith.constant 2 : i32
    %scan3A_5 = arith.addi %scan3A_3, %scan3A_4 : i32
    %scan3A_6 = arith.constant 1 : i32
    %scan3A_7 = scf.for %scan3A_40 = %scan3A_3 to %scan3A_5 step %scan3A_6 iter_args(%scan3A_41 = %scan3A) -> (i32)  : i32 {
      %mul3A_42 = arith.constant 16 : i32
      %mul3A_43 = arith.muli %scan3A_40, %mul3A_42 : i32
      %get3A = arith.index_cast %mul3A_43 : i32 to index
      %get3A_44 = tpu.vector_load %arg6[%get3A] {strides = array<i32>} : memref<32xi32, #tpu.memory_space<vmem>>, vector<16xi32>,
      %add3A_45 = arith.constant 1024 : i32
      %add3A_46 = vector.broadcast %add3A_45 : i32 to vector<16xi32>
      %add3A_47 = arith.addi %get3A_44, %add3A_46 : vector<16xi32>
      %mul3A_48 = arith.constant 16 : i32
      %mul3A_49 = arith.muli %scan3A_40, %mul3A_48 : i32
      %swap3A = arith.index_cast %mul3A_49 : i32 to index
      %swap3A_50 = tpu.vector_load %arg7[%swap3A] {strides = array<i32>} : memref<32xi32, #tpu.memory_space<vmem>>, vector<16xi32>,
      tpu.vector_store %arg7[%swap3A], %add3A_47 {strides = array<i32>} : memref<32xi32, #tpu.memory_space<vmem>>, vector<16xi32>,
      %scan3A_51 = arith.constant 0 : i32
      scf.yield %scan3A_51 : i32
    }
    %scan3A_8 = arith.constant 2 : i32
    %dma_start3A = arith.constant 0 : i32
    %dma_start3A_9 = arith.constant 0 : i32
    %dma_start3A_10 = tpu.memref_slice %arg2[%dma_start3A, %dma_start3A_9] : memref<2048x8xf32, #tpu.memory_space<hbm>> -> memref<2048x8xf32, #tpu.memory_space<hbm>>
    tpu.enqueue_indirect_dma source(%dma_start3A_10 : memref<2048x8xf32, #tpu.memory_space<hbm>>) target(%arg8 : memref<32x8xf32, #tpu.memory_space<vmem>>) offsets(%arg6 : memref<32xi32, #tpu.memory_space<vmem>>) semaphore(%arg12 : memref<!tpu.dma_semaphore, #tpu.memory_space<semaphore_mem>>)
    %dma_start3A_11 = arith.constant 0 : i32
    %dma_start3A_12 = arith.constant 0 : i32
    %dma_start3A_13 = tpu.memref_slice %arg2[%dma_start3A_11, %dma_start3A_12] : memref<2048x8xf32, #tpu.memory_space<hbm>> -> memref<2048x8xf32, #tpu.memory_space<hbm>>
    tpu.enqueue_indirect_dma source(%dma_start3A_13 : memref<2048x8xf32, #tpu.memory_space<hbm>>) target(%arg9 : memref<32x8xf32, #tpu.memory_space<vmem>>) offsets(%arg7 : memref<32xi32, #tpu.memory_space<vmem>>) semaphore(%arg12 : memref<!tpu.dma_semaphore, #tpu.memory_space<semaphore_mem>>)
    %dma_start3A_14 = arith.constant 0 : i32
    %dma_start3A_15 = arith.constant 0 : i32
    %dma_start3A_16 = tpu.memref_slice %arg3[%dma_start3A_14, %dma_start3A_15] : memref<2048x32xf32, #tpu.memory_space<hbm>> -> memref<2048x32xf32, #tpu.memory_space<hbm>>
    tpu.enqueue_indirect_dma source(%dma_start3A_16 : memref<2048x32xf32, #tpu.memory_space<hbm>>) target(%arg10 : memref<32x32xf32, #tpu.memory_space<vmem>>) offsets(%arg6 : memref<32xi32, #tpu.memory_space<vmem>>) semaphore(%arg12 : memref<!tpu.dma_semaphore, #tpu.memory_space<semaphore_mem>>)
    %dma_start3A_17 = arith.constant 0 : i32
    %dma_start3A_18 = arith.constant 0 : i32
    %dma_start3A_19 = tpu.memref_slice %arg3[%dma_start3A_17, %dma_start3A_18] : memref<2048x32xf32, #tpu.memory_space<hbm>> -> memref<2048x32xf32, #tpu.memory_space<hbm>>
    tpu.enqueue_indirect_dma source(%dma_start3A_19 : memref<2048x32xf32, #tpu.memory_space<hbm>>) target(%arg11 : memref<32x32xf32, #tpu.memory_space<vmem>>) offsets(%arg7 : memref<32xi32, #tpu.memory_space<vmem>>) semaphore(%arg12 : memref<!tpu.dma_semaphore, #tpu.memory_space<semaphore_mem>>)
    %dma_wait3A = arith.constant 0 : i32
    %dma_wait3A_20 = arith.constant 0 : i32
    %dma_wait3A_21 = tpu.memref_slice %arg2[%dma_wait3A, %dma_wait3A_20] : memref<2048x8xf32, #tpu.memory_space<hbm>> -> memref<2048x8xf32, #tpu.memory_space<hbm>>
    tpu.wait_indirect_dma semaphore(%arg12 : memref<!tpu.dma_semaphore, #tpu.memory_space<semaphore_mem>>) src(%dma_wait3A_21 : memref<2048x8xf32, #tpu.memory_space<hbm>>) dst(%arg8 : memref<32x8xf32, #tpu.memory_space<vmem>>)
    %dma_wait3A_22 = arith.constant 0 : i32
    %dma_wait3A_23 = arith.constant 0 : i32
    %dma_wait3A_24 = tpu.memref_slice %arg2[%dma_wait3A_22, %dma_wait3A_23] : memref<2048x8xf32, #tpu.memory_space<hbm>> -> memref<2048x8xf32, #tpu.memory_space<hbm>>
    tpu.wait_indirect_dma semaphore(%arg12 : memref<!tpu.dma_semaphore, #tpu.memory_space<semaphore_mem>>) src(%dma_wait3A_24 : memref<2048x8xf32, #tpu.memory_space<hbm>>) dst(%arg9 : memref<32x8xf32, #tpu.memory_space<vmem>>)
    %dma_wait3A_25 = arith.constant 0 : i32
    %dma_wait3A_26 = arith.constant 0 : i32
    %dma_wait3A_27 = tpu.memref_slice %arg3[%dma_wait3A_25, %dma_wait3A_26] : memref<2048x32xf32, #tpu.memory_space<hbm>> -> memref<2048x32xf32, #tpu.memory_space<hbm>>
    tpu.wait_indirect_dma semaphore(%arg12 : memref<!tpu.dma_semaphore, #tpu.memory_space<semaphore_mem>>) src(%dma_wait3A_27 : memref<2048x32xf32, #tpu.memory_space<hbm>>) dst(%arg10 : memref<32x32xf32, #tpu.memory_space<vmem>>)
    %dma_wait3A_28 = arith.constant 0 : i32
    %dma_wait3A_29 = arith.constant 0 : i32
    %dma_wait3A_30 = tpu.memref_slice %arg3[%dma_wait3A_28, %dma_wait3A_29] : memref<2048x32xf32, #tpu.memory_space<hbm>> -> memref<2048x32xf32, #tpu.memory_space<hbm>>
    tpu.wait_indirect_dma semaphore(%arg12 : memref<!tpu.dma_semaphore, #tpu.memory_space<semaphore_mem>>) src(%dma_wait3A_30 : memref<2048x32xf32, #tpu.memory_space<hbm>>) dst(%arg11 : memref<32x32xf32, #tpu.memory_space<vmem>>)
    %scan3A_31 = arith.constant 0 : i32
    %scan3A_32 = arith.constant 0 : i32
    %scan3A_33 = arith.constant 2 : i32
    %scan3A_34 = arith.addi %scan3A_32, %scan3A_33 : i32
    %scan3A_35 = arith.constant 1 : i32
    %scan3A_36 = scf.for %scan3A_40 = %scan3A_32 to %scan3A_34 step %scan3A_35 iter_args(%scan3A_41 = %scan3A_31) -> (i32)  : i32 {
      %mul3A_42 = arith.constant 16 : i32
      %mul3A_43 = arith.muli %scan3A_40, %mul3A_42 : i32
      %add3A_44 = vector.broadcast %mul3A_43 : i32 to vector<16xi32>
      %add3A_45 = arith.addi %iota3A, %add3A_44 : vector<16xi32>
      %broadcast_in_dim3A = arith.constant 0 : i32
      %broadcast_in_dim3A_46 = vector.broadcast %broadcast_in_dim3A : i32 to vector<16xi32>
      %gather3A = tpu.vector_load_idx %arg8[%add3A_45, %broadcast_in_dim3A_46] : memref<32x8xf32, #tpu.memory_space<vmem>>[vector<16xi32>, vector<16xi32>], vector<16xf32>,
      %gather3A_47 = tpu.vector_load_idx %arg9[%add3A_45, %broadcast_in_dim3A_46] : memref<32x8xf32, #tpu.memory_space<vmem>>[vector<16xi32>, vector<16xi32>], vector<16xf32>,
      %add3A_48 = arith.addf %gather3A, %gather3A_47 : vector<16xf32>
      %add3A_49 = arith.constant 1.000000e-16 : f32
      %add3A_50 = vector.broadcast %add3A_49 : f32 to vector<16xf32>
      %add3A_51 = arith.addf %add3A_48, %add3A_50 : vector<16xf32>
      %div3A = arith.constant 1.000000e+00 : f32
      %div3A_52 = vector.broadcast %div3A : f32 to vector<16xf32>
      %div3A_53 = arith.divf %div3A_52, %add3A_51 : vector<16xf32>
      %broadcast_in_dim3A_54 = arith.constant 1 : i32
      %broadcast_in_dim3A_55 = vector.broadcast %broadcast_in_dim3A_54 : i32 to vector<16xi32>
      %gather3A_56 = tpu.vector_load_idx %arg8[%add3A_45, %broadcast_in_dim3A_55] : memref<32x8xf32, #tpu.memory_space<vmem>>[vector<16xi32>, vector<16xi32>], vector<16xf32>,
      %gather3A_57 = tpu.vector_load_idx %arg9[%add3A_45, %broadcast_in_dim3A_55] : memref<32x8xf32, #tpu.memory_space<vmem>>[vector<16xi32>, vector<16xi32>], vector<16xf32>,
      %add3A_58 = arith.addf %gather3A_56, %gather3A_57 : vector<16xf32>
      %add3A_59 = arith.constant 1.000000e-16 : f32
      %add3A_60 = vector.broadcast %add3A_59 : f32 to vector<16xf32>
      %add3A_61 = arith.addf %add3A_58, %add3A_60 : vector<16xf32>
      %div3A_62 = arith.constant 1.000000e+00 : f32
      %div3A_63 = vector.broadcast %div3A_62 : f32 to vector<16xf32>
      %div3A_64 = arith.divf %div3A_63, %add3A_61 : vector<16xf32>
      %broadcast_in_dim3A_65 = arith.constant 2 : i32
      %broadcast_in_dim3A_66 = vector.broadcast %broadcast_in_dim3A_65 : i32 to vector<16xi32>
      %gather3A_67 = tpu.vector_load_idx %arg8[%add3A_45, %broadcast_in_dim3A_66] : memref<32x8xf32, #tpu.memory_space<vmem>>[vector<16xi32>, vector<16xi32>], vector<16xf32>,
      %gather3A_68 = tpu.vector_load_idx %arg9[%add3A_45, %broadcast_in_dim3A_66] : memref<32x8xf32, #tpu.memory_space<vmem>>[vector<16xi32>, vector<16xi32>], vector<16xf32>,
      %add3A_69 = arith.addf %gather3A_67, %gather3A_68 : vector<16xf32>
      %add3A_70 = arith.constant 1.000000e-16 : f32
      %add3A_71 = vector.broadcast %add3A_70 : f32 to vector<16xf32>
      %add3A_72 = arith.addf %add3A_69, %add3A_71 : vector<16xf32>
      %div3A_73 = arith.constant 1.000000e+00 : f32
      %div3A_74 = vector.broadcast %div3A_73 : f32 to vector<16xf32>
      %div3A_75 = arith.divf %div3A_74, %add3A_72 : vector<16xf32>
      %broadcast_in_dim3A_76 = arith.constant 3 : i32
      %broadcast_in_dim3A_77 = vector.broadcast %broadcast_in_dim3A_76 : i32 to vector<16xi32>
      %gather3A_78 = tpu.vector_load_idx %arg8[%add3A_45, %broadcast_in_dim3A_77] : memref<32x8xf32, #tpu.memory_space<vmem>>[vector<16xi32>, vector<16xi32>], vector<16xf32>,
      %gather3A_79 = tpu.vector_load_idx %arg9[%add3A_45, %broadcast_in_dim3A_77] : memref<32x8xf32, #tpu.memory_space<vmem>>[vector<16xi32>, vector<16xi32>], vector<16xf32>,
      %add3A_80 = arith.addf %gather3A_78, %gather3A_79 : vector<16xf32>
      %add3A_81 = arith.constant 1.000000e-16 : f32
      %add3A_82 = vector.broadcast %add3A_81 : f32 to vector<16xf32>
      %add3A_83 = arith.addf %add3A_80, %add3A_82 : vector<16xf32>
      %div3A_84 = arith.constant 1.000000e+00 : f32
      %div3A_85 = vector.broadcast %div3A_84 : f32 to vector<16xf32>
      %div3A_86 = arith.divf %div3A_85, %add3A_83 : vector<16xf32>
      %broadcast_in_dim3A_87 = arith.constant 0 : i32
      %broadcast_in_dim3A_88 = vector.broadcast %broadcast_in_dim3A_87 : i32 to vector<16xi32>
      %gather3A_89 = tpu.vector_load_idx %arg10[%add3A_45, %broadcast_in_dim3A_88] : memref<32x32xf32, #tpu.memory_space<vmem>>[vector<16xi32>, vector<16xi32>], vector<16xf32>,
      %gather3A_90 = tpu.vector_load_idx %arg11[%add3A_45, %broadcast_in_dim3A_88] : memref<32x32xf32, #tpu.memory_space<vmem>>[vector<16xi32>, vector<16xi32>], vector<16xf32>,
      %add3A_91 = arith.addf %gather3A_89, %gather3A_90 : vector<16xf32>
      %mul3A_92 = arith.mulf %add3A_91, %div3A_53 : vector<16xf32>
      tpu.vector_store_idx %arg10[%add3A_45, %broadcast_in_dim3A_88], %mul3A_92 : memref<32x32xf32, #tpu.memory_space<vmem>>[vector<16xi32>, vector<16xi32>], vector<16xf32>,
      %broadcast_in_dim3A_93 = arith.constant 1 : i32
      %broadcast_in_dim3A_94 = vector.broadcast %broadcast_in_dim3A_93 : i32 to vector<16xi32>
      %gather3A_95 = tpu.vector_load_idx %arg10[%add3A_45, %broadcast_in_dim3A_94] : memref<32x32xf32, #tpu.memory_space<vmem>>[vector<16xi32>, vector<16xi32>], vector<16xf32>,
      %gather3A_96 = tpu.vector_load_idx %arg11[%add3A_45, %broadcast_in_dim3A_94] : memref<32x32xf32, #tpu.memory_space<vmem>>[vector<16xi32>, vector<16xi32>], vector<16xf32>,
      %add3A_97 = arith.addf %gather3A_95, %gather3A_96 : vector<16xf32>
      %mul3A_98 = arith.mulf %add3A_97, %div3A_53 : vector<16xf32>
      tpu.vector_store_idx %arg10[%add3A_45, %broadcast_in_dim3A_94], %mul3A_98 : memref<32x32xf32, #tpu.memory_space<vmem>>[vector<16xi32>, vector<16xi32>], vector<16xf32>,
      %broadcast_in_dim3A_99 = arith.constant 2 : i32
      %broadcast_in_dim3A_100 = vector.broadcast %broadcast_in_dim3A_99 : i32 to vector<16xi32>
      %gather3A_101 = tpu.vector_load_idx %arg10[%add3A_45, %broadcast_in_dim3A_100] : memref<32x32xf32, #tpu.memory_space<vmem>>[vector<16xi32>, vector<16xi32>], vector<16xf32>,
      %gather3A_102 = tpu.vector_load_idx %arg11[%add3A_45, %broadcast_in_dim3A_100] : memref<32x32xf32, #tpu.memory_space<vmem>>[vector<16xi32>, vector<16xi32>], vector<16xf32>,
      %add3A_103 = arith.addf %gather3A_101, %gather3A_102 : vector<16xf32>
      %mul3A_104 = arith.mulf %add3A_103, %div3A_53 : vector<16xf32>
      tpu.vector_store_idx %arg10[%add3A_45, %broadcast_in_dim3A_100], %mul3A_104 : memref<32x32xf32, #tpu.memory_space<vmem>>[vector<16xi32>, vector<16xi32>], vector<16xf32>,
      %broadcast_in_dim3A_105 = arith.constant 3 : i32
      %broadcast_in_dim3A_106 = vector.broadcast %broadcast_in_dim3A_105 : i32 to vector<16xi32>
      %gather3A_107 = tpu.vector_load_idx %arg10[%add3A_45, %broadcast_in_dim3A_106] : memref<32x32xf32, #tpu.memory_space<vmem>>[vector<16xi32>, vector<16xi32>], vector<16xf32>,
      %gather3A_108 = tpu.vector_load_idx %arg11[%add3A_45, %broadcast_in_dim3A_106] : memref<32x32xf32, #tpu.memory_space<vmem>>[vector<16xi32>, vector<16xi32>], vector<16xf32>,
      %add3A_109 = arith.addf %gather3A_107, %gather3A_108 : vector<16xf32>
      %mul3A_110 = arith.mulf %add3A_109, %div3A_53 : vector<16xf32>
      tpu.vector_store_idx %arg10[%add3A_45, %broadcast_in_dim3A_106], %mul3A_110 : memref<32x32xf32, #tpu.memory_space<vmem>>[vector<16xi32>, vector<16xi32>], vector<16xf32>,
      %broadcast_in_dim3A_111 = arith.constant 4 : i32
      %broadcast_in_dim3A_112 = vector.broadcast %broadcast_in_dim3A_111 : i32 to vector<16xi32>
      %gather3A_113 = tpu.vector_load_idx %arg10[%add3A_45, %broadcast_in_dim3A_112] : memref<32x32xf32, #tpu.memory_space<vmem>>[vector<16xi32>, vector<16xi32>], vector<16xf32>,
      %gather3A_114 = tpu.vector_load_idx %arg11[%add3A_45, %broadcast_in_dim3A_112] : memref<32x32xf32, #tpu.memory_space<vmem>>[vector<16xi32>, vector<16xi32>], vector<16xf32>,
      %add3A_115 = arith.addf %gather3A_113, %gather3A_114 : vector<16xf32>
      %mul3A_116 = arith.mulf %add3A_115, %div3A_53 : vector<16xf32>
      tpu.vector_store_idx %arg10[%add3A_45, %broadcast_in_dim3A_112], %mul3A_116 : memref<32x32xf32, #tpu.memory_space<vmem>>[vector<16xi32>, vector<16xi32>], vector<16xf32>,
      %broadcast_in_dim3A_117 = arith.constant 5 : i32
      %broadcast_in_dim3A_118 = vector.broadcast %broadcast_in_dim3A_117 : i32 to vector<16xi32>
      %gather3A_119 = tpu.vector_load_idx %arg10[%add3A_45, %broadcast_in_dim3A_118] : memref<32x32xf32, #tpu.memory_space<vmem>>[vector<16xi32>, vector<16xi32>], vector<16xf32>,
      %gather3A_120 = tpu.vector_load_idx %arg11[%add3A_45, %broadcast_in_dim3A_118] : memref<32x32xf32, #tpu.memory_space<vmem>>[vector<16xi32>, vector<16xi32>], vector<16xf32>,
      %add3A_121 = arith.addf %gather3A_119, %gather3A_120 : vector<16xf32>
      %mul3A_122 = arith.mulf %add3A_121, %div3A_53 : vector<16xf32>
      tpu.vector_store_idx %arg10[%add3A_45, %broadcast_in_dim3A_118], %mul3A_122 : memref<32x32xf32, #tpu.memory_space<vmem>>[vector<16xi32>, vector<16xi32>], vector<16xf32>,
      %broadcast_in_dim3A_123 = arith.constant 6 : i32
      %broadcast_in_dim3A_124 = vector.broadcast %broadcast_in_dim3A_123 : i32 to vector<16xi32>
      %gather3A_125 = tpu.vector_load_idx %arg10[%add3A_45, %broadcast_in_dim3A_124] : memref<32x32xf32, #tpu.memory_space<vmem>>[vector<16xi32>, vector<16xi32>], vector<16xf32>,
      %gather3A_126 = tpu.vector_load_idx %arg11[%add3A_45, %broadcast_in_dim3A_124] : memref<32x32xf32, #tpu.memory_space<vmem>>[vector<16xi32>, vector<16xi32>], vector<16xf32>,
      %add3A_127 = arith.addf %gather3A_125, %gather3A_126 : vector<16xf32>
      %mul3A_128 = arith.mulf %add3A_127, %div3A_53 : vector<16xf32>
      tpu.vector_store_idx %arg10[%add3A_45, %broadcast_in_dim3A_124], %mul3A_128 : memref<32x32xf32, #tpu.memory_space<vmem>>[vector<16xi32>, vector<16xi32>], vector<16xf32>,
      %broadcast_in_dim3A_129 = arith.constant 7 : i32
      %broadcast_in_dim3A_130 = vector.broadcast %broadcast_in_dim3A_129 : i32 to vector<16xi32>
      %gather3A_131 = tpu.vector_load_idx %arg10[%add3A_45, %broadcast_in_dim3A_130] : memref<32x32xf32, #tpu.memory_space<vmem>>[vector<16xi32>, vector<16xi32>], vector<16xf32>,
      %gather3A_132 = tpu.vector_load_idx %arg11[%add3A_45, %broadcast_in_dim3A_130] : memref<32x32xf32, #tpu.memory_space<vmem>>[vector<16xi32>, vector<16xi32>], vector<16xf32>,
      %add3A_133 = arith.addf %gather3A_131, %gather3A_132 : vector<16xf32>
      %mul3A_134 = arith.mulf %add3A_133, %div3A_53 : vector<16xf32>
      tpu.vector_store_idx %arg10[%add3A_45, %broadcast_in_dim3A_130], %mul3A_134 : memref<32x32xf32, #tpu.memory_space<vmem>>[vector<16xi32>, vector<16xi32>], vector<16xf32>,
      %broadcast_in_dim3A_135 = arith.constant 8 : i32
      %broadcast_in_dim3A_136 = vector.broadcast %broadcast_in_dim3A_135 : i32 to vector<16xi32>
      %gather3A_137 = tpu.vector_load_idx %arg10[%add3A_45, %broadcast_in_dim3A_136] : memref<32x32xf32, #tpu.memory_space<vmem>>[vector<16xi32>, vector<16xi32>], vector<16xf32>,
      %gather3A_138 = tpu.vector_load_idx %arg11[%add3A_45, %broadcast_in_dim3A_136] : memref<32x32xf32, #tpu.memory_space<vmem>>[vector<16xi32>, vector<16xi32>], vector<16xf32>,
      %add3A_139 = arith.addf %gather3A_137, %gather3A_138 : vector<16xf32>
      %mul3A_140 = arith.mulf %add3A_139, %div3A_64 : vector<16xf32>
      tpu.vector_store_idx %arg10[%add3A_45, %broadcast_in_dim3A_136], %mul3A_140 : memref<32x32xf32, #tpu.memory_space<vmem>>[vector<16xi32>, vector<16xi32>], vector<16xf32>,
      %broadcast_in_dim3A_141 = arith.constant 9 : i32
      %broadcast_in_dim3A_142 = vector.broadcast %broadcast_in_dim3A_141 : i32 to vector<16xi32>
      %gather3A_143 = tpu.vector_load_idx %arg10[%add3A_45, %broadcast_in_dim3A_142] : memref<32x32xf32, #tpu.memory_space<vmem>>[vector<16xi32>, vector<16xi32>], vector<16xf32>,
      %gather3A_144 = tpu.vector_load_idx %arg11[%add3A_45, %broadcast_in_dim3A_142] : memref<32x32xf32, #tpu.memory_space<vmem>>[vector<16xi32>, vector<16xi32>], vector<16xf32>,
      %add3A_145 = arith.addf %gather3A_143, %gather3A_144 : vector<16xf32>
      %mul3A_146 = arith.mulf %add3A_145, %div3A_64 : vector<16xf32>
      tpu.vector_store_idx %arg10[%add3A_45, %broadcast_in_dim3A_142], %mul3A_146 : memref<32x32xf32, #tpu.memory_space<vmem>>[vector<16xi32>, vector<16xi32>], vector<16xf32>,
      %broadcast_in_dim3A_147 = arith.constant 10 : i32
      %broadcast_in_dim3A_148 = vector.broadcast %broadcast_in_dim3A_147 : i32 to vector<16xi32>
      %gather3A_149 = tpu.vector_load_idx %arg10[%add3A_45, %broadcast_in_dim3A_148] : memref<32x32xf32, #tpu.memory_space<vmem>>[vector<16xi32>, vector<16xi32>], vector<16xf32>,
      %gather3A_150 = tpu.vector_load_idx %arg11[%add3A_45, %broadcast_in_dim3A_148] : memref<32x32xf32, #tpu.memory_space<vmem>>[vector<16xi32>, vector<16xi32>], vector<16xf32>,
      %add3A_151 = arith.addf %gather3A_149, %gather3A_150 : vector<16xf32>
      %mul3A_152 = arith.mulf %add3A_151, %div3A_64 : vector<16xf32>
      tpu.vector_store_idx %arg10[%add3A_45, %broadcast_in_dim3A_148], %mul3A_152 : memref<32x32xf32, #tpu.memory_space<vmem>>[vector<16xi32>, vector<16xi32>], vector<16xf32>,
      %broadcast_in_dim3A_153 = arith.constant 11 : i32
      %broadcast_in_dim3A_154 = vector.broadcast %broadcast_in_dim3A_153 : i32 to vector<16xi32>
      %gather3A_155 = tpu.vector_load_idx %arg10[%add3A_45, %broadcast_in_dim3A_154] : memref<32x32xf32, #tpu.memory_space<vmem>>[vector<16xi32>, vector<16xi32>], vector<16xf32>,
      %gather3A_156 = tpu.vector_load_idx %arg11[%add3A_45, %broadcast_in_dim3A_154] : memref<32x32xf32, #tpu.memory_space<vmem>>[vector<16xi32>, vector<16xi32>], vector<16xf32>,
      %add3A_157 = arith.addf %gather3A_155, %gather3A_156 : vector<16xf32>
      %mul3A_158 = arith.mulf %add3A_157, %div3A_64 : vector<16xf32>
      tpu.vector_store_idx %arg10[%add3A_45, %broadcast_in_dim3A_154], %mul3A_158 : memref<32x32xf32, #tpu.memory_space<vmem>>[vector<16xi32>, vector<16xi32>], vector<16xf32>,
      %broadcast_in_dim3A_159 = arith.constant 12 : i32
      %broadcast_in_dim3A_160 = vector.broadcast %broadcast_in_dim3A_159 : i32 to vector<16xi32>
      %gather3A_161 = tpu.vector_load_idx %arg10[%add3A_45, %broadcast_in_dim3A_160] : memref<32x32xf32, #tpu.memory_space<vmem>>[vector<16xi32>, vector<16xi32>], vector<16xf32>,
      %gather3A_162 = tpu.vector_load_idx %arg11[%add3A_45, %broadcast_in_dim3A_160] : memref<32x32xf32, #tpu.memory_space<vmem>>[vector<16xi32>, vector<16xi32>], vector<16xf32>,
      %add3A_163 = arith.addf %gather3A_161, %gather3A_162 : vector<16xf32>
      %mul3A_164 = arith.mulf %add3A_163, %div3A_64 : vector<16xf32>
      tpu.vector_store_idx %arg10[%add3A_45, %broadcast_in_dim3A_160], %mul3A_164 : memref<32x32xf32, #tpu.memory_space<vmem>>[vector<16xi32>, vector<16xi32>], vector<16xf32>,
      %broadcast_in_dim3A_165 = arith.constant 13 : i32
      %broadcast_in_dim3A_166 = vector.broadcast %broadcast_in_dim3A_165 : i32 to vector<16xi32>
      %gather3A_167 = tpu.vector_load_idx %arg10[%add3A_45, %broadcast_in_dim3A_166] : memref<32x32xf32, #tpu.memory_space<vmem>>[vector<16xi32>, vector<16xi32>], vector<16xf32>,
      %gather3A_168 = tpu.vector_load_idx %arg11[%add3A_45, %broadcast_in_dim3A_166] : memref<32x32xf32, #tpu.memory_space<vmem>>[vector<16xi32>, vector<16xi32>], vector<16xf32>,
      %add3A_169 = arith.addf %gather3A_167, %gather3A_168 : vector<16xf32>
      %mul3A_170 = arith.mulf %add3A_169, %div3A_64 : vector<16xf32>
      tpu.vector_store_idx %arg10[%add3A_45, %broadcast_in_dim3A_166], %mul3A_170 : memref<32x32xf32, #tpu.memory_space<vmem>>[vector<16xi32>, vector<16xi32>], vector<16xf32>,
      %broadcast_in_dim3A_171 = arith.constant 14 : i32
      %broadcast_in_dim3A_172 = vector.broadcast %broadcast_in_dim3A_171 : i32 to vector<16xi32>
      %gather3A_173 = tpu.vector_load_idx %arg10[%add3A_45, %broadcast_in_dim3A_172] : memref<32x32xf32, #tpu.memory_space<vmem>>[vector<16xi32>, vector<16xi32>], vector<16xf32>,
      %gather3A_174 = tpu.vector_load_idx %arg11[%add3A_45, %broadcast_in_dim3A_172] : memref<32x32xf32, #tpu.memory_space<vmem>>[vector<16xi32>, vector<16xi32>], vector<16xf32>,
      %add3A_175 = arith.addf %gather3A_173, %gather3A_174 : vector<16xf32>
      %mul3A_176 = arith.mulf %add3A_175, %div3A_64 : vector<16xf32>
      tpu.vector_store_idx %arg10[%add3A_45, %broadcast_in_dim3A_172], %mul3A_176 : memref<32x32xf32, #tpu.memory_space<vmem>>[vector<16xi32>, vector<16xi32>], vector<16xf32>,
      %broadcast_in_dim3A_177 = arith.constant 15 : i32
      %broadcast_in_dim3A_178 = vector.broadcast %broadcast_in_dim3A_177 : i32 to vector<16xi32>
      %gather3A_179 = tpu.vector_load_idx %arg10[%add3A_45, %broadcast_in_dim3A_178] : memref<32x32xf32, #tpu.memory_space<vmem>>[vector<16xi32>, vector<16xi32>], vector<16xf32>,
      %gather3A_180 = tpu.vector_load_idx %arg11[%add3A_45, %broadcast_in_dim3A_178] : memref<32x32xf32, #tpu.memory_space<vmem>>[vector<16xi32>, vector<16xi32>], vector<16xf32>,
      %add3A_181 = arith.addf %gather3A_179, %gather3A_180 : vector<16xf32>
      %mul3A_182 = arith.mulf %add3A_181, %div3A_64 : vector<16xf32>
      tpu.vector_store_idx %arg10[%add3A_45, %broadcast_in_dim3A_178], %mul3A_182 : memref<32x32xf32, #tpu.memory_space<vmem>>[vector<16xi32>, vector<16xi32>], vector<16xf32>,
      %broadcast_in_dim3A_183 = arith.constant 16 : i32
      %broadcast_in_dim3A_184 = vector.broadcast %broadcast_in_dim3A_183 : i32 to vector<16xi32>
      %gather3A_185 = tpu.vector_load_idx %arg10[%add3A_45, %broadcast_in_dim3A_184] : memref<32x32xf32, #tpu.memory_space<vmem>>[vector<16xi32>, vector<16xi32>], vector<16xf32>,
      %gather3A_186 = tpu.vector_load_idx %arg11[%add3A_45, %broadcast_in_dim3A_184] : memref<32x32xf32, #tpu.memory_space<vmem>>[vector<16xi32>, vector<16xi32>], vector<16xf32>,
      %add3A_187 = arith.addf %gather3A_185, %gather3A_186 : vector<16xf32>
      %mul3A_188 = arith.mulf %add3A_187, %div3A_75 : vector<16xf32>
      tpu.vector_store_idx %arg10[%add3A_45, %broadcast_in_dim3A_184], %mul3A_188 : memref<32x32xf32, #tpu.memory_space<vmem>>[vector<16xi32>, vector<16xi32>], vector<16xf32>,
      %broadcast_in_dim3A_189 = arith.constant 17 : i32
      %broadcast_in_dim3A_190 = vector.broadcast %broadcast_in_dim3A_189 : i32 to vector<16xi32>
      %gather3A_191 = tpu.vector_load_idx %arg10[%add3A_45, %broadcast_in_dim3A_190] : memref<32x32xf32, #tpu.memory_space<vmem>>[vector<16xi32>, vector<16xi32>], vector<16xf32>,
      %gather3A_192 = tpu.vector_load_idx %arg11[%add3A_45, %broadcast_in_dim3A_190] : memref<32x32xf32, #tpu.memory_space<vmem>>[vector<16xi32>, vector<16xi32>], vector<16xf32>,
      %add3A_193 = arith.addf %gather3A_191, %gather3A_192 : vector<16xf32>
      %mul3A_194 = arith.mulf %add3A_193, %div3A_75 : vector<16xf32>
      tpu.vector_store_idx %arg10[%add3A_45, %broadcast_in_dim3A_190], %mul3A_194 : memref<32x32xf32, #tpu.memory_space<vmem>>[vector<16xi32>, vector<16xi32>], vector<16xf32>,
      %broadcast_in_dim3A_195 = arith.constant 18 : i32
      %broadcast_in_dim3A_196 = vector.broadcast %broadcast_in_dim3A_195 : i32 to vector<16xi32>
      %gather3A_197 = tpu.vector_load_idx %arg10[%add3A_45, %broadcast_in_dim3A_196] : memref<32x32xf32, #tpu.memory_space<vmem>>[vector<16xi32>, vector<16xi32>], vector<16xf32>,
      %gather3A_198 = tpu.vector_load_idx %arg11[%add3A_45, %broadcast_in_dim3A_196] : memref<32x32xf32, #tpu.memory_space<vmem>>[vector<16xi32>, vector<16xi32>], vector<16xf32>,
      %add3A_199 = arith.addf %gather3A_197, %gather3A_198 : vector<16xf32>
      %mul3A_200 = arith.mulf %add3A_199, %div3A_75 : vector<16xf32>
      tpu.vector_store_idx %arg10[%add3A_45, %broadcast_in_dim3A_196], %mul3A_200 : memref<32x32xf32, #tpu.memory_space<vmem>>[vector<16xi32>, vector<16xi32>], vector<16xf32>,
      %broadcast_in_dim3A_201 = arith.constant 19 : i32
      %broadcast_in_dim3A_202 = vector.broadcast %broadcast_in_dim3A_201 : i32 to vector<16xi32>
      %gather3A_203 = tpu.vector_load_idx %arg10[%add3A_45, %broadcast_in_dim3A_202] : memref<32x32xf32, #tpu.memory_space<vmem>>[vector<16xi32>, vector<16xi32>], vector<16xf32>,
      %gather3A_204 = tpu.vector_load_idx %arg11[%add3A_45, %broadcast_in_dim3A_202] : memref<32x32xf32, #tpu.memory_space<vmem>>[vector<16xi32>, vector<16xi32>], vector<16xf32>,
      %add3A_205 = arith.addf %gather3A_203, %gather3A_204 : vector<16xf32>
      %mul3A_206 = arith.mulf %add3A_205, %div3A_75 : vector<16xf32>
      tpu.vector_store_idx %arg10[%add3A_45, %broadcast_in_dim3A_202], %mul3A_206 : memref<32x32xf32, #tpu.memory_space<vmem>>[vector<16xi32>, vector<16xi32>], vector<16xf32>,
      %broadcast_in_dim3A_207 = arith.constant 20 : i32
      %broadcast_in_dim3A_208 = vector.broadcast %broadcast_in_dim3A_207 : i32 to vector<16xi32>
      %gather3A_209 = tpu.vector_load_idx %arg10[%add3A_45, %broadcast_in_dim3A_208] : memref<32x32xf32, #tpu.memory_space<vmem>>[vector<16xi32>, vector<16xi32>], vector<16xf32>,
      %gather3A_210 = tpu.vector_load_idx %arg11[%add3A_45, %broadcast_in_dim3A_208] : memref<32x32xf32, #tpu.memory_space<vmem>>[vector<16xi32>, vector<16xi32>], vector<16xf32>,
      %add3A_211 = arith.addf %gather3A_209, %gather3A_210 : vector<16xf32>
      %mul3A_212 = arith.mulf %add3A_211, %div3A_75 : vector<16xf32>
      tpu.vector_store_idx %arg10[%add3A_45, %broadcast_in_dim3A_208], %mul3A_212 : memref<32x32xf32, #tpu.memory_space<vmem>>[vector<16xi32>, vector<16xi32>], vector<16xf32>,
      %broadcast_in_dim3A_213 = arith.constant 21 : i32
      %broadcast_in_dim3A_214 = vector.broadcast %broadcast_in_dim3A_213 : i32 to vector<16xi32>
      %gather3A_215 = tpu.vector_load_idx %arg10[%add3A_45, %broadcast_in_dim3A_214] : memref<32x32xf32, #tpu.memory_space<vmem>>[vector<16xi32>, vector<16xi32>], vector<16xf32>,
      %gather3A_216 = tpu.vector_load_idx %arg11[%add3A_45, %broadcast_in_dim3A_214] : memref<32x32xf32, #tpu.memory_space<vmem>>[vector<16xi32>, vector<16xi32>], vector<16xf32>,
      %add3A_217 = arith.addf %gather3A_215, %gather3A_216 : vector<16xf32>
      %mul3A_218 = arith.mulf %add3A_217, %div3A_75 : vector<16xf32>
      tpu.vector_store_idx %arg10[%add3A_45, %broadcast_in_dim3A_214], %mul3A_218 : memref<32x32xf32, #tpu.memory_space<vmem>>[vector<16xi32>, vector<16xi32>], vector<16xf32>,
      %broadcast_in_dim3A_219 = arith.constant 22 : i32
      %broadcast_in_dim3A_220 = vector.broadcast %broadcast_in_dim3A_219 : i32 to vector<16xi32>
      %gather3A_221 = tpu.vector_load_idx %arg10[%add3A_45, %broadcast_in_dim3A_220] : memref<32x32xf32, #tpu.memory_space<vmem>>[vector<16xi32>, vector<16xi32>], vector<16xf32>,
      %gather3A_222 = tpu.vector_load_idx %arg11[%add3A_45, %broadcast_in_dim3A_220] : memref<32x32xf32, #tpu.memory_space<vmem>>[vector<16xi32>, vector<16xi32>], vector<16xf32>,
      %add3A_223 = arith.addf %gather3A_221, %gather3A_222 : vector<16xf32>
      %mul3A_224 = arith.mulf %add3A_223, %div3A_75 : vector<16xf32>
      tpu.vector_store_idx %arg10[%add3A_45, %broadcast_in_dim3A_220], %mul3A_224 : memref<32x32xf32, #tpu.memory_space<vmem>>[vector<16xi32>, vector<16xi32>], vector<16xf32>,
      %broadcast_in_dim3A_225 = arith.constant 23 : i32
      %broadcast_in_dim3A_226 = vector.broadcast %broadcast_in_dim3A_225 : i32 to vector<16xi32>
      %gather3A_227 = tpu.vector_load_idx %arg10[%add3A_45, %broadcast_in_dim3A_226] : memref<32x32xf32, #tpu.memory_space<vmem>>[vector<16xi32>, vector<16xi32>], vector<16xf32>,
      %gather3A_228 = tpu.vector_load_idx %arg11[%add3A_45, %broadcast_in_dim3A_226] : memref<32x32xf32, #tpu.memory_space<vmem>>[vector<16xi32>, vector<16xi32>], vector<16xf32>,
      %add3A_229 = arith.addf %gather3A_227, %gather3A_228 : vector<16xf32>
      %mul3A_230 = arith.mulf %add3A_229, %div3A_75 : vector<16xf32>
      tpu.vector_store_idx %arg10[%add3A_45, %broadcast_in_dim3A_226], %mul3A_230 : memref<32x32xf32, #tpu.memory_space<vmem>>[vector<16xi32>, vector<16xi32>], vector<16xf32>,
      %broadcast_in_dim3A_231 = arith.constant 24 : i32
      %broadcast_in_dim3A_232 = vector.broadcast %broadcast_in_dim3A_231 : i32 to vector<16xi32>
      %gather3A_233 = tpu.vector_load_idx %arg10[%add3A_45, %broadcast_in_dim3A_232] : memref<32x32xf32, #tpu.memory_space<vmem>>[vector<16xi32>, vector<16xi32>], vector<16xf32>,
      %gather3A_234 = tpu.vector_load_idx %arg11[%add3A_45, %broadcast_in_dim3A_232] : memref<32x32xf32, #tpu.memory_space<vmem>>[vector<16xi32>, vector<16xi32>], vector<16xf32>,
      %add3A_235 = arith.addf %gather3A_233, %gather3A_234 : vector<16xf32>
      %mul3A_236 = arith.mulf %add3A_235, %div3A_86 : vector<16xf32>
      tpu.vector_store_idx %arg10[%add3A_45, %broadcast_in_dim3A_232], %mul3A_236 : memref<32x32xf32, #tpu.memory_space<vmem>>[vector<16xi32>, vector<16xi32>], vector<16xf32>,
      %broadcast_in_dim3A_237 = arith.constant 25 : i32
      %broadcast_in_dim3A_238 = vector.broadcast %broadcast_in_dim3A_237 : i32 to vector<16xi32>
      %gather3A_239 = tpu.vector_load_idx %arg10[%add3A_45, %broadcast_in_dim3A_238] : memref<32x32xf32, #tpu.memory_space<vmem>>[vector<16xi32>, vector<16xi32>], vector<16xf32>,
      %gather3A_240 = tpu.vector_load_idx %arg11[%add3A_45, %broadcast_in_dim3A_238] : memref<32x32xf32, #tpu.memory_space<vmem>>[vector<16xi32>, vector<16xi32>], vector<16xf32>,
      %add3A_241 = arith.addf %gather3A_239, %gather3A_240 : vector<16xf32>
      %mul3A_242 = arith.mulf %add3A_241, %div3A_86 : vector<16xf32>
      tpu.vector_store_idx %arg10[%add3A_45, %broadcast_in_dim3A_238], %mul3A_242 : memref<32x32xf32, #tpu.memory_space<vmem>>[vector<16xi32>, vector<16xi32>], vector<16xf32>,
      %broadcast_in_dim3A_243 = arith.constant 26 : i32
      %broadcast_in_dim3A_244 = vector.broadcast %broadcast_in_dim3A_243 : i32 to vector<16xi32>
      %gather3A_245 = tpu.vector_load_idx %arg10[%add3A_45, %broadcast_in_dim3A_244] : memref<32x32xf32, #tpu.memory_space<vmem>>[vector<16xi32>, vector<16xi32>], vector<16xf32>,
      %gather3A_246 = tpu.vector_load_idx %arg11[%add3A_45, %broadcast_in_dim3A_244] : memref<32x32xf32, #tpu.memory_space<vmem>>[vector<16xi32>, vector<16xi32>], vector<16xf32>,
      %add3A_247 = arith.addf %gather3A_245, %gather3A_246 : vector<16xf32>
      %mul3A_248 = arith.mulf %add3A_247, %div3A_86 : vector<16xf32>
      tpu.vector_store_idx %arg10[%add3A_45, %broadcast_in_dim3A_244], %mul3A_248 : memref<32x32xf32, #tpu.memory_space<vmem>>[vector<16xi32>, vector<16xi32>], vector<16xf32>,
      %broadcast_in_dim3A_249 = arith.constant 27 : i32
      %broadcast_in_dim3A_250 = vector.broadcast %broadcast_in_dim3A_249 : i32 to vector<16xi32>
      %gather3A_251 = tpu.vector_load_idx %arg10[%add3A_45, %broadcast_in_dim3A_250] : memref<32x32xf32, #tpu.memory_space<vmem>>[vector<16xi32>, vector<16xi32>], vector<16xf32>,
      %gather3A_252 = tpu.vector_load_idx %arg11[%add3A_45, %broadcast_in_dim3A_250] : memref<32x32xf32, #tpu.memory_space<vmem>>[vector<16xi32>, vector<16xi32>], vector<16xf32>,
      %add3A_253 = arith.addf %gather3A_251, %gather3A_252 : vector<16xf32>
      %mul3A_254 = arith.mulf %add3A_253, %div3A_86 : vector<16xf32>
      tpu.vector_store_idx %arg10[%add3A_45, %broadcast_in_dim3A_250], %mul3A_254 : memref<32x32xf32, #tpu.memory_space<vmem>>[vector<16xi32>, vector<16xi32>], vector<16xf32>,
      %broadcast_in_dim3A_255 = arith.constant 28 : i32
      %broadcast_in_dim3A_256 = vector.broadcast %broadcast_in_dim3A_255 : i32 to vector<16xi32>
      %gather3A_257 = tpu.vector_load_idx %arg10[%add3A_45, %broadcast_in_dim3A_256] : memref<32x32xf32, #tpu.memory_space<vmem>>[vector<16xi32>, vector<16xi32>], vector<16xf32>,
      %gather3A_258 = tpu.vector_load_idx %arg11[%add3A_45, %broadcast_in_dim3A_256] : memref<32x32xf32, #tpu.memory_space<vmem>>[vector<16xi32>, vector<16xi32>], vector<16xf32>,
      %add3A_259 = arith.addf %gather3A_257, %gather3A_258 : vector<16xf32>
      %mul3A_260 = arith.mulf %add3A_259, %div3A_86 : vector<16xf32>
      tpu.vector_store_idx %arg10[%add3A_45, %broadcast_in_dim3A_256], %mul3A_260 : memref<32x32xf32, #tpu.memory_space<vmem>>[vector<16xi32>, vector<16xi32>], vector<16xf32>,
      %broadcast_in_dim3A_261 = arith.constant 29 : i32
      %broadcast_in_dim3A_262 = vector.broadcast %broadcast_in_dim3A_261 : i32 to vector<16xi32>
      %gather3A_263 = tpu.vector_load_idx %arg10[%add3A_45, %broadcast_in_dim3A_262] : memref<32x32xf32, #tpu.memory_space<vmem>>[vector<16xi32>, vector<16xi32>], vector<16xf32>,
      %gather3A_264 = tpu.vector_load_idx %arg11[%add3A_45, %broadcast_in_dim3A_262] : memref<32x32xf32, #tpu.memory_space<vmem>>[vector<16xi32>, vector<16xi32>], vector<16xf32>,
      %add3A_265 = arith.addf %gather3A_263, %gather3A_264 : vector<16xf32>
      %mul3A_266 = arith.mulf %add3A_265, %div3A_86 : vector<16xf32>
      tpu.vector_store_idx %arg10[%add3A_45, %broadcast_in_dim3A_262], %mul3A_266 : memref<32x32xf32, #tpu.memory_space<vmem>>[vector<16xi32>, vector<16xi32>], vector<16xf32>,
      %broadcast_in_dim3A_267 = arith.constant 30 : i32
      %broadcast_in_dim3A_268 = vector.broadcast %broadcast_in_dim3A_267 : i32 to vector<16xi32>
      %gather3A_269 = tpu.vector_load_idx %arg10[%add3A_45, %broadcast_in_dim3A_268] : memref<32x32xf32, #tpu.memory_space<vmem>>[vector<16xi32>, vector<16xi32>], vector<16xf32>,
      %gather3A_270 = tpu.vector_load_idx %arg11[%add3A_45, %broadcast_in_dim3A_268] : memref<32x32xf32, #tpu.memory_space<vmem>>[vector<16xi32>, vector<16xi32>], vector<16xf32>,
      %add3A_271 = arith.addf %gather3A_269, %gather3A_270 : vector<16xf32>
      %mul3A_272 = arith.mulf %add3A_271, %div3A_86 : vector<16xf32>
      tpu.vector_store_idx %arg10[%add3A_45, %broadcast_in_dim3A_268], %mul3A_272 : memref<32x32xf32, #tpu.memory_space<vmem>>[vector<16xi32>, vector<16xi32>], vector<16xf32>,
      %broadcast_in_dim3A_273 = arith.constant 31 : i32
      %broadcast_in_dim3A_274 = vector.broadcast %broadcast_in_dim3A_273 : i32 to vector<16xi32>
      %gather3A_275 = tpu.vector_load_idx %arg10[%add3A_45, %broadcast_in_dim3A_274] : memref<32x32xf32, #tpu.memory_space<vmem>>[vector<16xi32>, vector<16xi32>], vector<16xf32>,
      %gather3A_276 = tpu.vector_load_idx %arg11[%add3A_45, %broadcast_in_dim3A_274] : memref<32x32xf32, #tpu.memory_space<vmem>>[vector<16xi32>, vector<16xi32>], vector<16xf32>,
      %add3A_277 = arith.addf %gather3A_275, %gather3A_276 : vector<16xf32>
      %mul3A_278 = arith.mulf %add3A_277, %div3A_86 : vector<16xf32>
      tpu.vector_store_idx %arg10[%add3A_45, %broadcast_in_dim3A_274], %mul3A_278 : memref<32x32xf32, #tpu.memory_space<vmem>>[vector<16xi32>, vector<16xi32>], vector<16xf32>,
      %scan3A_279 = arith.constant 0 : i32
      scf.yield %scan3A_279 : i32
    }
    %scan3A_37 = arith.constant 2 : i32
    %mul3A_38 = arith.constant 32 : i32
    %mul3A_39 = arith.muli %add3A, %mul3A_38 : i32
    "tpu.region"() ({
      %run_scoped3A = tpu.sem_alloc : memref<!tpu.dma_semaphore, #tpu.memory_space<semaphore_mem>>
      %dma_start3A_40 = arith.constant 0 : i32
      %dma_start3A_41 = tpu.memref_slice %arg5[%mul3A_39, %dma_start3A_40] : memref<1024x32xf32, #tpu.memory_space<hbm>> -> memref<32x32xf32, #tpu.memory_space<hbm>>
      %dma_start3A_42 = arith.constant 0 : i32
      %dma_start3A_43 = tpu.memref_slice %arg5[%mul3A_39, %dma_start3A_42] : memref<1024x32xf32, #tpu.memory_space<hbm>> -> memref<32x32xf32, #tpu.memory_space<hbm>>
      tpu.enqueue_dma source(%arg10 : memref<32x32xf32, #tpu.memory_space<vmem>>) target(%dma_start3A_43 : memref<32x32xf32, #tpu.memory_space<hbm>>) target_semaphore(%run_scoped3A : memref<!tpu.dma_semaphore, #tpu.memory_space<semaphore_mem>>)
      %dma_wait3A_44 = arith.constant 0 : i32
      %dma_wait3A_45 = tpu.memref_slice %arg5[%mul3A_39, %dma_wait3A_44] : memref<1024x32xf32, #tpu.memory_space<hbm>> -> memref<32x32xf32, #tpu.memory_space<hbm>>
      %dma_wait3A_46 = arith.constant 0 : i32
      %dma_wait3A_47 = tpu.memref_slice %arg5[%mul3A_39, %dma_wait3A_46] : memref<1024x32xf32, #tpu.memory_space<hbm>> -> memref<32x32xf32, #tpu.memory_space<hbm>>
      tpu.wait_dma2 semaphore(%run_scoped3A : memref<!tpu.dma_semaphore, #tpu.memory_space<semaphore_mem>>) src(%arg10 : memref<32x32xf32, #tpu.memory_space<vmem>>) dst(%dma_wait3A_47 : memref<32x32xf32, #tpu.memory_space<hbm>>)
      tpu.yield
    }) : () -> ()
    return
  }
}

#map = affine_map<(d0, d1) -> (0, 0)>
#map1 = affine_map<(d0, d1) -> (0)>
module attributes {stable_mosaic.version = 14 : i64} {
  func.func @_k2_body(%arg0: i32, %arg1: i32, %arg2: memref<2x1600000xi32, #tpu.memory_space<hbm>>, %arg3: memref<50000xi32, #tpu.memory_space<hbm>>, %arg4: memref<1024xi32, #tpu.memory_space<hbm>>, %arg5: memref<1605632xi32, #tpu.memory_space<hbm>>, %arg6: memref<512xi32, #tpu.memory_space<hbm>>, %arg7: memref<1024xi32, #tpu.memory_space<hbm>>, %arg8: memref<50000xi32, #tpu.memory_space<vmem>>, %arg9: memref<2000xi32, #tpu.memory_space<vmem>>, %arg10: memref<2000xi32, #tpu.memory_space<vmem>>, %arg11: memref<2000xi32, #tpu.memory_space<vmem>>, %arg12: memref<2000xi32, #tpu.memory_space<vmem>>, %arg13: memref<2000xi32, #tpu.memory_space<vmem>>, %arg14: memref<2000xi32, #tpu.memory_space<vmem>>, %arg15: memref<2000xi32, #tpu.memory_space<vmem>>, %arg16: memref<2000xi32, #tpu.memory_space<vmem>>, %arg17: memref<2000xi32, #tpu.memory_space<vmem>>, %arg18: memref<2000xi32, #tpu.memory_space<vmem>>, %arg19: memref<50512xi32, #tpu.memory_space<vmem>>, %arg20: memref<1024xi32, #tpu.memory_space<vmem>>, %arg21: memref<1024xi32, #tpu.memory_space<vmem>>, %arg22: memref<16xi32, #tpu.memory_space<vmem>>, %arg23: memref<!tpu.dma_semaphore, #tpu.memory_space<semaphore_mem>>, %arg24: memref<!tpu.dma_semaphore, #tpu.memory_space<semaphore_mem>>, %arg25: memref<!tpu.dma_semaphore, #tpu.memory_space<semaphore_mem>>, %arg26: memref<!tpu.dma_semaphore, #tpu.memory_space<semaphore_mem>>, %arg27: memref<!tpu.dma_semaphore, #tpu.memory_space<semaphore_mem>>) attributes {dimension_semantics = [#tpu.dimension_semantics<core_parallel>, #tpu.dimension_semantics<subcore_parallel>], iteration_bounds = array<i64: 2, 16>, scalar_prefetch = 0 : i64, scratch_operands = 20 : i64, tpu.core_type = #tpu.core_type<sc_vector_subcore>, window_params = [{transform_indices = #map}, {transform_indices = #map1}, {transform_indices = #map1}, {transform_indices = #map1}, {transform_indices = #map1}, {transform_indices = #map1}]} {
    %mul3A = arith.constant 2 : i32
    %mul3A_0 = arith.muli %arg1, %mul3A : i32
    %add3A = arith.addi %mul3A_0, %arg0 : i32
    %mul3A_1 = arith.constant 50000 : i32
    %mul3A_2 = arith.muli %add3A, %mul3A_1 : i32
    %iota3A = tpu.iota {dimensions = array<i32: 0>} : vector<16xi32>
    "tpu.region"() ({
      %run_scoped3A = tpu.sem_alloc : memref<!tpu.dma_semaphore, #tpu.memory_space<semaphore_mem>>
      tpu.enqueue_dma source(%arg3 : memref<50000xi32, #tpu.memory_space<hbm>>) target(%arg8 : memref<50000xi32, #tpu.memory_space<vmem>>) target_semaphore(%run_scoped3A : memref<!tpu.dma_semaphore, #tpu.memory_space<semaphore_mem>>)
      tpu.wait_dma2 semaphore(%run_scoped3A : memref<!tpu.dma_semaphore, #tpu.memory_space<semaphore_mem>>) src(%arg3 : memref<50000xi32, #tpu.memory_space<hbm>>) dst(%arg8 : memref<50000xi32, #tpu.memory_space<vmem>>)
      tpu.yield
    }) : () -> ()
    %add3A_3 = arith.constant 0 : i32
    %add3A_4 = arith.addi %mul3A_2, %add3A_3 : i32
    %multiple_of3A = tpu.assume_multiple %add3A_4, 8 : i32
    %dma_start3A = arith.constant 1 : i32
    %dma_start3A_5 = arith.constant 0 : i32
    %dma_start3A_6 = tpu.memref_slice %arg2[%dma_start3A, %dma_start3A_5] : memref<2x1600000xi32, #tpu.memory_space<hbm>> -> memref<1x1600000xi32, #tpu.memory_space<hbm>>
    %dma_start3A_7 = tpu.memref_squeeze %dma_start3A_6 : memref<1x1600000xi32, #tpu.memory_space<hbm>> -> memref<1600000xi32, #tpu.memory_space<hbm>>
    %dma_start3A_8 = tpu.memref_slice %dma_start3A_7[%multiple_of3A] : memref<1600000xi32, #tpu.memory_space<hbm>> -> memref<2000xi32, #tpu.memory_space<hbm>>
    %dma_start3A_9 = arith.constant 0 : i32
    %dma_start3A_10 = tpu.memref_slice %arg2[%dma_start3A, %dma_start3A_9] : memref<2x1600000xi32, #tpu.memory_space<hbm>> -> memref<1x1600000xi32, #tpu.memory_space<hbm>>
    %dma_start3A_11 = tpu.memref_squeeze %dma_start3A_10 : memref<1x1600000xi32, #tpu.memory_space<hbm>> -> memref<1600000xi32, #tpu.memory_space<hbm>>
    %dma_start3A_12 = tpu.memref_slice %dma_start3A_11[%multiple_of3A] : memref<1600000xi32, #tpu.memory_space<hbm>> -> memref<2000xi32, #tpu.memory_space<hbm>>
    tpu.enqueue_dma source(%dma_start3A_12 : memref<2000xi32, #tpu.memory_space<hbm>>) target(%arg9 : memref<2000xi32, #tpu.memory_space<vmem>>) target_semaphore(%arg23 : memref<!tpu.dma_semaphore, #tpu.memory_space<semaphore_mem>>)
    %dma_start3A_13 = arith.constant 0 : i32
    %dma_start3A_14 = arith.constant 0 : i32
    %dma_start3A_15 = tpu.memref_slice %arg2[%dma_start3A_13, %dma_start3A_14] : memref<2x1600000xi32, #tpu.memory_space<hbm>> -> memref<1x1600000xi32, #tpu.memory_space<hbm>>
    %dma_start3A_16 = tpu.memref_squeeze %dma_start3A_15 : memref<1x1600000xi32, #tpu.memory_space<hbm>> -> memref<1600000xi32, #tpu.memory_space<hbm>>
    %dma_start3A_17 = tpu.memref_slice %dma_start3A_16[%multiple_of3A] : memref<1600000xi32, #tpu.memory_space<hbm>> -> memref<2000xi32, #tpu.memory_space<hbm>>
    %dma_start3A_18 = arith.constant 0 : i32
    %dma_start3A_19 = tpu.memref_slice %arg2[%dma_start3A_13, %dma_start3A_18] : memref<2x1600000xi32, #tpu.memory_space<hbm>> -> memref<1x1600000xi32, #tpu.memory_space<hbm>>
    %dma_start3A_20 = tpu.memref_squeeze %dma_start3A_19 : memref<1x1600000xi32, #tpu.memory_space<hbm>> -> memref<1600000xi32, #tpu.memory_space<hbm>>
    %dma_start3A_21 = tpu.memref_slice %dma_start3A_20[%multiple_of3A] : memref<1600000xi32, #tpu.memory_space<hbm>> -> memref<2000xi32, #tpu.memory_space<hbm>>
    tpu.enqueue_dma source(%dma_start3A_21 : memref<2000xi32, #tpu.memory_space<hbm>>) target(%arg10 : memref<2000xi32, #tpu.memory_space<vmem>>) target_semaphore(%arg23 : memref<!tpu.dma_semaphore, #tpu.memory_space<semaphore_mem>>)
    %add3A_22 = arith.constant 2000 : i32
    %add3A_23 = arith.addi %mul3A_2, %add3A_22 : i32
    %multiple_of3A_24 = tpu.assume_multiple %add3A_23, 8 : i32
    %dma_start3A_25 = arith.constant 1 : i32
    %dma_start3A_26 = arith.constant 0 : i32
    %dma_start3A_27 = tpu.memref_slice %arg2[%dma_start3A_25, %dma_start3A_26] : memref<2x1600000xi32, #tpu.memory_space<hbm>> -> memref<1x1600000xi32, #tpu.memory_space<hbm>>
    %dma_start3A_28 = tpu.memref_squeeze %dma_start3A_27 : memref<1x1600000xi32, #tpu.memory_space<hbm>> -> memref<1600000xi32, #tpu.memory_space<hbm>>
    %dma_start3A_29 = tpu.memref_slice %dma_start3A_28[%multiple_of3A_24] : memref<1600000xi32, #tpu.memory_space<hbm>> -> memref<2000xi32, #tpu.memory_space<hbm>>
    %dma_start3A_30 = arith.constant 0 : i32
    %dma_start3A_31 = tpu.memref_slice %arg2[%dma_start3A_25, %dma_start3A_30] : memref<2x1600000xi32, #tpu.memory_space<hbm>> -> memref<1x1600000xi32, #tpu.memory_space<hbm>>
    %dma_start3A_32 = tpu.memref_squeeze %dma_start3A_31 : memref<1x1600000xi32, #tpu.memory_space<hbm>> -> memref<1600000xi32, #tpu.memory_space<hbm>>
    %dma_start3A_33 = tpu.memref_slice %dma_start3A_32[%multiple_of3A_24] : memref<1600000xi32, #tpu.memory_space<hbm>> -> memref<2000xi32, #tpu.memory_space<hbm>>
    tpu.enqueue_dma source(%dma_start3A_33 : memref<2000xi32, #tpu.memory_space<hbm>>) target(%arg11 : memref<2000xi32, #tpu.memory_space<vmem>>) target_semaphore(%arg24 : memref<!tpu.dma_semaphore, #tpu.memory_space<semaphore_mem>>)
    %dma_start3A_34 = arith.constant 0 : i32
    %dma_start3A_35 = arith.constant 0 : i32
    %dma_start3A_36 = tpu.memref_slice %arg2[%dma_start3A_34, %dma_start3A_35] : memref<2x1600000xi32, #tpu.memory_space<hbm>> -> memref<1x1600000xi32, #tpu.memory_space<hbm>>
    %dma_start3A_37 = tpu.memref_squeeze %dma_start3A_36 : memref<1x1600000xi32, #tpu.memory_space<hbm>> -> memref<1600000xi32, #tpu.memory_space<hbm>>
    %dma_start3A_38 = tpu.memref_slice %dma_start3A_37[%multiple_of3A_24] : memref<1600000xi32, #tpu.memory_space<hbm>> -> memref<2000xi32, #tpu.memory_space<hbm>>
    %dma_start3A_39 = arith.constant 0 : i32
    %dma_start3A_40 = tpu.memref_slice %arg2[%dma_start3A_34, %dma_start3A_39] : memref<2x1600000xi32, #tpu.memory_space<hbm>> -> memref<1x1600000xi32, #tpu.memory_space<hbm>>
    %dma_start3A_41 = tpu.memref_squeeze %dma_start3A_40 : memref<1x1600000xi32, #tpu.memory_space<hbm>> -> memref<1600000xi32, #tpu.memory_space<hbm>>
    %dma_start3A_42 = tpu.memref_slice %dma_start3A_41[%multiple_of3A_24] : memref<1600000xi32, #tpu.memory_space<hbm>> -> memref<2000xi32, #tpu.memory_space<hbm>>
    tpu.enqueue_dma source(%dma_start3A_42 : memref<2000xi32, #tpu.memory_space<hbm>>) target(%arg12 : memref<2000xi32, #tpu.memory_space<vmem>>) target_semaphore(%arg24 : memref<!tpu.dma_semaphore, #tpu.memory_space<semaphore_mem>>)
    %add3A_43 = arith.constant 4000 : i32
    %add3A_44 = arith.addi %mul3A_2, %add3A_43 : i32
    %multiple_of3A_45 = tpu.assume_multiple %add3A_44, 8 : i32
    %dma_start3A_46 = arith.constant 1 : i32
    %dma_start3A_47 = arith.constant 0 : i32
    %dma_start3A_48 = tpu.memref_slice %arg2[%dma_start3A_46, %dma_start3A_47] : memref<2x1600000xi32, #tpu.memory_space<hbm>> -> memref<1x1600000xi32, #tpu.memory_space<hbm>>
    %dma_start3A_49 = tpu.memref_squeeze %dma_start3A_48 : memref<1x1600000xi32, #tpu.memory_space<hbm>> -> memref<1600000xi32, #tpu.memory_space<hbm>>
    %dma_start3A_50 = tpu.memref_slice %dma_start3A_49[%multiple_of3A_45] : memref<1600000xi32, #tpu.memory_space<hbm>> -> memref<2000xi32, #tpu.memory_space<hbm>>
    %dma_start3A_51 = arith.constant 0 : i32
    %dma_start3A_52 = tpu.memref_slice %arg2[%dma_start3A_46, %dma_start3A_51] : memref<2x1600000xi32, #tpu.memory_space<hbm>> -> memref<1x1600000xi32, #tpu.memory_space<hbm>>
    %dma_start3A_53 = tpu.memref_squeeze %dma_start3A_52 : memref<1x1600000xi32, #tpu.memory_space<hbm>> -> memref<1600000xi32, #tpu.memory_space<hbm>>
    %dma_start3A_54 = tpu.memref_slice %dma_start3A_53[%multiple_of3A_45] : memref<1600000xi32, #tpu.memory_space<hbm>> -> memref<2000xi32, #tpu.memory_space<hbm>>
    tpu.enqueue_dma source(%dma_start3A_54 : memref<2000xi32, #tpu.memory_space<hbm>>) target(%arg13 : memref<2000xi32, #tpu.memory_space<vmem>>) target_semaphore(%arg25 : memref<!tpu.dma_semaphore, #tpu.memory_space<semaphore_mem>>)
    %dma_start3A_55 = arith.constant 0 : i32
    %dma_start3A_56 = arith.constant 0 : i32
    %dma_start3A_57 = tpu.memref_slice %arg2[%dma_start3A_55, %dma_start3A_56] : memref<2x1600000xi32, #tpu.memory_space<hbm>> -> memref<1x1600000xi32, #tpu.memory_space<hbm>>
    %dma_start3A_58 = tpu.memref_squeeze %dma_start3A_57 : memref<1x1600000xi32, #tpu.memory_space<hbm>> -> memref<1600000xi32, #tpu.memory_space<hbm>>
    %dma_start3A_59 = tpu.memref_slice %dma_start3A_58[%multiple_of3A_45] : memref<1600000xi32, #tpu.memory_space<hbm>> -> memref<2000xi32, #tpu.memory_space<hbm>>
    %dma_start3A_60 = arith.constant 0 : i32
    %dma_start3A_61 = tpu.memref_slice %arg2[%dma_start3A_55, %dma_start3A_60] : memref<2x1600000xi32, #tpu.memory_space<hbm>> -> memref<1x1600000xi32, #tpu.memory_space<hbm>>
    %dma_start3A_62 = tpu.memref_squeeze %dma_start3A_61 : memref<1x1600000xi32, #tpu.memory_space<hbm>> -> memref<1600000xi32, #tpu.memory_space<hbm>>
    %dma_start3A_63 = tpu.memref_slice %dma_start3A_62[%multiple_of3A_45] : memref<1600000xi32, #tpu.memory_space<hbm>> -> memref<2000xi32, #tpu.memory_space<hbm>>
    tpu.enqueue_dma source(%dma_start3A_63 : memref<2000xi32, #tpu.memory_space<hbm>>) target(%arg14 : memref<2000xi32, #tpu.memory_space<vmem>>) target_semaphore(%arg25 : memref<!tpu.dma_semaphore, #tpu.memory_space<semaphore_mem>>)
    %add3A_64 = arith.constant 6000 : i32
    %add3A_65 = arith.addi %mul3A_2, %add3A_64 : i32
    %multiple_of3A_66 = tpu.assume_multiple %add3A_65, 8 : i32
    %dma_start3A_67 = arith.constant 1 : i32
    %dma_start3A_68 = arith.constant 0 : i32
    %dma_start3A_69 = tpu.memref_slice %arg2[%dma_start3A_67, %dma_start3A_68] : memref<2x1600000xi32, #tpu.memory_space<hbm>> -> memref<1x1600000xi32, #tpu.memory_space<hbm>>
    %dma_start3A_70 = tpu.memref_squeeze %dma_start3A_69 : memref<1x1600000xi32, #tpu.memory_space<hbm>> -> memref<1600000xi32, #tpu.memory_space<hbm>>
    %dma_start3A_71 = tpu.memref_slice %dma_start3A_70[%multiple_of3A_66] : memref<1600000xi32, #tpu.memory_space<hbm>> -> memref<2000xi32, #tpu.memory_space<hbm>>
    %dma_start3A_72 = arith.constant 0 : i32
    %dma_start3A_73 = tpu.memref_slice %arg2[%dma_start3A_67, %dma_start3A_72] : memref<2x1600000xi32, #tpu.memory_space<hbm>> -> memref<1x1600000xi32, #tpu.memory_space<hbm>>
    %dma_start3A_74 = tpu.memref_squeeze %dma_start3A_73 : memref<1x1600000xi32, #tpu.memory_space<hbm>> -> memref<1600000xi32, #tpu.memory_space<hbm>>
    %dma_start3A_75 = tpu.memref_slice %dma_start3A_74[%multiple_of3A_66] : memref<1600000xi32, #tpu.memory_space<hbm>> -> memref<2000xi32, #tpu.memory_space<hbm>>
    tpu.enqueue_dma source(%dma_start3A_75 : memref<2000xi32, #tpu.memory_space<hbm>>) target(%arg15 : memref<2000xi32, #tpu.memory_space<vmem>>) target_semaphore(%arg26 : memref<!tpu.dma_semaphore, #tpu.memory_space<semaphore_mem>>)
    %dma_start3A_76 = arith.constant 0 : i32
    %dma_start3A_77 = arith.constant 0 : i32
    %dma_start3A_78 = tpu.memref_slice %arg2[%dma_start3A_76, %dma_start3A_77] : memref<2x1600000xi32, #tpu.memory_space<hbm>> -> memref<1x1600000xi32, #tpu.memory_space<hbm>>
    %dma_start3A_79 = tpu.memref_squeeze %dma_start3A_78 : memref<1x1600000xi32, #tpu.memory_space<hbm>> -> memref<1600000xi32, #tpu.memory_space<hbm>>
    %dma_start3A_80 = tpu.memref_slice %dma_start3A_79[%multiple_of3A_66] : memref<1600000xi32, #tpu.memory_space<hbm>> -> memref<2000xi32, #tpu.memory_space<hbm>>
    %dma_start3A_81 = arith.constant 0 : i32
    %dma_start3A_82 = tpu.memref_slice %arg2[%dma_start3A_76, %dma_start3A_81] : memref<2x1600000xi32, #tpu.memory_space<hbm>> -> memref<1x1600000xi32, #tpu.memory_space<hbm>>
    %dma_start3A_83 = tpu.memref_squeeze %dma_start3A_82 : memref<1x1600000xi32, #tpu.memory_space<hbm>> -> memref<1600000xi32, #tpu.memory_space<hbm>>
    %dma_start3A_84 = tpu.memref_slice %dma_start3A_83[%multiple_of3A_66] : memref<1600000xi32, #tpu.memory_space<hbm>> -> memref<2000xi32, #tpu.memory_space<hbm>>
    tpu.enqueue_dma source(%dma_start3A_84 : memref<2000xi32, #tpu.memory_space<hbm>>) target(%arg16 : memref<2000xi32, #tpu.memory_space<vmem>>) target_semaphore(%arg26 : memref<!tpu.dma_semaphore, #tpu.memory_space<semaphore_mem>>)
    %add3A_85 = arith.constant 8000 : i32
    %add3A_86 = arith.addi %mul3A_2, %add3A_85 : i32
    %multiple_of3A_87 = tpu.assume_multiple %add3A_86, 8 : i32
    %dma_start3A_88 = arith.constant 1 : i32
    %dma_start3A_89 = arith.constant 0 : i32
    %dma_start3A_90 = tpu.memref_slice %arg2[%dma_start3A_88, %dma_start3A_89] : memref<2x1600000xi32, #tpu.memory_space<hbm>> -> memref<1x1600000xi32, #tpu.memory_space<hbm>>
    %dma_start3A_91 = tpu.memref_squeeze %dma_start3A_90 : memref<1x1600000xi32, #tpu.memory_space<hbm>> -> memref<1600000xi32, #tpu.memory_space<hbm>>
    %dma_start3A_92 = tpu.memref_slice %dma_start3A_91[%multiple_of3A_87] : memref<1600000xi32, #tpu.memory_space<hbm>> -> memref<2000xi32, #tpu.memory_space<hbm>>
    %dma_start3A_93 = arith.constant 0 : i32
    %dma_start3A_94 = tpu.memref_slice %arg2[%dma_start3A_88, %dma_start3A_93] : memref<2x1600000xi32, #tpu.memory_space<hbm>> -> memref<1x1600000xi32, #tpu.memory_space<hbm>>
    %dma_start3A_95 = tpu.memref_squeeze %dma_start3A_94 : memref<1x1600000xi32, #tpu.memory_space<hbm>> -> memref<1600000xi32, #tpu.memory_space<hbm>>
    %dma_start3A_96 = tpu.memref_slice %dma_start3A_95[%multiple_of3A_87] : memref<1600000xi32, #tpu.memory_space<hbm>> -> memref<2000xi32, #tpu.memory_space<hbm>>
    tpu.enqueue_dma source(%dma_start3A_96 : memref<2000xi32, #tpu.memory_space<hbm>>) target(%arg17 : memref<2000xi32, #tpu.memory_space<vmem>>) target_semaphore(%arg27 : memref<!tpu.dma_semaphore, #tpu.memory_space<semaphore_mem>>)
    %dma_start3A_97 = arith.constant 0 : i32
    %dma_start3A_98 = arith.constant 0 : i32
    %dma_start3A_99 = tpu.memref_slice %arg2[%dma_start3A_97, %dma_start3A_98] : memref<2x1600000xi32, #tpu.memory_space<hbm>> -> memref<1x1600000xi32, #tpu.memory_space<hbm>>
    %dma_start3A_100 = tpu.memref_squeeze %dma_start3A_99 : memref<1x1600000xi32, #tpu.memory_space<hbm>> -> memref<1600000xi32, #tpu.memory_space<hbm>>
    %dma_start3A_101 = tpu.memref_slice %dma_start3A_100[%multiple_of3A_87] : memref<1600000xi32, #tpu.memory_space<hbm>> -> memref<2000xi32, #tpu.memory_space<hbm>>
    %dma_start3A_102 = arith.constant 0 : i32
    %dma_start3A_103 = tpu.memref_slice %arg2[%dma_start3A_97, %dma_start3A_102] : memref<2x1600000xi32, #tpu.memory_space<hbm>> -> memref<1x1600000xi32, #tpu.memory_space<hbm>>
    %dma_start3A_104 = tpu.memref_squeeze %dma_start3A_103 : memref<1x1600000xi32, #tpu.memory_space<hbm>> -> memref<1600000xi32, #tpu.memory_space<hbm>>
    %dma_start3A_105 = tpu.memref_slice %dma_start3A_104[%multiple_of3A_87] : memref<1600000xi32, #tpu.memory_space<hbm>> -> memref<2000xi32, #tpu.memory_space<hbm>>
    tpu.enqueue_dma source(%dma_start3A_105 : memref<2000xi32, #tpu.memory_space<hbm>>) target(%arg18 : memref<2000xi32, #tpu.memory_space<vmem>>) target_semaphore(%arg27 : memref<!tpu.dma_semaphore, #tpu.memory_space<semaphore_mem>>)
    %broadcast_in_dim3A = arith.constant 0 : i32
    %broadcast_in_dim3A_106 = vector.broadcast %broadcast_in_dim3A : i32 to vector<16xi32>
    %scan3A = arith.constant 0 : i32
    %scan3A_107 = arith.constant 4 : i32
    %scan3A_108 = arith.addi %scan3A, %scan3A_107 : i32
    %scan3A_109 = arith.constant 1 : i32
    %scan3A_110 = scf.for %scan3A_614 = %scan3A to %scan3A_108 step %scan3A_109 iter_args(%scan3A_615 = %broadcast_in_dim3A_106) -> (vector<16xi32>)  : i32 {
      %dma_wait3A_616 = arith.constant 1 : i32
      %dma_wait3A_617 = arith.constant 0 : i32
      %dma_wait3A_618 = tpu.memref_slice %arg2[%dma_wait3A_616, %dma_wait3A_617] : memref<2x1600000xi32, #tpu.memory_space<hbm>> -> memref<1x1600000xi32, #tpu.memory_space<hbm>>
      %dma_wait3A_619 = tpu.memref_squeeze %dma_wait3A_618 : memref<1x1600000xi32, #tpu.memory_space<hbm>> -> memref<1600000xi32, #tpu.memory_space<hbm>>
      %dma_wait3A_620 = arith.constant 0 : i32
      %dma_wait3A_621 = tpu.memref_slice %dma_wait3A_619[%dma_wait3A_620] : memref<1600000xi32, #tpu.memory_space<hbm>> -> memref<2000xi32, #tpu.memory_space<hbm>>
      %dma_wait3A_622 = arith.constant 0 : i32
      %dma_wait3A_623 = tpu.memref_slice %arg2[%dma_wait3A_616, %dma_wait3A_622] : memref<2x1600000xi32, #tpu.memory_space<hbm>> -> memref<1x1600000xi32, #tpu.memory_space<hbm>>
      %dma_wait3A_624 = tpu.memref_squeeze %dma_wait3A_623 : memref<1x1600000xi32, #tpu.memory_space<hbm>> -> memref<1600000xi32, #tpu.memory_space<hbm>>
      %dma_wait3A_625 = arith.constant 0 : i32
      %dma_wait3A_626 = tpu.memref_slice %dma_wait3A_624[%dma_wait3A_625] : memref<1600000xi32, #tpu.memory_space<hbm>> -> memref<2000xi32, #tpu.memory_space<hbm>>
      tpu.wait_dma2 semaphore(%arg23 : memref<!tpu.dma_semaphore, #tpu.memory_space<semaphore_mem>>) src(%dma_wait3A_626 : memref<2000xi32, #tpu.memory_space<hbm>>) dst(%arg9 : memref<2000xi32, #tpu.memory_space<vmem>>)
      %dma_wait3A_627 = arith.constant 0 : i32
      %dma_wait3A_628 = arith.constant 0 : i32
      %dma_wait3A_629 = tpu.memref_slice %arg2[%dma_wait3A_627, %dma_wait3A_628] : memref<2x1600000xi32, #tpu.memory_space<hbm>> -> memref<1x1600000xi32, #tpu.memory_space<hbm>>
      %dma_wait3A_630 = tpu.memref_squeeze %dma_wait3A_629 : memref<1x1600000xi32, #tpu.memory_space<hbm>> -> memref<1600000xi32, #tpu.memory_space<hbm>>
      %dma_wait3A_631 = arith.constant 0 : i32
      %dma_wait3A_632 = tpu.memref_slice %dma_wait3A_630[%dma_wait3A_631] : memref<1600000xi32, #tpu.memory_space<hbm>> -> memref<2000xi32, #tpu.memory_space<hbm>>
      %dma_wait3A_633 = arith.constant 0 : i32
      %dma_wait3A_634 = tpu.memref_slice %arg2[%dma_wait3A_627, %dma_wait3A_633] : memref<2x1600000xi32, #tpu.memory_space<hbm>> -> memref<1x1600000xi32, #tpu.memory_space<hbm>>
      %dma_wait3A_635 = tpu.memref_squeeze %dma_wait3A_634 : memref<1x1600000xi32, #tpu.memory_space<hbm>> -> memref<1600000xi32, #tpu.memory_space<hbm>>
      %dma_wait3A_636 = arith.constant 0 : i32
      %dma_wait3A_637 = tpu.memref_slice %dma_wait3A_635[%dma_wait3A_636] : memref<1600000xi32, #tpu.memory_space<hbm>> -> memref<2000xi32, #tpu.memory_space<hbm>>
      tpu.wait_dma2 semaphore(%arg23 : memref<!tpu.dma_semaphore, #tpu.memory_space<semaphore_mem>>) src(%dma_wait3A_637 : memref<2000xi32, #tpu.memory_space<hbm>>) dst(%arg10 : memref<2000xi32, #tpu.memory_space<vmem>>)
      %scan3A_638 = arith.constant 0 : i32
      %scan3A_639 = arith.constant 25 : i32
      %scan3A_640 = arith.addi %scan3A_638, %scan3A_639 : i32
      %scan3A_641 = arith.constant 1 : i32
      %scan3A_642 = scf.for %scan3A_896 = %scan3A_638 to %scan3A_640 step %scan3A_641 iter_args(%scan3A_897 = %scan3A_615) -> (vector<16xi32>)  : i32 {
        %mul3A_898 = arith.constant 5 : i32
        %mul3A_899 = arith.muli %scan3A_896, %mul3A_898 : i32
        %add3A_900 = arith.constant 0 : i32
        %add3A_901 = arith.addi %mul3A_899, %add3A_900 : i32
        %mul3A_902 = arith.constant 16 : i32
        %mul3A_903 = arith.muli %add3A_901, %mul3A_902 : i32
        %get3A = arith.index_cast %mul3A_903 : i32 to index
        %get3A_904 = tpu.vector_load %arg9[%get3A] {strides = array<i32>} : memref<2000xi32, #tpu.memory_space<vmem>>, vector<16xi32>,
        %mul3A_905 = arith.constant 16 : i32
        %mul3A_906 = arith.muli %add3A_901, %mul3A_905 : i32
        %get3A_907 = arith.index_cast %mul3A_906 : i32 to index
        %get3A_908 = tpu.vector_load %arg10[%get3A_907] {strides = array<i32>} : memref<2000xi32, #tpu.memory_space<vmem>>, vector<16xi32>,
        %gather3A = tpu.vector_load_idx %arg8[%get3A_904] : memref<50000xi32, #tpu.memory_space<vmem>>[vector<16xi32>], vector<16xi32>,
        %ge3A = arith.constant 0 : i32
        %ge3A_909 = vector.broadcast %ge3A : i32 to vector<16xi32>
        %ge3A_910 = arith.cmpi sge, %gather3A, %ge3A_909 : vector<16xi32>
        %mul3A_911 = arith.constant 1024 : i32
        %mul3A_912 = vector.broadcast %mul3A_911 : i32 to vector<16xi32>
        %mul3A_913 = arith.muli %get3A_908, %mul3A_912 : vector<16xi32>
        %add3A_914 = arith.addi %mul3A_913, %gather3A : vector<16xi32>
        %jit3A_915 = arith.constant 1 : i32
        %jit3A_916 = arith.constant 0 : i32
        %broadcast_in_dim3A_917 = vector.broadcast %jit3A_915 : i32 to vector<16xi32>
        %broadcast_in_dim3A_918 = vector.broadcast %jit3A_916 : i32 to vector<16xi32>
        %select_n3A_919 = arith.select %ge3A_910, %broadcast_in_dim3A_917, %broadcast_in_dim3A_918 : vector<16xi1>, vector<16xi32>
        %broadcast_in_dim3A_920 = arith.constant true
        %broadcast_in_dim3A_921 = vector.broadcast %broadcast_in_dim3A_920 : i1 to vector<16xi1>
        %masked_cumsum3A = tpu.scan <sum>, %select_n3A_919 masked %broadcast_in_dim3A_921 : vector<16xi32>, vector<16xi1> -> vector<16xi32>
        %add3A_922 = arith.addi %scan3A_897, %masked_cumsum3A : vector<16xi32>
        %sub3A_923 = arith.constant 1 : i32
        %sub3A_924 = vector.broadcast %sub3A_923 : i32 to vector<16xi32>
        %sub3A_925 = arith.subi %add3A_922, %sub3A_924 : vector<16xi32>
        tpu.vector_store_idx %arg19[%sub3A_925], %add3A_914 masked %ge3A_910 : memref<50512xi32, #tpu.memory_space<vmem>>[vector<16xi32>], vector<16xi32>, vector<16xi1>
        %all_reduce_population_count3A = tpu.all_reduce %ge3A_910 {dim = 0 : i64, kind = #tpu.reduction_kind<sum>} : vector<16xi1> -> vector<16xi32>
        %add3A_926 = arith.addi %scan3A_897, %all_reduce_population_count3A : vector<16xi32>
        %mul3A_927 = arith.constant 5 : i32
        %mul3A_928 = arith.muli %scan3A_896, %mul3A_927 : i32
        %add3A_929 = arith.constant 1 : i32
        %add3A_930 = arith.addi %mul3A_928, %add3A_929 : i32
        %mul3A_931 = arith.constant 16 : i32
        %mul3A_932 = arith.muli %add3A_930, %mul3A_931 : i32
        %get3A_933 = arith.index_cast %mul3A_932 : i32 to index
        %get3A_934 = tpu.vector_load %arg9[%get3A_933] {strides = array<i32>} : memref<2000xi32, #tpu.memory_space<vmem>>, vector<16xi32>,
        %mul3A_935 = arith.constant 16 : i32
        %mul3A_936 = arith.muli %add3A_930, %mul3A_935 : i32
        %get3A_937 = arith.index_cast %mul3A_936 : i32 to index
        %get3A_938 = tpu.vector_load %arg10[%get3A_937] {strides = array<i32>} : memref<2000xi32, #tpu.memory_space<vmem>>, vector<16xi32>,
        %gather3A_939 = tpu.vector_load_idx %arg8[%get3A_934] : memref<50000xi32, #tpu.memory_space<vmem>>[vector<16xi32>], vector<16xi32>,
        %ge3A_940 = arith.constant 0 : i32
        %ge3A_941 = vector.broadcast %ge3A_940 : i32 to vector<16xi32>
        %ge3A_942 = arith.cmpi sge, %gather3A_939, %ge3A_941 : vector<16xi32>
        %mul3A_943 = arith.constant 1024 : i32
        %mul3A_944 = vector.broadcast %mul3A_943 : i32 to vector<16xi32>
        %mul3A_945 = arith.muli %get3A_938, %mul3A_944 : vector<16xi32>
        %add3A_946 = arith.addi %mul3A_945, %gather3A_939 : vector<16xi32>
        %jit3A_947 = arith.constant 1 : i32
        %jit3A_948 = arith.constant 0 : i32
        %broadcast_in_dim3A_949 = vector.broadcast %jit3A_947 : i32 to vector<16xi32>
        %broadcast_in_dim3A_950 = vector.broadcast %jit3A_948 : i32 to vector<16xi32>
        %select_n3A_951 = arith.select %ge3A_942, %broadcast_in_dim3A_949, %broadcast_in_dim3A_950 : vector<16xi1>, vector<16xi32>
        %broadcast_in_dim3A_952 = arith.constant true
        %broadcast_in_dim3A_953 = vector.broadcast %broadcast_in_dim3A_952 : i1 to vector<16xi1>
        %masked_cumsum3A_954 = tpu.scan <sum>, %select_n3A_951 masked %broadcast_in_dim3A_953 : vector<16xi32>, vector<16xi1> -> vector<16xi32>
        %add3A_955 = arith.addi %add3A_926, %masked_cumsum3A_954 : vector<16xi32>
        %sub3A_956 = arith.constant 1 : i32
        %sub3A_957 = vector.broadcast %sub3A_956 : i32 to vector<16xi32>
        %sub3A_958 = arith.subi %add3A_955, %sub3A_957 : vector<16xi32>
        tpu.vector_store_idx %arg19[%sub3A_958], %add3A_946 masked %ge3A_942 : memref<50512xi32, #tpu.memory_space<vmem>>[vector<16xi32>], vector<16xi32>, vector<16xi1>
        %all_reduce_population_count3A_959 = tpu.all_reduce %ge3A_942 {dim = 0 : i64, kind = #tpu.reduction_kind<sum>} : vector<16xi1> -> vector<16xi32>
        %add3A_960 = arith.addi %add3A_926, %all_reduce_population_count3A_959 : vector<16xi32>
        %mul3A_961 = arith.constant 5 : i32
        %mul3A_962 = arith.muli %scan3A_896, %mul3A_961 : i32
        %add3A_963 = arith.constant 2 : i32
        %add3A_964 = arith.addi %mul3A_962, %add3A_963 : i32
        %mul3A_965 = arith.constant 16 : i32
        %mul3A_966 = arith.muli %add3A_964, %mul3A_965 : i32
        %get3A_967 = arith.index_cast %mul3A_966 : i32 to index
        %get3A_968 = tpu.vector_load %arg9[%get3A_967] {strides = array<i32>} : memref<2000xi32, #tpu.memory_space<vmem>>, vector<16xi32>,
        %mul3A_969 = arith.constant 16 : i32
        %mul3A_970 = arith.muli %add3A_964, %mul3A_969 : i32
        %get3A_971 = arith.index_cast %mul3A_970 : i32 to index
        %get3A_972 = tpu.vector_load %arg10[%get3A_971] {strides = array<i32>} : memref<2000xi32, #tpu.memory_space<vmem>>, vector<16xi32>,
        %gather3A_973 = tpu.vector_load_idx %arg8[%get3A_968] : memref<50000xi32, #tpu.memory_space<vmem>>[vector<16xi32>], vector<16xi32>,
        %ge3A_974 = arith.constant 0 : i32
        %ge3A_975 = vector.broadcast %ge3A_974 : i32 to vector<16xi32>
        %ge3A_976 = arith.cmpi sge, %gather3A_973, %ge3A_975 : vector<16xi32>
        %mul3A_977 = arith.constant 1024 : i32
        %mul3A_978 = vector.broadcast %mul3A_977 : i32 to vector<16xi32>
        %mul3A_979 = arith.muli %get3A_972, %mul3A_978 : vector<16xi32>
        %add3A_980 = arith.addi %mul3A_979, %gather3A_973 : vector<16xi32>
        %jit3A_981 = arith.constant 1 : i32
        %jit3A_982 = arith.constant 0 : i32
        %broadcast_in_dim3A_983 = vector.broadcast %jit3A_981 : i32 to vector<16xi32>
        %broadcast_in_dim3A_984 = vector.broadcast %jit3A_982 : i32 to vector<16xi32>
        %select_n3A_985 = arith.select %ge3A_976, %broadcast_in_dim3A_983, %broadcast_in_dim3A_984 : vector<16xi1>, vector<16xi32>
        %broadcast_in_dim3A_986 = arith.constant true
        %broadcast_in_dim3A_987 = vector.broadcast %broadcast_in_dim3A_986 : i1 to vector<16xi1>
        %masked_cumsum3A_988 = tpu.scan <sum>, %select_n3A_985 masked %broadcast_in_dim3A_987 : vector<16xi32>, vector<16xi1> -> vector<16xi32>
        %add3A_989 = arith.addi %add3A_960, %masked_cumsum3A_988 : vector<16xi32>
        %sub3A_990 = arith.constant 1 : i32
        %sub3A_991 = vector.broadcast %sub3A_990 : i32 to vector<16xi32>
        %sub3A_992 = arith.subi %add3A_989, %sub3A_991 : vector<16xi32>
        tpu.vector_store_idx %arg19[%sub3A_992], %add3A_980 masked %ge3A_976 : memref<50512xi32, #tpu.memory_space<vmem>>[vector<16xi32>], vector<16xi32>, vector<16xi1>
        %all_reduce_population_count3A_993 = tpu.all_reduce %ge3A_976 {dim = 0 : i64, kind = #tpu.reduction_kind<sum>} : vector<16xi1> -> vector<16xi32>
        %add3A_994 = arith.addi %add3A_960, %all_reduce_population_count3A_993 : vector<16xi32>
        %mul3A_995 = arith.constant 5 : i32
        %mul3A_996 = arith.muli %scan3A_896, %mul3A_995 : i32
        %add3A_997 = arith.constant 3 : i32
        %add3A_998 = arith.addi %mul3A_996, %add3A_997 : i32
        %mul3A_999 = arith.constant 16 : i32
        %mul3A_1000 = arith.muli %add3A_998, %mul3A_999 : i32
        %get3A_1001 = arith.index_cast %mul3A_1000 : i32 to index
        %get3A_1002 = tpu.vector_load %arg9[%get3A_1001] {strides = array<i32>} : memref<2000xi32, #tpu.memory_space<vmem>>, vector<16xi32>,
        %mul3A_1003 = arith.constant 16 : i32
        %mul3A_1004 = arith.muli %add3A_998, %mul3A_1003 : i32
        %get3A_1005 = arith.index_cast %mul3A_1004 : i32 to index
        %get3A_1006 = tpu.vector_load %arg10[%get3A_1005] {strides = array<i32>} : memref<2000xi32, #tpu.memory_space<vmem>>, vector<16xi32>,
        %gather3A_1007 = tpu.vector_load_idx %arg8[%get3A_1002] : memref<50000xi32, #tpu.memory_space<vmem>>[vector<16xi32>], vector<16xi32>,
        %ge3A_1008 = arith.constant 0 : i32
        %ge3A_1009 = vector.broadcast %ge3A_1008 : i32 to vector<16xi32>
        %ge3A_1010 = arith.cmpi sge, %gather3A_1007, %ge3A_1009 : vector<16xi32>
        %mul3A_1011 = arith.constant 1024 : i32
        %mul3A_1012 = vector.broadcast %mul3A_1011 : i32 to vector<16xi32>
        %mul3A_1013 = arith.muli %get3A_1006, %mul3A_1012 : vector<16xi32>
        %add3A_1014 = arith.addi %mul3A_1013, %gather3A_1007 : vector<16xi32>
        %jit3A_1015 = arith.constant 1 : i32
        %jit3A_1016 = arith.constant 0 : i32
        %broadcast_in_dim3A_1017 = vector.broadcast %jit3A_1015 : i32 to vector<16xi32>
        %broadcast_in_dim3A_1018 = vector.broadcast %jit3A_1016 : i32 to vector<16xi32>
        %select_n3A_1019 = arith.select %ge3A_1010, %broadcast_in_dim3A_1017, %broadcast_in_dim3A_1018 : vector<16xi1>, vector<16xi32>
        %broadcast_in_dim3A_1020 = arith.constant true
        %broadcast_in_dim3A_1021 = vector.broadcast %broadcast_in_dim3A_1020 : i1 to vector<16xi1>
        %masked_cumsum3A_1022 = tpu.scan <sum>, %select_n3A_1019 masked %broadcast_in_dim3A_1021 : vector<16xi32>, vector<16xi1> -> vector<16xi32>
        %add3A_1023 = arith.addi %add3A_994, %masked_cumsum3A_1022 : vector<16xi32>
        %sub3A_1024 = arith.constant 1 : i32
        %sub3A_1025 = vector.broadcast %sub3A_1024 : i32 to vector<16xi32>
        %sub3A_1026 = arith.subi %add3A_1023, %sub3A_1025 : vector<16xi32>
        tpu.vector_store_idx %arg19[%sub3A_1026], %add3A_1014 masked %ge3A_1010 : memref<50512xi32, #tpu.memory_space<vmem>>[vector<16xi32>], vector<16xi32>, vector<16xi1>
        %all_reduce_population_count3A_1027 = tpu.all_reduce %ge3A_1010 {dim = 0 : i64, kind = #tpu.reduction_kind<sum>} : vector<16xi1> -> vector<16xi32>
        %add3A_1028 = arith.addi %add3A_994, %all_reduce_population_count3A_1027 : vector<16xi32>
        %mul3A_1029 = arith.constant 5 : i32
        %mul3A_1030 = arith.muli %scan3A_896, %mul3A_1029 : i32
        %add3A_1031 = arith.constant 4 : i32
        %add3A_1032 = arith.addi %mul3A_1030, %add3A_1031 : i32
        %mul3A_1033 = arith.constant 16 : i32
        %mul3A_1034 = arith.muli %add3A_1032, %mul3A_1033 : i32
        %get3A_1035 = arith.index_cast %mul3A_1034 : i32 to index
        %get3A_1036 = tpu.vector_load %arg9[%get3A_1035] {strides = array<i32>} : memref<2000xi32, #tpu.memory_space<vmem>>, vector<16xi32>,
        %mul3A_1037 = arith.constant 16 : i32
        %mul3A_1038 = arith.muli %add3A_1032, %mul3A_1037 : i32
        %get3A_1039 = arith.index_cast %mul3A_1038 : i32 to index
        %get3A_1040 = tpu.vector_load %arg10[%get3A_1039] {strides = array<i32>} : memref<2000xi32, #tpu.memory_space<vmem>>, vector<16xi32>,
        %gather3A_1041 = tpu.vector_load_idx %arg8[%get3A_1036] : memref<50000xi32, #tpu.memory_space<vmem>>[vector<16xi32>], vector<16xi32>,
        %ge3A_1042 = arith.constant 0 : i32
        %ge3A_1043 = vector.broadcast %ge3A_1042 : i32 to vector<16xi32>
        %ge3A_1044 = arith.cmpi sge, %gather3A_1041, %ge3A_1043 : vector<16xi32>
        %mul3A_1045 = arith.constant 1024 : i32
        %mul3A_1046 = vector.broadcast %mul3A_1045 : i32 to vector<16xi32>
        %mul3A_1047 = arith.muli %get3A_1040, %mul3A_1046 : vector<16xi32>
        %add3A_1048 = arith.addi %mul3A_1047, %gather3A_1041 : vector<16xi32>
        %jit3A_1049 = arith.constant 1 : i32
        %jit3A_1050 = arith.constant 0 : i32
        %broadcast_in_dim3A_1051 = vector.broadcast %jit3A_1049 : i32 to vector<16xi32>
        %broadcast_in_dim3A_1052 = vector.broadcast %jit3A_1050 : i32 to vector<16xi32>
        %select_n3A_1053 = arith.select %ge3A_1044, %broadcast_in_dim3A_1051, %broadcast_in_dim3A_1052 : vector<16xi1>, vector<16xi32>
        %broadcast_in_dim3A_1054 = arith.constant true
        %broadcast_in_dim3A_1055 = vector.broadcast %broadcast_in_dim3A_1054 : i1 to vector<16xi1>
        %masked_cumsum3A_1056 = tpu.scan <sum>, %select_n3A_1053 masked %broadcast_in_dim3A_1055 : vector<16xi32>, vector<16xi1> -> vector<16xi32>
        %add3A_1057 = arith.addi %add3A_1028, %masked_cumsum3A_1056 : vector<16xi32>
        %sub3A_1058 = arith.constant 1 : i32
        %sub3A_1059 = vector.broadcast %sub3A_1058 : i32 to vector<16xi32>
        %sub3A_1060 = arith.subi %add3A_1057, %sub3A_1059 : vector<16xi32>
        tpu.vector_store_idx %arg19[%sub3A_1060], %add3A_1048 masked %ge3A_1044 : memref<50512xi32, #tpu.memory_space<vmem>>[vector<16xi32>], vector<16xi32>, vector<16xi1>
        %all_reduce_population_count3A_1061 = tpu.all_reduce %ge3A_1044 {dim = 0 : i64, kind = #tpu.reduction_kind<sum>} : vector<16xi1> -> vector<16xi32>
        %add3A_1062 = arith.addi %add3A_1028, %all_reduce_population_count3A_1061 : vector<16xi32>
        scf.yield %add3A_1062 : vector<16xi32>
      }
      %scan3A_643 = arith.constant 25 : i32
      %mul3A_644 = arith.constant 5 : i32
      %mul3A_645 = arith.muli %mul3A_644, %scan3A_614 : i32
      %add3A_646 = arith.constant 0 : i32
      %add3A_647 = arith.addi %mul3A_645, %add3A_646 : i32
      %add3A_648 = arith.constant 5 : i32
      %add3A_649 = arith.addi %add3A_647, %add3A_648 : i32
      %mul3A_650 = arith.constant 2000 : i32
      %mul3A_651 = arith.muli %add3A_649, %mul3A_650 : i32
      %add3A_652 = arith.addi %mul3A_2, %mul3A_651 : i32
      %multiple_of3A_653 = tpu.assume_multiple %add3A_652, 8 : i32
      %dma_start3A_654 = arith.constant 1 : i32
      %dma_start3A_655 = arith.constant 0 : i32
      %dma_start3A_656 = tpu.memref_slice %arg2[%dma_start3A_654, %dma_start3A_655] : memref<2x1600000xi32, #tpu.memory_space<hbm>> -> memref<1x1600000xi32, #tpu.memory_space<hbm>>
      %dma_start3A_657 = tpu.memref_squeeze %dma_start3A_656 : memref<1x1600000xi32, #tpu.memory_space<hbm>> -> memref<1600000xi32, #tpu.memory_space<hbm>>
      %dma_start3A_658 = tpu.memref_slice %dma_start3A_657[%multiple_of3A_653] : memref<1600000xi32, #tpu.memory_space<hbm>> -> memref<2000xi32, #tpu.memory_space<hbm>>
      %dma_start3A_659 = arith.constant 0 : i32
      %dma_start3A_660 = tpu.memref_slice %arg2[%dma_start3A_654, %dma_start3A_659] : memref<2x1600000xi32, #tpu.memory_space<hbm>> -> memref<1x1600000xi32, #tpu.memory_space<hbm>>
      %dma_start3A_661 = tpu.memref_squeeze %dma_start3A_660 : memref<1x1600000xi32, #tpu.memory_space<hbm>> -> memref<1600000xi32, #tpu.memory_space<hbm>>
      %dma_start3A_662 = tpu.memref_slice %dma_start3A_661[%multiple_of3A_653] : memref<1600000xi32, #tpu.memory_space<hbm>> -> memref<2000xi32, #tpu.memory_space<hbm>>
      tpu.enqueue_dma source(%dma_start3A_662 : memref<2000xi32, #tpu.memory_space<hbm>>) target(%arg9 : memref<2000xi32, #tpu.memory_space<vmem>>) target_semaphore(%arg23 : memref<!tpu.dma_semaphore, #tpu.memory_space<semaphore_mem>>)
      %dma_start3A_663 = arith.constant 0 : i32
      %dma_start3A_664 = arith.constant 0 : i32
      %dma_start3A_665 = tpu.memref_slice %arg2[%dma_start3A_663, %dma_start3A_664] : memref<2x1600000xi32, #tpu.memory_space<hbm>> -> memref<1x1600000xi32, #tpu.memory_space<hbm>>
      %dma_start3A_666 = tpu.memref_squeeze %dma_start3A_665 : memref<1x1600000xi32, #tpu.memory_space<hbm>> -> memref<1600000xi32, #tpu.memory_space<hbm>>
      %dma_start3A_667 = tpu.memref_slice %dma_start3A_666[%multiple_of3A_653] : memref<1600000xi32, #tpu.memory_space<hbm>> -> memref<2000xi32, #tpu.memory_space<hbm>>
      %dma_start3A_668 = arith.constant 0 : i32
      %dma_start3A_669 = tpu.memref_slice %arg2[%dma_start3A_663, %dma_start3A_668] : memref<2x1600000xi32, #tpu.memory_space<hbm>> -> memref<1x1600000xi32, #tpu.memory_space<hbm>>
      %dma_start3A_670 = tpu.memref_squeeze %dma_start3A_669 : memref<1x1600000xi32, #tpu.memory_space<hbm>> -> memref<1600000xi32, #tpu.memory_space<hbm>>
      %dma_start3A_671 = tpu.memref_slice %dma_start3A_670[%multiple_of3A_653] : memref<1600000xi32, #tpu.memory_space<hbm>> -> memref<2000xi32, #tpu.memory_space<hbm>>
      tpu.enqueue_dma source(%dma_start3A_671 : memref<2000xi32, #tpu.memory_space<hbm>>) target(%arg10 : memref<2000xi32, #tpu.memory_space<vmem>>) target_semaphore(%arg23 : memref<!tpu.dma_semaphore, #tpu.memory_space<semaphore_mem>>)
      %dma_wait3A_672 = arith.constant 1 : i32
      %dma_wait3A_673 = arith.constant 0 : i32
      %dma_wait3A_674 = tpu.memref_slice %arg2[%dma_wait3A_672, %dma_wait3A_673] : memref<2x1600000xi32, #tpu.memory_space<hbm>> -> memref<1x1600000xi32, #tpu.memory_space<hbm>>
      %dma_wait3A_675 = tpu.memref_squeeze %dma_wait3A_674 : memref<1x1600000xi32, #tpu.memory_space<hbm>> -> memref<1600000xi32, #tpu.memory_space<hbm>>
      %dma_wait3A_676 = arith.constant 0 : i32
      %dma_wait3A_677 = tpu.memref_slice %dma_wait3A_675[%dma_wait3A_676] : memref<1600000xi32, #tpu.memory_space<hbm>> -> memref<2000xi32, #tpu.memory_space<hbm>>
      %dma_wait3A_678 = arith.constant 0 : i32
      %dma_wait3A_679 = tpu.memref_slice %arg2[%dma_wait3A_672, %dma_wait3A_678] : memref<2x1600000xi32, #tpu.memory_space<hbm>> -> memref<1x1600000xi32, #tpu.memory_space<hbm>>
      %dma_wait3A_680 = tpu.memref_squeeze %dma_wait3A_679 : memref<1x1600000xi32, #tpu.memory_space<hbm>> -> memref<1600000xi32, #tpu.memory_space<hbm>>
      %dma_wait3A_681 = arith.constant 0 : i32
      %dma_wait3A_682 = tpu.memref_slice %dma_wait3A_680[%dma_wait3A_681] : memref<1600000xi32, #tpu.memory_space<hbm>> -> memref<2000xi32, #tpu.memory_space<hbm>>
      tpu.wait_dma2 semaphore(%arg24 : memref<!tpu.dma_semaphore, #tpu.memory_space<semaphore_mem>>) src(%dma_wait3A_682 : memref<2000xi32, #tpu.memory_space<hbm>>) dst(%arg11 : memref<2000xi32, #tpu.memory_space<vmem>>)
      %dma_wait3A_683 = arith.constant 0 : i32
      %dma_wait3A_684 = arith.constant 0 : i32
      %dma_wait3A_685 = tpu.memref_slice %arg2[%dma_wait3A_683, %dma_wait3A_684] : memref<2x1600000xi32, #tpu.memory_space<hbm>> -> memref<1x1600000xi32, #tpu.memory_space<hbm>>
      %dma_wait3A_686 = tpu.memref_squeeze %dma_wait3A_685 : memref<1x1600000xi32, #tpu.memory_space<hbm>> -> memref<1600000xi32, #tpu.memory_space<hbm>>
      %dma_wait3A_687 = arith.constant 0 : i32
      %dma_wait3A_688 = tpu.memref_slice %dma_wait3A_686[%dma_wait3A_687] : memref<1600000xi32, #tpu.memory_space<hbm>> -> memref<2000xi32, #tpu.memory_space<hbm>>
      %dma_wait3A_689 = arith.constant 0 : i32
      %dma_wait3A_690 = tpu.memref_slice %arg2[%dma_wait3A_683, %dma_wait3A_689] : memref<2x1600000xi32, #tpu.memory_space<hbm>> -> memref<1x1600000xi32, #tpu.memory_space<hbm>>
      %dma_wait3A_691 = tpu.memref_squeeze %dma_wait3A_690 : memref<1x1600000xi32, #tpu.memory_space<hbm>> -> memref<1600000xi32, #tpu.memory_space<hbm>>
      %dma_wait3A_692 = arith.constant 0 : i32
      %dma_wait3A_693 = tpu.memref_slice %dma_wait3A_691[%dma_wait3A_692] : memref<1600000xi32, #tpu.memory_space<hbm>> -> memref<2000xi32, #tpu.memory_space<hbm>>
      tpu.wait_dma2 semaphore(%arg24 : memref<!tpu.dma_semaphore, #tpu.memory_space<semaphore_mem>>) src(%dma_wait3A_693 : memref<2000xi32, #tpu.memory_space<hbm>>) dst(%arg12 : memref<2000xi32, #tpu.memory_space<vmem>>)
      %scan3A_694 = arith.constant 0 : i32
      %scan3A_695 = arith.constant 25 : i32
      %scan3A_696 = arith.addi %scan3A_694, %scan3A_695 : i32
      %scan3A_697 = arith.constant 1 : i32
      %scan3A_698 = scf.for %scan3A_896 = %scan3A_694 to %scan3A_696 step %scan3A_697 iter_args(%scan3A_897 = %scan3A_642) -> (vector<16xi32>)  : i32 {
        %mul3A_898 = arith.constant 5 : i32
        %mul3A_899 = arith.muli %scan3A_896, %mul3A_898 : i32
        %add3A_900 = arith.constant 0 : i32
        %add3A_901 = arith.addi %mul3A_899, %add3A_900 : i32
        %mul3A_902 = arith.constant 16 : i32
        %mul3A_903 = arith.muli %add3A_901, %mul3A_902 : i32
        %get3A = arith.index_cast %mul3A_903 : i32 to index
        %get3A_904 = tpu.vector_load %arg11[%get3A] {strides = array<i32>} : memref<2000xi32, #tpu.memory_space<vmem>>, vector<16xi32>,
        %mul3A_905 = arith.constant 16 : i32
        %mul3A_906 = arith.muli %add3A_901, %mul3A_905 : i32
        %get3A_907 = arith.index_cast %mul3A_906 : i32 to index
        %get3A_908 = tpu.vector_load %arg12[%get3A_907] {strides = array<i32>} : memref<2000xi32, #tpu.memory_space<vmem>>, vector<16xi32>,
        %gather3A = tpu.vector_load_idx %arg8[%get3A_904] : memref<50000xi32, #tpu.memory_space<vmem>>[vector<16xi32>], vector<16xi32>,
        %ge3A = arith.constant 0 : i32
        %ge3A_909 = vector.broadcast %ge3A : i32 to vector<16xi32>
        %ge3A_910 = arith.cmpi sge, %gather3A, %ge3A_909 : vector<16xi32>
        %mul3A_911 = arith.constant 1024 : i32
        %mul3A_912 = vector.broadcast %mul3A_911 : i32 to vector<16xi32>
        %mul3A_913 = arith.muli %get3A_908, %mul3A_912 : vector<16xi32>
        %add3A_914 = arith.addi %mul3A_913, %gather3A : vector<16xi32>
        %jit3A_915 = arith.constant 1 : i32
        %jit3A_916 = arith.constant 0 : i32
        %broadcast_in_dim3A_917 = vector.broadcast %jit3A_915 : i32 to vector<16xi32>
        %broadcast_in_dim3A_918 = vector.broadcast %jit3A_916 : i32 to vector<16xi32>
        %select_n3A_919 = arith.select %ge3A_910, %broadcast_in_dim3A_917, %broadcast_in_dim3A_918 : vector<16xi1>, vector<16xi32>
        %broadcast_in_dim3A_920 = arith.constant true
        %broadcast_in_dim3A_921 = vector.broadcast %broadcast_in_dim3A_920 : i1 to vector<16xi1>
        %masked_cumsum3A = tpu.scan <sum>, %select_n3A_919 masked %broadcast_in_dim3A_921 : vector<16xi32>, vector<16xi1> -> vector<16xi32>
        %add3A_922 = arith.addi %scan3A_897, %masked_cumsum3A : vector<16xi32>
        %sub3A_923 = arith.constant 1 : i32
        %sub3A_924 = vector.broadcast %sub3A_923 : i32 to vector<16xi32>
        %sub3A_925 = arith.subi %add3A_922, %sub3A_924 : vector<16xi32>
        tpu.vector_store_idx %arg19[%sub3A_925], %add3A_914 masked %ge3A_910 : memref<50512xi32, #tpu.memory_space<vmem>>[vector<16xi32>], vector<16xi32>, vector<16xi1>
        %all_reduce_population_count3A = tpu.all_reduce %ge3A_910 {dim = 0 : i64, kind = #tpu.reduction_kind<sum>} : vector<16xi1> -> vector<16xi32>
        %add3A_926 = arith.addi %scan3A_897, %all_reduce_population_count3A : vector<16xi32>
        %mul3A_927 = arith.constant 5 : i32
        %mul3A_928 = arith.muli %scan3A_896, %mul3A_927 : i32
        %add3A_929 = arith.constant 1 : i32
        %add3A_930 = arith.addi %mul3A_928, %add3A_929 : i32
        %mul3A_931 = arith.constant 16 : i32
        %mul3A_932 = arith.muli %add3A_930, %mul3A_931 : i32
        %get3A_933 = arith.index_cast %mul3A_932 : i32 to index
        %get3A_934 = tpu.vector_load %arg11[%get3A_933] {strides = array<i32>} : memref<2000xi32, #tpu.memory_space<vmem>>, vector<16xi32>,
        %mul3A_935 = arith.constant 16 : i32
        %mul3A_936 = arith.muli %add3A_930, %mul3A_935 : i32
        %get3A_937 = arith.index_cast %mul3A_936 : i32 to index
        %get3A_938 = tpu.vector_load %arg12[%get3A_937] {strides = array<i32>} : memref<2000xi32, #tpu.memory_space<vmem>>, vector<16xi32>,
        %gather3A_939 = tpu.vector_load_idx %arg8[%get3A_934] : memref<50000xi32, #tpu.memory_space<vmem>>[vector<16xi32>], vector<16xi32>,
        %ge3A_940 = arith.constant 0 : i32
        %ge3A_941 = vector.broadcast %ge3A_940 : i32 to vector<16xi32>
        %ge3A_942 = arith.cmpi sge, %gather3A_939, %ge3A_941 : vector<16xi32>
        %mul3A_943 = arith.constant 1024 : i32
        %mul3A_944 = vector.broadcast %mul3A_943 : i32 to vector<16xi32>
        %mul3A_945 = arith.muli %get3A_938, %mul3A_944 : vector<16xi32>
        %add3A_946 = arith.addi %mul3A_945, %gather3A_939 : vector<16xi32>
        %jit3A_947 = arith.constant 1 : i32
        %jit3A_948 = arith.constant 0 : i32
        %broadcast_in_dim3A_949 = vector.broadcast %jit3A_947 : i32 to vector<16xi32>
        %broadcast_in_dim3A_950 = vector.broadcast %jit3A_948 : i32 to vector<16xi32>
        %select_n3A_951 = arith.select %ge3A_942, %broadcast_in_dim3A_949, %broadcast_in_dim3A_950 : vector<16xi1>, vector<16xi32>
        %broadcast_in_dim3A_952 = arith.constant true
        %broadcast_in_dim3A_953 = vector.broadcast %broadcast_in_dim3A_952 : i1 to vector<16xi1>
        %masked_cumsum3A_954 = tpu.scan <sum>, %select_n3A_951 masked %broadcast_in_dim3A_953 : vector<16xi32>, vector<16xi1> -> vector<16xi32>
        %add3A_955 = arith.addi %add3A_926, %masked_cumsum3A_954 : vector<16xi32>
        %sub3A_956 = arith.constant 1 : i32
        %sub3A_957 = vector.broadcast %sub3A_956 : i32 to vector<16xi32>
        %sub3A_958 = arith.subi %add3A_955, %sub3A_957 : vector<16xi32>
        tpu.vector_store_idx %arg19[%sub3A_958], %add3A_946 masked %ge3A_942 : memref<50512xi32, #tpu.memory_space<vmem>>[vector<16xi32>], vector<16xi32>, vector<16xi1>
        %all_reduce_population_count3A_959 = tpu.all_reduce %ge3A_942 {dim = 0 : i64, kind = #tpu.reduction_kind<sum>} : vector<16xi1> -> vector<16xi32>
        %add3A_960 = arith.addi %add3A_926, %all_reduce_population_count3A_959 : vector<16xi32>
        %mul3A_961 = arith.constant 5 : i32
        %mul3A_962 = arith.muli %scan3A_896, %mul3A_961 : i32
        %add3A_963 = arith.constant 2 : i32
        %add3A_964 = arith.addi %mul3A_962, %add3A_963 : i32
        %mul3A_965 = arith.constant 16 : i32
        %mul3A_966 = arith.muli %add3A_964, %mul3A_965 : i32
        %get3A_967 = arith.index_cast %mul3A_966 : i32 to index
        %get3A_968 = tpu.vector_load %arg11[%get3A_967] {strides = array<i32>} : memref<2000xi32, #tpu.memory_space<vmem>>, vector<16xi32>,
        %mul3A_969 = arith.constant 16 : i32
        %mul3A_970 = arith.muli %add3A_964, %mul3A_969 : i32
        %get3A_971 = arith.index_cast %mul3A_970 : i32 to index
        %get3A_972 = tpu.vector_load %arg12[%get3A_971] {strides = array<i32>} : memref<2000xi32, #tpu.memory_space<vmem>>, vector<16xi32>,
        %gather3A_973 = tpu.vector_load_idx %arg8[%get3A_968] : memref<50000xi32, #tpu.memory_space<vmem>>[vector<16xi32>], vector<16xi32>,
        %ge3A_974 = arith.constant 0 : i32
        %ge3A_975 = vector.broadcast %ge3A_974 : i32 to vector<16xi32>
        %ge3A_976 = arith.cmpi sge, %gather3A_973, %ge3A_975 : vector<16xi32>
        %mul3A_977 = arith.constant 1024 : i32
        %mul3A_978 = vector.broadcast %mul3A_977 : i32 to vector<16xi32>
        %mul3A_979 = arith.muli %get3A_972, %mul3A_978 : vector<16xi32>
        %add3A_980 = arith.addi %mul3A_979, %gather3A_973 : vector<16xi32>
        %jit3A_981 = arith.constant 1 : i32
        %jit3A_982 = arith.constant 0 : i32
        %broadcast_in_dim3A_983 = vector.broadcast %jit3A_981 : i32 to vector<16xi32>
        %broadcast_in_dim3A_984 = vector.broadcast %jit3A_982 : i32 to vector<16xi32>
        %select_n3A_985 = arith.select %ge3A_976, %broadcast_in_dim3A_983, %broadcast_in_dim3A_984 : vector<16xi1>, vector<16xi32>
        %broadcast_in_dim3A_986 = arith.constant true
        %broadcast_in_dim3A_987 = vector.broadcast %broadcast_in_dim3A_986 : i1 to vector<16xi1>
        %masked_cumsum3A_988 = tpu.scan <sum>, %select_n3A_985 masked %broadcast_in_dim3A_987 : vector<16xi32>, vector<16xi1> -> vector<16xi32>
        %add3A_989 = arith.addi %add3A_960, %masked_cumsum3A_988 : vector<16xi32>
        %sub3A_990 = arith.constant 1 : i32
        %sub3A_991 = vector.broadcast %sub3A_990 : i32 to vector<16xi32>
        %sub3A_992 = arith.subi %add3A_989, %sub3A_991 : vector<16xi32>
        tpu.vector_store_idx %arg19[%sub3A_992], %add3A_980 masked %ge3A_976 : memref<50512xi32, #tpu.memory_space<vmem>>[vector<16xi32>], vector<16xi32>, vector<16xi1>
        %all_reduce_population_count3A_993 = tpu.all_reduce %ge3A_976 {dim = 0 : i64, kind = #tpu.reduction_kind<sum>} : vector<16xi1> -> vector<16xi32>
        %add3A_994 = arith.addi %add3A_960, %all_reduce_population_count3A_993 : vector<16xi32>
        %mul3A_995 = arith.constant 5 : i32
        %mul3A_996 = arith.muli %scan3A_896, %mul3A_995 : i32
        %add3A_997 = arith.constant 3 : i32
        %add3A_998 = arith.addi %mul3A_996, %add3A_997 : i32
        %mul3A_999 = arith.constant 16 : i32
        %mul3A_1000 = arith.muli %add3A_998, %mul3A_999 : i32
        %get3A_1001 = arith.index_cast %mul3A_1000 : i32 to index
        %get3A_1002 = tpu.vector_load %arg11[%get3A_1001] {strides = array<i32>} : memref<2000xi32, #tpu.memory_space<vmem>>, vector<16xi32>,
        %mul3A_1003 = arith.constant 16 : i32
        %mul3A_1004 = arith.muli %add3A_998, %mul3A_1003 : i32
        %get3A_1005 = arith.index_cast %mul3A_1004 : i32 to index
        %get3A_1006 = tpu.vector_load %arg12[%get3A_1005] {strides = array<i32>} : memref<2000xi32, #tpu.memory_space<vmem>>, vector<16xi32>,
        %gather3A_1007 = tpu.vector_load_idx %arg8[%get3A_1002] : memref<50000xi32, #tpu.memory_space<vmem>>[vector<16xi32>], vector<16xi32>,
        %ge3A_1008 = arith.constant 0 : i32
        %ge3A_1009 = vector.broadcast %ge3A_1008 : i32 to vector<16xi32>
        %ge3A_1010 = arith.cmpi sge, %gather3A_1007, %ge3A_1009 : vector<16xi32>
        %mul3A_1011 = arith.constant 1024 : i32
        %mul3A_1012 = vector.broadcast %mul3A_1011 : i32 to vector<16xi32>
        %mul3A_1013 = arith.muli %get3A_1006, %mul3A_1012 : vector<16xi32>
        %add3A_1014 = arith.addi %mul3A_1013, %gather3A_1007 : vector<16xi32>
        %jit3A_1015 = arith.constant 1 : i32
        %jit3A_1016 = arith.constant 0 : i32
        %broadcast_in_dim3A_1017 = vector.broadcast %jit3A_1015 : i32 to vector<16xi32>
        %broadcast_in_dim3A_1018 = vector.broadcast %jit3A_1016 : i32 to vector<16xi32>
        %select_n3A_1019 = arith.select %ge3A_1010, %broadcast_in_dim3A_1017, %broadcast_in_dim3A_1018 : vector<16xi1>, vector<16xi32>
        %broadcast_in_dim3A_1020 = arith.constant true
        %broadcast_in_dim3A_1021 = vector.broadcast %broadcast_in_dim3A_1020 : i1 to vector<16xi1>
        %masked_cumsum3A_1022 = tpu.scan <sum>, %select_n3A_1019 masked %broadcast_in_dim3A_1021 : vector<16xi32>, vector<16xi1> -> vector<16xi32>
        %add3A_1023 = arith.addi %add3A_994, %masked_cumsum3A_1022 : vector<16xi32>
        %sub3A_1024 = arith.constant 1 : i32
        %sub3A_1025 = vector.broadcast %sub3A_1024 : i32 to vector<16xi32>
        %sub3A_1026 = arith.subi %add3A_1023, %sub3A_1025 : vector<16xi32>
        tpu.vector_store_idx %arg19[%sub3A_1026], %add3A_1014 masked %ge3A_1010 : memref<50512xi32, #tpu.memory_space<vmem>>[vector<16xi32>], vector<16xi32>, vector<16xi1>
        %all_reduce_population_count3A_1027 = tpu.all_reduce %ge3A_1010 {dim = 0 : i64, kind = #tpu.reduction_kind<sum>} : vector<16xi1> -> vector<16xi32>
        %add3A_1028 = arith.addi %add3A_994, %all_reduce_population_count3A_1027 : vector<16xi32>
        %mul3A_1029 = arith.constant 5 : i32
        %mul3A_1030 = arith.muli %scan3A_896, %mul3A_1029 : i32
        %add3A_1031 = arith.constant 4 : i32
        %add3A_1032 = arith.addi %mul3A_1030, %add3A_1031 : i32
        %mul3A_1033 = arith.constant 16 : i32
        %mul3A_1034 = arith.muli %add3A_1032, %mul3A_1033 : i32
        %get3A_1035 = arith.index_cast %mul3A_1034 : i32 to index
        %get3A_1036 = tpu.vector_load %arg11[%get3A_1035] {strides = array<i32>} : memref<2000xi32, #tpu.memory_space<vmem>>, vector<16xi32>,
        %mul3A_1037 = arith.constant 16 : i32
        %mul3A_1038 = arith.muli %add3A_1032, %mul3A_1037 : i32
        %get3A_1039 = arith.index_cast %mul3A_1038 : i32 to index
        %get3A_1040 = tpu.vector_load %arg12[%get3A_1039] {strides = array<i32>} : memref<2000xi32, #tpu.memory_space<vmem>>, vector<16xi32>,
        %gather3A_1041 = tpu.vector_load_idx %arg8[%get3A_1036] : memref<50000xi32, #tpu.memory_space<vmem>>[vector<16xi32>], vector<16xi32>,
        %ge3A_1042 = arith.constant 0 : i32
        %ge3A_1043 = vector.broadcast %ge3A_1042 : i32 to vector<16xi32>
        %ge3A_1044 = arith.cmpi sge, %gather3A_1041, %ge3A_1043 : vector<16xi32>
        %mul3A_1045 = arith.constant 1024 : i32
        %mul3A_1046 = vector.broadcast %mul3A_1045 : i32 to vector<16xi32>
        %mul3A_1047 = arith.muli %get3A_1040, %mul3A_1046 : vector<16xi32>
        %add3A_1048 = arith.addi %mul3A_1047, %gather3A_1041 : vector<16xi32>
        %jit3A_1049 = arith.constant 1 : i32
        %jit3A_1050 = arith.constant 0 : i32
        %broadcast_in_dim3A_1051 = vector.broadcast %jit3A_1049 : i32 to vector<16xi32>
        %broadcast_in_dim3A_1052 = vector.broadcast %jit3A_1050 : i32 to vector<16xi32>
        %select_n3A_1053 = arith.select %ge3A_1044, %broadcast_in_dim3A_1051, %broadcast_in_dim3A_1052 : vector<16xi1>, vector<16xi32>
        %broadcast_in_dim3A_1054 = arith.constant true
        %broadcast_in_dim3A_1055 = vector.broadcast %broadcast_in_dim3A_1054 : i1 to vector<16xi1>
        %masked_cumsum3A_1056 = tpu.scan <sum>, %select_n3A_1053 masked %broadcast_in_dim3A_1055 : vector<16xi32>, vector<16xi1> -> vector<16xi32>
        %add3A_1057 = arith.addi %add3A_1028, %masked_cumsum3A_1056 : vector<16xi32>
        %sub3A_1058 = arith.constant 1 : i32
        %sub3A_1059 = vector.broadcast %sub3A_1058 : i32 to vector<16xi32>
        %sub3A_1060 = arith.subi %add3A_1057, %sub3A_1059 : vector<16xi32>
        tpu.vector_store_idx %arg19[%sub3A_1060], %add3A_1048 masked %ge3A_1044 : memref<50512xi32, #tpu.memory_space<vmem>>[vector<16xi32>], vector<16xi32>, vector<16xi1>
        %all_reduce_population_count3A_1061 = tpu.all_reduce %ge3A_1044 {dim = 0 : i64, kind = #tpu.reduction_kind<sum>} : vector<16xi1> -> vector<16xi32>
        %add3A_1062 = arith.addi %add3A_1028, %all_reduce_population_count3A_1061 : vector<16xi32>
        scf.yield %add3A_1062 : vector<16xi32>
      }
      %scan3A_699 = arith.constant 25 : i32
      %mul3A_700 = arith.constant 5 : i32
      %mul3A_701 = arith.muli %mul3A_700, %scan3A_614 : i32
      %add3A_702 = arith.constant 1 : i32
      %add3A_703 = arith.addi %mul3A_701, %add3A_702 : i32
      %add3A_704 = arith.constant 5 : i32
      %add3A_705 = arith.addi %add3A_703, %add3A_704 : i32
      %mul3A_706 = arith.constant 2000 : i32
      %mul3A_707 = arith.muli %add3A_705, %mul3A_706 : i32
      %add3A_708 = arith.addi %mul3A_2, %mul3A_707 : i32
      %multiple_of3A_709 = tpu.assume_multiple %add3A_708, 8 : i32
      %dma_start3A_710 = arith.constant 1 : i32
      %dma_start3A_711 = arith.constant 0 : i32
      %dma_start3A_712 = tpu.memref_slice %arg2[%dma_start3A_710, %dma_start3A_711] : memref<2x1600000xi32, #tpu.memory_space<hbm>> -> memref<1x1600000xi32, #tpu.memory_space<hbm>>
      %dma_start3A_713 = tpu.memref_squeeze %dma_start3A_712 : memref<1x1600000xi32, #tpu.memory_space<hbm>> -> memref<1600000xi32, #tpu.memory_space<hbm>>
      %dma_start3A_714 = tpu.memref_slice %dma_start3A_713[%multiple_of3A_709] : memref<1600000xi32, #tpu.memory_space<hbm>> -> memref<2000xi32, #tpu.memory_space<hbm>>
      %dma_start3A_715 = arith.constant 0 : i32
      %dma_start3A_716 = tpu.memref_slice %arg2[%dma_start3A_710, %dma_start3A_715] : memref<2x1600000xi32, #tpu.memory_space<hbm>> -> memref<1x1600000xi32, #tpu.memory_space<hbm>>
      %dma_start3A_717 = tpu.memref_squeeze %dma_start3A_716 : memref<1x1600000xi32, #tpu.memory_space<hbm>> -> memref<1600000xi32, #tpu.memory_space<hbm>>
      %dma_start3A_718 = tpu.memref_slice %dma_start3A_717[%multiple_of3A_709] : memref<1600000xi32, #tpu.memory_space<hbm>> -> memref<2000xi32, #tpu.memory_space<hbm>>
      tpu.enqueue_dma source(%dma_start3A_718 : memref<2000xi32, #tpu.memory_space<hbm>>) target(%arg11 : memref<2000xi32, #tpu.memory_space<vmem>>) target_semaphore(%arg24 : memref<!tpu.dma_semaphore, #tpu.memory_space<semaphore_mem>>)
      %dma_start3A_719 = arith.constant 0 : i32
      %dma_start3A_720 = arith.constant 0 : i32
      %dma_start3A_721 = tpu.memref_slice %arg2[%dma_start3A_719, %dma_start3A_720] : memref<2x1600000xi32, #tpu.memory_space<hbm>> -> memref<1x1600000xi32, #tpu.memory_space<hbm>>
      %dma_start3A_722 = tpu.memref_squeeze %dma_start3A_721 : memref<1x1600000xi32, #tpu.memory_space<hbm>> -> memref<1600000xi32, #tpu.memory_space<hbm>>
      %dma_start3A_723 = tpu.memref_slice %dma_start3A_722[%multiple_of3A_709] : memref<1600000xi32, #tpu.memory_space<hbm>> -> memref<2000xi32, #tpu.memory_space<hbm>>
      %dma_start3A_724 = arith.constant 0 : i32
      %dma_start3A_725 = tpu.memref_slice %arg2[%dma_start3A_719, %dma_start3A_724] : memref<2x1600000xi32, #tpu.memory_space<hbm>> -> memref<1x1600000xi32, #tpu.memory_space<hbm>>
      %dma_start3A_726 = tpu.memref_squeeze %dma_start3A_725 : memref<1x1600000xi32, #tpu.memory_space<hbm>> -> memref<1600000xi32, #tpu.memory_space<hbm>>
      %dma_start3A_727 = tpu.memref_slice %dma_start3A_726[%multiple_of3A_709] : memref<1600000xi32, #tpu.memory_space<hbm>> -> memref<2000xi32, #tpu.memory_space<hbm>>
      tpu.enqueue_dma source(%dma_start3A_727 : memref<2000xi32, #tpu.memory_space<hbm>>) target(%arg12 : memref<2000xi32, #tpu.memory_space<vmem>>) target_semaphore(%arg24 : memref<!tpu.dma_semaphore, #tpu.memory_space<semaphore_mem>>)
      %dma_wait3A_728 = arith.constant 1 : i32
      %dma_wait3A_729 = arith.constant 0 : i32
      %dma_wait3A_730 = tpu.memref_slice %arg2[%dma_wait3A_728, %dma_wait3A_729] : memref<2x1600000xi32, #tpu.memory_space<hbm>> -> memref<1x1600000xi32, #tpu.memory_space<hbm>>
      %dma_wait3A_731 = tpu.memref_squeeze %dma_wait3A_730 : memref<1x1600000xi32, #tpu.memory_space<hbm>> -> memref<1600000xi32, #tpu.memory_space<hbm>>
      %dma_wait3A_732 = arith.constant 0 : i32
      %dma_wait3A_733 = tpu.memref_slice %dma_wait3A_731[%dma_wait3A_732] : memref<1600000xi32, #tpu.memory_space<hbm>> -> memref<2000xi32, #tpu.memory_space<hbm>>
      %dma_wait3A_734 = arith.constant 0 : i32
      %dma_wait3A_735 = tpu.memref_slice %arg2[%dma_wait3A_728, %dma_wait3A_734] : memref<2x1600000xi32, #tpu.memory_space<hbm>> -> memref<1x1600000xi32, #tpu.memory_space<hbm>>
      %dma_wait3A_736 = tpu.memref_squeeze %dma_wait3A_735 : memref<1x1600000xi32, #tpu.memory_space<hbm>> -> memref<1600000xi32, #tpu.memory_space<hbm>>
      %dma_wait3A_737 = arith.constant 0 : i32
      %dma_wait3A_738 = tpu.memref_slice %dma_wait3A_736[%dma_wait3A_737] : memref<1600000xi32, #tpu.memory_space<hbm>> -> memref<2000xi32, #tpu.memory_space<hbm>>
      tpu.wait_dma2 semaphore(%arg25 : memref<!tpu.dma_semaphore, #tpu.memory_space<semaphore_mem>>) src(%dma_wait3A_738 : memref<2000xi32, #tpu.memory_space<hbm>>) dst(%arg13 : memref<2000xi32, #tpu.memory_space<vmem>>)
      %dma_wait3A_739 = arith.constant 0 : i32
      %dma_wait3A_740 = arith.constant 0 : i32
      %dma_wait3A_741 = tpu.memref_slice %arg2[%dma_wait3A_739, %dma_wait3A_740] : memref<2x1600000xi32, #tpu.memory_space<hbm>> -> memref<1x1600000xi32, #tpu.memory_space<hbm>>
      %dma_wait3A_742 = tpu.memref_squeeze %dma_wait3A_741 : memref<1x1600000xi32, #tpu.memory_space<hbm>> -> memref<1600000xi32, #tpu.memory_space<hbm>>
      %dma_wait3A_743 = arith.constant 0 : i32
      %dma_wait3A_744 = tpu.memref_slice %dma_wait3A_742[%dma_wait3A_743] : memref<1600000xi32, #tpu.memory_space<hbm>> -> memref<2000xi32, #tpu.memory_space<hbm>>
      %dma_wait3A_745 = arith.constant 0 : i32
      %dma_wait3A_746 = tpu.memref_slice %arg2[%dma_wait3A_739, %dma_wait3A_745] : memref<2x1600000xi32, #tpu.memory_space<hbm>> -> memref<1x1600000xi32, #tpu.memory_space<hbm>>
      %dma_wait3A_747 = tpu.memref_squeeze %dma_wait3A_746 : memref<1x1600000xi32, #tpu.memory_space<hbm>> -> memref<1600000xi32, #tpu.memory_space<hbm>>
      %dma_wait3A_748 = arith.constant 0 : i32
      %dma_wait3A_749 = tpu.memref_slice %dma_wait3A_747[%dma_wait3A_748] : memref<1600000xi32, #tpu.memory_space<hbm>> -> memref<2000xi32, #tpu.memory_space<hbm>>
      tpu.wait_dma2 semaphore(%arg25 : memref<!tpu.dma_semaphore, #tpu.memory_space<semaphore_mem>>) src(%dma_wait3A_749 : memref<2000xi32, #tpu.memory_space<hbm>>) dst(%arg14 : memref<2000xi32, #tpu.memory_space<vmem>>)
      %scan3A_750 = arith.constant 0 : i32
      %scan3A_751 = arith.constant 25 : i32
      %scan3A_752 = arith.addi %scan3A_750, %scan3A_751 : i32
      %scan3A_753 = arith.constant 1 : i32
      %scan3A_754 = scf.for %scan3A_896 = %scan3A_750 to %scan3A_752 step %scan3A_753 iter_args(%scan3A_897 = %scan3A_698) -> (vector<16xi32>)  : i32 {
        %mul3A_898 = arith.constant 5 : i32
        %mul3A_899 = arith.muli %scan3A_896, %mul3A_898 : i32
        %add3A_900 = arith.constant 0 : i32
        %add3A_901 = arith.addi %mul3A_899, %add3A_900 : i32
        %mul3A_902 = arith.constant 16 : i32
        %mul3A_903 = arith.muli %add3A_901, %mul3A_902 : i32
        %get3A = arith.index_cast %mul3A_903 : i32 to index
        %get3A_904 = tpu.vector_load %arg13[%get3A] {strides = array<i32>} : memref<2000xi32, #tpu.memory_space<vmem>>, vector<16xi32>,
        %mul3A_905 = arith.constant 16 : i32
        %mul3A_906 = arith.muli %add3A_901, %mul3A_905 : i32
        %get3A_907 = arith.index_cast %mul3A_906 : i32 to index
        %get3A_908 = tpu.vector_load %arg14[%get3A_907] {strides = array<i32>} : memref<2000xi32, #tpu.memory_space<vmem>>, vector<16xi32>,
        %gather3A = tpu.vector_load_idx %arg8[%get3A_904] : memref<50000xi32, #tpu.memory_space<vmem>>[vector<16xi32>], vector<16xi32>,
        %ge3A = arith.constant 0 : i32
        %ge3A_909 = vector.broadcast %ge3A : i32 to vector<16xi32>
        %ge3A_910 = arith.cmpi sge, %gather3A, %ge3A_909 : vector<16xi32>
        %mul3A_911 = arith.constant 1024 : i32
        %mul3A_912 = vector.broadcast %mul3A_911 : i32 to vector<16xi32>
        %mul3A_913 = arith.muli %get3A_908, %mul3A_912 : vector<16xi32>
        %add3A_914 = arith.addi %mul3A_913, %gather3A : vector<16xi32>
        %jit3A_915 = arith.constant 1 : i32
        %jit3A_916 = arith.constant 0 : i32
        %broadcast_in_dim3A_917 = vector.broadcast %jit3A_915 : i32 to vector<16xi32>
        %broadcast_in_dim3A_918 = vector.broadcast %jit3A_916 : i32 to vector<16xi32>
        %select_n3A_919 = arith.select %ge3A_910, %broadcast_in_dim3A_917, %broadcast_in_dim3A_918 : vector<16xi1>, vector<16xi32>
        %broadcast_in_dim3A_920 = arith.constant true
        %broadcast_in_dim3A_921 = vector.broadcast %broadcast_in_dim3A_920 : i1 to vector<16xi1>
        %masked_cumsum3A = tpu.scan <sum>, %select_n3A_919 masked %broadcast_in_dim3A_921 : vector<16xi32>, vector<16xi1> -> vector<16xi32>
        %add3A_922 = arith.addi %scan3A_897, %masked_cumsum3A : vector<16xi32>
        %sub3A_923 = arith.constant 1 : i32
        %sub3A_924 = vector.broadcast %sub3A_923 : i32 to vector<16xi32>
        %sub3A_925 = arith.subi %add3A_922, %sub3A_924 : vector<16xi32>
        tpu.vector_store_idx %arg19[%sub3A_925], %add3A_914 masked %ge3A_910 : memref<50512xi32, #tpu.memory_space<vmem>>[vector<16xi32>], vector<16xi32>, vector<16xi1>
        %all_reduce_population_count3A = tpu.all_reduce %ge3A_910 {dim = 0 : i64, kind = #tpu.reduction_kind<sum>} : vector<16xi1> -> vector<16xi32>
        %add3A_926 = arith.addi %scan3A_897, %all_reduce_population_count3A : vector<16xi32>
        %mul3A_927 = arith.constant 5 : i32
        %mul3A_928 = arith.muli %scan3A_896, %mul3A_927 : i32
        %add3A_929 = arith.constant 1 : i32
        %add3A_930 = arith.addi %mul3A_928, %add3A_929 : i32
        %mul3A_931 = arith.constant 16 : i32
        %mul3A_932 = arith.muli %add3A_930, %mul3A_931 : i32
        %get3A_933 = arith.index_cast %mul3A_932 : i32 to index
        %get3A_934 = tpu.vector_load %arg13[%get3A_933] {strides = array<i32>} : memref<2000xi32, #tpu.memory_space<vmem>>, vector<16xi32>,
        %mul3A_935 = arith.constant 16 : i32
        %mul3A_936 = arith.muli %add3A_930, %mul3A_935 : i32
        %get3A_937 = arith.index_cast %mul3A_936 : i32 to index
        %get3A_938 = tpu.vector_load %arg14[%get3A_937] {strides = array<i32>} : memref<2000xi32, #tpu.memory_space<vmem>>, vector<16xi32>,
        %gather3A_939 = tpu.vector_load_idx %arg8[%get3A_934] : memref<50000xi32, #tpu.memory_space<vmem>>[vector<16xi32>], vector<16xi32>,
        %ge3A_940 = arith.constant 0 : i32
        %ge3A_941 = vector.broadcast %ge3A_940 : i32 to vector<16xi32>
        %ge3A_942 = arith.cmpi sge, %gather3A_939, %ge3A_941 : vector<16xi32>
        %mul3A_943 = arith.constant 1024 : i32
        %mul3A_944 = vector.broadcast %mul3A_943 : i32 to vector<16xi32>
        %mul3A_945 = arith.muli %get3A_938, %mul3A_944 : vector<16xi32>
        %add3A_946 = arith.addi %mul3A_945, %gather3A_939 : vector<16xi32>
        %jit3A_947 = arith.constant 1 : i32
        %jit3A_948 = arith.constant 0 : i32
        %broadcast_in_dim3A_949 = vector.broadcast %jit3A_947 : i32 to vector<16xi32>
        %broadcast_in_dim3A_950 = vector.broadcast %jit3A_948 : i32 to vector<16xi32>
        %select_n3A_951 = arith.select %ge3A_942, %broadcast_in_dim3A_949, %broadcast_in_dim3A_950 : vector<16xi1>, vector<16xi32>
        %broadcast_in_dim3A_952 = arith.constant true
        %broadcast_in_dim3A_953 = vector.broadcast %broadcast_in_dim3A_952 : i1 to vector<16xi1>
        %masked_cumsum3A_954 = tpu.scan <sum>, %select_n3A_951 masked %broadcast_in_dim3A_953 : vector<16xi32>, vector<16xi1> -> vector<16xi32>
        %add3A_955 = arith.addi %add3A_926, %masked_cumsum3A_954 : vector<16xi32>
        %sub3A_956 = arith.constant 1 : i32
        %sub3A_957 = vector.broadcast %sub3A_956 : i32 to vector<16xi32>
        %sub3A_958 = arith.subi %add3A_955, %sub3A_957 : vector<16xi32>
        tpu.vector_store_idx %arg19[%sub3A_958], %add3A_946 masked %ge3A_942 : memref<50512xi32, #tpu.memory_space<vmem>>[vector<16xi32>], vector<16xi32>, vector<16xi1>
        %all_reduce_population_count3A_959 = tpu.all_reduce %ge3A_942 {dim = 0 : i64, kind = #tpu.reduction_kind<sum>} : vector<16xi1> -> vector<16xi32>
        %add3A_960 = arith.addi %add3A_926, %all_reduce_population_count3A_959 : vector<16xi32>
        %mul3A_961 = arith.constant 5 : i32
        %mul3A_962 = arith.muli %scan3A_896, %mul3A_961 : i32
        %add3A_963 = arith.constant 2 : i32
        %add3A_964 = arith.addi %mul3A_962, %add3A_963 : i32
        %mul3A_965 = arith.constant 16 : i32
        %mul3A_966 = arith.muli %add3A_964, %mul3A_965 : i32
        %get3A_967 = arith.index_cast %mul3A_966 : i32 to index
        %get3A_968 = tpu.vector_load %arg13[%get3A_967] {strides = array<i32>} : memref<2000xi32, #tpu.memory_space<vmem>>, vector<16xi32>,
        %mul3A_969 = arith.constant 16 : i32
        %mul3A_970 = arith.muli %add3A_964, %mul3A_969 : i32
        %get3A_971 = arith.index_cast %mul3A_970 : i32 to index
        %get3A_972 = tpu.vector_load %arg14[%get3A_971] {strides = array<i32>} : memref<2000xi32, #tpu.memory_space<vmem>>, vector<16xi32>,
        %gather3A_973 = tpu.vector_load_idx %arg8[%get3A_968] : memref<50000xi32, #tpu.memory_space<vmem>>[vector<16xi32>], vector<16xi32>,
        %ge3A_974 = arith.constant 0 : i32
        %ge3A_975 = vector.broadcast %ge3A_974 : i32 to vector<16xi32>
        %ge3A_976 = arith.cmpi sge, %gather3A_973, %ge3A_975 : vector<16xi32>
        %mul3A_977 = arith.constant 1024 : i32
        %mul3A_978 = vector.broadcast %mul3A_977 : i32 to vector<16xi32>
        %mul3A_979 = arith.muli %get3A_972, %mul3A_978 : vector<16xi32>
        %add3A_980 = arith.addi %mul3A_979, %gather3A_973 : vector<16xi32>
        %jit3A_981 = arith.constant 1 : i32
        %jit3A_982 = arith.constant 0 : i32
        %broadcast_in_dim3A_983 = vector.broadcast %jit3A_981 : i32 to vector<16xi32>
        %broadcast_in_dim3A_984 = vector.broadcast %jit3A_982 : i32 to vector<16xi32>
        %select_n3A_985 = arith.select %ge3A_976, %broadcast_in_dim3A_983, %broadcast_in_dim3A_984 : vector<16xi1>, vector<16xi32>
        %broadcast_in_dim3A_986 = arith.constant true
        %broadcast_in_dim3A_987 = vector.broadcast %broadcast_in_dim3A_986 : i1 to vector<16xi1>
        %masked_cumsum3A_988 = tpu.scan <sum>, %select_n3A_985 masked %broadcast_in_dim3A_987 : vector<16xi32>, vector<16xi1> -> vector<16xi32>
        %add3A_989 = arith.addi %add3A_960, %masked_cumsum3A_988 : vector<16xi32>
        %sub3A_990 = arith.constant 1 : i32
        %sub3A_991 = vector.broadcast %sub3A_990 : i32 to vector<16xi32>
        %sub3A_992 = arith.subi %add3A_989, %sub3A_991 : vector<16xi32>
        tpu.vector_store_idx %arg19[%sub3A_992], %add3A_980 masked %ge3A_976 : memref<50512xi32, #tpu.memory_space<vmem>>[vector<16xi32>], vector<16xi32>, vector<16xi1>
        %all_reduce_population_count3A_993 = tpu.all_reduce %ge3A_976 {dim = 0 : i64, kind = #tpu.reduction_kind<sum>} : vector<16xi1> -> vector<16xi32>
        %add3A_994 = arith.addi %add3A_960, %all_reduce_population_count3A_993 : vector<16xi32>
        %mul3A_995 = arith.constant 5 : i32
        %mul3A_996 = arith.muli %scan3A_896, %mul3A_995 : i32
        %add3A_997 = arith.constant 3 : i32
        %add3A_998 = arith.addi %mul3A_996, %add3A_997 : i32
        %mul3A_999 = arith.constant 16 : i32
        %mul3A_1000 = arith.muli %add3A_998, %mul3A_999 : i32
        %get3A_1001 = arith.index_cast %mul3A_1000 : i32 to index
        %get3A_1002 = tpu.vector_load %arg13[%get3A_1001] {strides = array<i32>} : memref<2000xi32, #tpu.memory_space<vmem>>, vector<16xi32>,
        %mul3A_1003 = arith.constant 16 : i32
        %mul3A_1004 = arith.muli %add3A_998, %mul3A_1003 : i32
        %get3A_1005 = arith.index_cast %mul3A_1004 : i32 to index
        %get3A_1006 = tpu.vector_load %arg14[%get3A_1005] {strides = array<i32>} : memref<2000xi32, #tpu.memory_space<vmem>>, vector<16xi32>,
        %gather3A_1007 = tpu.vector_load_idx %arg8[%get3A_1002] : memref<50000xi32, #tpu.memory_space<vmem>>[vector<16xi32>], vector<16xi32>,
        %ge3A_1008 = arith.constant 0 : i32
        %ge3A_1009 = vector.broadcast %ge3A_1008 : i32 to vector<16xi32>
        %ge3A_1010 = arith.cmpi sge, %gather3A_1007, %ge3A_1009 : vector<16xi32>
        %mul3A_1011 = arith.constant 1024 : i32
        %mul3A_1012 = vector.broadcast %mul3A_1011 : i32 to vector<16xi32>
        %mul3A_1013 = arith.muli %get3A_1006, %mul3A_1012 : vector<16xi32>
        %add3A_1014 = arith.addi %mul3A_1013, %gather3A_1007 : vector<16xi32>
        %jit3A_1015 = arith.constant 1 : i32
        %jit3A_1016 = arith.constant 0 : i32
        %broadcast_in_dim3A_1017 = vector.broadcast %jit3A_1015 : i32 to vector<16xi32>
        %broadcast_in_dim3A_1018 = vector.broadcast %jit3A_1016 : i32 to vector<16xi32>
        %select_n3A_1019 = arith.select %ge3A_1010, %broadcast_in_dim3A_1017, %broadcast_in_dim3A_1018 : vector<16xi1>, vector<16xi32>
        %broadcast_in_dim3A_1020 = arith.constant true
        %broadcast_in_dim3A_1021 = vector.broadcast %broadcast_in_dim3A_1020 : i1 to vector<16xi1>
        %masked_cumsum3A_1022 = tpu.scan <sum>, %select_n3A_1019 masked %broadcast_in_dim3A_1021 : vector<16xi32>, vector<16xi1> -> vector<16xi32>
        %add3A_1023 = arith.addi %add3A_994, %masked_cumsum3A_1022 : vector<16xi32>
        %sub3A_1024 = arith.constant 1 : i32
        %sub3A_1025 = vector.broadcast %sub3A_1024 : i32 to vector<16xi32>
        %sub3A_1026 = arith.subi %add3A_1023, %sub3A_1025 : vector<16xi32>
        tpu.vector_store_idx %arg19[%sub3A_1026], %add3A_1014 masked %ge3A_1010 : memref<50512xi32, #tpu.memory_space<vmem>>[vector<16xi32>], vector<16xi32>, vector<16xi1>
        %all_reduce_population_count3A_1027 = tpu.all_reduce %ge3A_1010 {dim = 0 : i64, kind = #tpu.reduction_kind<sum>} : vector<16xi1> -> vector<16xi32>
        %add3A_1028 = arith.addi %add3A_994, %all_reduce_population_count3A_1027 : vector<16xi32>
        %mul3A_1029 = arith.constant 5 : i32
        %mul3A_1030 = arith.muli %scan3A_896, %mul3A_1029 : i32
        %add3A_1031 = arith.constant 4 : i32
        %add3A_1032 = arith.addi %mul3A_1030, %add3A_1031 : i32
        %mul3A_1033 = arith.constant 16 : i32
        %mul3A_1034 = arith.muli %add3A_1032, %mul3A_1033 : i32
        %get3A_1035 = arith.index_cast %mul3A_1034 : i32 to index
        %get3A_1036 = tpu.vector_load %arg13[%get3A_1035] {strides = array<i32>} : memref<2000xi32, #tpu.memory_space<vmem>>, vector<16xi32>,
        %mul3A_1037 = arith.constant 16 : i32
        %mul3A_1038 = arith.muli %add3A_1032, %mul3A_1037 : i32
        %get3A_1039 = arith.index_cast %mul3A_1038 : i32 to index
        %get3A_1040 = tpu.vector_load %arg14[%get3A_1039] {strides = array<i32>} : memref<2000xi32, #tpu.memory_space<vmem>>, vector<16xi32>,
        %gather3A_1041 = tpu.vector_load_idx %arg8[%get3A_1036] : memref<50000xi32, #tpu.memory_space<vmem>>[vector<16xi32>], vector<16xi32>,
        %ge3A_1042 = arith.constant 0 : i32
        %ge3A_1043 = vector.broadcast %ge3A_1042 : i32 to vector<16xi32>
        %ge3A_1044 = arith.cmpi sge, %gather3A_1041, %ge3A_1043 : vector<16xi32>
        %mul3A_1045 = arith.constant 1024 : i32
        %mul3A_1046 = vector.broadcast %mul3A_1045 : i32 to vector<16xi32>
        %mul3A_1047 = arith.muli %get3A_1040, %mul3A_1046 : vector<16xi32>
        %add3A_1048 = arith.addi %mul3A_1047, %gather3A_1041 : vector<16xi32>
        %jit3A_1049 = arith.constant 1 : i32
        %jit3A_1050 = arith.constant 0 : i32
        %broadcast_in_dim3A_1051 = vector.broadcast %jit3A_1049 : i32 to vector<16xi32>
        %broadcast_in_dim3A_1052 = vector.broadcast %jit3A_1050 : i32 to vector<16xi32>
        %select_n3A_1053 = arith.select %ge3A_1044, %broadcast_in_dim3A_1051, %broadcast_in_dim3A_1052 : vector<16xi1>, vector<16xi32>
        %broadcast_in_dim3A_1054 = arith.constant true
        %broadcast_in_dim3A_1055 = vector.broadcast %broadcast_in_dim3A_1054 : i1 to vector<16xi1>
        %masked_cumsum3A_1056 = tpu.scan <sum>, %select_n3A_1053 masked %broadcast_in_dim3A_1055 : vector<16xi32>, vector<16xi1> -> vector<16xi32>
        %add3A_1057 = arith.addi %add3A_1028, %masked_cumsum3A_1056 : vector<16xi32>
        %sub3A_1058 = arith.constant 1 : i32
        %sub3A_1059 = vector.broadcast %sub3A_1058 : i32 to vector<16xi32>
        %sub3A_1060 = arith.subi %add3A_1057, %sub3A_1059 : vector<16xi32>
        tpu.vector_store_idx %arg19[%sub3A_1060], %add3A_1048 masked %ge3A_1044 : memref<50512xi32, #tpu.memory_space<vmem>>[vector<16xi32>], vector<16xi32>, vector<16xi1>
        %all_reduce_population_count3A_1061 = tpu.all_reduce %ge3A_1044 {dim = 0 : i64, kind = #tpu.reduction_kind<sum>} : vector<16xi1> -> vector<16xi32>
        %add3A_1062 = arith.addi %add3A_1028, %all_reduce_population_count3A_1061 : vector<16xi32>
        scf.yield %add3A_1062 : vector<16xi32>
      }
      %scan3A_755 = arith.constant 25 : i32
      %mul3A_756 = arith.constant 5 : i32
      %mul3A_757 = arith.muli %mul3A_756, %scan3A_614 : i32
      %add3A_758 = arith.constant 2 : i32
      %add3A_759 = arith.addi %mul3A_757, %add3A_758 : i32
      %add3A_760 = arith.constant 5 : i32
      %add3A_761 = arith.addi %add3A_759, %add3A_760 : i32
      %mul3A_762 = arith.constant 2000 : i32
      %mul3A_763 = arith.muli %add3A_761, %mul3A_762 : i32
      %add3A_764 = arith.addi %mul3A_2, %mul3A_763 : i32
      %multiple_of3A_765 = tpu.assume_multiple %add3A_764, 8 : i32
      %dma_start3A_766 = arith.constant 1 : i32
      %dma_start3A_767 = arith.constant 0 : i32
      %dma_start3A_768 = tpu.memref_slice %arg2[%dma_start3A_766, %dma_start3A_767] : memref<2x1600000xi32, #tpu.memory_space<hbm>> -> memref<1x1600000xi32, #tpu.memory_space<hbm>>
      %dma_start3A_769 = tpu.memref_squeeze %dma_start3A_768 : memref<1x1600000xi32, #tpu.memory_space<hbm>> -> memref<1600000xi32, #tpu.memory_space<hbm>>
      %dma_start3A_770 = tpu.memref_slice %dma_start3A_769[%multiple_of3A_765] : memref<1600000xi32, #tpu.memory_space<hbm>> -> memref<2000xi32, #tpu.memory_space<hbm>>
      %dma_start3A_771 = arith.constant 0 : i32
      %dma_start3A_772 = tpu.memref_slice %arg2[%dma_start3A_766, %dma_start3A_771] : memref<2x1600000xi32, #tpu.memory_space<hbm>> -> memref<1x1600000xi32, #tpu.memory_space<hbm>>
      %dma_start3A_773 = tpu.memref_squeeze %dma_start3A_772 : memref<1x1600000xi32, #tpu.memory_space<hbm>> -> memref<1600000xi32, #tpu.memory_space<hbm>>
      %dma_start3A_774 = tpu.memref_slice %dma_start3A_773[%multiple_of3A_765] : memref<1600000xi32, #tpu.memory_space<hbm>> -> memref<2000xi32, #tpu.memory_space<hbm>>
      tpu.enqueue_dma source(%dma_start3A_774 : memref<2000xi32, #tpu.memory_space<hbm>>) target(%arg13 : memref<2000xi32, #tpu.memory_space<vmem>>) target_semaphore(%arg25 : memref<!tpu.dma_semaphore, #tpu.memory_space<semaphore_mem>>)
      %dma_start3A_775 = arith.constant 0 : i32
      %dma_start3A_776 = arith.constant 0 : i32
      %dma_start3A_777 = tpu.memref_slice %arg2[%dma_start3A_775, %dma_start3A_776] : memref<2x1600000xi32, #tpu.memory_space<hbm>> -> memref<1x1600000xi32, #tpu.memory_space<hbm>>
      %dma_start3A_778 = tpu.memref_squeeze %dma_start3A_777 : memref<1x1600000xi32, #tpu.memory_space<hbm>> -> memref<1600000xi32, #tpu.memory_space<hbm>>
      %dma_start3A_779 = tpu.memref_slice %dma_start3A_778[%multiple_of3A_765] : memref<1600000xi32, #tpu.memory_space<hbm>> -> memref<2000xi32, #tpu.memory_space<hbm>>
      %dma_start3A_780 = arith.constant 0 : i32
      %dma_start3A_781 = tpu.memref_slice %arg2[%dma_start3A_775, %dma_start3A_780] : memref<2x1600000xi32, #tpu.memory_space<hbm>> -> memref<1x1600000xi32, #tpu.memory_space<hbm>>
      %dma_start3A_782 = tpu.memref_squeeze %dma_start3A_781 : memref<1x1600000xi32, #tpu.memory_space<hbm>> -> memref<1600000xi32, #tpu.memory_space<hbm>>
      %dma_start3A_783 = tpu.memref_slice %dma_start3A_782[%multiple_of3A_765] : memref<1600000xi32, #tpu.memory_space<hbm>> -> memref<2000xi32, #tpu.memory_space<hbm>>
      tpu.enqueue_dma source(%dma_start3A_783 : memref<2000xi32, #tpu.memory_space<hbm>>) target(%arg14 : memref<2000xi32, #tpu.memory_space<vmem>>) target_semaphore(%arg25 : memref<!tpu.dma_semaphore, #tpu.memory_space<semaphore_mem>>)
      %dma_wait3A_784 = arith.constant 1 : i32
      %dma_wait3A_785 = arith.constant 0 : i32
      %dma_wait3A_786 = tpu.memref_slice %arg2[%dma_wait3A_784, %dma_wait3A_785] : memref<2x1600000xi32, #tpu.memory_space<hbm>> -> memref<1x1600000xi32, #tpu.memory_space<hbm>>
      %dma_wait3A_787 = tpu.memref_squeeze %dma_wait3A_786 : memref<1x1600000xi32, #tpu.memory_space<hbm>> -> memref<1600000xi32, #tpu.memory_space<hbm>>
      %dma_wait3A_788 = arith.constant 0 : i32
      %dma_wait3A_789 = tpu.memref_slice %dma_wait3A_787[%dma_wait3A_788] : memref<1600000xi32, #tpu.memory_space<hbm>> -> memref<2000xi32, #tpu.memory_space<hbm>>
      %dma_wait3A_790 = arith.constant 0 : i32
      %dma_wait3A_791 = tpu.memref_slice %arg2[%dma_wait3A_784, %dma_wait3A_790] : memref<2x1600000xi32, #tpu.memory_space<hbm>> -> memref<1x1600000xi32, #tpu.memory_space<hbm>>
      %dma_wait3A_792 = tpu.memref_squeeze %dma_wait3A_791 : memref<1x1600000xi32, #tpu.memory_space<hbm>> -> memref<1600000xi32, #tpu.memory_space<hbm>>
      %dma_wait3A_793 = arith.constant 0 : i32
      %dma_wait3A_794 = tpu.memref_slice %dma_wait3A_792[%dma_wait3A_793] : memref<1600000xi32, #tpu.memory_space<hbm>> -> memref<2000xi32, #tpu.memory_space<hbm>>
      tpu.wait_dma2 semaphore(%arg26 : memref<!tpu.dma_semaphore, #tpu.memory_space<semaphore_mem>>) src(%dma_wait3A_794 : memref<2000xi32, #tpu.memory_space<hbm>>) dst(%arg15 : memref<2000xi32, #tpu.memory_space<vmem>>)
      %dma_wait3A_795 = arith.constant 0 : i32
      %dma_wait3A_796 = arith.constant 0 : i32
      %dma_wait3A_797 = tpu.memref_slice %arg2[%dma_wait3A_795, %dma_wait3A_796] : memref<2x1600000xi32, #tpu.memory_space<hbm>> -> memref<1x1600000xi32, #tpu.memory_space<hbm>>
      %dma_wait3A_798 = tpu.memref_squeeze %dma_wait3A_797 : memref<1x1600000xi32, #tpu.memory_space<hbm>> -> memref<1600000xi32, #tpu.memory_space<hbm>>
      %dma_wait3A_799 = arith.constant 0 : i32
      %dma_wait3A_800 = tpu.memref_slice %dma_wait3A_798[%dma_wait3A_799] : memref<1600000xi32, #tpu.memory_space<hbm>> -> memref<2000xi32, #tpu.memory_space<hbm>>
      %dma_wait3A_801 = arith.constant 0 : i32
      %dma_wait3A_802 = tpu.memref_slice %arg2[%dma_wait3A_795, %dma_wait3A_801] : memref<2x1600000xi32, #tpu.memory_space<hbm>> -> memref<1x1600000xi32, #tpu.memory_space<hbm>>
      %dma_wait3A_803 = tpu.memref_squeeze %dma_wait3A_802 : memref<1x1600000xi32, #tpu.memory_space<hbm>> -> memref<1600000xi32, #tpu.memory_space<hbm>>
      %dma_wait3A_804 = arith.constant 0 : i32
      %dma_wait3A_805 = tpu.memref_slice %dma_wait3A_803[%dma_wait3A_804] : memref<1600000xi32, #tpu.memory_space<hbm>> -> memref<2000xi32, #tpu.memory_space<hbm>>
      tpu.wait_dma2 semaphore(%arg26 : memref<!tpu.dma_semaphore, #tpu.memory_space<semaphore_mem>>) src(%dma_wait3A_805 : memref<2000xi32, #tpu.memory_space<hbm>>) dst(%arg16 : memref<2000xi32, #tpu.memory_space<vmem>>)
      %scan3A_806 = arith.constant 0 : i32
      %scan3A_807 = arith.constant 25 : i32
      %scan3A_808 = arith.addi %scan3A_806, %scan3A_807 : i32
      %scan3A_809 = arith.constant 1 : i32
      %scan3A_810 = scf.for %scan3A_896 = %scan3A_806 to %scan3A_808 step %scan3A_809 iter_args(%scan3A_897 = %scan3A_754) -> (vector<16xi32>)  : i32 {
        %mul3A_898 = arith.constant 5 : i32
        %mul3A_899 = arith.muli %scan3A_896, %mul3A_898 : i32
        %add3A_900 = arith.constant 0 : i32
        %add3A_901 = arith.addi %mul3A_899, %add3A_900 : i32
        %mul3A_902 = arith.constant 16 : i32
        %mul3A_903 = arith.muli %add3A_901, %mul3A_902 : i32
        %get3A = arith.index_cast %mul3A_903 : i32 to index
        %get3A_904 = tpu.vector_load %arg15[%get3A] {strides = array<i32>} : memref<2000xi32, #tpu.memory_space<vmem>>, vector<16xi32>,
        %mul3A_905 = arith.constant 16 : i32
        %mul3A_906 = arith.muli %add3A_901, %mul3A_905 : i32
        %get3A_907 = arith.index_cast %mul3A_906 : i32 to index
        %get3A_908 = tpu.vector_load %arg16[%get3A_907] {strides = array<i32>} : memref<2000xi32, #tpu.memory_space<vmem>>, vector<16xi32>,
        %gather3A = tpu.vector_load_idx %arg8[%get3A_904] : memref<50000xi32, #tpu.memory_space<vmem>>[vector<16xi32>], vector<16xi32>,
        %ge3A = arith.constant 0 : i32
        %ge3A_909 = vector.broadcast %ge3A : i32 to vector<16xi32>
        %ge3A_910 = arith.cmpi sge, %gather3A, %ge3A_909 : vector<16xi32>
        %mul3A_911 = arith.constant 1024 : i32
        %mul3A_912 = vector.broadcast %mul3A_911 : i32 to vector<16xi32>
        %mul3A_913 = arith.muli %get3A_908, %mul3A_912 : vector<16xi32>
        %add3A_914 = arith.addi %mul3A_913, %gather3A : vector<16xi32>
        %jit3A_915 = arith.constant 1 : i32
        %jit3A_916 = arith.constant 0 : i32
        %broadcast_in_dim3A_917 = vector.broadcast %jit3A_915 : i32 to vector<16xi32>
        %broadcast_in_dim3A_918 = vector.broadcast %jit3A_916 : i32 to vector<16xi32>
        %select_n3A_919 = arith.select %ge3A_910, %broadcast_in_dim3A_917, %broadcast_in_dim3A_918 : vector<16xi1>, vector<16xi32>
        %broadcast_in_dim3A_920 = arith.constant true
        %broadcast_in_dim3A_921 = vector.broadcast %broadcast_in_dim3A_920 : i1 to vector<16xi1>
        %masked_cumsum3A = tpu.scan <sum>, %select_n3A_919 masked %broadcast_in_dim3A_921 : vector<16xi32>, vector<16xi1> -> vector<16xi32>
        %add3A_922 = arith.addi %scan3A_897, %masked_cumsum3A : vector<16xi32>
        %sub3A_923 = arith.constant 1 : i32
        %sub3A_924 = vector.broadcast %sub3A_923 : i32 to vector<16xi32>
        %sub3A_925 = arith.subi %add3A_922, %sub3A_924 : vector<16xi32>
        tpu.vector_store_idx %arg19[%sub3A_925], %add3A_914 masked %ge3A_910 : memref<50512xi32, #tpu.memory_space<vmem>>[vector<16xi32>], vector<16xi32>, vector<16xi1>
        %all_reduce_population_count3A = tpu.all_reduce %ge3A_910 {dim = 0 : i64, kind = #tpu.reduction_kind<sum>} : vector<16xi1> -> vector<16xi32>
        %add3A_926 = arith.addi %scan3A_897, %all_reduce_population_count3A : vector<16xi32>
        %mul3A_927 = arith.constant 5 : i32
        %mul3A_928 = arith.muli %scan3A_896, %mul3A_927 : i32
        %add3A_929 = arith.constant 1 : i32
        %add3A_930 = arith.addi %mul3A_928, %add3A_929 : i32
        %mul3A_931 = arith.constant 16 : i32
        %mul3A_932 = arith.muli %add3A_930, %mul3A_931 : i32
        %get3A_933 = arith.index_cast %mul3A_932 : i32 to index
        %get3A_934 = tpu.vector_load %arg15[%get3A_933] {strides = array<i32>} : memref<2000xi32, #tpu.memory_space<vmem>>, vector<16xi32>,
        %mul3A_935 = arith.constant 16 : i32
        %mul3A_936 = arith.muli %add3A_930, %mul3A_935 : i32
        %get3A_937 = arith.index_cast %mul3A_936 : i32 to index
        %get3A_938 = tpu.vector_load %arg16[%get3A_937] {strides = array<i32>} : memref<2000xi32, #tpu.memory_space<vmem>>, vector<16xi32>,
        %gather3A_939 = tpu.vector_load_idx %arg8[%get3A_934] : memref<50000xi32, #tpu.memory_space<vmem>>[vector<16xi32>], vector<16xi32>,
        %ge3A_940 = arith.constant 0 : i32
        %ge3A_941 = vector.broadcast %ge3A_940 : i32 to vector<16xi32>
        %ge3A_942 = arith.cmpi sge, %gather3A_939, %ge3A_941 : vector<16xi32>
        %mul3A_943 = arith.constant 1024 : i32
        %mul3A_944 = vector.broadcast %mul3A_943 : i32 to vector<16xi32>
        %mul3A_945 = arith.muli %get3A_938, %mul3A_944 : vector<16xi32>
        %add3A_946 = arith.addi %mul3A_945, %gather3A_939 : vector<16xi32>
        %jit3A_947 = arith.constant 1 : i32
        %jit3A_948 = arith.constant 0 : i32
        %broadcast_in_dim3A_949 = vector.broadcast %jit3A_947 : i32 to vector<16xi32>
        %broadcast_in_dim3A_950 = vector.broadcast %jit3A_948 : i32 to vector<16xi32>
        %select_n3A_951 = arith.select %ge3A_942, %broadcast_in_dim3A_949, %broadcast_in_dim3A_950 : vector<16xi1>, vector<16xi32>
        %broadcast_in_dim3A_952 = arith.constant true
        %broadcast_in_dim3A_953 = vector.broadcast %broadcast_in_dim3A_952 : i1 to vector<16xi1>
        %masked_cumsum3A_954 = tpu.scan <sum>, %select_n3A_951 masked %broadcast_in_dim3A_953 : vector<16xi32>, vector<16xi1> -> vector<16xi32>
        %add3A_955 = arith.addi %add3A_926, %masked_cumsum3A_954 : vector<16xi32>
        %sub3A_956 = arith.constant 1 : i32
        %sub3A_957 = vector.broadcast %sub3A_956 : i32 to vector<16xi32>
        %sub3A_958 = arith.subi %add3A_955, %sub3A_957 : vector<16xi32>
        tpu.vector_store_idx %arg19[%sub3A_958], %add3A_946 masked %ge3A_942 : memref<50512xi32, #tpu.memory_space<vmem>>[vector<16xi32>], vector<16xi32>, vector<16xi1>
        %all_reduce_population_count3A_959 = tpu.all_reduce %ge3A_942 {dim = 0 : i64, kind = #tpu.reduction_kind<sum>} : vector<16xi1> -> vector<16xi32>
        %add3A_960 = arith.addi %add3A_926, %all_reduce_population_count3A_959 : vector<16xi32>
        %mul3A_961 = arith.constant 5 : i32
        %mul3A_962 = arith.muli %scan3A_896, %mul3A_961 : i32
        %add3A_963 = arith.constant 2 : i32
        %add3A_964 = arith.addi %mul3A_962, %add3A_963 : i32
        %mul3A_965 = arith.constant 16 : i32
        %mul3A_966 = arith.muli %add3A_964, %mul3A_965 : i32
        %get3A_967 = arith.index_cast %mul3A_966 : i32 to index
        %get3A_968 = tpu.vector_load %arg15[%get3A_967] {strides = array<i32>} : memref<2000xi32, #tpu.memory_space<vmem>>, vector<16xi32>,
        %mul3A_969 = arith.constant 16 : i32
        %mul3A_970 = arith.muli %add3A_964, %mul3A_969 : i32
        %get3A_971 = arith.index_cast %mul3A_970 : i32 to index
        %get3A_972 = tpu.vector_load %arg16[%get3A_971] {strides = array<i32>} : memref<2000xi32, #tpu.memory_space<vmem>>, vector<16xi32>,
        %gather3A_973 = tpu.vector_load_idx %arg8[%get3A_968] : memref<50000xi32, #tpu.memory_space<vmem>>[vector<16xi32>], vector<16xi32>,
        %ge3A_974 = arith.constant 0 : i32
        %ge3A_975 = vector.broadcast %ge3A_974 : i32 to vector<16xi32>
        %ge3A_976 = arith.cmpi sge, %gather3A_973, %ge3A_975 : vector<16xi32>
        %mul3A_977 = arith.constant 1024 : i32
        %mul3A_978 = vector.broadcast %mul3A_977 : i32 to vector<16xi32>
        %mul3A_979 = arith.muli %get3A_972, %mul3A_978 : vector<16xi32>
        %add3A_980 = arith.addi %mul3A_979, %gather3A_973 : vector<16xi32>
        %jit3A_981 = arith.constant 1 : i32
        %jit3A_982 = arith.constant 0 : i32
        %broadcast_in_dim3A_983 = vector.broadcast %jit3A_981 : i32 to vector<16xi32>
        %broadcast_in_dim3A_984 = vector.broadcast %jit3A_982 : i32 to vector<16xi32>
        %select_n3A_985 = arith.select %ge3A_976, %broadcast_in_dim3A_983, %broadcast_in_dim3A_984 : vector<16xi1>, vector<16xi32>
        %broadcast_in_dim3A_986 = arith.constant true
        %broadcast_in_dim3A_987 = vector.broadcast %broadcast_in_dim3A_986 : i1 to vector<16xi1>
        %masked_cumsum3A_988 = tpu.scan <sum>, %select_n3A_985 masked %broadcast_in_dim3A_987 : vector<16xi32>, vector<16xi1> -> vector<16xi32>
        %add3A_989 = arith.addi %add3A_960, %masked_cumsum3A_988 : vector<16xi32>
        %sub3A_990 = arith.constant 1 : i32
        %sub3A_991 = vector.broadcast %sub3A_990 : i32 to vector<16xi32>
        %sub3A_992 = arith.subi %add3A_989, %sub3A_991 : vector<16xi32>
        tpu.vector_store_idx %arg19[%sub3A_992], %add3A_980 masked %ge3A_976 : memref<50512xi32, #tpu.memory_space<vmem>>[vector<16xi32>], vector<16xi32>, vector<16xi1>
        %all_reduce_population_count3A_993 = tpu.all_reduce %ge3A_976 {dim = 0 : i64, kind = #tpu.reduction_kind<sum>} : vector<16xi1> -> vector<16xi32>
        %add3A_994 = arith.addi %add3A_960, %all_reduce_population_count3A_993 : vector<16xi32>
        %mul3A_995 = arith.constant 5 : i32
        %mul3A_996 = arith.muli %scan3A_896, %mul3A_995 : i32
        %add3A_997 = arith.constant 3 : i32
        %add3A_998 = arith.addi %mul3A_996, %add3A_997 : i32
        %mul3A_999 = arith.constant 16 : i32
        %mul3A_1000 = arith.muli %add3A_998, %mul3A_999 : i32
        %get3A_1001 = arith.index_cast %mul3A_1000 : i32 to index
        %get3A_1002 = tpu.vector_load %arg15[%get3A_1001] {strides = array<i32>} : memref<2000xi32, #tpu.memory_space<vmem>>, vector<16xi32>,
        %mul3A_1003 = arith.constant 16 : i32
        %mul3A_1004 = arith.muli %add3A_998, %mul3A_1003 : i32
        %get3A_1005 = arith.index_cast %mul3A_1004 : i32 to index
        %get3A_1006 = tpu.vector_load %arg16[%get3A_1005] {strides = array<i32>} : memref<2000xi32, #tpu.memory_space<vmem>>, vector<16xi32>,
        %gather3A_1007 = tpu.vector_load_idx %arg8[%get3A_1002] : memref<50000xi32, #tpu.memory_space<vmem>>[vector<16xi32>], vector<16xi32>,
        %ge3A_1008 = arith.constant 0 : i32
        %ge3A_1009 = vector.broadcast %ge3A_1008 : i32 to vector<16xi32>
        %ge3A_1010 = arith.cmpi sge, %gather3A_1007, %ge3A_1009 : vector<16xi32>
        %mul3A_1011 = arith.constant 1024 : i32
        %mul3A_1012 = vector.broadcast %mul3A_1011 : i32 to vector<16xi32>
        %mul3A_1013 = arith.muli %get3A_1006, %mul3A_1012 : vector<16xi32>
        %add3A_1014 = arith.addi %mul3A_1013, %gather3A_1007 : vector<16xi32>
        %jit3A_1015 = arith.constant 1 : i32
        %jit3A_1016 = arith.constant 0 : i32
        %broadcast_in_dim3A_1017 = vector.broadcast %jit3A_1015 : i32 to vector<16xi32>
        %broadcast_in_dim3A_1018 = vector.broadcast %jit3A_1016 : i32 to vector<16xi32>
        %select_n3A_1019 = arith.select %ge3A_1010, %broadcast_in_dim3A_1017, %broadcast_in_dim3A_1018 : vector<16xi1>, vector<16xi32>
        %broadcast_in_dim3A_1020 = arith.constant true
        %broadcast_in_dim3A_1021 = vector.broadcast %broadcast_in_dim3A_1020 : i1 to vector<16xi1>
        %masked_cumsum3A_1022 = tpu.scan <sum>, %select_n3A_1019 masked %broadcast_in_dim3A_1021 : vector<16xi32>, vector<16xi1> -> vector<16xi32>
        %add3A_1023 = arith.addi %add3A_994, %masked_cumsum3A_1022 : vector<16xi32>
        %sub3A_1024 = arith.constant 1 : i32
        %sub3A_1025 = vector.broadcast %sub3A_1024 : i32 to vector<16xi32>
        %sub3A_1026 = arith.subi %add3A_1023, %sub3A_1025 : vector<16xi32>
        tpu.vector_store_idx %arg19[%sub3A_1026], %add3A_1014 masked %ge3A_1010 : memref<50512xi32, #tpu.memory_space<vmem>>[vector<16xi32>], vector<16xi32>, vector<16xi1>
        %all_reduce_population_count3A_1027 = tpu.all_reduce %ge3A_1010 {dim = 0 : i64, kind = #tpu.reduction_kind<sum>} : vector<16xi1> -> vector<16xi32>
        %add3A_1028 = arith.addi %add3A_994, %all_reduce_population_count3A_1027 : vector<16xi32>
        %mul3A_1029 = arith.constant 5 : i32
        %mul3A_1030 = arith.muli %scan3A_896, %mul3A_1029 : i32
        %add3A_1031 = arith.constant 4 : i32
        %add3A_1032 = arith.addi %mul3A_1030, %add3A_1031 : i32
        %mul3A_1033 = arith.constant 16 : i32
        %mul3A_1034 = arith.muli %add3A_1032, %mul3A_1033 : i32
        %get3A_1035 = arith.index_cast %mul3A_1034 : i32 to index
        %get3A_1036 = tpu.vector_load %arg15[%get3A_1035] {strides = array<i32>} : memref<2000xi32, #tpu.memory_space<vmem>>, vector<16xi32>,
        %mul3A_1037 = arith.constant 16 : i32
        %mul3A_1038 = arith.muli %add3A_1032, %mul3A_1037 : i32
        %get3A_1039 = arith.index_cast %mul3A_1038 : i32 to index
        %get3A_1040 = tpu.vector_load %arg16[%get3A_1039] {strides = array<i32>} : memref<2000xi32, #tpu.memory_space<vmem>>, vector<16xi32>,
        %gather3A_1041 = tpu.vector_load_idx %arg8[%get3A_1036] : memref<50000xi32, #tpu.memory_space<vmem>>[vector<16xi32>], vector<16xi32>,
        %ge3A_1042 = arith.constant 0 : i32
        %ge3A_1043 = vector.broadcast %ge3A_1042 : i32 to vector<16xi32>
        %ge3A_1044 = arith.cmpi sge, %gather3A_1041, %ge3A_1043 : vector<16xi32>
        %mul3A_1045 = arith.constant 1024 : i32
        %mul3A_1046 = vector.broadcast %mul3A_1045 : i32 to vector<16xi32>
        %mul3A_1047 = arith.muli %get3A_1040, %mul3A_1046 : vector<16xi32>
        %add3A_1048 = arith.addi %mul3A_1047, %gather3A_1041 : vector<16xi32>
        %jit3A_1049 = arith.constant 1 : i32
        %jit3A_1050 = arith.constant 0 : i32
        %broadcast_in_dim3A_1051 = vector.broadcast %jit3A_1049 : i32 to vector<16xi32>
        %broadcast_in_dim3A_1052 = vector.broadcast %jit3A_1050 : i32 to vector<16xi32>
        %select_n3A_1053 = arith.select %ge3A_1044, %broadcast_in_dim3A_1051, %broadcast_in_dim3A_1052 : vector<16xi1>, vector<16xi32>
        %broadcast_in_dim3A_1054 = arith.constant true
        %broadcast_in_dim3A_1055 = vector.broadcast %broadcast_in_dim3A_1054 : i1 to vector<16xi1>
        %masked_cumsum3A_1056 = tpu.scan <sum>, %select_n3A_1053 masked %broadcast_in_dim3A_1055 : vector<16xi32>, vector<16xi1> -> vector<16xi32>
        %add3A_1057 = arith.addi %add3A_1028, %masked_cumsum3A_1056 : vector<16xi32>
        %sub3A_1058 = arith.constant 1 : i32
        %sub3A_1059 = vector.broadcast %sub3A_1058 : i32 to vector<16xi32>
        %sub3A_1060 = arith.subi %add3A_1057, %sub3A_1059 : vector<16xi32>
        tpu.vector_store_idx %arg19[%sub3A_1060], %add3A_1048 masked %ge3A_1044 : memref<50512xi32, #tpu.memory_space<vmem>>[vector<16xi32>], vector<16xi32>, vector<16xi1>
        %all_reduce_population_count3A_1061 = tpu.all_reduce %ge3A_1044 {dim = 0 : i64, kind = #tpu.reduction_kind<sum>} : vector<16xi1> -> vector<16xi32>
        %add3A_1062 = arith.addi %add3A_1028, %all_reduce_population_count3A_1061 : vector<16xi32>
        scf.yield %add3A_1062 : vector<16xi32>
      }
      %scan3A_811 = arith.constant 25 : i32
      %mul3A_812 = arith.constant 5 : i32
      %mul3A_813 = arith.muli %mul3A_812, %scan3A_614 : i32
      %add3A_814 = arith.constant 3 : i32
      %add3A_815 = arith.addi %mul3A_813, %add3A_814 : i32
      %add3A_816 = arith.constant 5 : i32
      %add3A_817 = arith.addi %add3A_815, %add3A_816 : i32
      %mul3A_818 = arith.constant 2000 : i32
      %mul3A_819 = arith.muli %add3A_817, %mul3A_818 : i32
      %add3A_820 = arith.addi %mul3A_2, %mul3A_819 : i32
      %multiple_of3A_821 = tpu.assume_multiple %add3A_820, 8 : i32
      %dma_start3A_822 = arith.constant 1 : i32
      %dma_start3A_823 = arith.constant 0 : i32
      %dma_start3A_824 = tpu.memref_slice %arg2[%dma_start3A_822, %dma_start3A_823] : memref<2x1600000xi32, #tpu.memory_space<hbm>> -> memref<1x1600000xi32, #tpu.memory_space<hbm>>
      %dma_start3A_825 = tpu.memref_squeeze %dma_start3A_824 : memref<1x1600000xi32, #tpu.memory_space<hbm>> -> memref<1600000xi32, #tpu.memory_space<hbm>>
      %dma_start3A_826 = tpu.memref_slice %dma_start3A_825[%multiple_of3A_821] : memref<1600000xi32, #tpu.memory_space<hbm>> -> memref<2000xi32, #tpu.memory_space<hbm>>
      %dma_start3A_827 = arith.constant 0 : i32
      %dma_start3A_828 = tpu.memref_slice %arg2[%dma_start3A_822, %dma_start3A_827] : memref<2x1600000xi32, #tpu.memory_space<hbm>> -> memref<1x1600000xi32, #tpu.memory_space<hbm>>
      %dma_start3A_829 = tpu.memref_squeeze %dma_start3A_828 : memref<1x1600000xi32, #tpu.memory_space<hbm>> -> memref<1600000xi32, #tpu.memory_space<hbm>>
      %dma_start3A_830 = tpu.memref_slice %dma_start3A_829[%multiple_of3A_821] : memref<1600000xi32, #tpu.memory_space<hbm>> -> memref<2000xi32, #tpu.memory_space<hbm>>
      tpu.enqueue_dma source(%dma_start3A_830 : memref<2000xi32, #tpu.memory_space<hbm>>) target(%arg15 : memref<2000xi32, #tpu.memory_space<vmem>>) target_semaphore(%arg26 : memref<!tpu.dma_semaphore, #tpu.memory_space<semaphore_mem>>)
      %dma_start3A_831 = arith.constant 0 : i32
      %dma_start3A_832 = arith.constant 0 : i32
      %dma_start3A_833 = tpu.memref_slice %arg2[%dma_start3A_831, %dma_start3A_832] : memref<2x1600000xi32, #tpu.memory_space<hbm>> -> memref<1x1600000xi32, #tpu.memory_space<hbm>>
      %dma_start3A_834 = tpu.memref_squeeze %dma_start3A_833 : memref<1x1600000xi32, #tpu.memory_space<hbm>> -> memref<1600000xi32, #tpu.memory_space<hbm>>
      %dma_start3A_835 = tpu.memref_slice %dma_start3A_834[%multiple_of3A_821] : memref<1600000xi32, #tpu.memory_space<hbm>> -> memref<2000xi32, #tpu.memory_space<hbm>>
      %dma_start3A_836 = arith.constant 0 : i32
      %dma_start3A_837 = tpu.memref_slice %arg2[%dma_start3A_831, %dma_start3A_836] : memref<2x1600000xi32, #tpu.memory_space<hbm>> -> memref<1x1600000xi32, #tpu.memory_space<hbm>>
      %dma_start3A_838 = tpu.memref_squeeze %dma_start3A_837 : memref<1x1600000xi32, #tpu.memory_space<hbm>> -> memref<1600000xi32, #tpu.memory_space<hbm>>
      %dma_start3A_839 = tpu.memref_slice %dma_start3A_838[%multiple_of3A_821] : memref<1600000xi32, #tpu.memory_space<hbm>> -> memref<2000xi32, #tpu.memory_space<hbm>>
      tpu.enqueue_dma source(%dma_start3A_839 : memref<2000xi32, #tpu.memory_space<hbm>>) target(%arg16 : memref<2000xi32, #tpu.memory_space<vmem>>) target_semaphore(%arg26 : memref<!tpu.dma_semaphore, #tpu.memory_space<semaphore_mem>>)
      %dma_wait3A_840 = arith.constant 1 : i32
      %dma_wait3A_841 = arith.constant 0 : i32
      %dma_wait3A_842 = tpu.memref_slice %arg2[%dma_wait3A_840, %dma_wait3A_841] : memref<2x1600000xi32, #tpu.memory_space<hbm>> -> memref<1x1600000xi32, #tpu.memory_space<hbm>>
      %dma_wait3A_843 = tpu.memref_squeeze %dma_wait3A_842 : memref<1x1600000xi32, #tpu.memory_space<hbm>> -> memref<1600000xi32, #tpu.memory_space<hbm>>
      %dma_wait3A_844 = arith.constant 0 : i32
      %dma_wait3A_845 = tpu.memref_slice %dma_wait3A_843[%dma_wait3A_844] : memref<1600000xi32, #tpu.memory_space<hbm>> -> memref<2000xi32, #tpu.memory_space<hbm>>
      %dma_wait3A_846 = arith.constant 0 : i32
      %dma_wait3A_847 = tpu.memref_slice %arg2[%dma_wait3A_840, %dma_wait3A_846] : memref<2x1600000xi32, #tpu.memory_space<hbm>> -> memref<1x1600000xi32, #tpu.memory_space<hbm>>
      %dma_wait3A_848 = tpu.memref_squeeze %dma_wait3A_847 : memref<1x1600000xi32, #tpu.memory_space<hbm>> -> memref<1600000xi32, #tpu.memory_space<hbm>>
      %dma_wait3A_849 = arith.constant 0 : i32
      %dma_wait3A_850 = tpu.memref_slice %dma_wait3A_848[%dma_wait3A_849] : memref<1600000xi32, #tpu.memory_space<hbm>> -> memref<2000xi32, #tpu.memory_space<hbm>>
      tpu.wait_dma2 semaphore(%arg27 : memref<!tpu.dma_semaphore, #tpu.memory_space<semaphore_mem>>) src(%dma_wait3A_850 : memref<2000xi32, #tpu.memory_space<hbm>>) dst(%arg17 : memref<2000xi32, #tpu.memory_space<vmem>>)
      %dma_wait3A_851 = arith.constant 0 : i32
      %dma_wait3A_852 = arith.constant 0 : i32
      %dma_wait3A_853 = tpu.memref_slice %arg2[%dma_wait3A_851, %dma_wait3A_852] : memref<2x1600000xi32, #tpu.memory_space<hbm>> -> memref<1x1600000xi32, #tpu.memory_space<hbm>>
      %dma_wait3A_854 = tpu.memref_squeeze %dma_wait3A_853 : memref<1x1600000xi32, #tpu.memory_space<hbm>> -> memref<1600000xi32, #tpu.memory_space<hbm>>
      %dma_wait3A_855 = arith.constant 0 : i32
      %dma_wait3A_856 = tpu.memref_slice %dma_wait3A_854[%dma_wait3A_855] : memref<1600000xi32, #tpu.memory_space<hbm>> -> memref<2000xi32, #tpu.memory_space<hbm>>
      %dma_wait3A_857 = arith.constant 0 : i32
      %dma_wait3A_858 = tpu.memref_slice %arg2[%dma_wait3A_851, %dma_wait3A_857] : memref<2x1600000xi32, #tpu.memory_space<hbm>> -> memref<1x1600000xi32, #tpu.memory_space<hbm>>
      %dma_wait3A_859 = tpu.memref_squeeze %dma_wait3A_858 : memref<1x1600000xi32, #tpu.memory_space<hbm>> -> memref<1600000xi32, #tpu.memory_space<hbm>>
      %dma_wait3A_860 = arith.constant 0 : i32
      %dma_wait3A_861 = tpu.memref_slice %dma_wait3A_859[%dma_wait3A_860] : memref<1600000xi32, #tpu.memory_space<hbm>> -> memref<2000xi32, #tpu.memory_space<hbm>>
      tpu.wait_dma2 semaphore(%arg27 : memref<!tpu.dma_semaphore, #tpu.memory_space<semaphore_mem>>) src(%dma_wait3A_861 : memref<2000xi32, #tpu.memory_space<hbm>>) dst(%arg18 : memref<2000xi32, #tpu.memory_space<vmem>>)
      %scan3A_862 = arith.constant 0 : i32
      %scan3A_863 = arith.constant 25 : i32
      %scan3A_864 = arith.addi %scan3A_862, %scan3A_863 : i32
      %scan3A_865 = arith.constant 1 : i32
      %scan3A_866 = scf.for %scan3A_896 = %scan3A_862 to %scan3A_864 step %scan3A_865 iter_args(%scan3A_897 = %scan3A_810) -> (vector<16xi32>)  : i32 {
        %mul3A_898 = arith.constant 5 : i32
        %mul3A_899 = arith.muli %scan3A_896, %mul3A_898 : i32
        %add3A_900 = arith.constant 0 : i32
        %add3A_901 = arith.addi %mul3A_899, %add3A_900 : i32
        %mul3A_902 = arith.constant 16 : i32
        %mul3A_903 = arith.muli %add3A_901, %mul3A_902 : i32
        %get3A = arith.index_cast %mul3A_903 : i32 to index
        %get3A_904 = tpu.vector_load %arg17[%get3A] {strides = array<i32>} : memref<2000xi32, #tpu.memory_space<vmem>>, vector<16xi32>,
        %mul3A_905 = arith.constant 16 : i32
        %mul3A_906 = arith.muli %add3A_901, %mul3A_905 : i32
        %get3A_907 = arith.index_cast %mul3A_906 : i32 to index
        %get3A_908 = tpu.vector_load %arg18[%get3A_907] {strides = array<i32>} : memref<2000xi32, #tpu.memory_space<vmem>>, vector<16xi32>,
        %gather3A = tpu.vector_load_idx %arg8[%get3A_904] : memref<50000xi32, #tpu.memory_space<vmem>>[vector<16xi32>], vector<16xi32>,
        %ge3A = arith.constant 0 : i32
        %ge3A_909 = vector.broadcast %ge3A : i32 to vector<16xi32>
        %ge3A_910 = arith.cmpi sge, %gather3A, %ge3A_909 : vector<16xi32>
        %mul3A_911 = arith.constant 1024 : i32
        %mul3A_912 = vector.broadcast %mul3A_911 : i32 to vector<16xi32>
        %mul3A_913 = arith.muli %get3A_908, %mul3A_912 : vector<16xi32>
        %add3A_914 = arith.addi %mul3A_913, %gather3A : vector<16xi32>
        %jit3A_915 = arith.constant 1 : i32
        %jit3A_916 = arith.constant 0 : i32
        %broadcast_in_dim3A_917 = vector.broadcast %jit3A_915 : i32 to vector<16xi32>
        %broadcast_in_dim3A_918 = vector.broadcast %jit3A_916 : i32 to vector<16xi32>
        %select_n3A_919 = arith.select %ge3A_910, %broadcast_in_dim3A_917, %broadcast_in_dim3A_918 : vector<16xi1>, vector<16xi32>
        %broadcast_in_dim3A_920 = arith.constant true
        %broadcast_in_dim3A_921 = vector.broadcast %broadcast_in_dim3A_920 : i1 to vector<16xi1>
        %masked_cumsum3A = tpu.scan <sum>, %select_n3A_919 masked %broadcast_in_dim3A_921 : vector<16xi32>, vector<16xi1> -> vector<16xi32>
        %add3A_922 = arith.addi %scan3A_897, %masked_cumsum3A : vector<16xi32>
        %sub3A_923 = arith.constant 1 : i32
        %sub3A_924 = vector.broadcast %sub3A_923 : i32 to vector<16xi32>
        %sub3A_925 = arith.subi %add3A_922, %sub3A_924 : vector<16xi32>
        tpu.vector_store_idx %arg19[%sub3A_925], %add3A_914 masked %ge3A_910 : memref<50512xi32, #tpu.memory_space<vmem>>[vector<16xi32>], vector<16xi32>, vector<16xi1>
        %all_reduce_population_count3A = tpu.all_reduce %ge3A_910 {dim = 0 : i64, kind = #tpu.reduction_kind<sum>} : vector<16xi1> -> vector<16xi32>
        %add3A_926 = arith.addi %scan3A_897, %all_reduce_population_count3A : vector<16xi32>
        %mul3A_927 = arith.constant 5 : i32
        %mul3A_928 = arith.muli %scan3A_896, %mul3A_927 : i32
        %add3A_929 = arith.constant 1 : i32
        %add3A_930 = arith.addi %mul3A_928, %add3A_929 : i32
        %mul3A_931 = arith.constant 16 : i32
        %mul3A_932 = arith.muli %add3A_930, %mul3A_931 : i32
        %get3A_933 = arith.index_cast %mul3A_932 : i32 to index
        %get3A_934 = tpu.vector_load %arg17[%get3A_933] {strides = array<i32>} : memref<2000xi32, #tpu.memory_space<vmem>>, vector<16xi32>,
        %mul3A_935 = arith.constant 16 : i32
        %mul3A_936 = arith.muli %add3A_930, %mul3A_935 : i32
        %get3A_937 = arith.index_cast %mul3A_936 : i32 to index
        %get3A_938 = tpu.vector_load %arg18[%get3A_937] {strides = array<i32>} : memref<2000xi32, #tpu.memory_space<vmem>>, vector<16xi32>,
        %gather3A_939 = tpu.vector_load_idx %arg8[%get3A_934] : memref<50000xi32, #tpu.memory_space<vmem>>[vector<16xi32>], vector<16xi32>,
        %ge3A_940 = arith.constant 0 : i32
        %ge3A_941 = vector.broadcast %ge3A_940 : i32 to vector<16xi32>
        %ge3A_942 = arith.cmpi sge, %gather3A_939, %ge3A_941 : vector<16xi32>
        %mul3A_943 = arith.constant 1024 : i32
        %mul3A_944 = vector.broadcast %mul3A_943 : i32 to vector<16xi32>
        %mul3A_945 = arith.muli %get3A_938, %mul3A_944 : vector<16xi32>
        %add3A_946 = arith.addi %mul3A_945, %gather3A_939 : vector<16xi32>
        %jit3A_947 = arith.constant 1 : i32
        %jit3A_948 = arith.constant 0 : i32
        %broadcast_in_dim3A_949 = vector.broadcast %jit3A_947 : i32 to vector<16xi32>
        %broadcast_in_dim3A_950 = vector.broadcast %jit3A_948 : i32 to vector<16xi32>
        %select_n3A_951 = arith.select %ge3A_942, %broadcast_in_dim3A_949, %broadcast_in_dim3A_950 : vector<16xi1>, vector<16xi32>
        %broadcast_in_dim3A_952 = arith.constant true
        %broadcast_in_dim3A_953 = vector.broadcast %broadcast_in_dim3A_952 : i1 to vector<16xi1>
        %masked_cumsum3A_954 = tpu.scan <sum>, %select_n3A_951 masked %broadcast_in_dim3A_953 : vector<16xi32>, vector<16xi1> -> vector<16xi32>
        %add3A_955 = arith.addi %add3A_926, %masked_cumsum3A_954 : vector<16xi32>
        %sub3A_956 = arith.constant 1 : i32
        %sub3A_957 = vector.broadcast %sub3A_956 : i32 to vector<16xi32>
        %sub3A_958 = arith.subi %add3A_955, %sub3A_957 : vector<16xi32>
        tpu.vector_store_idx %arg19[%sub3A_958], %add3A_946 masked %ge3A_942 : memref<50512xi32, #tpu.memory_space<vmem>>[vector<16xi32>], vector<16xi32>, vector<16xi1>
        %all_reduce_population_count3A_959 = tpu.all_reduce %ge3A_942 {dim = 0 : i64, kind = #tpu.reduction_kind<sum>} : vector<16xi1> -> vector<16xi32>
        %add3A_960 = arith.addi %add3A_926, %all_reduce_population_count3A_959 : vector<16xi32>
        %mul3A_961 = arith.constant 5 : i32
        %mul3A_962 = arith.muli %scan3A_896, %mul3A_961 : i32
        %add3A_963 = arith.constant 2 : i32
        %add3A_964 = arith.addi %mul3A_962, %add3A_963 : i32
        %mul3A_965 = arith.constant 16 : i32
        %mul3A_966 = arith.muli %add3A_964, %mul3A_965 : i32
        %get3A_967 = arith.index_cast %mul3A_966 : i32 to index
        %get3A_968 = tpu.vector_load %arg17[%get3A_967] {strides = array<i32>} : memref<2000xi32, #tpu.memory_space<vmem>>, vector<16xi32>,
        %mul3A_969 = arith.constant 16 : i32
        %mul3A_970 = arith.muli %add3A_964, %mul3A_969 : i32
        %get3A_971 = arith.index_cast %mul3A_970 : i32 to index
        %get3A_972 = tpu.vector_load %arg18[%get3A_971] {strides = array<i32>} : memref<2000xi32, #tpu.memory_space<vmem>>, vector<16xi32>,
        %gather3A_973 = tpu.vector_load_idx %arg8[%get3A_968] : memref<50000xi32, #tpu.memory_space<vmem>>[vector<16xi32>], vector<16xi32>,
        %ge3A_974 = arith.constant 0 : i32
        %ge3A_975 = vector.broadcast %ge3A_974 : i32 to vector<16xi32>
        %ge3A_976 = arith.cmpi sge, %gather3A_973, %ge3A_975 : vector<16xi32>
        %mul3A_977 = arith.constant 1024 : i32
        %mul3A_978 = vector.broadcast %mul3A_977 : i32 to vector<16xi32>
        %mul3A_979 = arith.muli %get3A_972, %mul3A_978 : vector<16xi32>
        %add3A_980 = arith.addi %mul3A_979, %gather3A_973 : vector<16xi32>
        %jit3A_981 = arith.constant 1 : i32
        %jit3A_982 = arith.constant 0 : i32
        %broadcast_in_dim3A_983 = vector.broadcast %jit3A_981 : i32 to vector<16xi32>
        %broadcast_in_dim3A_984 = vector.broadcast %jit3A_982 : i32 to vector<16xi32>
        %select_n3A_985 = arith.select %ge3A_976, %broadcast_in_dim3A_983, %broadcast_in_dim3A_984 : vector<16xi1>, vector<16xi32>
        %broadcast_in_dim3A_986 = arith.constant true
        %broadcast_in_dim3A_987 = vector.broadcast %broadcast_in_dim3A_986 : i1 to vector<16xi1>
        %masked_cumsum3A_988 = tpu.scan <sum>, %select_n3A_985 masked %broadcast_in_dim3A_987 : vector<16xi32>, vector<16xi1> -> vector<16xi32>
        %add3A_989 = arith.addi %add3A_960, %masked_cumsum3A_988 : vector<16xi32>
        %sub3A_990 = arith.constant 1 : i32
        %sub3A_991 = vector.broadcast %sub3A_990 : i32 to vector<16xi32>
        %sub3A_992 = arith.subi %add3A_989, %sub3A_991 : vector<16xi32>
        tpu.vector_store_idx %arg19[%sub3A_992], %add3A_980 masked %ge3A_976 : memref<50512xi32, #tpu.memory_space<vmem>>[vector<16xi32>], vector<16xi32>, vector<16xi1>
        %all_reduce_population_count3A_993 = tpu.all_reduce %ge3A_976 {dim = 0 : i64, kind = #tpu.reduction_kind<sum>} : vector<16xi1> -> vector<16xi32>
        %add3A_994 = arith.addi %add3A_960, %all_reduce_population_count3A_993 : vector<16xi32>
        %mul3A_995 = arith.constant 5 : i32
        %mul3A_996 = arith.muli %scan3A_896, %mul3A_995 : i32
        %add3A_997 = arith.constant 3 : i32
        %add3A_998 = arith.addi %mul3A_996, %add3A_997 : i32
        %mul3A_999 = arith.constant 16 : i32
        %mul3A_1000 = arith.muli %add3A_998, %mul3A_999 : i32
        %get3A_1001 = arith.index_cast %mul3A_1000 : i32 to index
        %get3A_1002 = tpu.vector_load %arg17[%get3A_1001] {strides = array<i32>} : memref<2000xi32, #tpu.memory_space<vmem>>, vector<16xi32>,
        %mul3A_1003 = arith.constant 16 : i32
        %mul3A_1004 = arith.muli %add3A_998, %mul3A_1003 : i32
        %get3A_1005 = arith.index_cast %mul3A_1004 : i32 to index
        %get3A_1006 = tpu.vector_load %arg18[%get3A_1005] {strides = array<i32>} : memref<2000xi32, #tpu.memory_space<vmem>>, vector<16xi32>,
        %gather3A_1007 = tpu.vector_load_idx %arg8[%get3A_1002] : memref<50000xi32, #tpu.memory_space<vmem>>[vector<16xi32>], vector<16xi32>,
        %ge3A_1008 = arith.constant 0 : i32
        %ge3A_1009 = vector.broadcast %ge3A_1008 : i32 to vector<16xi32>
        %ge3A_1010 = arith.cmpi sge, %gather3A_1007, %ge3A_1009 : vector<16xi32>
        %mul3A_1011 = arith.constant 1024 : i32
        %mul3A_1012 = vector.broadcast %mul3A_1011 : i32 to vector<16xi32>
        %mul3A_1013 = arith.muli %get3A_1006, %mul3A_1012 : vector<16xi32>
        %add3A_1014 = arith.addi %mul3A_1013, %gather3A_1007 : vector<16xi32>
        %jit3A_1015 = arith.constant 1 : i32
        %jit3A_1016 = arith.constant 0 : i32
        %broadcast_in_dim3A_1017 = vector.broadcast %jit3A_1015 : i32 to vector<16xi32>
        %broadcast_in_dim3A_1018 = vector.broadcast %jit3A_1016 : i32 to vector<16xi32>
        %select_n3A_1019 = arith.select %ge3A_1010, %broadcast_in_dim3A_1017, %broadcast_in_dim3A_1018 : vector<16xi1>, vector<16xi32>
        %broadcast_in_dim3A_1020 = arith.constant true
        %broadcast_in_dim3A_1021 = vector.broadcast %broadcast_in_dim3A_1020 : i1 to vector<16xi1>
        %masked_cumsum3A_1022 = tpu.scan <sum>, %select_n3A_1019 masked %broadcast_in_dim3A_1021 : vector<16xi32>, vector<16xi1> -> vector<16xi32>
        %add3A_1023 = arith.addi %add3A_994, %masked_cumsum3A_1022 : vector<16xi32>
        %sub3A_1024 = arith.constant 1 : i32
        %sub3A_1025 = vector.broadcast %sub3A_1024 : i32 to vector<16xi32>
        %sub3A_1026 = arith.subi %add3A_1023, %sub3A_1025 : vector<16xi32>
        tpu.vector_store_idx %arg19[%sub3A_1026], %add3A_1014 masked %ge3A_1010 : memref<50512xi32, #tpu.memory_space<vmem>>[vector<16xi32>], vector<16xi32>, vector<16xi1>
        %all_reduce_population_count3A_1027 = tpu.all_reduce %ge3A_1010 {dim = 0 : i64, kind = #tpu.reduction_kind<sum>} : vector<16xi1> -> vector<16xi32>
        %add3A_1028 = arith.addi %add3A_994, %all_reduce_population_count3A_1027 : vector<16xi32>
        %mul3A_1029 = arith.constant 5 : i32
        %mul3A_1030 = arith.muli %scan3A_896, %mul3A_1029 : i32
        %add3A_1031 = arith.constant 4 : i32
        %add3A_1032 = arith.addi %mul3A_1030, %add3A_1031 : i32
        %mul3A_1033 = arith.constant 16 : i32
        %mul3A_1034 = arith.muli %add3A_1032, %mul3A_1033 : i32
        %get3A_1035 = arith.index_cast %mul3A_1034 : i32 to index
        %get3A_1036 = tpu.vector_load %arg17[%get3A_1035] {strides = array<i32>} : memref<2000xi32, #tpu.memory_space<vmem>>, vector<16xi32>,
        %mul3A_1037 = arith.constant 16 : i32
        %mul3A_1038 = arith.muli %add3A_1032, %mul3A_1037 : i32
        %get3A_1039 = arith.index_cast %mul3A_1038 : i32 to index
        %get3A_1040 = tpu.vector_load %arg18[%get3A_1039] {strides = array<i32>} : memref<2000xi32, #tpu.memory_space<vmem>>, vector<16xi32>,
        %gather3A_1041 = tpu.vector_load_idx %arg8[%get3A_1036] : memref<50000xi32, #tpu.memory_space<vmem>>[vector<16xi32>], vector<16xi32>,
        %ge3A_1042 = arith.constant 0 : i32
        %ge3A_1043 = vector.broadcast %ge3A_1042 : i32 to vector<16xi32>
        %ge3A_1044 = arith.cmpi sge, %gather3A_1041, %ge3A_1043 : vector<16xi32>
        %mul3A_1045 = arith.constant 1024 : i32
        %mul3A_1046 = vector.broadcast %mul3A_1045 : i32 to vector<16xi32>
        %mul3A_1047 = arith.muli %get3A_1040, %mul3A_1046 : vector<16xi32>
        %add3A_1048 = arith.addi %mul3A_1047, %gather3A_1041 : vector<16xi32>
        %jit3A_1049 = arith.constant 1 : i32
        %jit3A_1050 = arith.constant 0 : i32
        %broadcast_in_dim3A_1051 = vector.broadcast %jit3A_1049 : i32 to vector<16xi32>
        %broadcast_in_dim3A_1052 = vector.broadcast %jit3A_1050 : i32 to vector<16xi32>
        %select_n3A_1053 = arith.select %ge3A_1044, %broadcast_in_dim3A_1051, %broadcast_in_dim3A_1052 : vector<16xi1>, vector<16xi32>
        %broadcast_in_dim3A_1054 = arith.constant true
        %broadcast_in_dim3A_1055 = vector.broadcast %broadcast_in_dim3A_1054 : i1 to vector<16xi1>
        %masked_cumsum3A_1056 = tpu.scan <sum>, %select_n3A_1053 masked %broadcast_in_dim3A_1055 : vector<16xi32>, vector<16xi1> -> vector<16xi32>
        %add3A_1057 = arith.addi %add3A_1028, %masked_cumsum3A_1056 : vector<16xi32>
        %sub3A_1058 = arith.constant 1 : i32
        %sub3A_1059 = vector.broadcast %sub3A_1058 : i32 to vector<16xi32>
        %sub3A_1060 = arith.subi %add3A_1057, %sub3A_1059 : vector<16xi32>
        tpu.vector_store_idx %arg19[%sub3A_1060], %add3A_1048 masked %ge3A_1044 : memref<50512xi32, #tpu.memory_space<vmem>>[vector<16xi32>], vector<16xi32>, vector<16xi1>
        %all_reduce_population_count3A_1061 = tpu.all_reduce %ge3A_1044 {dim = 0 : i64, kind = #tpu.reduction_kind<sum>} : vector<16xi1> -> vector<16xi32>
        %add3A_1062 = arith.addi %add3A_1028, %all_reduce_population_count3A_1061 : vector<16xi32>
        scf.yield %add3A_1062 : vector<16xi32>
      }
      %scan3A_867 = arith.constant 25 : i32
      %mul3A_868 = arith.constant 5 : i32
      %mul3A_869 = arith.muli %mul3A_868, %scan3A_614 : i32
      %add3A_870 = arith.constant 4 : i32
      %add3A_871 = arith.addi %mul3A_869, %add3A_870 : i32
      %add3A_872 = arith.constant 5 : i32
      %add3A_873 = arith.addi %add3A_871, %add3A_872 : i32
      %mul3A_874 = arith.constant 2000 : i32
      %mul3A_875 = arith.muli %add3A_873, %mul3A_874 : i32
      %add3A_876 = arith.addi %mul3A_2, %mul3A_875 : i32
      %multiple_of3A_877 = tpu.assume_multiple %add3A_876, 8 : i32
      %dma_start3A_878 = arith.constant 1 : i32
      %dma_start3A_879 = arith.constant 0 : i32
      %dma_start3A_880 = tpu.memref_slice %arg2[%dma_start3A_878, %dma_start3A_879] : memref<2x1600000xi32, #tpu.memory_space<hbm>> -> memref<1x1600000xi32, #tpu.memory_space<hbm>>
      %dma_start3A_881 = tpu.memref_squeeze %dma_start3A_880 : memref<1x1600000xi32, #tpu.memory_space<hbm>> -> memref<1600000xi32, #tpu.memory_space<hbm>>
      %dma_start3A_882 = tpu.memref_slice %dma_start3A_881[%multiple_of3A_877] : memref<1600000xi32, #tpu.memory_space<hbm>> -> memref<2000xi32, #tpu.memory_space<hbm>>
      %dma_start3A_883 = arith.constant 0 : i32
      %dma_start3A_884 = tpu.memref_slice %arg2[%dma_start3A_878, %dma_start3A_883] : memref<2x1600000xi32, #tpu.memory_space<hbm>> -> memref<1x1600000xi32, #tpu.memory_space<hbm>>
      %dma_start3A_885 = tpu.memref_squeeze %dma_start3A_884 : memref<1x1600000xi32, #tpu.memory_space<hbm>> -> memref<1600000xi32, #tpu.memory_space<hbm>>
      %dma_start3A_886 = tpu.memref_slice %dma_start3A_885[%multiple_of3A_877] : memref<1600000xi32, #tpu.memory_space<hbm>> -> memref<2000xi32, #tpu.memory_space<hbm>>
      tpu.enqueue_dma source(%dma_start3A_886 : memref<2000xi32, #tpu.memory_space<hbm>>) target(%arg17 : memref<2000xi32, #tpu.memory_space<vmem>>) target_semaphore(%arg27 : memref<!tpu.dma_semaphore, #tpu.memory_space<semaphore_mem>>)
      %dma_start3A_887 = arith.constant 0 : i32
      %dma_start3A_888 = arith.constant 0 : i32
      %dma_start3A_889 = tpu.memref_slice %arg2[%dma_start3A_887, %dma_start3A_888] : memref<2x1600000xi32, #tpu.memory_space<hbm>> -> memref<1x1600000xi32, #tpu.memory_space<hbm>>
      %dma_start3A_890 = tpu.memref_squeeze %dma_start3A_889 : memref<1x1600000xi32, #tpu.memory_space<hbm>> -> memref<1600000xi32, #tpu.memory_space<hbm>>
      %dma_start3A_891 = tpu.memref_slice %dma_start3A_890[%multiple_of3A_877] : memref<1600000xi32, #tpu.memory_space<hbm>> -> memref<2000xi32, #tpu.memory_space<hbm>>
      %dma_start3A_892 = arith.constant 0 : i32
      %dma_start3A_893 = tpu.memref_slice %arg2[%dma_start3A_887, %dma_start3A_892] : memref<2x1600000xi32, #tpu.memory_space<hbm>> -> memref<1x1600000xi32, #tpu.memory_space<hbm>>
      %dma_start3A_894 = tpu.memref_squeeze %dma_start3A_893 : memref<1x1600000xi32, #tpu.memory_space<hbm>> -> memref<1600000xi32, #tpu.memory_space<hbm>>
      %dma_start3A_895 = tpu.memref_slice %dma_start3A_894[%multiple_of3A_877] : memref<1600000xi32, #tpu.memory_space<hbm>> -> memref<2000xi32, #tpu.memory_space<hbm>>
      tpu.enqueue_dma source(%dma_start3A_895 : memref<2000xi32, #tpu.memory_space<hbm>>) target(%arg18 : memref<2000xi32, #tpu.memory_space<vmem>>) target_semaphore(%arg27 : memref<!tpu.dma_semaphore, #tpu.memory_space<semaphore_mem>>)
      scf.yield %scan3A_866 : vector<16xi32>
    }
    %scan3A_111 = arith.constant 4 : i32
    %dma_wait3A = arith.constant 1 : i32
    %dma_wait3A_112 = arith.constant 0 : i32
    %dma_wait3A_113 = tpu.memref_slice %arg2[%dma_wait3A, %dma_wait3A_112] : memref<2x1600000xi32, #tpu.memory_space<hbm>> -> memref<1x1600000xi32, #tpu.memory_space<hbm>>
    %dma_wait3A_114 = tpu.memref_squeeze %dma_wait3A_113 : memref<1x1600000xi32, #tpu.memory_space<hbm>> -> memref<1600000xi32, #tpu.memory_space<hbm>>
    %dma_wait3A_115 = arith.constant 0 : i32
    %dma_wait3A_116 = tpu.memref_slice %dma_wait3A_114[%dma_wait3A_115] : memref<1600000xi32, #tpu.memory_space<hbm>> -> memref<2000xi32, #tpu.memory_space<hbm>>
    %dma_wait3A_117 = arith.constant 0 : i32
    %dma_wait3A_118 = tpu.memref_slice %arg2[%dma_wait3A, %dma_wait3A_117] : memref<2x1600000xi32, #tpu.memory_space<hbm>> -> memref<1x1600000xi32, #tpu.memory_space<hbm>>
    %dma_wait3A_119 = tpu.memref_squeeze %dma_wait3A_118 : memref<1x1600000xi32, #tpu.memory_space<hbm>> -> memref<1600000xi32, #tpu.memory_space<hbm>>
    %dma_wait3A_120 = arith.constant 0 : i32
    %dma_wait3A_121 = tpu.memref_slice %dma_wait3A_119[%dma_wait3A_120] : memref<1600000xi32, #tpu.memory_space<hbm>> -> memref<2000xi32, #tpu.memory_space<hbm>>
    tpu.wait_dma2 semaphore(%arg23 : memref<!tpu.dma_semaphore, #tpu.memory_space<semaphore_mem>>) src(%dma_wait3A_121 : memref<2000xi32, #tpu.memory_space<hbm>>) dst(%arg9 : memref<2000xi32, #tpu.memory_space<vmem>>)
    %dma_wait3A_122 = arith.constant 0 : i32
    %dma_wait3A_123 = arith.constant 0 : i32
    %dma_wait3A_124 = tpu.memref_slice %arg2[%dma_wait3A_122, %dma_wait3A_123] : memref<2x1600000xi32, #tpu.memory_space<hbm>> -> memref<1x1600000xi32, #tpu.memory_space<hbm>>
    %dma_wait3A_125 = tpu.memref_squeeze %dma_wait3A_124 : memref<1x1600000xi32, #tpu.memory_space<hbm>> -> memref<1600000xi32, #tpu.memory_space<hbm>>
    %dma_wait3A_126 = arith.constant 0 : i32
    %dma_wait3A_127 = tpu.memref_slice %dma_wait3A_125[%dma_wait3A_126] : memref<1600000xi32, #tpu.memory_space<hbm>> -> memref<2000xi32, #tpu.memory_space<hbm>>
    %dma_wait3A_128 = arith.constant 0 : i32
    %dma_wait3A_129 = tpu.memref_slice %arg2[%dma_wait3A_122, %dma_wait3A_128] : memref<2x1600000xi32, #tpu.memory_space<hbm>> -> memref<1x1600000xi32, #tpu.memory_space<hbm>>
    %dma_wait3A_130 = tpu.memref_squeeze %dma_wait3A_129 : memref<1x1600000xi32, #tpu.memory_space<hbm>> -> memref<1600000xi32, #tpu.memory_space<hbm>>
    %dma_wait3A_131 = arith.constant 0 : i32
    %dma_wait3A_132 = tpu.memref_slice %dma_wait3A_130[%dma_wait3A_131] : memref<1600000xi32, #tpu.memory_space<hbm>> -> memref<2000xi32, #tpu.memory_space<hbm>>
    tpu.wait_dma2 semaphore(%arg23 : memref<!tpu.dma_semaphore, #tpu.memory_space<semaphore_mem>>) src(%dma_wait3A_132 : memref<2000xi32, #tpu.memory_space<hbm>>) dst(%arg10 : memref<2000xi32, #tpu.memory_space<vmem>>)
    %scan3A_133 = arith.constant 0 : i32
    %scan3A_134 = arith.constant 25 : i32
    %scan3A_135 = arith.addi %scan3A_133, %scan3A_134 : i32
    %scan3A_136 = arith.constant 1 : i32
    %scan3A_137 = scf.for %scan3A_614 = %scan3A_133 to %scan3A_135 step %scan3A_136 iter_args(%scan3A_615 = %scan3A_110) -> (vector<16xi32>)  : i32 {
      %mul3A_616 = arith.constant 5 : i32
      %mul3A_617 = arith.muli %scan3A_614, %mul3A_616 : i32
      %add3A_618 = arith.constant 0 : i32
      %add3A_619 = arith.addi %mul3A_617, %add3A_618 : i32
      %mul3A_620 = arith.constant 16 : i32
      %mul3A_621 = arith.muli %add3A_619, %mul3A_620 : i32
      %get3A = arith.index_cast %mul3A_621 : i32 to index
      %get3A_622 = tpu.vector_load %arg9[%get3A] {strides = array<i32>} : memref<2000xi32, #tpu.memory_space<vmem>>, vector<16xi32>,
      %mul3A_623 = arith.constant 16 : i32
      %mul3A_624 = arith.muli %add3A_619, %mul3A_623 : i32
      %get3A_625 = arith.index_cast %mul3A_624 : i32 to index
      %get3A_626 = tpu.vector_load %arg10[%get3A_625] {strides = array<i32>} : memref<2000xi32, #tpu.memory_space<vmem>>, vector<16xi32>,
      %gather3A = tpu.vector_load_idx %arg8[%get3A_622] : memref<50000xi32, #tpu.memory_space<vmem>>[vector<16xi32>], vector<16xi32>,
      %ge3A = arith.constant 0 : i32
      %ge3A_627 = vector.broadcast %ge3A : i32 to vector<16xi32>
      %ge3A_628 = arith.cmpi sge, %gather3A, %ge3A_627 : vector<16xi32>
      %mul3A_629 = arith.constant 1024 : i32
      %mul3A_630 = vector.broadcast %mul3A_629 : i32 to vector<16xi32>
      %mul3A_631 = arith.muli %get3A_626, %mul3A_630 : vector<16xi32>
      %add3A_632 = arith.addi %mul3A_631, %gather3A : vector<16xi32>
      %jit3A_633 = arith.constant 1 : i32
      %jit3A_634 = arith.constant 0 : i32
      %broadcast_in_dim3A_635 = vector.broadcast %jit3A_633 : i32 to vector<16xi32>
      %broadcast_in_dim3A_636 = vector.broadcast %jit3A_634 : i32 to vector<16xi32>
      %select_n3A_637 = arith.select %ge3A_628, %broadcast_in_dim3A_635, %broadcast_in_dim3A_636 : vector<16xi1>, vector<16xi32>
      %broadcast_in_dim3A_638 = arith.constant true
      %broadcast_in_dim3A_639 = vector.broadcast %broadcast_in_dim3A_638 : i1 to vector<16xi1>
      %masked_cumsum3A = tpu.scan <sum>, %select_n3A_637 masked %broadcast_in_dim3A_639 : vector<16xi32>, vector<16xi1> -> vector<16xi32>
      %add3A_640 = arith.addi %scan3A_615, %masked_cumsum3A : vector<16xi32>
      %sub3A_641 = arith.constant 1 : i32
      %sub3A_642 = vector.broadcast %sub3A_641 : i32 to vector<16xi32>
      %sub3A_643 = arith.subi %add3A_640, %sub3A_642 : vector<16xi32>
      tpu.vector_store_idx %arg19[%sub3A_643], %add3A_632 masked %ge3A_628 : memref<50512xi32, #tpu.memory_space<vmem>>[vector<16xi32>], vector<16xi32>, vector<16xi1>
      %all_reduce_population_count3A = tpu.all_reduce %ge3A_628 {dim = 0 : i64, kind = #tpu.reduction_kind<sum>} : vector<16xi1> -> vector<16xi32>
      %add3A_644 = arith.addi %scan3A_615, %all_reduce_population_count3A : vector<16xi32>
      %mul3A_645 = arith.constant 5 : i32
      %mul3A_646 = arith.muli %scan3A_614, %mul3A_645 : i32
      %add3A_647 = arith.constant 1 : i32
      %add3A_648 = arith.addi %mul3A_646, %add3A_647 : i32
      %mul3A_649 = arith.constant 16 : i32
      %mul3A_650 = arith.muli %add3A_648, %mul3A_649 : i32
      %get3A_651 = arith.index_cast %mul3A_650 : i32 to index
      %get3A_652 = tpu.vector_load %arg9[%get3A_651] {strides = array<i32>} : memref<2000xi32, #tpu.memory_space<vmem>>, vector<16xi32>,
      %mul3A_653 = arith.constant 16 : i32
      %mul3A_654 = arith.muli %add3A_648, %mul3A_653 : i32
      %get3A_655 = arith.index_cast %mul3A_654 : i32 to index
      %get3A_656 = tpu.vector_load %arg10[%get3A_655] {strides = array<i32>} : memref<2000xi32, #tpu.memory_space<vmem>>, vector<16xi32>,
      %gather3A_657 = tpu.vector_load_idx %arg8[%get3A_652] : memref<50000xi32, #tpu.memory_space<vmem>>[vector<16xi32>], vector<16xi32>,
      %ge3A_658 = arith.constant 0 : i32
      %ge3A_659 = vector.broadcast %ge3A_658 : i32 to vector<16xi32>
      %ge3A_660 = arith.cmpi sge, %gather3A_657, %ge3A_659 : vector<16xi32>
      %mul3A_661 = arith.constant 1024 : i32
      %mul3A_662 = vector.broadcast %mul3A_661 : i32 to vector<16xi32>
      %mul3A_663 = arith.muli %get3A_656, %mul3A_662 : vector<16xi32>
      %add3A_664 = arith.addi %mul3A_663, %gather3A_657 : vector<16xi32>
      %jit3A_665 = arith.constant 1 : i32
      %jit3A_666 = arith.constant 0 : i32
      %broadcast_in_dim3A_667 = vector.broadcast %jit3A_665 : i32 to vector<16xi32>
      %broadcast_in_dim3A_668 = vector.broadcast %jit3A_666 : i32 to vector<16xi32>
      %select_n3A_669 = arith.select %ge3A_660, %broadcast_in_dim3A_667, %broadcast_in_dim3A_668 : vector<16xi1>, vector<16xi32>
      %broadcast_in_dim3A_670 = arith.constant true
      %broadcast_in_dim3A_671 = vector.broadcast %broadcast_in_dim3A_670 : i1 to vector<16xi1>
      %masked_cumsum3A_672 = tpu.scan <sum>, %select_n3A_669 masked %broadcast_in_dim3A_671 : vector<16xi32>, vector<16xi1> -> vector<16xi32>
      %add3A_673 = arith.addi %add3A_644, %masked_cumsum3A_672 : vector<16xi32>
      %sub3A_674 = arith.constant 1 : i32
      %sub3A_675 = vector.broadcast %sub3A_674 : i32 to vector<16xi32>
      %sub3A_676 = arith.subi %add3A_673, %sub3A_675 : vector<16xi32>
      tpu.vector_store_idx %arg19[%sub3A_676], %add3A_664 masked %ge3A_660 : memref<50512xi32, #tpu.memory_space<vmem>>[vector<16xi32>], vector<16xi32>, vector<16xi1>
      %all_reduce_population_count3A_677 = tpu.all_reduce %ge3A_660 {dim = 0 : i64, kind = #tpu.reduction_kind<sum>} : vector<16xi1> -> vector<16xi32>
      %add3A_678 = arith.addi %add3A_644, %all_reduce_population_count3A_677 : vector<16xi32>
      %mul3A_679 = arith.constant 5 : i32
      %mul3A_680 = arith.muli %scan3A_614, %mul3A_679 : i32
      %add3A_681 = arith.constant 2 : i32
      %add3A_682 = arith.addi %mul3A_680, %add3A_681 : i32
      %mul3A_683 = arith.constant 16 : i32
      %mul3A_684 = arith.muli %add3A_682, %mul3A_683 : i32
      %get3A_685 = arith.index_cast %mul3A_684 : i32 to index
      %get3A_686 = tpu.vector_load %arg9[%get3A_685] {strides = array<i32>} : memref<2000xi32, #tpu.memory_space<vmem>>, vector<16xi32>,
      %mul3A_687 = arith.constant 16 : i32
      %mul3A_688 = arith.muli %add3A_682, %mul3A_687 : i32
      %get3A_689 = arith.index_cast %mul3A_688 : i32 to index
      %get3A_690 = tpu.vector_load %arg10[%get3A_689] {strides = array<i32>} : memref<2000xi32, #tpu.memory_space<vmem>>, vector<16xi32>,
      %gather3A_691 = tpu.vector_load_idx %arg8[%get3A_686] : memref<50000xi32, #tpu.memory_space<vmem>>[vector<16xi32>], vector<16xi32>,
      %ge3A_692 = arith.constant 0 : i32
      %ge3A_693 = vector.broadcast %ge3A_692 : i32 to vector<16xi32>
      %ge3A_694 = arith.cmpi sge, %gather3A_691, %ge3A_693 : vector<16xi32>
      %mul3A_695 = arith.constant 1024 : i32
      %mul3A_696 = vector.broadcast %mul3A_695 : i32 to vector<16xi32>
      %mul3A_697 = arith.muli %get3A_690, %mul3A_696 : vector<16xi32>
      %add3A_698 = arith.addi %mul3A_697, %gather3A_691 : vector<16xi32>
      %jit3A_699 = arith.constant 1 : i32
      %jit3A_700 = arith.constant 0 : i32
      %broadcast_in_dim3A_701 = vector.broadcast %jit3A_699 : i32 to vector<16xi32>
      %broadcast_in_dim3A_702 = vector.broadcast %jit3A_700 : i32 to vector<16xi32>
      %select_n3A_703 = arith.select %ge3A_694, %broadcast_in_dim3A_701, %broadcast_in_dim3A_702 : vector<16xi1>, vector<16xi32>
      %broadcast_in_dim3A_704 = arith.constant true
      %broadcast_in_dim3A_705 = vector.broadcast %broadcast_in_dim3A_704 : i1 to vector<16xi1>
      %masked_cumsum3A_706 = tpu.scan <sum>, %select_n3A_703 masked %broadcast_in_dim3A_705 : vector<16xi32>, vector<16xi1> -> vector<16xi32>
      %add3A_707 = arith.addi %add3A_678, %masked_cumsum3A_706 : vector<16xi32>
      %sub3A_708 = arith.constant 1 : i32
      %sub3A_709 = vector.broadcast %sub3A_708 : i32 to vector<16xi32>
      %sub3A_710 = arith.subi %add3A_707, %sub3A_709 : vector<16xi32>
      tpu.vector_store_idx %arg19[%sub3A_710], %add3A_698 masked %ge3A_694 : memref<50512xi32, #tpu.memory_space<vmem>>[vector<16xi32>], vector<16xi32>, vector<16xi1>
      %all_reduce_population_count3A_711 = tpu.all_reduce %ge3A_694 {dim = 0 : i64, kind = #tpu.reduction_kind<sum>} : vector<16xi1> -> vector<16xi32>
      %add3A_712 = arith.addi %add3A_678, %all_reduce_population_count3A_711 : vector<16xi32>
      %mul3A_713 = arith.constant 5 : i32
      %mul3A_714 = arith.muli %scan3A_614, %mul3A_713 : i32
      %add3A_715 = arith.constant 3 : i32
      %add3A_716 = arith.addi %mul3A_714, %add3A_715 : i32
      %mul3A_717 = arith.constant 16 : i32
      %mul3A_718 = arith.muli %add3A_716, %mul3A_717 : i32
      %get3A_719 = arith.index_cast %mul3A_718 : i32 to index
      %get3A_720 = tpu.vector_load %arg9[%get3A_719] {strides = array<i32>} : memref<2000xi32, #tpu.memory_space<vmem>>, vector<16xi32>,
      %mul3A_721 = arith.constant 16 : i32
      %mul3A_722 = arith.muli %add3A_716, %mul3A_721 : i32
      %get3A_723 = arith.index_cast %mul3A_722 : i32 to index
      %get3A_724 = tpu.vector_load %arg10[%get3A_723] {strides = array<i32>} : memref<2000xi32, #tpu.memory_space<vmem>>, vector<16xi32>,
      %gather3A_725 = tpu.vector_load_idx %arg8[%get3A_720] : memref<50000xi32, #tpu.memory_space<vmem>>[vector<16xi32>], vector<16xi32>,
      %ge3A_726 = arith.constant 0 : i32
      %ge3A_727 = vector.broadcast %ge3A_726 : i32 to vector<16xi32>
      %ge3A_728 = arith.cmpi sge, %gather3A_725, %ge3A_727 : vector<16xi32>
      %mul3A_729 = arith.constant 1024 : i32
      %mul3A_730 = vector.broadcast %mul3A_729 : i32 to vector<16xi32>
      %mul3A_731 = arith.muli %get3A_724, %mul3A_730 : vector<16xi32>
      %add3A_732 = arith.addi %mul3A_731, %gather3A_725 : vector<16xi32>
      %jit3A_733 = arith.constant 1 : i32
      %jit3A_734 = arith.constant 0 : i32
      %broadcast_in_dim3A_735 = vector.broadcast %jit3A_733 : i32 to vector<16xi32>
      %broadcast_in_dim3A_736 = vector.broadcast %jit3A_734 : i32 to vector<16xi32>
      %select_n3A_737 = arith.select %ge3A_728, %broadcast_in_dim3A_735, %broadcast_in_dim3A_736 : vector<16xi1>, vector<16xi32>
      %broadcast_in_dim3A_738 = arith.constant true
      %broadcast_in_dim3A_739 = vector.broadcast %broadcast_in_dim3A_738 : i1 to vector<16xi1>
      %masked_cumsum3A_740 = tpu.scan <sum>, %select_n3A_737 masked %broadcast_in_dim3A_739 : vector<16xi32>, vector<16xi1> -> vector<16xi32>
      %add3A_741 = arith.addi %add3A_712, %masked_cumsum3A_740 : vector<16xi32>
      %sub3A_742 = arith.constant 1 : i32
      %sub3A_743 = vector.broadcast %sub3A_742 : i32 to vector<16xi32>
      %sub3A_744 = arith.subi %add3A_741, %sub3A_743 : vector<16xi32>
      tpu.vector_store_idx %arg19[%sub3A_744], %add3A_732 masked %ge3A_728 : memref<50512xi32, #tpu.memory_space<vmem>>[vector<16xi32>], vector<16xi32>, vector<16xi1>
      %all_reduce_population_count3A_745 = tpu.all_reduce %ge3A_728 {dim = 0 : i64, kind = #tpu.reduction_kind<sum>} : vector<16xi1> -> vector<16xi32>
      %add3A_746 = arith.addi %add3A_712, %all_reduce_population_count3A_745 : vector<16xi32>
      %mul3A_747 = arith.constant 5 : i32
      %mul3A_748 = arith.muli %scan3A_614, %mul3A_747 : i32
      %add3A_749 = arith.constant 4 : i32
      %add3A_750 = arith.addi %mul3A_748, %add3A_749 : i32
      %mul3A_751 = arith.constant 16 : i32
      %mul3A_752 = arith.muli %add3A_750, %mul3A_751 : i32
      %get3A_753 = arith.index_cast %mul3A_752 : i32 to index
      %get3A_754 = tpu.vector_load %arg9[%get3A_753] {strides = array<i32>} : memref<2000xi32, #tpu.memory_space<vmem>>, vector<16xi32>,
      %mul3A_755 = arith.constant 16 : i32
      %mul3A_756 = arith.muli %add3A_750, %mul3A_755 : i32
      %get3A_757 = arith.index_cast %mul3A_756 : i32 to index
      %get3A_758 = tpu.vector_load %arg10[%get3A_757] {strides = array<i32>} : memref<2000xi32, #tpu.memory_space<vmem>>, vector<16xi32>,
      %gather3A_759 = tpu.vector_load_idx %arg8[%get3A_754] : memref<50000xi32, #tpu.memory_space<vmem>>[vector<16xi32>], vector<16xi32>,
      %ge3A_760 = arith.constant 0 : i32
      %ge3A_761 = vector.broadcast %ge3A_760 : i32 to vector<16xi32>
      %ge3A_762 = arith.cmpi sge, %gather3A_759, %ge3A_761 : vector<16xi32>
      %mul3A_763 = arith.constant 1024 : i32
      %mul3A_764 = vector.broadcast %mul3A_763 : i32 to vector<16xi32>
      %mul3A_765 = arith.muli %get3A_758, %mul3A_764 : vector<16xi32>
      %add3A_766 = arith.addi %mul3A_765, %gather3A_759 : vector<16xi32>
      %jit3A_767 = arith.constant 1 : i32
      %jit3A_768 = arith.constant 0 : i32
      %broadcast_in_dim3A_769 = vector.broadcast %jit3A_767 : i32 to vector<16xi32>
      %broadcast_in_dim3A_770 = vector.broadcast %jit3A_768 : i32 to vector<16xi32>
      %select_n3A_771 = arith.select %ge3A_762, %broadcast_in_dim3A_769, %broadcast_in_dim3A_770 : vector<16xi1>, vector<16xi32>
      %broadcast_in_dim3A_772 = arith.constant true
      %broadcast_in_dim3A_773 = vector.broadcast %broadcast_in_dim3A_772 : i1 to vector<16xi1>
      %masked_cumsum3A_774 = tpu.scan <sum>, %select_n3A_771 masked %broadcast_in_dim3A_773 : vector<16xi32>, vector<16xi1> -> vector<16xi32>
      %add3A_775 = arith.addi %add3A_746, %masked_cumsum3A_774 : vector<16xi32>
      %sub3A_776 = arith.constant 1 : i32
      %sub3A_777 = vector.broadcast %sub3A_776 : i32 to vector<16xi32>
      %sub3A_778 = arith.subi %add3A_775, %sub3A_777 : vector<16xi32>
      tpu.vector_store_idx %arg19[%sub3A_778], %add3A_766 masked %ge3A_762 : memref<50512xi32, #tpu.memory_space<vmem>>[vector<16xi32>], vector<16xi32>, vector<16xi1>
      %all_reduce_population_count3A_779 = tpu.all_reduce %ge3A_762 {dim = 0 : i64, kind = #tpu.reduction_kind<sum>} : vector<16xi1> -> vector<16xi32>
      %add3A_780 = arith.addi %add3A_746, %all_reduce_population_count3A_779 : vector<16xi32>
      scf.yield %add3A_780 : vector<16xi32>
    }
    %scan3A_138 = arith.constant 25 : i32
    %dma_wait3A_139 = arith.constant 1 : i32
    %dma_wait3A_140 = arith.constant 0 : i32
    %dma_wait3A_141 = tpu.memref_slice %arg2[%dma_wait3A_139, %dma_wait3A_140] : memref<2x1600000xi32, #tpu.memory_space<hbm>> -> memref<1x1600000xi32, #tpu.memory_space<hbm>>
    %dma_wait3A_142 = tpu.memref_squeeze %dma_wait3A_141 : memref<1x1600000xi32, #tpu.memory_space<hbm>> -> memref<1600000xi32, #tpu.memory_space<hbm>>
    %dma_wait3A_143 = arith.constant 0 : i32
    %dma_wait3A_144 = tpu.memref_slice %dma_wait3A_142[%dma_wait3A_143] : memref<1600000xi32, #tpu.memory_space<hbm>> -> memref<2000xi32, #tpu.memory_space<hbm>>
    %dma_wait3A_145 = arith.constant 0 : i32
    %dma_wait3A_146 = tpu.memref_slice %arg2[%dma_wait3A_139, %dma_wait3A_145] : memref<2x1600000xi32, #tpu.memory_space<hbm>> -> memref<1x1600000xi32, #tpu.memory_space<hbm>>
    %dma_wait3A_147 = tpu.memref_squeeze %dma_wait3A_146 : memref<1x1600000xi32, #tpu.memory_space<hbm>> -> memref<1600000xi32, #tpu.memory_space<hbm>>
    %dma_wait3A_148 = arith.constant 0 : i32
    %dma_wait3A_149 = tpu.memref_slice %dma_wait3A_147[%dma_wait3A_148] : memref<1600000xi32, #tpu.memory_space<hbm>> -> memref<2000xi32, #tpu.memory_space<hbm>>
    tpu.wait_dma2 semaphore(%arg24 : memref<!tpu.dma_semaphore, #tpu.memory_space<semaphore_mem>>) src(%dma_wait3A_149 : memref<2000xi32, #tpu.memory_space<hbm>>) dst(%arg11 : memref<2000xi32, #tpu.memory_space<vmem>>)
    %dma_wait3A_150 = arith.constant 0 : i32
    %dma_wait3A_151 = arith.constant 0 : i32
    %dma_wait3A_152 = tpu.memref_slice %arg2[%dma_wait3A_150, %dma_wait3A_151] : memref<2x1600000xi32, #tpu.memory_space<hbm>> -> memref<1x1600000xi32, #tpu.memory_space<hbm>>
    %dma_wait3A_153 = tpu.memref_squeeze %dma_wait3A_152 : memref<1x1600000xi32, #tpu.memory_space<hbm>> -> memref<1600000xi32, #tpu.memory_space<hbm>>
    %dma_wait3A_154 = arith.constant 0 : i32
    %dma_wait3A_155 = tpu.memref_slice %dma_wait3A_153[%dma_wait3A_154] : memref<1600000xi32, #tpu.memory_space<hbm>> -> memref<2000xi32, #tpu.memory_space<hbm>>
    %dma_wait3A_156 = arith.constant 0 : i32
    %dma_wait3A_157 = tpu.memref_slice %arg2[%dma_wait3A_150, %dma_wait3A_156] : memref<2x1600000xi32, #tpu.memory_space<hbm>> -> memref<1x1600000xi32, #tpu.memory_space<hbm>>
    %dma_wait3A_158 = tpu.memref_squeeze %dma_wait3A_157 : memref<1x1600000xi32, #tpu.memory_space<hbm>> -> memref<1600000xi32, #tpu.memory_space<hbm>>
    %dma_wait3A_159 = arith.constant 0 : i32
    %dma_wait3A_160 = tpu.memref_slice %dma_wait3A_158[%dma_wait3A_159] : memref<1600000xi32, #tpu.memory_space<hbm>> -> memref<2000xi32, #tpu.memory_space<hbm>>
    tpu.wait_dma2 semaphore(%arg24 : memref<!tpu.dma_semaphore, #tpu.memory_space<semaphore_mem>>) src(%dma_wait3A_160 : memref<2000xi32, #tpu.memory_space<hbm>>) dst(%arg12 : memref<2000xi32, #tpu.memory_space<vmem>>)
    %scan3A_161 = arith.constant 0 : i32
    %scan3A_162 = arith.constant 25 : i32
    %scan3A_163 = arith.addi %scan3A_161, %scan3A_162 : i32
    %scan3A_164 = arith.constant 1 : i32
    %scan3A_165 = scf.for %scan3A_614 = %scan3A_161 to %scan3A_163 step %scan3A_164 iter_args(%scan3A_615 = %scan3A_137) -> (vector<16xi32>)  : i32 {
      %mul3A_616 = arith.constant 5 : i32
      %mul3A_617 = arith.muli %scan3A_614, %mul3A_616 : i32
      %add3A_618 = arith.constant 0 : i32
      %add3A_619 = arith.addi %mul3A_617, %add3A_618 : i32
      %mul3A_620 = arith.constant 16 : i32
      %mul3A_621 = arith.muli %add3A_619, %mul3A_620 : i32
      %get3A = arith.index_cast %mul3A_621 : i32 to index
      %get3A_622 = tpu.vector_load %arg11[%get3A] {strides = array<i32>} : memref<2000xi32, #tpu.memory_space<vmem>>, vector<16xi32>,
      %mul3A_623 = arith.constant 16 : i32
      %mul3A_624 = arith.muli %add3A_619, %mul3A_623 : i32
      %get3A_625 = arith.index_cast %mul3A_624 : i32 to index
      %get3A_626 = tpu.vector_load %arg12[%get3A_625] {strides = array<i32>} : memref<2000xi32, #tpu.memory_space<vmem>>, vector<16xi32>,
      %gather3A = tpu.vector_load_idx %arg8[%get3A_622] : memref<50000xi32, #tpu.memory_space<vmem>>[vector<16xi32>], vector<16xi32>,
      %ge3A = arith.constant 0 : i32
      %ge3A_627 = vector.broadcast %ge3A : i32 to vector<16xi32>
      %ge3A_628 = arith.cmpi sge, %gather3A, %ge3A_627 : vector<16xi32>
      %mul3A_629 = arith.constant 1024 : i32
      %mul3A_630 = vector.broadcast %mul3A_629 : i32 to vector<16xi32>
      %mul3A_631 = arith.muli %get3A_626, %mul3A_630 : vector<16xi32>
      %add3A_632 = arith.addi %mul3A_631, %gather3A : vector<16xi32>
      %jit3A_633 = arith.constant 1 : i32
      %jit3A_634 = arith.constant 0 : i32
      %broadcast_in_dim3A_635 = vector.broadcast %jit3A_633 : i32 to vector<16xi32>
      %broadcast_in_dim3A_636 = vector.broadcast %jit3A_634 : i32 to vector<16xi32>
      %select_n3A_637 = arith.select %ge3A_628, %broadcast_in_dim3A_635, %broadcast_in_dim3A_636 : vector<16xi1>, vector<16xi32>
      %broadcast_in_dim3A_638 = arith.constant true
      %broadcast_in_dim3A_639 = vector.broadcast %broadcast_in_dim3A_638 : i1 to vector<16xi1>
      %masked_cumsum3A = tpu.scan <sum>, %select_n3A_637 masked %broadcast_in_dim3A_639 : vector<16xi32>, vector<16xi1> -> vector<16xi32>
      %add3A_640 = arith.addi %scan3A_615, %masked_cumsum3A : vector<16xi32>
      %sub3A_641 = arith.constant 1 : i32
      %sub3A_642 = vector.broadcast %sub3A_641 : i32 to vector<16xi32>
      %sub3A_643 = arith.subi %add3A_640, %sub3A_642 : vector<16xi32>
      tpu.vector_store_idx %arg19[%sub3A_643], %add3A_632 masked %ge3A_628 : memref<50512xi32, #tpu.memory_space<vmem>>[vector<16xi32>], vector<16xi32>, vector<16xi1>
      %all_reduce_population_count3A = tpu.all_reduce %ge3A_628 {dim = 0 : i64, kind = #tpu.reduction_kind<sum>} : vector<16xi1> -> vector<16xi32>
      %add3A_644 = arith.addi %scan3A_615, %all_reduce_population_count3A : vector<16xi32>
      %mul3A_645 = arith.constant 5 : i32
      %mul3A_646 = arith.muli %scan3A_614, %mul3A_645 : i32
      %add3A_647 = arith.constant 1 : i32
      %add3A_648 = arith.addi %mul3A_646, %add3A_647 : i32
      %mul3A_649 = arith.constant 16 : i32
      %mul3A_650 = arith.muli %add3A_648, %mul3A_649 : i32
      %get3A_651 = arith.index_cast %mul3A_650 : i32 to index
      %get3A_652 = tpu.vector_load %arg11[%get3A_651] {strides = array<i32>} : memref<2000xi32, #tpu.memory_space<vmem>>, vector<16xi32>,
      %mul3A_653 = arith.constant 16 : i32
      %mul3A_654 = arith.muli %add3A_648, %mul3A_653 : i32
      %get3A_655 = arith.index_cast %mul3A_654 : i32 to index
      %get3A_656 = tpu.vector_load %arg12[%get3A_655] {strides = array<i32>} : memref<2000xi32, #tpu.memory_space<vmem>>, vector<16xi32>,
      %gather3A_657 = tpu.vector_load_idx %arg8[%get3A_652] : memref<50000xi32, #tpu.memory_space<vmem>>[vector<16xi32>], vector<16xi32>,
      %ge3A_658 = arith.constant 0 : i32
      %ge3A_659 = vector.broadcast %ge3A_658 : i32 to vector<16xi32>
      %ge3A_660 = arith.cmpi sge, %gather3A_657, %ge3A_659 : vector<16xi32>
      %mul3A_661 = arith.constant 1024 : i32
      %mul3A_662 = vector.broadcast %mul3A_661 : i32 to vector<16xi32>
      %mul3A_663 = arith.muli %get3A_656, %mul3A_662 : vector<16xi32>
      %add3A_664 = arith.addi %mul3A_663, %gather3A_657 : vector<16xi32>
      %jit3A_665 = arith.constant 1 : i32
      %jit3A_666 = arith.constant 0 : i32
      %broadcast_in_dim3A_667 = vector.broadcast %jit3A_665 : i32 to vector<16xi32>
      %broadcast_in_dim3A_668 = vector.broadcast %jit3A_666 : i32 to vector<16xi32>
      %select_n3A_669 = arith.select %ge3A_660, %broadcast_in_dim3A_667, %broadcast_in_dim3A_668 : vector<16xi1>, vector<16xi32>
      %broadcast_in_dim3A_670 = arith.constant true
      %broadcast_in_dim3A_671 = vector.broadcast %broadcast_in_dim3A_670 : i1 to vector<16xi1>
      %masked_cumsum3A_672 = tpu.scan <sum>, %select_n3A_669 masked %broadcast_in_dim3A_671 : vector<16xi32>, vector<16xi1> -> vector<16xi32>
      %add3A_673 = arith.addi %add3A_644, %masked_cumsum3A_672 : vector<16xi32>
      %sub3A_674 = arith.constant 1 : i32
      %sub3A_675 = vector.broadcast %sub3A_674 : i32 to vector<16xi32>
      %sub3A_676 = arith.subi %add3A_673, %sub3A_675 : vector<16xi32>
      tpu.vector_store_idx %arg19[%sub3A_676], %add3A_664 masked %ge3A_660 : memref<50512xi32, #tpu.memory_space<vmem>>[vector<16xi32>], vector<16xi32>, vector<16xi1>
      %all_reduce_population_count3A_677 = tpu.all_reduce %ge3A_660 {dim = 0 : i64, kind = #tpu.reduction_kind<sum>} : vector<16xi1> -> vector<16xi32>
      %add3A_678 = arith.addi %add3A_644, %all_reduce_population_count3A_677 : vector<16xi32>
      %mul3A_679 = arith.constant 5 : i32
      %mul3A_680 = arith.muli %scan3A_614, %mul3A_679 : i32
      %add3A_681 = arith.constant 2 : i32
      %add3A_682 = arith.addi %mul3A_680, %add3A_681 : i32
      %mul3A_683 = arith.constant 16 : i32
      %mul3A_684 = arith.muli %add3A_682, %mul3A_683 : i32
      %get3A_685 = arith.index_cast %mul3A_684 : i32 to index
      %get3A_686 = tpu.vector_load %arg11[%get3A_685] {strides = array<i32>} : memref<2000xi32, #tpu.memory_space<vmem>>, vector<16xi32>,
      %mul3A_687 = arith.constant 16 : i32
      %mul3A_688 = arith.muli %add3A_682, %mul3A_687 : i32
      %get3A_689 = arith.index_cast %mul3A_688 : i32 to index
      %get3A_690 = tpu.vector_load %arg12[%get3A_689] {strides = array<i32>} : memref<2000xi32, #tpu.memory_space<vmem>>, vector<16xi32>,
      %gather3A_691 = tpu.vector_load_idx %arg8[%get3A_686] : memref<50000xi32, #tpu.memory_space<vmem>>[vector<16xi32>], vector<16xi32>,
      %ge3A_692 = arith.constant 0 : i32
      %ge3A_693 = vector.broadcast %ge3A_692 : i32 to vector<16xi32>
      %ge3A_694 = arith.cmpi sge, %gather3A_691, %ge3A_693 : vector<16xi32>
      %mul3A_695 = arith.constant 1024 : i32
      %mul3A_696 = vector.broadcast %mul3A_695 : i32 to vector<16xi32>
      %mul3A_697 = arith.muli %get3A_690, %mul3A_696 : vector<16xi32>
      %add3A_698 = arith.addi %mul3A_697, %gather3A_691 : vector<16xi32>
      %jit3A_699 = arith.constant 1 : i32
      %jit3A_700 = arith.constant 0 : i32
      %broadcast_in_dim3A_701 = vector.broadcast %jit3A_699 : i32 to vector<16xi32>
      %broadcast_in_dim3A_702 = vector.broadcast %jit3A_700 : i32 to vector<16xi32>
      %select_n3A_703 = arith.select %ge3A_694, %broadcast_in_dim3A_701, %broadcast_in_dim3A_702 : vector<16xi1>, vector<16xi32>
      %broadcast_in_dim3A_704 = arith.constant true
      %broadcast_in_dim3A_705 = vector.broadcast %broadcast_in_dim3A_704 : i1 to vector<16xi1>
      %masked_cumsum3A_706 = tpu.scan <sum>, %select_n3A_703 masked %broadcast_in_dim3A_705 : vector<16xi32>, vector<16xi1> -> vector<16xi32>
      %add3A_707 = arith.addi %add3A_678, %masked_cumsum3A_706 : vector<16xi32>
      %sub3A_708 = arith.constant 1 : i32
      %sub3A_709 = vector.broadcast %sub3A_708 : i32 to vector<16xi32>
      %sub3A_710 = arith.subi %add3A_707, %sub3A_709 : vector<16xi32>
      tpu.vector_store_idx %arg19[%sub3A_710], %add3A_698 masked %ge3A_694 : memref<50512xi32, #tpu.memory_space<vmem>>[vector<16xi32>], vector<16xi32>, vector<16xi1>
      %all_reduce_population_count3A_711 = tpu.all_reduce %ge3A_694 {dim = 0 : i64, kind = #tpu.reduction_kind<sum>} : vector<16xi1> -> vector<16xi32>
      %add3A_712 = arith.addi %add3A_678, %all_reduce_population_count3A_711 : vector<16xi32>
      %mul3A_713 = arith.constant 5 : i32
      %mul3A_714 = arith.muli %scan3A_614, %mul3A_713 : i32
      %add3A_715 = arith.constant 3 : i32
      %add3A_716 = arith.addi %mul3A_714, %add3A_715 : i32
      %mul3A_717 = arith.constant 16 : i32
      %mul3A_718 = arith.muli %add3A_716, %mul3A_717 : i32
      %get3A_719 = arith.index_cast %mul3A_718 : i32 to index
      %get3A_720 = tpu.vector_load %arg11[%get3A_719] {strides = array<i32>} : memref<2000xi32, #tpu.memory_space<vmem>>, vector<16xi32>,
      %mul3A_721 = arith.constant 16 : i32
      %mul3A_722 = arith.muli %add3A_716, %mul3A_721 : i32
      %get3A_723 = arith.index_cast %mul3A_722 : i32 to index
      %get3A_724 = tpu.vector_load %arg12[%get3A_723] {strides = array<i32>} : memref<2000xi32, #tpu.memory_space<vmem>>, vector<16xi32>,
      %gather3A_725 = tpu.vector_load_idx %arg8[%get3A_720] : memref<50000xi32, #tpu.memory_space<vmem>>[vector<16xi32>], vector<16xi32>,
      %ge3A_726 = arith.constant 0 : i32
      %ge3A_727 = vector.broadcast %ge3A_726 : i32 to vector<16xi32>
      %ge3A_728 = arith.cmpi sge, %gather3A_725, %ge3A_727 : vector<16xi32>
      %mul3A_729 = arith.constant 1024 : i32
      %mul3A_730 = vector.broadcast %mul3A_729 : i32 to vector<16xi32>
      %mul3A_731 = arith.muli %get3A_724, %mul3A_730 : vector<16xi32>
      %add3A_732 = arith.addi %mul3A_731, %gather3A_725 : vector<16xi32>
      %jit3A_733 = arith.constant 1 : i32
      %jit3A_734 = arith.constant 0 : i32
      %broadcast_in_dim3A_735 = vector.broadcast %jit3A_733 : i32 to vector<16xi32>
      %broadcast_in_dim3A_736 = vector.broadcast %jit3A_734 : i32 to vector<16xi32>
      %select_n3A_737 = arith.select %ge3A_728, %broadcast_in_dim3A_735, %broadcast_in_dim3A_736 : vector<16xi1>, vector<16xi32>
      %broadcast_in_dim3A_738 = arith.constant true
      %broadcast_in_dim3A_739 = vector.broadcast %broadcast_in_dim3A_738 : i1 to vector<16xi1>
      %masked_cumsum3A_740 = tpu.scan <sum>, %select_n3A_737 masked %broadcast_in_dim3A_739 : vector<16xi32>, vector<16xi1> -> vector<16xi32>
      %add3A_741 = arith.addi %add3A_712, %masked_cumsum3A_740 : vector<16xi32>
      %sub3A_742 = arith.constant 1 : i32
      %sub3A_743 = vector.broadcast %sub3A_742 : i32 to vector<16xi32>
      %sub3A_744 = arith.subi %add3A_741, %sub3A_743 : vector<16xi32>
      tpu.vector_store_idx %arg19[%sub3A_744], %add3A_732 masked %ge3A_728 : memref<50512xi32, #tpu.memory_space<vmem>>[vector<16xi32>], vector<16xi32>, vector<16xi1>
      %all_reduce_population_count3A_745 = tpu.all_reduce %ge3A_728 {dim = 0 : i64, kind = #tpu.reduction_kind<sum>} : vector<16xi1> -> vector<16xi32>
      %add3A_746 = arith.addi %add3A_712, %all_reduce_population_count3A_745 : vector<16xi32>
      %mul3A_747 = arith.constant 5 : i32
      %mul3A_748 = arith.muli %scan3A_614, %mul3A_747 : i32
      %add3A_749 = arith.constant 4 : i32
      %add3A_750 = arith.addi %mul3A_748, %add3A_749 : i32
      %mul3A_751 = arith.constant 16 : i32
      %mul3A_752 = arith.muli %add3A_750, %mul3A_751 : i32
      %get3A_753 = arith.index_cast %mul3A_752 : i32 to index
      %get3A_754 = tpu.vector_load %arg11[%get3A_753] {strides = array<i32>} : memref<2000xi32, #tpu.memory_space<vmem>>, vector<16xi32>,
      %mul3A_755 = arith.constant 16 : i32
      %mul3A_756 = arith.muli %add3A_750, %mul3A_755 : i32
      %get3A_757 = arith.index_cast %mul3A_756 : i32 to index
      %get3A_758 = tpu.vector_load %arg12[%get3A_757] {strides = array<i32>} : memref<2000xi32, #tpu.memory_space<vmem>>, vector<16xi32>,
      %gather3A_759 = tpu.vector_load_idx %arg8[%get3A_754] : memref<50000xi32, #tpu.memory_space<vmem>>[vector<16xi32>], vector<16xi32>,
      %ge3A_760 = arith.constant 0 : i32
      %ge3A_761 = vector.broadcast %ge3A_760 : i32 to vector<16xi32>
      %ge3A_762 = arith.cmpi sge, %gather3A_759, %ge3A_761 : vector<16xi32>
      %mul3A_763 = arith.constant 1024 : i32
      %mul3A_764 = vector.broadcast %mul3A_763 : i32 to vector<16xi32>
      %mul3A_765 = arith.muli %get3A_758, %mul3A_764 : vector<16xi32>
      %add3A_766 = arith.addi %mul3A_765, %gather3A_759 : vector<16xi32>
      %jit3A_767 = arith.constant 1 : i32
      %jit3A_768 = arith.constant 0 : i32
      %broadcast_in_dim3A_769 = vector.broadcast %jit3A_767 : i32 to vector<16xi32>
      %broadcast_in_dim3A_770 = vector.broadcast %jit3A_768 : i32 to vector<16xi32>
      %select_n3A_771 = arith.select %ge3A_762, %broadcast_in_dim3A_769, %broadcast_in_dim3A_770 : vector<16xi1>, vector<16xi32>
      %broadcast_in_dim3A_772 = arith.constant true
      %broadcast_in_dim3A_773 = vector.broadcast %broadcast_in_dim3A_772 : i1 to vector<16xi1>
      %masked_cumsum3A_774 = tpu.scan <sum>, %select_n3A_771 masked %broadcast_in_dim3A_773 : vector<16xi32>, vector<16xi1> -> vector<16xi32>
      %add3A_775 = arith.addi %add3A_746, %masked_cumsum3A_774 : vector<16xi32>
      %sub3A_776 = arith.constant 1 : i32
      %sub3A_777 = vector.broadcast %sub3A_776 : i32 to vector<16xi32>
      %sub3A_778 = arith.subi %add3A_775, %sub3A_777 : vector<16xi32>
      tpu.vector_store_idx %arg19[%sub3A_778], %add3A_766 masked %ge3A_762 : memref<50512xi32, #tpu.memory_space<vmem>>[vector<16xi32>], vector<16xi32>, vector<16xi1>
      %all_reduce_population_count3A_779 = tpu.all_reduce %ge3A_762 {dim = 0 : i64, kind = #tpu.reduction_kind<sum>} : vector<16xi1> -> vector<16xi32>
      %add3A_780 = arith.addi %add3A_746, %all_reduce_population_count3A_779 : vector<16xi32>
      scf.yield %add3A_780 : vector<16xi32>
    }
    %scan3A_166 = arith.constant 25 : i32
    %dma_wait3A_167 = arith.constant 1 : i32
    %dma_wait3A_168 = arith.constant 0 : i32
    %dma_wait3A_169 = tpu.memref_slice %arg2[%dma_wait3A_167, %dma_wait3A_168] : memref<2x1600000xi32, #tpu.memory_space<hbm>> -> memref<1x1600000xi32, #tpu.memory_space<hbm>>
    %dma_wait3A_170 = tpu.memref_squeeze %dma_wait3A_169 : memref<1x1600000xi32, #tpu.memory_space<hbm>> -> memref<1600000xi32, #tpu.memory_space<hbm>>
    %dma_wait3A_171 = arith.constant 0 : i32
    %dma_wait3A_172 = tpu.memref_slice %dma_wait3A_170[%dma_wait3A_171] : memref<1600000xi32, #tpu.memory_space<hbm>> -> memref<2000xi32, #tpu.memory_space<hbm>>
    %dma_wait3A_173 = arith.constant 0 : i32
    %dma_wait3A_174 = tpu.memref_slice %arg2[%dma_wait3A_167, %dma_wait3A_173] : memref<2x1600000xi32, #tpu.memory_space<hbm>> -> memref<1x1600000xi32, #tpu.memory_space<hbm>>
    %dma_wait3A_175 = tpu.memref_squeeze %dma_wait3A_174 : memref<1x1600000xi32, #tpu.memory_space<hbm>> -> memref<1600000xi32, #tpu.memory_space<hbm>>
    %dma_wait3A_176 = arith.constant 0 : i32
    %dma_wait3A_177 = tpu.memref_slice %dma_wait3A_175[%dma_wait3A_176] : memref<1600000xi32, #tpu.memory_space<hbm>> -> memref<2000xi32, #tpu.memory_space<hbm>>
    tpu.wait_dma2 semaphore(%arg25 : memref<!tpu.dma_semaphore, #tpu.memory_space<semaphore_mem>>) src(%dma_wait3A_177 : memref<2000xi32, #tpu.memory_space<hbm>>) dst(%arg13 : memref<2000xi32, #tpu.memory_space<vmem>>)
    %dma_wait3A_178 = arith.constant 0 : i32
    %dma_wait3A_179 = arith.constant 0 : i32
    %dma_wait3A_180 = tpu.memref_slice %arg2[%dma_wait3A_178, %dma_wait3A_179] : memref<2x1600000xi32, #tpu.memory_space<hbm>> -> memref<1x1600000xi32, #tpu.memory_space<hbm>>
    %dma_wait3A_181 = tpu.memref_squeeze %dma_wait3A_180 : memref<1x1600000xi32, #tpu.memory_space<hbm>> -> memref<1600000xi32, #tpu.memory_space<hbm>>
    %dma_wait3A_182 = arith.constant 0 : i32
    %dma_wait3A_183 = tpu.memref_slice %dma_wait3A_181[%dma_wait3A_182] : memref<1600000xi32, #tpu.memory_space<hbm>> -> memref<2000xi32, #tpu.memory_space<hbm>>
    %dma_wait3A_184 = arith.constant 0 : i32
    %dma_wait3A_185 = tpu.memref_slice %arg2[%dma_wait3A_178, %dma_wait3A_184] : memref<2x1600000xi32, #tpu.memory_space<hbm>> -> memref<1x1600000xi32, #tpu.memory_space<hbm>>
    %dma_wait3A_186 = tpu.memref_squeeze %dma_wait3A_185 : memref<1x1600000xi32, #tpu.memory_space<hbm>> -> memref<1600000xi32, #tpu.memory_space<hbm>>
    %dma_wait3A_187 = arith.constant 0 : i32
    %dma_wait3A_188 = tpu.memref_slice %dma_wait3A_186[%dma_wait3A_187] : memref<1600000xi32, #tpu.memory_space<hbm>> -> memref<2000xi32, #tpu.memory_space<hbm>>
    tpu.wait_dma2 semaphore(%arg25 : memref<!tpu.dma_semaphore, #tpu.memory_space<semaphore_mem>>) src(%dma_wait3A_188 : memref<2000xi32, #tpu.memory_space<hbm>>) dst(%arg14 : memref<2000xi32, #tpu.memory_space<vmem>>)
    %scan3A_189 = arith.constant 0 : i32
    %scan3A_190 = arith.constant 25 : i32
    %scan3A_191 = arith.addi %scan3A_189, %scan3A_190 : i32
    %scan3A_192 = arith.constant 1 : i32
    %scan3A_193 = scf.for %scan3A_614 = %scan3A_189 to %scan3A_191 step %scan3A_192 iter_args(%scan3A_615 = %scan3A_165) -> (vector<16xi32>)  : i32 {
      %mul3A_616 = arith.constant 5 : i32
      %mul3A_617 = arith.muli %scan3A_614, %mul3A_616 : i32
      %add3A_618 = arith.constant 0 : i32
      %add3A_619 = arith.addi %mul3A_617, %add3A_618 : i32
      %mul3A_620 = arith.constant 16 : i32
      %mul3A_621 = arith.muli %add3A_619, %mul3A_620 : i32
      %get3A = arith.index_cast %mul3A_621 : i32 to index
      %get3A_622 = tpu.vector_load %arg13[%get3A] {strides = array<i32>} : memref<2000xi32, #tpu.memory_space<vmem>>, vector<16xi32>,
      %mul3A_623 = arith.constant 16 : i32
      %mul3A_624 = arith.muli %add3A_619, %mul3A_623 : i32
      %get3A_625 = arith.index_cast %mul3A_624 : i32 to index
      %get3A_626 = tpu.vector_load %arg14[%get3A_625] {strides = array<i32>} : memref<2000xi32, #tpu.memory_space<vmem>>, vector<16xi32>,
      %gather3A = tpu.vector_load_idx %arg8[%get3A_622] : memref<50000xi32, #tpu.memory_space<vmem>>[vector<16xi32>], vector<16xi32>,
      %ge3A = arith.constant 0 : i32
      %ge3A_627 = vector.broadcast %ge3A : i32 to vector<16xi32>
      %ge3A_628 = arith.cmpi sge, %gather3A, %ge3A_627 : vector<16xi32>
      %mul3A_629 = arith.constant 1024 : i32
      %mul3A_630 = vector.broadcast %mul3A_629 : i32 to vector<16xi32>
      %mul3A_631 = arith.muli %get3A_626, %mul3A_630 : vector<16xi32>
      %add3A_632 = arith.addi %mul3A_631, %gather3A : vector<16xi32>
      %jit3A_633 = arith.constant 1 : i32
      %jit3A_634 = arith.constant 0 : i32
      %broadcast_in_dim3A_635 = vector.broadcast %jit3A_633 : i32 to vector<16xi32>
      %broadcast_in_dim3A_636 = vector.broadcast %jit3A_634 : i32 to vector<16xi32>
      %select_n3A_637 = arith.select %ge3A_628, %broadcast_in_dim3A_635, %broadcast_in_dim3A_636 : vector<16xi1>, vector<16xi32>
      %broadcast_in_dim3A_638 = arith.constant true
      %broadcast_in_dim3A_639 = vector.broadcast %broadcast_in_dim3A_638 : i1 to vector<16xi1>
      %masked_cumsum3A = tpu.scan <sum>, %select_n3A_637 masked %broadcast_in_dim3A_639 : vector<16xi32>, vector<16xi1> -> vector<16xi32>
      %add3A_640 = arith.addi %scan3A_615, %masked_cumsum3A : vector<16xi32>
      %sub3A_641 = arith.constant 1 : i32
      %sub3A_642 = vector.broadcast %sub3A_641 : i32 to vector<16xi32>
      %sub3A_643 = arith.subi %add3A_640, %sub3A_642 : vector<16xi32>
      tpu.vector_store_idx %arg19[%sub3A_643], %add3A_632 masked %ge3A_628 : memref<50512xi32, #tpu.memory_space<vmem>>[vector<16xi32>], vector<16xi32>, vector<16xi1>
      %all_reduce_population_count3A = tpu.all_reduce %ge3A_628 {dim = 0 : i64, kind = #tpu.reduction_kind<sum>} : vector<16xi1> -> vector<16xi32>
      %add3A_644 = arith.addi %scan3A_615, %all_reduce_population_count3A : vector<16xi32>
      %mul3A_645 = arith.constant 5 : i32
      %mul3A_646 = arith.muli %scan3A_614, %mul3A_645 : i32
      %add3A_647 = arith.constant 1 : i32
      %add3A_648 = arith.addi %mul3A_646, %add3A_647 : i32
      %mul3A_649 = arith.constant 16 : i32
      %mul3A_650 = arith.muli %add3A_648, %mul3A_649 : i32
      %get3A_651 = arith.index_cast %mul3A_650 : i32 to index
      %get3A_652 = tpu.vector_load %arg13[%get3A_651] {strides = array<i32>} : memref<2000xi32, #tpu.memory_space<vmem>>, vector<16xi32>,
      %mul3A_653 = arith.constant 16 : i32
      %mul3A_654 = arith.muli %add3A_648, %mul3A_653 : i32
      %get3A_655 = arith.index_cast %mul3A_654 : i32 to index
      %get3A_656 = tpu.vector_load %arg14[%get3A_655] {strides = array<i32>} : memref<2000xi32, #tpu.memory_space<vmem>>, vector<16xi32>,
      %gather3A_657 = tpu.vector_load_idx %arg8[%get3A_652] : memref<50000xi32, #tpu.memory_space<vmem>>[vector<16xi32>], vector<16xi32>,
      %ge3A_658 = arith.constant 0 : i32
      %ge3A_659 = vector.broadcast %ge3A_658 : i32 to vector<16xi32>
      %ge3A_660 = arith.cmpi sge, %gather3A_657, %ge3A_659 : vector<16xi32>
      %mul3A_661 = arith.constant 1024 : i32
      %mul3A_662 = vector.broadcast %mul3A_661 : i32 to vector<16xi32>
      %mul3A_663 = arith.muli %get3A_656, %mul3A_662 : vector<16xi32>
      %add3A_664 = arith.addi %mul3A_663, %gather3A_657 : vector<16xi32>
      %jit3A_665 = arith.constant 1 : i32
      %jit3A_666 = arith.constant 0 : i32
      %broadcast_in_dim3A_667 = vector.broadcast %jit3A_665 : i32 to vector<16xi32>
      %broadcast_in_dim3A_668 = vector.broadcast %jit3A_666 : i32 to vector<16xi32>
      %select_n3A_669 = arith.select %ge3A_660, %broadcast_in_dim3A_667, %broadcast_in_dim3A_668 : vector<16xi1>, vector<16xi32>
      %broadcast_in_dim3A_670 = arith.constant true
      %broadcast_in_dim3A_671 = vector.broadcast %broadcast_in_dim3A_670 : i1 to vector<16xi1>
      %masked_cumsum3A_672 = tpu.scan <sum>, %select_n3A_669 masked %broadcast_in_dim3A_671 : vector<16xi32>, vector<16xi1> -> vector<16xi32>
      %add3A_673 = arith.addi %add3A_644, %masked_cumsum3A_672 : vector<16xi32>
      %sub3A_674 = arith.constant 1 : i32
      %sub3A_675 = vector.broadcast %sub3A_674 : i32 to vector<16xi32>
      %sub3A_676 = arith.subi %add3A_673, %sub3A_675 : vector<16xi32>
      tpu.vector_store_idx %arg19[%sub3A_676], %add3A_664 masked %ge3A_660 : memref<50512xi32, #tpu.memory_space<vmem>>[vector<16xi32>], vector<16xi32>, vector<16xi1>
      %all_reduce_population_count3A_677 = tpu.all_reduce %ge3A_660 {dim = 0 : i64, kind = #tpu.reduction_kind<sum>} : vector<16xi1> -> vector<16xi32>
      %add3A_678 = arith.addi %add3A_644, %all_reduce_population_count3A_677 : vector<16xi32>
      %mul3A_679 = arith.constant 5 : i32
      %mul3A_680 = arith.muli %scan3A_614, %mul3A_679 : i32
      %add3A_681 = arith.constant 2 : i32
      %add3A_682 = arith.addi %mul3A_680, %add3A_681 : i32
      %mul3A_683 = arith.constant 16 : i32
      %mul3A_684 = arith.muli %add3A_682, %mul3A_683 : i32
      %get3A_685 = arith.index_cast %mul3A_684 : i32 to index
      %get3A_686 = tpu.vector_load %arg13[%get3A_685] {strides = array<i32>} : memref<2000xi32, #tpu.memory_space<vmem>>, vector<16xi32>,
      %mul3A_687 = arith.constant 16 : i32
      %mul3A_688 = arith.muli %add3A_682, %mul3A_687 : i32
      %get3A_689 = arith.index_cast %mul3A_688 : i32 to index
      %get3A_690 = tpu.vector_load %arg14[%get3A_689] {strides = array<i32>} : memref<2000xi32, #tpu.memory_space<vmem>>, vector<16xi32>,
      %gather3A_691 = tpu.vector_load_idx %arg8[%get3A_686] : memref<50000xi32, #tpu.memory_space<vmem>>[vector<16xi32>], vector<16xi32>,
      %ge3A_692 = arith.constant 0 : i32
      %ge3A_693 = vector.broadcast %ge3A_692 : i32 to vector<16xi32>
      %ge3A_694 = arith.cmpi sge, %gather3A_691, %ge3A_693 : vector<16xi32>
      %mul3A_695 = arith.constant 1024 : i32
      %mul3A_696 = vector.broadcast %mul3A_695 : i32 to vector<16xi32>
      %mul3A_697 = arith.muli %get3A_690, %mul3A_696 : vector<16xi32>
      %add3A_698 = arith.addi %mul3A_697, %gather3A_691 : vector<16xi32>
      %jit3A_699 = arith.constant 1 : i32
      %jit3A_700 = arith.constant 0 : i32
      %broadcast_in_dim3A_701 = vector.broadcast %jit3A_699 : i32 to vector<16xi32>
      %broadcast_in_dim3A_702 = vector.broadcast %jit3A_700 : i32 to vector<16xi32>
      %select_n3A_703 = arith.select %ge3A_694, %broadcast_in_dim3A_701, %broadcast_in_dim3A_702 : vector<16xi1>, vector<16xi32>
      %broadcast_in_dim3A_704 = arith.constant true
      %broadcast_in_dim3A_705 = vector.broadcast %broadcast_in_dim3A_704 : i1 to vector<16xi1>
      %masked_cumsum3A_706 = tpu.scan <sum>, %select_n3A_703 masked %broadcast_in_dim3A_705 : vector<16xi32>, vector<16xi1> -> vector<16xi32>
      %add3A_707 = arith.addi %add3A_678, %masked_cumsum3A_706 : vector<16xi32>
      %sub3A_708 = arith.constant 1 : i32
      %sub3A_709 = vector.broadcast %sub3A_708 : i32 to vector<16xi32>
      %sub3A_710 = arith.subi %add3A_707, %sub3A_709 : vector<16xi32>
      tpu.vector_store_idx %arg19[%sub3A_710], %add3A_698 masked %ge3A_694 : memref<50512xi32, #tpu.memory_space<vmem>>[vector<16xi32>], vector<16xi32>, vector<16xi1>
      %all_reduce_population_count3A_711 = tpu.all_reduce %ge3A_694 {dim = 0 : i64, kind = #tpu.reduction_kind<sum>} : vector<16xi1> -> vector<16xi32>
      %add3A_712 = arith.addi %add3A_678, %all_reduce_population_count3A_711 : vector<16xi32>
      %mul3A_713 = arith.constant 5 : i32
      %mul3A_714 = arith.muli %scan3A_614, %mul3A_713 : i32
      %add3A_715 = arith.constant 3 : i32
      %add3A_716 = arith.addi %mul3A_714, %add3A_715 : i32
      %mul3A_717 = arith.constant 16 : i32
      %mul3A_718 = arith.muli %add3A_716, %mul3A_717 : i32
      %get3A_719 = arith.index_cast %mul3A_718 : i32 to index
      %get3A_720 = tpu.vector_load %arg13[%get3A_719] {strides = array<i32>} : memref<2000xi32, #tpu.memory_space<vmem>>, vector<16xi32>,
      %mul3A_721 = arith.constant 16 : i32
      %mul3A_722 = arith.muli %add3A_716, %mul3A_721 : i32
      %get3A_723 = arith.index_cast %mul3A_722 : i32 to index
      %get3A_724 = tpu.vector_load %arg14[%get3A_723] {strides = array<i32>} : memref<2000xi32, #tpu.memory_space<vmem>>, vector<16xi32>,
      %gather3A_725 = tpu.vector_load_idx %arg8[%get3A_720] : memref<50000xi32, #tpu.memory_space<vmem>>[vector<16xi32>], vector<16xi32>,
      %ge3A_726 = arith.constant 0 : i32
      %ge3A_727 = vector.broadcast %ge3A_726 : i32 to vector<16xi32>
      %ge3A_728 = arith.cmpi sge, %gather3A_725, %ge3A_727 : vector<16xi32>
      %mul3A_729 = arith.constant 1024 : i32
      %mul3A_730 = vector.broadcast %mul3A_729 : i32 to vector<16xi32>
      %mul3A_731 = arith.muli %get3A_724, %mul3A_730 : vector<16xi32>
      %add3A_732 = arith.addi %mul3A_731, %gather3A_725 : vector<16xi32>
      %jit3A_733 = arith.constant 1 : i32
      %jit3A_734 = arith.constant 0 : i32
      %broadcast_in_dim3A_735 = vector.broadcast %jit3A_733 : i32 to vector<16xi32>
      %broadcast_in_dim3A_736 = vector.broadcast %jit3A_734 : i32 to vector<16xi32>
      %select_n3A_737 = arith.select %ge3A_728, %broadcast_in_dim3A_735, %broadcast_in_dim3A_736 : vector<16xi1>, vector<16xi32>
      %broadcast_in_dim3A_738 = arith.constant true
      %broadcast_in_dim3A_739 = vector.broadcast %broadcast_in_dim3A_738 : i1 to vector<16xi1>
      %masked_cumsum3A_740 = tpu.scan <sum>, %select_n3A_737 masked %broadcast_in_dim3A_739 : vector<16xi32>, vector<16xi1> -> vector<16xi32>
      %add3A_741 = arith.addi %add3A_712, %masked_cumsum3A_740 : vector<16xi32>
      %sub3A_742 = arith.constant 1 : i32
      %sub3A_743 = vector.broadcast %sub3A_742 : i32 to vector<16xi32>
      %sub3A_744 = arith.subi %add3A_741, %sub3A_743 : vector<16xi32>
      tpu.vector_store_idx %arg19[%sub3A_744], %add3A_732 masked %ge3A_728 : memref<50512xi32, #tpu.memory_space<vmem>>[vector<16xi32>], vector<16xi32>, vector<16xi1>
      %all_reduce_population_count3A_745 = tpu.all_reduce %ge3A_728 {dim = 0 : i64, kind = #tpu.reduction_kind<sum>} : vector<16xi1> -> vector<16xi32>
      %add3A_746 = arith.addi %add3A_712, %all_reduce_population_count3A_745 : vector<16xi32>
      %mul3A_747 = arith.constant 5 : i32
      %mul3A_748 = arith.muli %scan3A_614, %mul3A_747 : i32
      %add3A_749 = arith.constant 4 : i32
      %add3A_750 = arith.addi %mul3A_748, %add3A_749 : i32
      %mul3A_751 = arith.constant 16 : i32
      %mul3A_752 = arith.muli %add3A_750, %mul3A_751 : i32
      %get3A_753 = arith.index_cast %mul3A_752 : i32 to index
      %get3A_754 = tpu.vector_load %arg13[%get3A_753] {strides = array<i32>} : memref<2000xi32, #tpu.memory_space<vmem>>, vector<16xi32>,
      %mul3A_755 = arith.constant 16 : i32
      %mul3A_756 = arith.muli %add3A_750, %mul3A_755 : i32
      %get3A_757 = arith.index_cast %mul3A_756 : i32 to index
      %get3A_758 = tpu.vector_load %arg14[%get3A_757] {strides = array<i32>} : memref<2000xi32, #tpu.memory_space<vmem>>, vector<16xi32>,
      %gather3A_759 = tpu.vector_load_idx %arg8[%get3A_754] : memref<50000xi32, #tpu.memory_space<vmem>>[vector<16xi32>], vector<16xi32>,
      %ge3A_760 = arith.constant 0 : i32
      %ge3A_761 = vector.broadcast %ge3A_760 : i32 to vector<16xi32>
      %ge3A_762 = arith.cmpi sge, %gather3A_759, %ge3A_761 : vector<16xi32>
      %mul3A_763 = arith.constant 1024 : i32
      %mul3A_764 = vector.broadcast %mul3A_763 : i32 to vector<16xi32>
      %mul3A_765 = arith.muli %get3A_758, %mul3A_764 : vector<16xi32>
      %add3A_766 = arith.addi %mul3A_765, %gather3A_759 : vector<16xi32>
      %jit3A_767 = arith.constant 1 : i32
      %jit3A_768 = arith.constant 0 : i32
      %broadcast_in_dim3A_769 = vector.broadcast %jit3A_767 : i32 to vector<16xi32>
      %broadcast_in_dim3A_770 = vector.broadcast %jit3A_768 : i32 to vector<16xi32>
      %select_n3A_771 = arith.select %ge3A_762, %broadcast_in_dim3A_769, %broadcast_in_dim3A_770 : vector<16xi1>, vector<16xi32>
      %broadcast_in_dim3A_772 = arith.constant true
      %broadcast_in_dim3A_773 = vector.broadcast %broadcast_in_dim3A_772 : i1 to vector<16xi1>
      %masked_cumsum3A_774 = tpu.scan <sum>, %select_n3A_771 masked %broadcast_in_dim3A_773 : vector<16xi32>, vector<16xi1> -> vector<16xi32>
      %add3A_775 = arith.addi %add3A_746, %masked_cumsum3A_774 : vector<16xi32>
      %sub3A_776 = arith.constant 1 : i32
      %sub3A_777 = vector.broadcast %sub3A_776 : i32 to vector<16xi32>
      %sub3A_778 = arith.subi %add3A_775, %sub3A_777 : vector<16xi32>
      tpu.vector_store_idx %arg19[%sub3A_778], %add3A_766 masked %ge3A_762 : memref<50512xi32, #tpu.memory_space<vmem>>[vector<16xi32>], vector<16xi32>, vector<16xi1>
      %all_reduce_population_count3A_779 = tpu.all_reduce %ge3A_762 {dim = 0 : i64, kind = #tpu.reduction_kind<sum>} : vector<16xi1> -> vector<16xi32>
      %add3A_780 = arith.addi %add3A_746, %all_reduce_population_count3A_779 : vector<16xi32>
      scf.yield %add3A_780 : vector<16xi32>
    }
    %scan3A_194 = arith.constant 25 : i32
    %dma_wait3A_195 = arith.constant 1 : i32
    %dma_wait3A_196 = arith.constant 0 : i32
    %dma_wait3A_197 = tpu.memref_slice %arg2[%dma_wait3A_195, %dma_wait3A_196] : memref<2x1600000xi32, #tpu.memory_space<hbm>> -> memref<1x1600000xi32, #tpu.memory_space<hbm>>
    %dma_wait3A_198 = tpu.memref_squeeze %dma_wait3A_197 : memref<1x1600000xi32, #tpu.memory_space<hbm>> -> memref<1600000xi32, #tpu.memory_space<hbm>>
    %dma_wait3A_199 = arith.constant 0 : i32
    %dma_wait3A_200 = tpu.memref_slice %dma_wait3A_198[%dma_wait3A_199] : memref<1600000xi32, #tpu.memory_space<hbm>> -> memref<2000xi32, #tpu.memory_space<hbm>>
    %dma_wait3A_201 = arith.constant 0 : i32
    %dma_wait3A_202 = tpu.memref_slice %arg2[%dma_wait3A_195, %dma_wait3A_201] : memref<2x1600000xi32, #tpu.memory_space<hbm>> -> memref<1x1600000xi32, #tpu.memory_space<hbm>>
    %dma_wait3A_203 = tpu.memref_squeeze %dma_wait3A_202 : memref<1x1600000xi32, #tpu.memory_space<hbm>> -> memref<1600000xi32, #tpu.memory_space<hbm>>
    %dma_wait3A_204 = arith.constant 0 : i32
    %dma_wait3A_205 = tpu.memref_slice %dma_wait3A_203[%dma_wait3A_204] : memref<1600000xi32, #tpu.memory_space<hbm>> -> memref<2000xi32, #tpu.memory_space<hbm>>
    tpu.wait_dma2 semaphore(%arg26 : memref<!tpu.dma_semaphore, #tpu.memory_space<semaphore_mem>>) src(%dma_wait3A_205 : memref<2000xi32, #tpu.memory_space<hbm>>) dst(%arg15 : memref<2000xi32, #tpu.memory_space<vmem>>)
    %dma_wait3A_206 = arith.constant 0 : i32
    %dma_wait3A_207 = arith.constant 0 : i32
    %dma_wait3A_208 = tpu.memref_slice %arg2[%dma_wait3A_206, %dma_wait3A_207] : memref<2x1600000xi32, #tpu.memory_space<hbm>> -> memref<1x1600000xi32, #tpu.memory_space<hbm>>
    %dma_wait3A_209 = tpu.memref_squeeze %dma_wait3A_208 : memref<1x1600000xi32, #tpu.memory_space<hbm>> -> memref<1600000xi32, #tpu.memory_space<hbm>>
    %dma_wait3A_210 = arith.constant 0 : i32
    %dma_wait3A_211 = tpu.memref_slice %dma_wait3A_209[%dma_wait3A_210] : memref<1600000xi32, #tpu.memory_space<hbm>> -> memref<2000xi32, #tpu.memory_space<hbm>>
    %dma_wait3A_212 = arith.constant 0 : i32
    %dma_wait3A_213 = tpu.memref_slice %arg2[%dma_wait3A_206, %dma_wait3A_212] : memref<2x1600000xi32, #tpu.memory_space<hbm>> -> memref<1x1600000xi32, #tpu.memory_space<hbm>>
    %dma_wait3A_214 = tpu.memref_squeeze %dma_wait3A_213 : memref<1x1600000xi32, #tpu.memory_space<hbm>> -> memref<1600000xi32, #tpu.memory_space<hbm>>
    %dma_wait3A_215 = arith.constant 0 : i32
    %dma_wait3A_216 = tpu.memref_slice %dma_wait3A_214[%dma_wait3A_215] : memref<1600000xi32, #tpu.memory_space<hbm>> -> memref<2000xi32, #tpu.memory_space<hbm>>
    tpu.wait_dma2 semaphore(%arg26 : memref<!tpu.dma_semaphore, #tpu.memory_space<semaphore_mem>>) src(%dma_wait3A_216 : memref<2000xi32, #tpu.memory_space<hbm>>) dst(%arg16 : memref<2000xi32, #tpu.memory_space<vmem>>)
    %scan3A_217 = arith.constant 0 : i32
    %scan3A_218 = arith.constant 25 : i32
    %scan3A_219 = arith.addi %scan3A_217, %scan3A_218 : i32
    %scan3A_220 = arith.constant 1 : i32
    %scan3A_221 = scf.for %scan3A_614 = %scan3A_217 to %scan3A_219 step %scan3A_220 iter_args(%scan3A_615 = %scan3A_193) -> (vector<16xi32>)  : i32 {
      %mul3A_616 = arith.constant 5 : i32
      %mul3A_617 = arith.muli %scan3A_614, %mul3A_616 : i32
      %add3A_618 = arith.constant 0 : i32
      %add3A_619 = arith.addi %mul3A_617, %add3A_618 : i32
      %mul3A_620 = arith.constant 16 : i32
      %mul3A_621 = arith.muli %add3A_619, %mul3A_620 : i32
      %get3A = arith.index_cast %mul3A_621 : i32 to index
      %get3A_622 = tpu.vector_load %arg15[%get3A] {strides = array<i32>} : memref<2000xi32, #tpu.memory_space<vmem>>, vector<16xi32>,
      %mul3A_623 = arith.constant 16 : i32
      %mul3A_624 = arith.muli %add3A_619, %mul3A_623 : i32
      %get3A_625 = arith.index_cast %mul3A_624 : i32 to index
      %get3A_626 = tpu.vector_load %arg16[%get3A_625] {strides = array<i32>} : memref<2000xi32, #tpu.memory_space<vmem>>, vector<16xi32>,
      %gather3A = tpu.vector_load_idx %arg8[%get3A_622] : memref<50000xi32, #tpu.memory_space<vmem>>[vector<16xi32>], vector<16xi32>,
      %ge3A = arith.constant 0 : i32
      %ge3A_627 = vector.broadcast %ge3A : i32 to vector<16xi32>
      %ge3A_628 = arith.cmpi sge, %gather3A, %ge3A_627 : vector<16xi32>
      %mul3A_629 = arith.constant 1024 : i32
      %mul3A_630 = vector.broadcast %mul3A_629 : i32 to vector<16xi32>
      %mul3A_631 = arith.muli %get3A_626, %mul3A_630 : vector<16xi32>
      %add3A_632 = arith.addi %mul3A_631, %gather3A : vector<16xi32>
      %jit3A_633 = arith.constant 1 : i32
      %jit3A_634 = arith.constant 0 : i32
      %broadcast_in_dim3A_635 = vector.broadcast %jit3A_633 : i32 to vector<16xi32>
      %broadcast_in_dim3A_636 = vector.broadcast %jit3A_634 : i32 to vector<16xi32>
      %select_n3A_637 = arith.select %ge3A_628, %broadcast_in_dim3A_635, %broadcast_in_dim3A_636 : vector<16xi1>, vector<16xi32>
      %broadcast_in_dim3A_638 = arith.constant true
      %broadcast_in_dim3A_639 = vector.broadcast %broadcast_in_dim3A_638 : i1 to vector<16xi1>
      %masked_cumsum3A = tpu.scan <sum>, %select_n3A_637 masked %broadcast_in_dim3A_639 : vector<16xi32>, vector<16xi1> -> vector<16xi32>
      %add3A_640 = arith.addi %scan3A_615, %masked_cumsum3A : vector<16xi32>
      %sub3A_641 = arith.constant 1 : i32
      %sub3A_642 = vector.broadcast %sub3A_641 : i32 to vector<16xi32>
      %sub3A_643 = arith.subi %add3A_640, %sub3A_642 : vector<16xi32>
      tpu.vector_store_idx %arg19[%sub3A_643], %add3A_632 masked %ge3A_628 : memref<50512xi32, #tpu.memory_space<vmem>>[vector<16xi32>], vector<16xi32>, vector<16xi1>
      %all_reduce_population_count3A = tpu.all_reduce %ge3A_628 {dim = 0 : i64, kind = #tpu.reduction_kind<sum>} : vector<16xi1> -> vector<16xi32>
      %add3A_644 = arith.addi %scan3A_615, %all_reduce_population_count3A : vector<16xi32>
      %mul3A_645 = arith.constant 5 : i32
      %mul3A_646 = arith.muli %scan3A_614, %mul3A_645 : i32
      %add3A_647 = arith.constant 1 : i32
      %add3A_648 = arith.addi %mul3A_646, %add3A_647 : i32
      %mul3A_649 = arith.constant 16 : i32
      %mul3A_650 = arith.muli %add3A_648, %mul3A_649 : i32
      %get3A_651 = arith.index_cast %mul3A_650 : i32 to index
      %get3A_652 = tpu.vector_load %arg15[%get3A_651] {strides = array<i32>} : memref<2000xi32, #tpu.memory_space<vmem>>, vector<16xi32>,
      %mul3A_653 = arith.constant 16 : i32
      %mul3A_654 = arith.muli %add3A_648, %mul3A_653 : i32
      %get3A_655 = arith.index_cast %mul3A_654 : i32 to index
      %get3A_656 = tpu.vector_load %arg16[%get3A_655] {strides = array<i32>} : memref<2000xi32, #tpu.memory_space<vmem>>, vector<16xi32>,
      %gather3A_657 = tpu.vector_load_idx %arg8[%get3A_652] : memref<50000xi32, #tpu.memory_space<vmem>>[vector<16xi32>], vector<16xi32>,
      %ge3A_658 = arith.constant 0 : i32
      %ge3A_659 = vector.broadcast %ge3A_658 : i32 to vector<16xi32>
      %ge3A_660 = arith.cmpi sge, %gather3A_657, %ge3A_659 : vector<16xi32>
      %mul3A_661 = arith.constant 1024 : i32
      %mul3A_662 = vector.broadcast %mul3A_661 : i32 to vector<16xi32>
      %mul3A_663 = arith.muli %get3A_656, %mul3A_662 : vector<16xi32>
      %add3A_664 = arith.addi %mul3A_663, %gather3A_657 : vector<16xi32>
      %jit3A_665 = arith.constant 1 : i32
      %jit3A_666 = arith.constant 0 : i32
      %broadcast_in_dim3A_667 = vector.broadcast %jit3A_665 : i32 to vector<16xi32>
      %broadcast_in_dim3A_668 = vector.broadcast %jit3A_666 : i32 to vector<16xi32>
      %select_n3A_669 = arith.select %ge3A_660, %broadcast_in_dim3A_667, %broadcast_in_dim3A_668 : vector<16xi1>, vector<16xi32>
      %broadcast_in_dim3A_670 = arith.constant true
      %broadcast_in_dim3A_671 = vector.broadcast %broadcast_in_dim3A_670 : i1 to vector<16xi1>
      %masked_cumsum3A_672 = tpu.scan <sum>, %select_n3A_669 masked %broadcast_in_dim3A_671 : vector<16xi32>, vector<16xi1> -> vector<16xi32>
      %add3A_673 = arith.addi %add3A_644, %masked_cumsum3A_672 : vector<16xi32>
      %sub3A_674 = arith.constant 1 : i32
      %sub3A_675 = vector.broadcast %sub3A_674 : i32 to vector<16xi32>
      %sub3A_676 = arith.subi %add3A_673, %sub3A_675 : vector<16xi32>
      tpu.vector_store_idx %arg19[%sub3A_676], %add3A_664 masked %ge3A_660 : memref<50512xi32, #tpu.memory_space<vmem>>[vector<16xi32>], vector<16xi32>, vector<16xi1>
      %all_reduce_population_count3A_677 = tpu.all_reduce %ge3A_660 {dim = 0 : i64, kind = #tpu.reduction_kind<sum>} : vector<16xi1> -> vector<16xi32>
      %add3A_678 = arith.addi %add3A_644, %all_reduce_population_count3A_677 : vector<16xi32>
      %mul3A_679 = arith.constant 5 : i32
      %mul3A_680 = arith.muli %scan3A_614, %mul3A_679 : i32
      %add3A_681 = arith.constant 2 : i32
      %add3A_682 = arith.addi %mul3A_680, %add3A_681 : i32
      %mul3A_683 = arith.constant 16 : i32
      %mul3A_684 = arith.muli %add3A_682, %mul3A_683 : i32
      %get3A_685 = arith.index_cast %mul3A_684 : i32 to index
      %get3A_686 = tpu.vector_load %arg15[%get3A_685] {strides = array<i32>} : memref<2000xi32, #tpu.memory_space<vmem>>, vector<16xi32>,
      %mul3A_687 = arith.constant 16 : i32
      %mul3A_688 = arith.muli %add3A_682, %mul3A_687 : i32
      %get3A_689 = arith.index_cast %mul3A_688 : i32 to index
      %get3A_690 = tpu.vector_load %arg16[%get3A_689] {strides = array<i32>} : memref<2000xi32, #tpu.memory_space<vmem>>, vector<16xi32>,
      %gather3A_691 = tpu.vector_load_idx %arg8[%get3A_686] : memref<50000xi32, #tpu.memory_space<vmem>>[vector<16xi32>], vector<16xi32>,
      %ge3A_692 = arith.constant 0 : i32
      %ge3A_693 = vector.broadcast %ge3A_692 : i32 to vector<16xi32>
      %ge3A_694 = arith.cmpi sge, %gather3A_691, %ge3A_693 : vector<16xi32>
      %mul3A_695 = arith.constant 1024 : i32
      %mul3A_696 = vector.broadcast %mul3A_695 : i32 to vector<16xi32>
      %mul3A_697 = arith.muli %get3A_690, %mul3A_696 : vector<16xi32>
      %add3A_698 = arith.addi %mul3A_697, %gather3A_691 : vector<16xi32>
      %jit3A_699 = arith.constant 1 : i32
      %jit3A_700 = arith.constant 0 : i32
      %broadcast_in_dim3A_701 = vector.broadcast %jit3A_699 : i32 to vector<16xi32>
      %broadcast_in_dim3A_702 = vector.broadcast %jit3A_700 : i32 to vector<16xi32>
      %select_n3A_703 = arith.select %ge3A_694, %broadcast_in_dim3A_701, %broadcast_in_dim3A_702 : vector<16xi1>, vector<16xi32>
      %broadcast_in_dim3A_704 = arith.constant true
      %broadcast_in_dim3A_705 = vector.broadcast %broadcast_in_dim3A_704 : i1 to vector<16xi1>
      %masked_cumsum3A_706 = tpu.scan <sum>, %select_n3A_703 masked %broadcast_in_dim3A_705 : vector<16xi32>, vector<16xi1> -> vector<16xi32>
      %add3A_707 = arith.addi %add3A_678, %masked_cumsum3A_706 : vector<16xi32>
      %sub3A_708 = arith.constant 1 : i32
      %sub3A_709 = vector.broadcast %sub3A_708 : i32 to vector<16xi32>
      %sub3A_710 = arith.subi %add3A_707, %sub3A_709 : vector<16xi32>
      tpu.vector_store_idx %arg19[%sub3A_710], %add3A_698 masked %ge3A_694 : memref<50512xi32, #tpu.memory_space<vmem>>[vector<16xi32>], vector<16xi32>, vector<16xi1>
      %all_reduce_population_count3A_711 = tpu.all_reduce %ge3A_694 {dim = 0 : i64, kind = #tpu.reduction_kind<sum>} : vector<16xi1> -> vector<16xi32>
      %add3A_712 = arith.addi %add3A_678, %all_reduce_population_count3A_711 : vector<16xi32>
      %mul3A_713 = arith.constant 5 : i32
      %mul3A_714 = arith.muli %scan3A_614, %mul3A_713 : i32
      %add3A_715 = arith.constant 3 : i32
      %add3A_716 = arith.addi %mul3A_714, %add3A_715 : i32
      %mul3A_717 = arith.constant 16 : i32
      %mul3A_718 = arith.muli %add3A_716, %mul3A_717 : i32
      %get3A_719 = arith.index_cast %mul3A_718 : i32 to index
      %get3A_720 = tpu.vector_load %arg15[%get3A_719] {strides = array<i32>} : memref<2000xi32, #tpu.memory_space<vmem>>, vector<16xi32>,
      %mul3A_721 = arith.constant 16 : i32
      %mul3A_722 = arith.muli %add3A_716, %mul3A_721 : i32
      %get3A_723 = arith.index_cast %mul3A_722 : i32 to index
      %get3A_724 = tpu.vector_load %arg16[%get3A_723] {strides = array<i32>} : memref<2000xi32, #tpu.memory_space<vmem>>, vector<16xi32>,
      %gather3A_725 = tpu.vector_load_idx %arg8[%get3A_720] : memref<50000xi32, #tpu.memory_space<vmem>>[vector<16xi32>], vector<16xi32>,
      %ge3A_726 = arith.constant 0 : i32
      %ge3A_727 = vector.broadcast %ge3A_726 : i32 to vector<16xi32>
      %ge3A_728 = arith.cmpi sge, %gather3A_725, %ge3A_727 : vector<16xi32>
      %mul3A_729 = arith.constant 1024 : i32
      %mul3A_730 = vector.broadcast %mul3A_729 : i32 to vector<16xi32>
      %mul3A_731 = arith.muli %get3A_724, %mul3A_730 : vector<16xi32>
      %add3A_732 = arith.addi %mul3A_731, %gather3A_725 : vector<16xi32>
      %jit3A_733 = arith.constant 1 : i32
      %jit3A_734 = arith.constant 0 : i32
      %broadcast_in_dim3A_735 = vector.broadcast %jit3A_733 : i32 to vector<16xi32>
      %broadcast_in_dim3A_736 = vector.broadcast %jit3A_734 : i32 to vector<16xi32>
      %select_n3A_737 = arith.select %ge3A_728, %broadcast_in_dim3A_735, %broadcast_in_dim3A_736 : vector<16xi1>, vector<16xi32>
      %broadcast_in_dim3A_738 = arith.constant true
      %broadcast_in_dim3A_739 = vector.broadcast %broadcast_in_dim3A_738 : i1 to vector<16xi1>
      %masked_cumsum3A_740 = tpu.scan <sum>, %select_n3A_737 masked %broadcast_in_dim3A_739 : vector<16xi32>, vector<16xi1> -> vector<16xi32>
      %add3A_741 = arith.addi %add3A_712, %masked_cumsum3A_740 : vector<16xi32>
      %sub3A_742 = arith.constant 1 : i32
      %sub3A_743 = vector.broadcast %sub3A_742 : i32 to vector<16xi32>
      %sub3A_744 = arith.subi %add3A_741, %sub3A_743 : vector<16xi32>
      tpu.vector_store_idx %arg19[%sub3A_744], %add3A_732 masked %ge3A_728 : memref<50512xi32, #tpu.memory_space<vmem>>[vector<16xi32>], vector<16xi32>, vector<16xi1>
      %all_reduce_population_count3A_745 = tpu.all_reduce %ge3A_728 {dim = 0 : i64, kind = #tpu.reduction_kind<sum>} : vector<16xi1> -> vector<16xi32>
      %add3A_746 = arith.addi %add3A_712, %all_reduce_population_count3A_745 : vector<16xi32>
      %mul3A_747 = arith.constant 5 : i32
      %mul3A_748 = arith.muli %scan3A_614, %mul3A_747 : i32
      %add3A_749 = arith.constant 4 : i32
      %add3A_750 = arith.addi %mul3A_748, %add3A_749 : i32
      %mul3A_751 = arith.constant 16 : i32
      %mul3A_752 = arith.muli %add3A_750, %mul3A_751 : i32
      %get3A_753 = arith.index_cast %mul3A_752 : i32 to index
      %get3A_754 = tpu.vector_load %arg15[%get3A_753] {strides = array<i32>} : memref<2000xi32, #tpu.memory_space<vmem>>, vector<16xi32>,
      %mul3A_755 = arith.constant 16 : i32
      %mul3A_756 = arith.muli %add3A_750, %mul3A_755 : i32
      %get3A_757 = arith.index_cast %mul3A_756 : i32 to index
      %get3A_758 = tpu.vector_load %arg16[%get3A_757] {strides = array<i32>} : memref<2000xi32, #tpu.memory_space<vmem>>, vector<16xi32>,
      %gather3A_759 = tpu.vector_load_idx %arg8[%get3A_754] : memref<50000xi32, #tpu.memory_space<vmem>>[vector<16xi32>], vector<16xi32>,
      %ge3A_760 = arith.constant 0 : i32
      %ge3A_761 = vector.broadcast %ge3A_760 : i32 to vector<16xi32>
      %ge3A_762 = arith.cmpi sge, %gather3A_759, %ge3A_761 : vector<16xi32>
      %mul3A_763 = arith.constant 1024 : i32
      %mul3A_764 = vector.broadcast %mul3A_763 : i32 to vector<16xi32>
      %mul3A_765 = arith.muli %get3A_758, %mul3A_764 : vector<16xi32>
      %add3A_766 = arith.addi %mul3A_765, %gather3A_759 : vector<16xi32>
      %jit3A_767 = arith.constant 1 : i32
      %jit3A_768 = arith.constant 0 : i32
      %broadcast_in_dim3A_769 = vector.broadcast %jit3A_767 : i32 to vector<16xi32>
      %broadcast_in_dim3A_770 = vector.broadcast %jit3A_768 : i32 to vector<16xi32>
      %select_n3A_771 = arith.select %ge3A_762, %broadcast_in_dim3A_769, %broadcast_in_dim3A_770 : vector<16xi1>, vector<16xi32>
      %broadcast_in_dim3A_772 = arith.constant true
      %broadcast_in_dim3A_773 = vector.broadcast %broadcast_in_dim3A_772 : i1 to vector<16xi1>
      %masked_cumsum3A_774 = tpu.scan <sum>, %select_n3A_771 masked %broadcast_in_dim3A_773 : vector<16xi32>, vector<16xi1> -> vector<16xi32>
      %add3A_775 = arith.addi %add3A_746, %masked_cumsum3A_774 : vector<16xi32>
      %sub3A_776 = arith.constant 1 : i32
      %sub3A_777 = vector.broadcast %sub3A_776 : i32 to vector<16xi32>
      %sub3A_778 = arith.subi %add3A_775, %sub3A_777 : vector<16xi32>
      tpu.vector_store_idx %arg19[%sub3A_778], %add3A_766 masked %ge3A_762 : memref<50512xi32, #tpu.memory_space<vmem>>[vector<16xi32>], vector<16xi32>, vector<16xi1>
      %all_reduce_population_count3A_779 = tpu.all_reduce %ge3A_762 {dim = 0 : i64, kind = #tpu.reduction_kind<sum>} : vector<16xi1> -> vector<16xi32>
      %add3A_780 = arith.addi %add3A_746, %all_reduce_population_count3A_779 : vector<16xi32>
      scf.yield %add3A_780 : vector<16xi32>
    }
    %scan3A_222 = arith.constant 25 : i32
    %dma_wait3A_223 = arith.constant 1 : i32
    %dma_wait3A_224 = arith.constant 0 : i32
    %dma_wait3A_225 = tpu.memref_slice %arg2[%dma_wait3A_223, %dma_wait3A_224] : memref<2x1600000xi32, #tpu.memory_space<hbm>> -> memref<1x1600000xi32, #tpu.memory_space<hbm>>
    %dma_wait3A_226 = tpu.memref_squeeze %dma_wait3A_225 : memref<1x1600000xi32, #tpu.memory_space<hbm>> -> memref<1600000xi32, #tpu.memory_space<hbm>>
    %dma_wait3A_227 = arith.constant 0 : i32
    %dma_wait3A_228 = tpu.memref_slice %dma_wait3A_226[%dma_wait3A_227] : memref<1600000xi32, #tpu.memory_space<hbm>> -> memref<2000xi32, #tpu.memory_space<hbm>>
    %dma_wait3A_229 = arith.constant 0 : i32
    %dma_wait3A_230 = tpu.memref_slice %arg2[%dma_wait3A_223, %dma_wait3A_229] : memref<2x1600000xi32, #tpu.memory_space<hbm>> -> memref<1x1600000xi32, #tpu.memory_space<hbm>>
    %dma_wait3A_231 = tpu.memref_squeeze %dma_wait3A_230 : memref<1x1600000xi32, #tpu.memory_space<hbm>> -> memref<1600000xi32, #tpu.memory_space<hbm>>
    %dma_wait3A_232 = arith.constant 0 : i32
    %dma_wait3A_233 = tpu.memref_slice %dma_wait3A_231[%dma_wait3A_232] : memref<1600000xi32, #tpu.memory_space<hbm>> -> memref<2000xi32, #tpu.memory_space<hbm>>
    tpu.wait_dma2 semaphore(%arg27 : memref<!tpu.dma_semaphore, #tpu.memory_space<semaphore_mem>>) src(%dma_wait3A_233 : memref<2000xi32, #tpu.memory_space<hbm>>) dst(%arg17 : memref<2000xi32, #tpu.memory_space<vmem>>)
    %dma_wait3A_234 = arith.constant 0 : i32
    %dma_wait3A_235 = arith.constant 0 : i32
    %dma_wait3A_236 = tpu.memref_slice %arg2[%dma_wait3A_234, %dma_wait3A_235] : memref<2x1600000xi32, #tpu.memory_space<hbm>> -> memref<1x1600000xi32, #tpu.memory_space<hbm>>
    %dma_wait3A_237 = tpu.memref_squeeze %dma_wait3A_236 : memref<1x1600000xi32, #tpu.memory_space<hbm>> -> memref<1600000xi32, #tpu.memory_space<hbm>>
    %dma_wait3A_238 = arith.constant 0 : i32
    %dma_wait3A_239 = tpu.memref_slice %dma_wait3A_237[%dma_wait3A_238] : memref<1600000xi32, #tpu.memory_space<hbm>> -> memref<2000xi32, #tpu.memory_space<hbm>>
    %dma_wait3A_240 = arith.constant 0 : i32
    %dma_wait3A_241 = tpu.memref_slice %arg2[%dma_wait3A_234, %dma_wait3A_240] : memref<2x1600000xi32, #tpu.memory_space<hbm>> -> memref<1x1600000xi32, #tpu.memory_space<hbm>>
    %dma_wait3A_242 = tpu.memref_squeeze %dma_wait3A_241 : memref<1x1600000xi32, #tpu.memory_space<hbm>> -> memref<1600000xi32, #tpu.memory_space<hbm>>
    %dma_wait3A_243 = arith.constant 0 : i32
    %dma_wait3A_244 = tpu.memref_slice %dma_wait3A_242[%dma_wait3A_243] : memref<1600000xi32, #tpu.memory_space<hbm>> -> memref<2000xi32, #tpu.memory_space<hbm>>
    tpu.wait_dma2 semaphore(%arg27 : memref<!tpu.dma_semaphore, #tpu.memory_space<semaphore_mem>>) src(%dma_wait3A_244 : memref<2000xi32, #tpu.memory_space<hbm>>) dst(%arg18 : memref<2000xi32, #tpu.memory_space<vmem>>)
    %scan3A_245 = arith.constant 0 : i32
    %scan3A_246 = arith.constant 25 : i32
    %scan3A_247 = arith.addi %scan3A_245, %scan3A_246 : i32
    %scan3A_248 = arith.constant 1 : i32
    %scan3A_249 = scf.for %scan3A_614 = %scan3A_245 to %scan3A_247 step %scan3A_248 iter_args(%scan3A_615 = %scan3A_221) -> (vector<16xi32>)  : i32 {
      %mul3A_616 = arith.constant 5 : i32
      %mul3A_617 = arith.muli %scan3A_614, %mul3A_616 : i32
      %add3A_618 = arith.constant 0 : i32
      %add3A_619 = arith.addi %mul3A_617, %add3A_618 : i32
      %mul3A_620 = arith.constant 16 : i32
      %mul3A_621 = arith.muli %add3A_619, %mul3A_620 : i32
      %get3A = arith.index_cast %mul3A_621 : i32 to index
      %get3A_622 = tpu.vector_load %arg17[%get3A] {strides = array<i32>} : memref<2000xi32, #tpu.memory_space<vmem>>, vector<16xi32>,
      %mul3A_623 = arith.constant 16 : i32
      %mul3A_624 = arith.muli %add3A_619, %mul3A_623 : i32
      %get3A_625 = arith.index_cast %mul3A_624 : i32 to index
      %get3A_626 = tpu.vector_load %arg18[%get3A_625] {strides = array<i32>} : memref<2000xi32, #tpu.memory_space<vmem>>, vector<16xi32>,
      %gather3A = tpu.vector_load_idx %arg8[%get3A_622] : memref<50000xi32, #tpu.memory_space<vmem>>[vector<16xi32>], vector<16xi32>,
      %ge3A = arith.constant 0 : i32
      %ge3A_627 = vector.broadcast %ge3A : i32 to vector<16xi32>
      %ge3A_628 = arith.cmpi sge, %gather3A, %ge3A_627 : vector<16xi32>
      %mul3A_629 = arith.constant 1024 : i32
      %mul3A_630 = vector.broadcast %mul3A_629 : i32 to vector<16xi32>
      %mul3A_631 = arith.muli %get3A_626, %mul3A_630 : vector<16xi32>
      %add3A_632 = arith.addi %mul3A_631, %gather3A : vector<16xi32>
      %jit3A_633 = arith.constant 1 : i32
      %jit3A_634 = arith.constant 0 : i32
      %broadcast_in_dim3A_635 = vector.broadcast %jit3A_633 : i32 to vector<16xi32>
      %broadcast_in_dim3A_636 = vector.broadcast %jit3A_634 : i32 to vector<16xi32>
      %select_n3A_637 = arith.select %ge3A_628, %broadcast_in_dim3A_635, %broadcast_in_dim3A_636 : vector<16xi1>, vector<16xi32>
      %broadcast_in_dim3A_638 = arith.constant true
      %broadcast_in_dim3A_639 = vector.broadcast %broadcast_in_dim3A_638 : i1 to vector<16xi1>
      %masked_cumsum3A = tpu.scan <sum>, %select_n3A_637 masked %broadcast_in_dim3A_639 : vector<16xi32>, vector<16xi1> -> vector<16xi32>
      %add3A_640 = arith.addi %scan3A_615, %masked_cumsum3A : vector<16xi32>
      %sub3A_641 = arith.constant 1 : i32
      %sub3A_642 = vector.broadcast %sub3A_641 : i32 to vector<16xi32>
      %sub3A_643 = arith.subi %add3A_640, %sub3A_642 : vector<16xi32>
      tpu.vector_store_idx %arg19[%sub3A_643], %add3A_632 masked %ge3A_628 : memref<50512xi32, #tpu.memory_space<vmem>>[vector<16xi32>], vector<16xi32>, vector<16xi1>
      %all_reduce_population_count3A = tpu.all_reduce %ge3A_628 {dim = 0 : i64, kind = #tpu.reduction_kind<sum>} : vector<16xi1> -> vector<16xi32>
      %add3A_644 = arith.addi %scan3A_615, %all_reduce_population_count3A : vector<16xi32>
      %mul3A_645 = arith.constant 5 : i32
      %mul3A_646 = arith.muli %scan3A_614, %mul3A_645 : i32
      %add3A_647 = arith.constant 1 : i32
      %add3A_648 = arith.addi %mul3A_646, %add3A_647 : i32
      %mul3A_649 = arith.constant 16 : i32
      %mul3A_650 = arith.muli %add3A_648, %mul3A_649 : i32
      %get3A_651 = arith.index_cast %mul3A_650 : i32 to index
      %get3A_652 = tpu.vector_load %arg17[%get3A_651] {strides = array<i32>} : memref<2000xi32, #tpu.memory_space<vmem>>, vector<16xi32>,
      %mul3A_653 = arith.constant 16 : i32
      %mul3A_654 = arith.muli %add3A_648, %mul3A_653 : i32
      %get3A_655 = arith.index_cast %mul3A_654 : i32 to index
      %get3A_656 = tpu.vector_load %arg18[%get3A_655] {strides = array<i32>} : memref<2000xi32, #tpu.memory_space<vmem>>, vector<16xi32>,
      %gather3A_657 = tpu.vector_load_idx %arg8[%get3A_652] : memref<50000xi32, #tpu.memory_space<vmem>>[vector<16xi32>], vector<16xi32>,
      %ge3A_658 = arith.constant 0 : i32
      %ge3A_659 = vector.broadcast %ge3A_658 : i32 to vector<16xi32>
      %ge3A_660 = arith.cmpi sge, %gather3A_657, %ge3A_659 : vector<16xi32>
      %mul3A_661 = arith.constant 1024 : i32
      %mul3A_662 = vector.broadcast %mul3A_661 : i32 to vector<16xi32>
      %mul3A_663 = arith.muli %get3A_656, %mul3A_662 : vector<16xi32>
      %add3A_664 = arith.addi %mul3A_663, %gather3A_657 : vector<16xi32>
      %jit3A_665 = arith.constant 1 : i32
      %jit3A_666 = arith.constant 0 : i32
      %broadcast_in_dim3A_667 = vector.broadcast %jit3A_665 : i32 to vector<16xi32>
      %broadcast_in_dim3A_668 = vector.broadcast %jit3A_666 : i32 to vector<16xi32>
      %select_n3A_669 = arith.select %ge3A_660, %broadcast_in_dim3A_667, %broadcast_in_dim3A_668 : vector<16xi1>, vector<16xi32>
      %broadcast_in_dim3A_670 = arith.constant true
      %broadcast_in_dim3A_671 = vector.broadcast %broadcast_in_dim3A_670 : i1 to vector<16xi1>
      %masked_cumsum3A_672 = tpu.scan <sum>, %select_n3A_669 masked %broadcast_in_dim3A_671 : vector<16xi32>, vector<16xi1> -> vector<16xi32>
      %add3A_673 = arith.addi %add3A_644, %masked_cumsum3A_672 : vector<16xi32>
      %sub3A_674 = arith.constant 1 : i32
      %sub3A_675 = vector.broadcast %sub3A_674 : i32 to vector<16xi32>
      %sub3A_676 = arith.subi %add3A_673, %sub3A_675 : vector<16xi32>
      tpu.vector_store_idx %arg19[%sub3A_676], %add3A_664 masked %ge3A_660 : memref<50512xi32, #tpu.memory_space<vmem>>[vector<16xi32>], vector<16xi32>, vector<16xi1>
      %all_reduce_population_count3A_677 = tpu.all_reduce %ge3A_660 {dim = 0 : i64, kind = #tpu.reduction_kind<sum>} : vector<16xi1> -> vector<16xi32>
      %add3A_678 = arith.addi %add3A_644, %all_reduce_population_count3A_677 : vector<16xi32>
      %mul3A_679 = arith.constant 5 : i32
      %mul3A_680 = arith.muli %scan3A_614, %mul3A_679 : i32
      %add3A_681 = arith.constant 2 : i32
      %add3A_682 = arith.addi %mul3A_680, %add3A_681 : i32
      %mul3A_683 = arith.constant 16 : i32
      %mul3A_684 = arith.muli %add3A_682, %mul3A_683 : i32
      %get3A_685 = arith.index_cast %mul3A_684 : i32 to index
      %get3A_686 = tpu.vector_load %arg17[%get3A_685] {strides = array<i32>} : memref<2000xi32, #tpu.memory_space<vmem>>, vector<16xi32>,
      %mul3A_687 = arith.constant 16 : i32
      %mul3A_688 = arith.muli %add3A_682, %mul3A_687 : i32
      %get3A_689 = arith.index_cast %mul3A_688 : i32 to index
      %get3A_690 = tpu.vector_load %arg18[%get3A_689] {strides = array<i32>} : memref<2000xi32, #tpu.memory_space<vmem>>, vector<16xi32>,
      %gather3A_691 = tpu.vector_load_idx %arg8[%get3A_686] : memref<50000xi32, #tpu.memory_space<vmem>>[vector<16xi32>], vector<16xi32>,
      %ge3A_692 = arith.constant 0 : i32
      %ge3A_693 = vector.broadcast %ge3A_692 : i32 to vector<16xi32>
      %ge3A_694 = arith.cmpi sge, %gather3A_691, %ge3A_693 : vector<16xi32>
      %mul3A_695 = arith.constant 1024 : i32
      %mul3A_696 = vector.broadcast %mul3A_695 : i32 to vector<16xi32>
      %mul3A_697 = arith.muli %get3A_690, %mul3A_696 : vector<16xi32>
      %add3A_698 = arith.addi %mul3A_697, %gather3A_691 : vector<16xi32>
      %jit3A_699 = arith.constant 1 : i32
      %jit3A_700 = arith.constant 0 : i32
      %broadcast_in_dim3A_701 = vector.broadcast %jit3A_699 : i32 to vector<16xi32>
      %broadcast_in_dim3A_702 = vector.broadcast %jit3A_700 : i32 to vector<16xi32>
      %select_n3A_703 = arith.select %ge3A_694, %broadcast_in_dim3A_701, %broadcast_in_dim3A_702 : vector<16xi1>, vector<16xi32>
      %broadcast_in_dim3A_704 = arith.constant true
      %broadcast_in_dim3A_705 = vector.broadcast %broadcast_in_dim3A_704 : i1 to vector<16xi1>
      %masked_cumsum3A_706 = tpu.scan <sum>, %select_n3A_703 masked %broadcast_in_dim3A_705 : vector<16xi32>, vector<16xi1> -> vector<16xi32>
      %add3A_707 = arith.addi %add3A_678, %masked_cumsum3A_706 : vector<16xi32>
      %sub3A_708 = arith.constant 1 : i32
      %sub3A_709 = vector.broadcast %sub3A_708 : i32 to vector<16xi32>
      %sub3A_710 = arith.subi %add3A_707, %sub3A_709 : vector<16xi32>
      tpu.vector_store_idx %arg19[%sub3A_710], %add3A_698 masked %ge3A_694 : memref<50512xi32, #tpu.memory_space<vmem>>[vector<16xi32>], vector<16xi32>, vector<16xi1>
      %all_reduce_population_count3A_711 = tpu.all_reduce %ge3A_694 {dim = 0 : i64, kind = #tpu.reduction_kind<sum>} : vector<16xi1> -> vector<16xi32>
      %add3A_712 = arith.addi %add3A_678, %all_reduce_population_count3A_711 : vector<16xi32>
      %mul3A_713 = arith.constant 5 : i32
      %mul3A_714 = arith.muli %scan3A_614, %mul3A_713 : i32
      %add3A_715 = arith.constant 3 : i32
      %add3A_716 = arith.addi %mul3A_714, %add3A_715 : i32
      %mul3A_717 = arith.constant 16 : i32
      %mul3A_718 = arith.muli %add3A_716, %mul3A_717 : i32
      %get3A_719 = arith.index_cast %mul3A_718 : i32 to index
      %get3A_720 = tpu.vector_load %arg17[%get3A_719] {strides = array<i32>} : memref<2000xi32, #tpu.memory_space<vmem>>, vector<16xi32>,
      %mul3A_721 = arith.constant 16 : i32
      %mul3A_722 = arith.muli %add3A_716, %mul3A_721 : i32
      %get3A_723 = arith.index_cast %mul3A_722 : i32 to index
      %get3A_724 = tpu.vector_load %arg18[%get3A_723] {strides = array<i32>} : memref<2000xi32, #tpu.memory_space<vmem>>, vector<16xi32>,
      %gather3A_725 = tpu.vector_load_idx %arg8[%get3A_720] : memref<50000xi32, #tpu.memory_space<vmem>>[vector<16xi32>], vector<16xi32>,
      %ge3A_726 = arith.constant 0 : i32
      %ge3A_727 = vector.broadcast %ge3A_726 : i32 to vector<16xi32>
      %ge3A_728 = arith.cmpi sge, %gather3A_725, %ge3A_727 : vector<16xi32>
      %mul3A_729 = arith.constant 1024 : i32
      %mul3A_730 = vector.broadcast %mul3A_729 : i32 to vector<16xi32>
      %mul3A_731 = arith.muli %get3A_724, %mul3A_730 : vector<16xi32>
      %add3A_732 = arith.addi %mul3A_731, %gather3A_725 : vector<16xi32>
      %jit3A_733 = arith.constant 1 : i32
      %jit3A_734 = arith.constant 0 : i32
      %broadcast_in_dim3A_735 = vector.broadcast %jit3A_733 : i32 to vector<16xi32>
      %broadcast_in_dim3A_736 = vector.broadcast %jit3A_734 : i32 to vector<16xi32>
      %select_n3A_737 = arith.select %ge3A_728, %broadcast_in_dim3A_735, %broadcast_in_dim3A_736 : vector<16xi1>, vector<16xi32>
      %broadcast_in_dim3A_738 = arith.constant true
      %broadcast_in_dim3A_739 = vector.broadcast %broadcast_in_dim3A_738 : i1 to vector<16xi1>
      %masked_cumsum3A_740 = tpu.scan <sum>, %select_n3A_737 masked %broadcast_in_dim3A_739 : vector<16xi32>, vector<16xi1> -> vector<16xi32>
      %add3A_741 = arith.addi %add3A_712, %masked_cumsum3A_740 : vector<16xi32>
      %sub3A_742 = arith.constant 1 : i32
      %sub3A_743 = vector.broadcast %sub3A_742 : i32 to vector<16xi32>
      %sub3A_744 = arith.subi %add3A_741, %sub3A_743 : vector<16xi32>
      tpu.vector_store_idx %arg19[%sub3A_744], %add3A_732 masked %ge3A_728 : memref<50512xi32, #tpu.memory_space<vmem>>[vector<16xi32>], vector<16xi32>, vector<16xi1>
      %all_reduce_population_count3A_745 = tpu.all_reduce %ge3A_728 {dim = 0 : i64, kind = #tpu.reduction_kind<sum>} : vector<16xi1> -> vector<16xi32>
      %add3A_746 = arith.addi %add3A_712, %all_reduce_population_count3A_745 : vector<16xi32>
      %mul3A_747 = arith.constant 5 : i32
      %mul3A_748 = arith.muli %scan3A_614, %mul3A_747 : i32
      %add3A_749 = arith.constant 4 : i32
      %add3A_750 = arith.addi %mul3A_748, %add3A_749 : i32
      %mul3A_751 = arith.constant 16 : i32
      %mul3A_752 = arith.muli %add3A_750, %mul3A_751 : i32
      %get3A_753 = arith.index_cast %mul3A_752 : i32 to index
      %get3A_754 = tpu.vector_load %arg17[%get3A_753] {strides = array<i32>} : memref<2000xi32, #tpu.memory_space<vmem>>, vector<16xi32>,
      %mul3A_755 = arith.constant 16 : i32
      %mul3A_756 = arith.muli %add3A_750, %mul3A_755 : i32
      %get3A_757 = arith.index_cast %mul3A_756 : i32 to index
      %get3A_758 = tpu.vector_load %arg18[%get3A_757] {strides = array<i32>} : memref<2000xi32, #tpu.memory_space<vmem>>, vector<16xi32>,
      %gather3A_759 = tpu.vector_load_idx %arg8[%get3A_754] : memref<50000xi32, #tpu.memory_space<vmem>>[vector<16xi32>], vector<16xi32>,
      %ge3A_760 = arith.constant 0 : i32
      %ge3A_761 = vector.broadcast %ge3A_760 : i32 to vector<16xi32>
      %ge3A_762 = arith.cmpi sge, %gather3A_759, %ge3A_761 : vector<16xi32>
      %mul3A_763 = arith.constant 1024 : i32
      %mul3A_764 = vector.broadcast %mul3A_763 : i32 to vector<16xi32>
      %mul3A_765 = arith.muli %get3A_758, %mul3A_764 : vector<16xi32>
      %add3A_766 = arith.addi %mul3A_765, %gather3A_759 : vector<16xi32>
      %jit3A_767 = arith.constant 1 : i32
      %jit3A_768 = arith.constant 0 : i32
      %broadcast_in_dim3A_769 = vector.broadcast %jit3A_767 : i32 to vector<16xi32>
      %broadcast_in_dim3A_770 = vector.broadcast %jit3A_768 : i32 to vector<16xi32>
      %select_n3A_771 = arith.select %ge3A_762, %broadcast_in_dim3A_769, %broadcast_in_dim3A_770 : vector<16xi1>, vector<16xi32>
      %broadcast_in_dim3A_772 = arith.constant true
      %broadcast_in_dim3A_773 = vector.broadcast %broadcast_in_dim3A_772 : i1 to vector<16xi1>
      %masked_cumsum3A_774 = tpu.scan <sum>, %select_n3A_771 masked %broadcast_in_dim3A_773 : vector<16xi32>, vector<16xi1> -> vector<16xi32>
      %add3A_775 = arith.addi %add3A_746, %masked_cumsum3A_774 : vector<16xi32>
      %sub3A_776 = arith.constant 1 : i32
      %sub3A_777 = vector.broadcast %sub3A_776 : i32 to vector<16xi32>
      %sub3A_778 = arith.subi %add3A_775, %sub3A_777 : vector<16xi32>
      tpu.vector_store_idx %arg19[%sub3A_778], %add3A_766 masked %ge3A_762 : memref<50512xi32, #tpu.memory_space<vmem>>[vector<16xi32>], vector<16xi32>, vector<16xi1>
      %all_reduce_population_count3A_779 = tpu.all_reduce %ge3A_762 {dim = 0 : i64, kind = #tpu.reduction_kind<sum>} : vector<16xi1> -> vector<16xi32>
      %add3A_780 = arith.addi %add3A_746, %all_reduce_population_count3A_779 : vector<16xi32>
      scf.yield %add3A_780 : vector<16xi32>
    }
    %scan3A_250 = arith.constant 25 : i32
    %reduce_max3A = arith.constant true
    %reduce_max3A_251 = vector.broadcast %reduce_max3A : i1 to vector<16xi1>
    %reduce_max3A_252 = arith.constant -2147483648 : i32
    %reduce_max3A_253 = vector.broadcast %reduce_max3A_252 : i32 to vector<16xi32>
    %reduce_max3A_254 = arith.xori %scan3A_249, %reduce_max3A_253 : vector<16xi32>
    %reduce_max3A_255 = tpu.scan <max>, %reduce_max3A_254 masked %reduce_max3A_251 : vector<16xi32>, vector<16xi1> -> vector<16xi32>
    %reduce_max3A_256 = arith.xori %reduce_max3A_255, %reduce_max3A_253 : vector<16xi32>
    %reduce_max3A_257 = vector.extract %reduce_max3A_256[15] : i32 from vector<16xi32>
    %add3A_258 = arith.constant 0 : i32
    %add3A_259 = vector.broadcast %add3A_258 : i32 to vector<16xi32>
    %add3A_260 = arith.addi %scan3A_249, %add3A_259 : vector<16xi32>
    %add3A_261 = arith.addi %add3A_260, %iota3A : vector<16xi32>
    %and3A = arith.constant 8191 : i32
    %and3A_262 = vector.broadcast %and3A : i32 to vector<16xi32>
    %and3A_263 = arith.andi %add3A_261, %and3A_262 : vector<16xi32>
    %mul3A_264 = arith.constant 1024 : i32
    %mul3A_265 = vector.broadcast %mul3A_264 : i32 to vector<16xi32>
    %mul3A_266 = arith.muli %and3A_263, %mul3A_265 : vector<16xi32>
    tpu.vector_store_idx %arg19[%add3A_261], %mul3A_266 : memref<50512xi32, #tpu.memory_space<vmem>>[vector<16xi32>], vector<16xi32>,
    %add3A_267 = arith.constant 16 : i32
    %add3A_268 = vector.broadcast %add3A_267 : i32 to vector<16xi32>
    %add3A_269 = arith.addi %scan3A_249, %add3A_268 : vector<16xi32>
    %add3A_270 = arith.addi %add3A_269, %iota3A : vector<16xi32>
    %and3A_271 = arith.constant 8191 : i32
    %and3A_272 = vector.broadcast %and3A_271 : i32 to vector<16xi32>
    %and3A_273 = arith.andi %add3A_270, %and3A_272 : vector<16xi32>
    %mul3A_274 = arith.constant 1024 : i32
    %mul3A_275 = vector.broadcast %mul3A_274 : i32 to vector<16xi32>
    %mul3A_276 = arith.muli %and3A_273, %mul3A_275 : vector<16xi32>
    tpu.vector_store_idx %arg19[%add3A_270], %mul3A_276 : memref<50512xi32, #tpu.memory_space<vmem>>[vector<16xi32>], vector<16xi32>,
    %add3A_277 = arith.constant 32 : i32
    %add3A_278 = vector.broadcast %add3A_277 : i32 to vector<16xi32>
    %add3A_279 = arith.addi %scan3A_249, %add3A_278 : vector<16xi32>
    %add3A_280 = arith.addi %add3A_279, %iota3A : vector<16xi32>
    %and3A_281 = arith.constant 8191 : i32
    %and3A_282 = vector.broadcast %and3A_281 : i32 to vector<16xi32>
    %and3A_283 = arith.andi %add3A_280, %and3A_282 : vector<16xi32>
    %mul3A_284 = arith.constant 1024 : i32
    %mul3A_285 = vector.broadcast %mul3A_284 : i32 to vector<16xi32>
    %mul3A_286 = arith.muli %and3A_283, %mul3A_285 : vector<16xi32>
    tpu.vector_store_idx %arg19[%add3A_280], %mul3A_286 : memref<50512xi32, #tpu.memory_space<vmem>>[vector<16xi32>], vector<16xi32>,
    %add3A_287 = arith.constant 48 : i32
    %add3A_288 = vector.broadcast %add3A_287 : i32 to vector<16xi32>
    %add3A_289 = arith.addi %scan3A_249, %add3A_288 : vector<16xi32>
    %add3A_290 = arith.addi %add3A_289, %iota3A : vector<16xi32>
    %and3A_291 = arith.constant 8191 : i32
    %and3A_292 = vector.broadcast %and3A_291 : i32 to vector<16xi32>
    %and3A_293 = arith.andi %add3A_290, %and3A_292 : vector<16xi32>
    %mul3A_294 = arith.constant 1024 : i32
    %mul3A_295 = vector.broadcast %mul3A_294 : i32 to vector<16xi32>
    %mul3A_296 = arith.muli %and3A_293, %mul3A_295 : vector<16xi32>
    tpu.vector_store_idx %arg19[%add3A_290], %mul3A_296 : memref<50512xi32, #tpu.memory_space<vmem>>[vector<16xi32>], vector<16xi32>,
    %add3A_297 = arith.constant 64 : i32
    %add3A_298 = vector.broadcast %add3A_297 : i32 to vector<16xi32>
    %add3A_299 = arith.addi %scan3A_249, %add3A_298 : vector<16xi32>
    %add3A_300 = arith.addi %add3A_299, %iota3A : vector<16xi32>
    %and3A_301 = arith.constant 8191 : i32
    %and3A_302 = vector.broadcast %and3A_301 : i32 to vector<16xi32>
    %and3A_303 = arith.andi %add3A_300, %and3A_302 : vector<16xi32>
    %mul3A_304 = arith.constant 1024 : i32
    %mul3A_305 = vector.broadcast %mul3A_304 : i32 to vector<16xi32>
    %mul3A_306 = arith.muli %and3A_303, %mul3A_305 : vector<16xi32>
    tpu.vector_store_idx %arg19[%add3A_300], %mul3A_306 : memref<50512xi32, #tpu.memory_space<vmem>>[vector<16xi32>], vector<16xi32>,
    %add3A_307 = arith.constant 80 : i32
    %add3A_308 = vector.broadcast %add3A_307 : i32 to vector<16xi32>
    %add3A_309 = arith.addi %scan3A_249, %add3A_308 : vector<16xi32>
    %add3A_310 = arith.addi %add3A_309, %iota3A : vector<16xi32>
    %and3A_311 = arith.constant 8191 : i32
    %and3A_312 = vector.broadcast %and3A_311 : i32 to vector<16xi32>
    %and3A_313 = arith.andi %add3A_310, %and3A_312 : vector<16xi32>
    %mul3A_314 = arith.constant 1024 : i32
    %mul3A_315 = vector.broadcast %mul3A_314 : i32 to vector<16xi32>
    %mul3A_316 = arith.muli %and3A_313, %mul3A_315 : vector<16xi32>
    tpu.vector_store_idx %arg19[%add3A_310], %mul3A_316 : memref<50512xi32, #tpu.memory_space<vmem>>[vector<16xi32>], vector<16xi32>,
    %add3A_317 = arith.constant 96 : i32
    %add3A_318 = vector.broadcast %add3A_317 : i32 to vector<16xi32>
    %add3A_319 = arith.addi %scan3A_249, %add3A_318 : vector<16xi32>
    %add3A_320 = arith.addi %add3A_319, %iota3A : vector<16xi32>
    %and3A_321 = arith.constant 8191 : i32
    %and3A_322 = vector.broadcast %and3A_321 : i32 to vector<16xi32>
    %and3A_323 = arith.andi %add3A_320, %and3A_322 : vector<16xi32>
    %mul3A_324 = arith.constant 1024 : i32
    %mul3A_325 = vector.broadcast %mul3A_324 : i32 to vector<16xi32>
    %mul3A_326 = arith.muli %and3A_323, %mul3A_325 : vector<16xi32>
    tpu.vector_store_idx %arg19[%add3A_320], %mul3A_326 : memref<50512xi32, #tpu.memory_space<vmem>>[vector<16xi32>], vector<16xi32>,
    %add3A_327 = arith.constant 112 : i32
    %add3A_328 = vector.broadcast %add3A_327 : i32 to vector<16xi32>
    %add3A_329 = arith.addi %scan3A_249, %add3A_328 : vector<16xi32>
    %add3A_330 = arith.addi %add3A_329, %iota3A : vector<16xi32>
    %and3A_331 = arith.constant 8191 : i32
    %and3A_332 = vector.broadcast %and3A_331 : i32 to vector<16xi32>
    %and3A_333 = arith.andi %add3A_330, %and3A_332 : vector<16xi32>
    %mul3A_334 = arith.constant 1024 : i32
    %mul3A_335 = vector.broadcast %mul3A_334 : i32 to vector<16xi32>
    %mul3A_336 = arith.muli %and3A_333, %mul3A_335 : vector<16xi32>
    tpu.vector_store_idx %arg19[%add3A_330], %mul3A_336 : memref<50512xi32, #tpu.memory_space<vmem>>[vector<16xi32>], vector<16xi32>,
    %add3A_337 = arith.constant 128 : i32
    %add3A_338 = vector.broadcast %add3A_337 : i32 to vector<16xi32>
    %add3A_339 = arith.addi %scan3A_249, %add3A_338 : vector<16xi32>
    %add3A_340 = arith.addi %add3A_339, %iota3A : vector<16xi32>
    %and3A_341 = arith.constant 8191 : i32
    %and3A_342 = vector.broadcast %and3A_341 : i32 to vector<16xi32>
    %and3A_343 = arith.andi %add3A_340, %and3A_342 : vector<16xi32>
    %mul3A_344 = arith.constant 1024 : i32
    %mul3A_345 = vector.broadcast %mul3A_344 : i32 to vector<16xi32>
    %mul3A_346 = arith.muli %and3A_343, %mul3A_345 : vector<16xi32>
    tpu.vector_store_idx %arg19[%add3A_340], %mul3A_346 : memref<50512xi32, #tpu.memory_space<vmem>>[vector<16xi32>], vector<16xi32>,
    %add3A_347 = arith.constant 144 : i32
    %add3A_348 = vector.broadcast %add3A_347 : i32 to vector<16xi32>
    %add3A_349 = arith.addi %scan3A_249, %add3A_348 : vector<16xi32>
    %add3A_350 = arith.addi %add3A_349, %iota3A : vector<16xi32>
    %and3A_351 = arith.constant 8191 : i32
    %and3A_352 = vector.broadcast %and3A_351 : i32 to vector<16xi32>
    %and3A_353 = arith.andi %add3A_350, %and3A_352 : vector<16xi32>
    %mul3A_354 = arith.constant 1024 : i32
    %mul3A_355 = vector.broadcast %mul3A_354 : i32 to vector<16xi32>
    %mul3A_356 = arith.muli %and3A_353, %mul3A_355 : vector<16xi32>
    tpu.vector_store_idx %arg19[%add3A_350], %mul3A_356 : memref<50512xi32, #tpu.memory_space<vmem>>[vector<16xi32>], vector<16xi32>,
    %add3A_357 = arith.constant 160 : i32
    %add3A_358 = vector.broadcast %add3A_357 : i32 to vector<16xi32>
    %add3A_359 = arith.addi %scan3A_249, %add3A_358 : vector<16xi32>
    %add3A_360 = arith.addi %add3A_359, %iota3A : vector<16xi32>
    %and3A_361 = arith.constant 8191 : i32
    %and3A_362 = vector.broadcast %and3A_361 : i32 to vector<16xi32>
    %and3A_363 = arith.andi %add3A_360, %and3A_362 : vector<16xi32>
    %mul3A_364 = arith.constant 1024 : i32
    %mul3A_365 = vector.broadcast %mul3A_364 : i32 to vector<16xi32>
    %mul3A_366 = arith.muli %and3A_363, %mul3A_365 : vector<16xi32>
    tpu.vector_store_idx %arg19[%add3A_360], %mul3A_366 : memref<50512xi32, #tpu.memory_space<vmem>>[vector<16xi32>], vector<16xi32>,
    %add3A_367 = arith.constant 176 : i32
    %add3A_368 = vector.broadcast %add3A_367 : i32 to vector<16xi32>
    %add3A_369 = arith.addi %scan3A_249, %add3A_368 : vector<16xi32>
    %add3A_370 = arith.addi %add3A_369, %iota3A : vector<16xi32>
    %and3A_371 = arith.constant 8191 : i32
    %and3A_372 = vector.broadcast %and3A_371 : i32 to vector<16xi32>
    %and3A_373 = arith.andi %add3A_370, %and3A_372 : vector<16xi32>
    %mul3A_374 = arith.constant 1024 : i32
    %mul3A_375 = vector.broadcast %mul3A_374 : i32 to vector<16xi32>
    %mul3A_376 = arith.muli %and3A_373, %mul3A_375 : vector<16xi32>
    tpu.vector_store_idx %arg19[%add3A_370], %mul3A_376 : memref<50512xi32, #tpu.memory_space<vmem>>[vector<16xi32>], vector<16xi32>,
    %add3A_377 = arith.constant 192 : i32
    %add3A_378 = vector.broadcast %add3A_377 : i32 to vector<16xi32>
    %add3A_379 = arith.addi %scan3A_249, %add3A_378 : vector<16xi32>
    %add3A_380 = arith.addi %add3A_379, %iota3A : vector<16xi32>
    %and3A_381 = arith.constant 8191 : i32
    %and3A_382 = vector.broadcast %and3A_381 : i32 to vector<16xi32>
    %and3A_383 = arith.andi %add3A_380, %and3A_382 : vector<16xi32>
    %mul3A_384 = arith.constant 1024 : i32
    %mul3A_385 = vector.broadcast %mul3A_384 : i32 to vector<16xi32>
    %mul3A_386 = arith.muli %and3A_383, %mul3A_385 : vector<16xi32>
    tpu.vector_store_idx %arg19[%add3A_380], %mul3A_386 : memref<50512xi32, #tpu.memory_space<vmem>>[vector<16xi32>], vector<16xi32>,
    %add3A_387 = arith.constant 208 : i32
    %add3A_388 = vector.broadcast %add3A_387 : i32 to vector<16xi32>
    %add3A_389 = arith.addi %scan3A_249, %add3A_388 : vector<16xi32>
    %add3A_390 = arith.addi %add3A_389, %iota3A : vector<16xi32>
    %and3A_391 = arith.constant 8191 : i32
    %and3A_392 = vector.broadcast %and3A_391 : i32 to vector<16xi32>
    %and3A_393 = arith.andi %add3A_390, %and3A_392 : vector<16xi32>
    %mul3A_394 = arith.constant 1024 : i32
    %mul3A_395 = vector.broadcast %mul3A_394 : i32 to vector<16xi32>
    %mul3A_396 = arith.muli %and3A_393, %mul3A_395 : vector<16xi32>
    tpu.vector_store_idx %arg19[%add3A_390], %mul3A_396 : memref<50512xi32, #tpu.memory_space<vmem>>[vector<16xi32>], vector<16xi32>,
    %add3A_397 = arith.constant 224 : i32
    %add3A_398 = vector.broadcast %add3A_397 : i32 to vector<16xi32>
    %add3A_399 = arith.addi %scan3A_249, %add3A_398 : vector<16xi32>
    %add3A_400 = arith.addi %add3A_399, %iota3A : vector<16xi32>
    %and3A_401 = arith.constant 8191 : i32
    %and3A_402 = vector.broadcast %and3A_401 : i32 to vector<16xi32>
    %and3A_403 = arith.andi %add3A_400, %and3A_402 : vector<16xi32>
    %mul3A_404 = arith.constant 1024 : i32
    %mul3A_405 = vector.broadcast %mul3A_404 : i32 to vector<16xi32>
    %mul3A_406 = arith.muli %and3A_403, %mul3A_405 : vector<16xi32>
    tpu.vector_store_idx %arg19[%add3A_400], %mul3A_406 : memref<50512xi32, #tpu.memory_space<vmem>>[vector<16xi32>], vector<16xi32>,
    %add3A_407 = arith.constant 240 : i32
    %add3A_408 = vector.broadcast %add3A_407 : i32 to vector<16xi32>
    %add3A_409 = arith.addi %scan3A_249, %add3A_408 : vector<16xi32>
    %add3A_410 = arith.addi %add3A_409, %iota3A : vector<16xi32>
    %and3A_411 = arith.constant 8191 : i32
    %and3A_412 = vector.broadcast %and3A_411 : i32 to vector<16xi32>
    %and3A_413 = arith.andi %add3A_410, %and3A_412 : vector<16xi32>
    %mul3A_414 = arith.constant 1024 : i32
    %mul3A_415 = vector.broadcast %mul3A_414 : i32 to vector<16xi32>
    %mul3A_416 = arith.muli %and3A_413, %mul3A_415 : vector<16xi32>
    tpu.vector_store_idx %arg19[%add3A_410], %mul3A_416 : memref<50512xi32, #tpu.memory_space<vmem>>[vector<16xi32>], vector<16xi32>,
    %add3A_417 = arith.constant 256 : i32
    %add3A_418 = vector.broadcast %add3A_417 : i32 to vector<16xi32>
    %add3A_419 = arith.addi %scan3A_249, %add3A_418 : vector<16xi32>
    %add3A_420 = arith.addi %add3A_419, %iota3A : vector<16xi32>
    %and3A_421 = arith.constant 8191 : i32
    %and3A_422 = vector.broadcast %and3A_421 : i32 to vector<16xi32>
    %and3A_423 = arith.andi %add3A_420, %and3A_422 : vector<16xi32>
    %mul3A_424 = arith.constant 1024 : i32
    %mul3A_425 = vector.broadcast %mul3A_424 : i32 to vector<16xi32>
    %mul3A_426 = arith.muli %and3A_423, %mul3A_425 : vector<16xi32>
    tpu.vector_store_idx %arg19[%add3A_420], %mul3A_426 : memref<50512xi32, #tpu.memory_space<vmem>>[vector<16xi32>], vector<16xi32>,
    %add3A_427 = arith.constant 272 : i32
    %add3A_428 = vector.broadcast %add3A_427 : i32 to vector<16xi32>
    %add3A_429 = arith.addi %scan3A_249, %add3A_428 : vector<16xi32>
    %add3A_430 = arith.addi %add3A_429, %iota3A : vector<16xi32>
    %and3A_431 = arith.constant 8191 : i32
    %and3A_432 = vector.broadcast %and3A_431 : i32 to vector<16xi32>
    %and3A_433 = arith.andi %add3A_430, %and3A_432 : vector<16xi32>
    %mul3A_434 = arith.constant 1024 : i32
    %mul3A_435 = vector.broadcast %mul3A_434 : i32 to vector<16xi32>
    %mul3A_436 = arith.muli %and3A_433, %mul3A_435 : vector<16xi32>
    tpu.vector_store_idx %arg19[%add3A_430], %mul3A_436 : memref<50512xi32, #tpu.memory_space<vmem>>[vector<16xi32>], vector<16xi32>,
    %add3A_437 = arith.constant 288 : i32
    %add3A_438 = vector.broadcast %add3A_437 : i32 to vector<16xi32>
    %add3A_439 = arith.addi %scan3A_249, %add3A_438 : vector<16xi32>
    %add3A_440 = arith.addi %add3A_439, %iota3A : vector<16xi32>
    %and3A_441 = arith.constant 8191 : i32
    %and3A_442 = vector.broadcast %and3A_441 : i32 to vector<16xi32>
    %and3A_443 = arith.andi %add3A_440, %and3A_442 : vector<16xi32>
    %mul3A_444 = arith.constant 1024 : i32
    %mul3A_445 = vector.broadcast %mul3A_444 : i32 to vector<16xi32>
    %mul3A_446 = arith.muli %and3A_443, %mul3A_445 : vector<16xi32>
    tpu.vector_store_idx %arg19[%add3A_440], %mul3A_446 : memref<50512xi32, #tpu.memory_space<vmem>>[vector<16xi32>], vector<16xi32>,
    %add3A_447 = arith.constant 304 : i32
    %add3A_448 = vector.broadcast %add3A_447 : i32 to vector<16xi32>
    %add3A_449 = arith.addi %scan3A_249, %add3A_448 : vector<16xi32>
    %add3A_450 = arith.addi %add3A_449, %iota3A : vector<16xi32>
    %and3A_451 = arith.constant 8191 : i32
    %and3A_452 = vector.broadcast %and3A_451 : i32 to vector<16xi32>
    %and3A_453 = arith.andi %add3A_450, %and3A_452 : vector<16xi32>
    %mul3A_454 = arith.constant 1024 : i32
    %mul3A_455 = vector.broadcast %mul3A_454 : i32 to vector<16xi32>
    %mul3A_456 = arith.muli %and3A_453, %mul3A_455 : vector<16xi32>
    tpu.vector_store_idx %arg19[%add3A_450], %mul3A_456 : memref<50512xi32, #tpu.memory_space<vmem>>[vector<16xi32>], vector<16xi32>,
    %add3A_457 = arith.constant 320 : i32
    %add3A_458 = vector.broadcast %add3A_457 : i32 to vector<16xi32>
    %add3A_459 = arith.addi %scan3A_249, %add3A_458 : vector<16xi32>
    %add3A_460 = arith.addi %add3A_459, %iota3A : vector<16xi32>
    %and3A_461 = arith.constant 8191 : i32
    %and3A_462 = vector.broadcast %and3A_461 : i32 to vector<16xi32>
    %and3A_463 = arith.andi %add3A_460, %and3A_462 : vector<16xi32>
    %mul3A_464 = arith.constant 1024 : i32
    %mul3A_465 = vector.broadcast %mul3A_464 : i32 to vector<16xi32>
    %mul3A_466 = arith.muli %and3A_463, %mul3A_465 : vector<16xi32>
    tpu.vector_store_idx %arg19[%add3A_460], %mul3A_466 : memref<50512xi32, #tpu.memory_space<vmem>>[vector<16xi32>], vector<16xi32>,
    %add3A_467 = arith.constant 336 : i32
    %add3A_468 = vector.broadcast %add3A_467 : i32 to vector<16xi32>
    %add3A_469 = arith.addi %scan3A_249, %add3A_468 : vector<16xi32>
    %add3A_470 = arith.addi %add3A_469, %iota3A : vector<16xi32>
    %and3A_471 = arith.constant 8191 : i32
    %and3A_472 = vector.broadcast %and3A_471 : i32 to vector<16xi32>
    %and3A_473 = arith.andi %add3A_470, %and3A_472 : vector<16xi32>
    %mul3A_474 = arith.constant 1024 : i32
    %mul3A_475 = vector.broadcast %mul3A_474 : i32 to vector<16xi32>
    %mul3A_476 = arith.muli %and3A_473, %mul3A_475 : vector<16xi32>
    tpu.vector_store_idx %arg19[%add3A_470], %mul3A_476 : memref<50512xi32, #tpu.memory_space<vmem>>[vector<16xi32>], vector<16xi32>,
    %add3A_477 = arith.constant 352 : i32
    %add3A_478 = vector.broadcast %add3A_477 : i32 to vector<16xi32>
    %add3A_479 = arith.addi %scan3A_249, %add3A_478 : vector<16xi32>
    %add3A_480 = arith.addi %add3A_479, %iota3A : vector<16xi32>
    %and3A_481 = arith.constant 8191 : i32
    %and3A_482 = vector.broadcast %and3A_481 : i32 to vector<16xi32>
    %and3A_483 = arith.andi %add3A_480, %and3A_482 : vector<16xi32>
    %mul3A_484 = arith.constant 1024 : i32
    %mul3A_485 = vector.broadcast %mul3A_484 : i32 to vector<16xi32>
    %mul3A_486 = arith.muli %and3A_483, %mul3A_485 : vector<16xi32>
    tpu.vector_store_idx %arg19[%add3A_480], %mul3A_486 : memref<50512xi32, #tpu.memory_space<vmem>>[vector<16xi32>], vector<16xi32>,
    %add3A_487 = arith.constant 368 : i32
    %add3A_488 = vector.broadcast %add3A_487 : i32 to vector<16xi32>
    %add3A_489 = arith.addi %scan3A_249, %add3A_488 : vector<16xi32>
    %add3A_490 = arith.addi %add3A_489, %iota3A : vector<16xi32>
    %and3A_491 = arith.constant 8191 : i32
    %and3A_492 = vector.broadcast %and3A_491 : i32 to vector<16xi32>
    %and3A_493 = arith.andi %add3A_490, %and3A_492 : vector<16xi32>
    %mul3A_494 = arith.constant 1024 : i32
    %mul3A_495 = vector.broadcast %mul3A_494 : i32 to vector<16xi32>
    %mul3A_496 = arith.muli %and3A_493, %mul3A_495 : vector<16xi32>
    tpu.vector_store_idx %arg19[%add3A_490], %mul3A_496 : memref<50512xi32, #tpu.memory_space<vmem>>[vector<16xi32>], vector<16xi32>,
    %add3A_497 = arith.constant 384 : i32
    %add3A_498 = vector.broadcast %add3A_497 : i32 to vector<16xi32>
    %add3A_499 = arith.addi %scan3A_249, %add3A_498 : vector<16xi32>
    %add3A_500 = arith.addi %add3A_499, %iota3A : vector<16xi32>
    %and3A_501 = arith.constant 8191 : i32
    %and3A_502 = vector.broadcast %and3A_501 : i32 to vector<16xi32>
    %and3A_503 = arith.andi %add3A_500, %and3A_502 : vector<16xi32>
    %mul3A_504 = arith.constant 1024 : i32
    %mul3A_505 = vector.broadcast %mul3A_504 : i32 to vector<16xi32>
    %mul3A_506 = arith.muli %and3A_503, %mul3A_505 : vector<16xi32>
    tpu.vector_store_idx %arg19[%add3A_500], %mul3A_506 : memref<50512xi32, #tpu.memory_space<vmem>>[vector<16xi32>], vector<16xi32>,
    %add3A_507 = arith.constant 400 : i32
    %add3A_508 = vector.broadcast %add3A_507 : i32 to vector<16xi32>
    %add3A_509 = arith.addi %scan3A_249, %add3A_508 : vector<16xi32>
    %add3A_510 = arith.addi %add3A_509, %iota3A : vector<16xi32>
    %and3A_511 = arith.constant 8191 : i32
    %and3A_512 = vector.broadcast %and3A_511 : i32 to vector<16xi32>
    %and3A_513 = arith.andi %add3A_510, %and3A_512 : vector<16xi32>
    %mul3A_514 = arith.constant 1024 : i32
    %mul3A_515 = vector.broadcast %mul3A_514 : i32 to vector<16xi32>
    %mul3A_516 = arith.muli %and3A_513, %mul3A_515 : vector<16xi32>
    tpu.vector_store_idx %arg19[%add3A_510], %mul3A_516 : memref<50512xi32, #tpu.memory_space<vmem>>[vector<16xi32>], vector<16xi32>,
    %add3A_517 = arith.constant 416 : i32
    %add3A_518 = vector.broadcast %add3A_517 : i32 to vector<16xi32>
    %add3A_519 = arith.addi %scan3A_249, %add3A_518 : vector<16xi32>
    %add3A_520 = arith.addi %add3A_519, %iota3A : vector<16xi32>
    %and3A_521 = arith.constant 8191 : i32
    %and3A_522 = vector.broadcast %and3A_521 : i32 to vector<16xi32>
    %and3A_523 = arith.andi %add3A_520, %and3A_522 : vector<16xi32>
    %mul3A_524 = arith.constant 1024 : i32
    %mul3A_525 = vector.broadcast %mul3A_524 : i32 to vector<16xi32>
    %mul3A_526 = arith.muli %and3A_523, %mul3A_525 : vector<16xi32>
    tpu.vector_store_idx %arg19[%add3A_520], %mul3A_526 : memref<50512xi32, #tpu.memory_space<vmem>>[vector<16xi32>], vector<16xi32>,
    %add3A_527 = arith.constant 432 : i32
    %add3A_528 = vector.broadcast %add3A_527 : i32 to vector<16xi32>
    %add3A_529 = arith.addi %scan3A_249, %add3A_528 : vector<16xi32>
    %add3A_530 = arith.addi %add3A_529, %iota3A : vector<16xi32>
    %and3A_531 = arith.constant 8191 : i32
    %and3A_532 = vector.broadcast %and3A_531 : i32 to vector<16xi32>
    %and3A_533 = arith.andi %add3A_530, %and3A_532 : vector<16xi32>
    %mul3A_534 = arith.constant 1024 : i32
    %mul3A_535 = vector.broadcast %mul3A_534 : i32 to vector<16xi32>
    %mul3A_536 = arith.muli %and3A_533, %mul3A_535 : vector<16xi32>
    tpu.vector_store_idx %arg19[%add3A_530], %mul3A_536 : memref<50512xi32, #tpu.memory_space<vmem>>[vector<16xi32>], vector<16xi32>,
    %add3A_537 = arith.constant 448 : i32
    %add3A_538 = vector.broadcast %add3A_537 : i32 to vector<16xi32>
    %add3A_539 = arith.addi %scan3A_249, %add3A_538 : vector<16xi32>
    %add3A_540 = arith.addi %add3A_539, %iota3A : vector<16xi32>
    %and3A_541 = arith.constant 8191 : i32
    %and3A_542 = vector.broadcast %and3A_541 : i32 to vector<16xi32>
    %and3A_543 = arith.andi %add3A_540, %and3A_542 : vector<16xi32>
    %mul3A_544 = arith.constant 1024 : i32
    %mul3A_545 = vector.broadcast %mul3A_544 : i32 to vector<16xi32>
    %mul3A_546 = arith.muli %and3A_543, %mul3A_545 : vector<16xi32>
    tpu.vector_store_idx %arg19[%add3A_540], %mul3A_546 : memref<50512xi32, #tpu.memory_space<vmem>>[vector<16xi32>], vector<16xi32>,
    %add3A_547 = arith.constant 464 : i32
    %add3A_548 = vector.broadcast %add3A_547 : i32 to vector<16xi32>
    %add3A_549 = arith.addi %scan3A_249, %add3A_548 : vector<16xi32>
    %add3A_550 = arith.addi %add3A_549, %iota3A : vector<16xi32>
    %and3A_551 = arith.constant 8191 : i32
    %and3A_552 = vector.broadcast %and3A_551 : i32 to vector<16xi32>
    %and3A_553 = arith.andi %add3A_550, %and3A_552 : vector<16xi32>
    %mul3A_554 = arith.constant 1024 : i32
    %mul3A_555 = vector.broadcast %mul3A_554 : i32 to vector<16xi32>
    %mul3A_556 = arith.muli %and3A_553, %mul3A_555 : vector<16xi32>
    tpu.vector_store_idx %arg19[%add3A_550], %mul3A_556 : memref<50512xi32, #tpu.memory_space<vmem>>[vector<16xi32>], vector<16xi32>,
    %add3A_557 = arith.constant 480 : i32
    %add3A_558 = vector.broadcast %add3A_557 : i32 to vector<16xi32>
    %add3A_559 = arith.addi %scan3A_249, %add3A_558 : vector<16xi32>
    %add3A_560 = arith.addi %add3A_559, %iota3A : vector<16xi32>
    %and3A_561 = arith.constant 8191 : i32
    %and3A_562 = vector.broadcast %and3A_561 : i32 to vector<16xi32>
    %and3A_563 = arith.andi %add3A_560, %and3A_562 : vector<16xi32>
    %mul3A_564 = arith.constant 1024 : i32
    %mul3A_565 = vector.broadcast %mul3A_564 : i32 to vector<16xi32>
    %mul3A_566 = arith.muli %and3A_563, %mul3A_565 : vector<16xi32>
    tpu.vector_store_idx %arg19[%add3A_560], %mul3A_566 : memref<50512xi32, #tpu.memory_space<vmem>>[vector<16xi32>], vector<16xi32>,
    %add3A_567 = arith.constant 496 : i32
    %add3A_568 = vector.broadcast %add3A_567 : i32 to vector<16xi32>
    %add3A_569 = arith.addi %scan3A_249, %add3A_568 : vector<16xi32>
    %add3A_570 = arith.addi %add3A_569, %iota3A : vector<16xi32>
    %and3A_571 = arith.constant 8191 : i32
    %and3A_572 = vector.broadcast %and3A_571 : i32 to vector<16xi32>
    %and3A_573 = arith.andi %add3A_570, %and3A_572 : vector<16xi32>
    %mul3A_574 = arith.constant 1024 : i32
    %mul3A_575 = vector.broadcast %mul3A_574 : i32 to vector<16xi32>
    %mul3A_576 = arith.muli %and3A_573, %mul3A_575 : vector<16xi32>
    tpu.vector_store_idx %arg19[%add3A_570], %mul3A_576 : memref<50512xi32, #tpu.memory_space<vmem>>[vector<16xi32>], vector<16xi32>,
    %add3A_577 = arith.constant 512 : i32
    %add3A_578 = arith.addi %reduce_max3A_257, %add3A_577 : i32
    %sub3A = arith.constant 1 : i32
    %sub3A_579 = arith.subi %add3A_578, %sub3A : i32
    %jit3A = arith.constant 512 : i32
    %div3A = arith.divsi %sub3A_579, %jit3A : i32
    %sign3A = arith.constant 0 : i32
    %sign3A_580 = arith.cmpi sgt, %sub3A_579, %sign3A : i32
    %sign3A_581 = arith.extui %sign3A_580 : i1 to i32
    %sign3A_582 = arith.constant 0 : i32
    %sign3A_583 = arith.cmpi slt, %sub3A_579, %sign3A_582 : i32
    %sign3A_584 = arith.extui %sign3A_583 : i1 to i32
    %sign3A_585 = arith.subi %sign3A_581, %sign3A_584 : i32
    %sign3A_586 = arith.constant 0 : i32
    %sign3A_587 = arith.cmpi sgt, %jit3A, %sign3A_586 : i32
    %sign3A_588 = arith.extui %sign3A_587 : i1 to i32
    %sign3A_589 = arith.constant 0 : i32
    %sign3A_590 = arith.cmpi slt, %jit3A, %sign3A_589 : i32
    %sign3A_591 = arith.extui %sign3A_590 : i1 to i32
    %sign3A_592 = arith.subi %sign3A_588, %sign3A_591 : i32
    %ne3A = arith.cmpi ne, %sign3A_585, %sign3A_592 : i32
    %rem3A = arith.remsi %sub3A_579, %jit3A : i32
    %ne3A_593 = arith.constant 0 : i32
    %ne3A_594 = arith.cmpi ne, %rem3A, %ne3A_593 : i32
    %and3A_595 = arith.andi %ne3A, %ne3A_594 : i1
    %sub3A_596 = arith.constant 1 : i32
    %sub3A_597 = arith.subi %div3A, %sub3A_596 : i32
    %select_n3A = arith.select %and3A_595, %sub3A_597, %div3A : i32
    %while3A = arith.constant 0 : i32
    %while3A_598 = arith.constant 0 : i32
    %while3A_599 = arith.subi %select_n3A, %while3A : i32
    %while3A_600 = arith.addi %while3A, %while3A_599 : i32
    %while3A_601 = arith.constant 1 : i32
    %while3A_602 = arith.divsi %while3A_599, %while3A_601 : i32
    %while3A_603 = arith.muli %while3A_602, %while3A_601 : i32
    %while3A_604 = arith.addi %while3A, %while3A_603 : i32
    %while3A_605 = arith.constant 1 : i32
    %while3A_606 = scf.for %while3A_614 = %while3A to %while3A_604 step %while3A_605 iter_args(%while3A_615 = %while3A_598) -> (i32)  : i32 {
      %mul3A_616 = arith.constant 512 : i32
      %mul3A_617 = arith.muli %while3A_614, %mul3A_616 : i32
      %mul3A_618 = arith.constant 50176 : i32
      %mul3A_619 = arith.muli %add3A, %mul3A_618 : i32
      %multiple_of3A_620 = tpu.assume_multiple %mul3A_619, 8 : i32
      %mul3A_621 = arith.constant 512 : i32
      %mul3A_622 = arith.muli %while3A_614, %mul3A_621 : i32
      %add3A_623 = arith.addi %multiple_of3A_620, %mul3A_622 : i32
      "tpu.region"() ({
        %run_scoped3A = tpu.sem_alloc : memref<!tpu.dma_semaphore, #tpu.memory_space<semaphore_mem>>
        %dma_start3A_625 = tpu.memref_slice %arg19[%mul3A_617] : memref<50512xi32, #tpu.memory_space<vmem>> -> memref<512xi32, #tpu.memory_space<vmem>>
        %dma_start3A_626 = tpu.memref_slice %arg5[%add3A_623] : memref<1605632xi32, #tpu.memory_space<hbm>> -> memref<512xi32, #tpu.memory_space<hbm>>
        %dma_start3A_627 = tpu.memref_slice %arg5[%add3A_623] : memref<1605632xi32, #tpu.memory_space<hbm>> -> memref<512xi32, #tpu.memory_space<hbm>>
        %dma_start3A_628 = tpu.memref_slice %arg19[%mul3A_617] : memref<50512xi32, #tpu.memory_space<vmem>> -> memref<512xi32, #tpu.memory_space<vmem>>
        tpu.enqueue_dma source(%dma_start3A_628 : memref<512xi32, #tpu.memory_space<vmem>>) target(%dma_start3A_627 : memref<512xi32, #tpu.memory_space<hbm>>) target_semaphore(%run_scoped3A : memref<!tpu.dma_semaphore, #tpu.memory_space<semaphore_mem>>)
        %dma_wait3A_629 = tpu.memref_slice %arg19[%mul3A_617] : memref<50512xi32, #tpu.memory_space<vmem>> -> memref<512xi32, #tpu.memory_space<vmem>>
        %dma_wait3A_630 = tpu.memref_slice %arg5[%add3A_623] : memref<1605632xi32, #tpu.memory_space<hbm>> -> memref<512xi32, #tpu.memory_space<hbm>>
        %dma_wait3A_631 = tpu.memref_slice %arg5[%add3A_623] : memref<1605632xi32, #tpu.memory_space<hbm>> -> memref<512xi32, #tpu.memory_space<hbm>>
        %dma_wait3A_632 = tpu.memref_slice %arg19[%mul3A_617] : memref<50512xi32, #tpu.memory_space<vmem>> -> memref<512xi32, #tpu.memory_space<vmem>>
        tpu.wait_dma2 semaphore(%run_scoped3A : memref<!tpu.dma_semaphore, #tpu.memory_space<semaphore_mem>>) src(%dma_wait3A_632 : memref<512xi32, #tpu.memory_space<vmem>>) dst(%dma_wait3A_631 : memref<512xi32, #tpu.memory_space<hbm>>)
        tpu.yield
      }) : () -> ()
      %while3A_624 = arith.constant 0 : i32
      scf.yield %while3A_624 : i32
    }
    %while3A_607 = arith.constant 1 : i32
    %while3A_608 = scf.for %while3A_614 = %while3A_604 to %while3A_600 step %while3A_607 iter_args(%while3A_615 = %while3A_606) -> (i32)  : i32 {
      %mul3A_616 = arith.constant 512 : i32
      %mul3A_617 = arith.muli %while3A_614, %mul3A_616 : i32
      %mul3A_618 = arith.constant 50176 : i32
      %mul3A_619 = arith.muli %add3A, %mul3A_618 : i32
      %multiple_of3A_620 = tpu.assume_multiple %mul3A_619, 8 : i32
      %mul3A_621 = arith.constant 512 : i32
      %mul3A_622 = arith.muli %while3A_614, %mul3A_621 : i32
      %add3A_623 = arith.addi %multiple_of3A_620, %mul3A_622 : i32
      "tpu.region"() ({
        %run_scoped3A = tpu.sem_alloc : memref<!tpu.dma_semaphore, #tpu.memory_space<semaphore_mem>>
        %dma_start3A_625 = tpu.memref_slice %arg19[%mul3A_617] : memref<50512xi32, #tpu.memory_space<vmem>> -> memref<512xi32, #tpu.memory_space<vmem>>
        %dma_start3A_626 = tpu.memref_slice %arg5[%add3A_623] : memref<1605632xi32, #tpu.memory_space<hbm>> -> memref<512xi32, #tpu.memory_space<hbm>>
        %dma_start3A_627 = tpu.memref_slice %arg5[%add3A_623] : memref<1605632xi32, #tpu.memory_space<hbm>> -> memref<512xi32, #tpu.memory_space<hbm>>
        %dma_start3A_628 = tpu.memref_slice %arg19[%mul3A_617] : memref<50512xi32, #tpu.memory_space<vmem>> -> memref<512xi32, #tpu.memory_space<vmem>>
        tpu.enqueue_dma source(%dma_start3A_628 : memref<512xi32, #tpu.memory_space<vmem>>) target(%dma_start3A_627 : memref<512xi32, #tpu.memory_space<hbm>>) target_semaphore(%run_scoped3A : memref<!tpu.dma_semaphore, #tpu.memory_space<semaphore_mem>>)
        %dma_wait3A_629 = tpu.memref_slice %arg19[%mul3A_617] : memref<50512xi32, #tpu.memory_space<vmem>> -> memref<512xi32, #tpu.memory_space<vmem>>
        %dma_wait3A_630 = tpu.memref_slice %arg5[%add3A_623] : memref<1605632xi32, #tpu.memory_space<hbm>> -> memref<512xi32, #tpu.memory_space<hbm>>
        %dma_wait3A_631 = tpu.memref_slice %arg5[%add3A_623] : memref<1605632xi32, #tpu.memory_space<hbm>> -> memref<512xi32, #tpu.memory_space<hbm>>
        %dma_wait3A_632 = tpu.memref_slice %arg19[%mul3A_617] : memref<50512xi32, #tpu.memory_space<vmem>> -> memref<512xi32, #tpu.memory_space<vmem>>
        tpu.wait_dma2 semaphore(%run_scoped3A : memref<!tpu.dma_semaphore, #tpu.memory_space<semaphore_mem>>) src(%dma_wait3A_632 : memref<512xi32, #tpu.memory_space<vmem>>) dst(%dma_wait3A_631 : memref<512xi32, #tpu.memory_space<hbm>>)
        tpu.yield
      }) : () -> ()
      %while3A_624 = arith.constant 0 : i32
      scf.yield %while3A_624 : i32
    }
    %swap3A = arith.constant 0 : index
    %swap3A_609 = tpu.vector_load %arg22[%swap3A] {strides = array<i32>} : memref<16xi32, #tpu.memory_space<vmem>>, vector<16xi32>,
    tpu.vector_store %arg22[%swap3A], %scan3A_249 {strides = array<i32>} : memref<16xi32, #tpu.memory_space<vmem>>, vector<16xi32>,
    %mul3A_610 = arith.constant 16 : i32
    %mul3A_611 = arith.muli %add3A, %mul3A_610 : i32
    "tpu.region"() ({
      %run_scoped3A = tpu.sem_alloc : memref<!tpu.dma_semaphore, #tpu.memory_space<semaphore_mem>>
      %dma_start3A_614 = tpu.memref_slice %arg6[%mul3A_611] : memref<512xi32, #tpu.memory_space<hbm>> -> memref<16xi32, #tpu.memory_space<hbm>>
      %dma_start3A_615 = tpu.memref_slice %arg6[%mul3A_611] : memref<512xi32, #tpu.memory_space<hbm>> -> memref<16xi32, #tpu.memory_space<hbm>>
      tpu.enqueue_dma source(%arg22 : memref<16xi32, #tpu.memory_space<vmem>>) target(%dma_start3A_615 : memref<16xi32, #tpu.memory_space<hbm>>) target_semaphore(%run_scoped3A : memref<!tpu.dma_semaphore, #tpu.memory_space<semaphore_mem>>)
      %dma_wait3A_616 = tpu.memref_slice %arg6[%mul3A_611] : memref<512xi32, #tpu.memory_space<hbm>> -> memref<16xi32, #tpu.memory_space<hbm>>
      %dma_wait3A_617 = tpu.memref_slice %arg6[%mul3A_611] : memref<512xi32, #tpu.memory_space<hbm>> -> memref<16xi32, #tpu.memory_space<hbm>>
      tpu.wait_dma2 semaphore(%run_scoped3A : memref<!tpu.dma_semaphore, #tpu.memory_space<semaphore_mem>>) src(%arg22 : memref<16xi32, #tpu.memory_space<vmem>>) dst(%dma_wait3A_617 : memref<16xi32, #tpu.memory_space<hbm>>)
      tpu.yield
    }) : () -> ()
    %eq3A = arith.constant 0 : i32
    %eq3A_612 = arith.cmpi eq, %add3A, %eq3A : i32
    %convert_element_type3A = arith.extui %eq3A_612 : i1 to i32
    %cond3A = arith.constant 0 : i32
    %cond3A_613 = arith.cmpi ne, %convert_element_type3A, %cond3A : i32
    scf.if %cond3A_613 {
      "tpu.region"() ({
        %run_scoped3A = tpu.sem_alloc : memref<!tpu.dma_semaphore, #tpu.memory_space<semaphore_mem>>
        tpu.enqueue_dma source(%arg4 : memref<1024xi32, #tpu.memory_space<hbm>>) target(%arg20 : memref<1024xi32, #tpu.memory_space<vmem>>) target_semaphore(%run_scoped3A : memref<!tpu.dma_semaphore, #tpu.memory_space<semaphore_mem>>)
        tpu.wait_dma2 semaphore(%run_scoped3A : memref<!tpu.dma_semaphore, #tpu.memory_space<semaphore_mem>>) src(%arg4 : memref<1024xi32, #tpu.memory_space<hbm>>) dst(%arg20 : memref<1024xi32, #tpu.memory_space<vmem>>)
        tpu.yield
      }) : () -> ()
      %scan3A_614 = arith.constant 0 : i32
      %scan3A_615 = arith.constant 0 : i32
      %scan3A_616 = arith.constant 64 : i32
      %scan3A_617 = arith.addi %scan3A_615, %scan3A_616 : i32
      %scan3A_618 = arith.constant 1 : i32
      %scan3A_619 = scf.for %scan3A_621 = %scan3A_615 to %scan3A_617 step %scan3A_618 iter_args(%scan3A_622 = %scan3A_614) -> (i32)  : i32 {
        %mul3A_623 = arith.constant 16 : i32
        %mul3A_624 = arith.muli %scan3A_621, %mul3A_623 : i32
        %get3A = arith.index_cast %mul3A_624 : i32 to index
        %get3A_625 = tpu.vector_load %arg20[%get3A] {strides = array<i32>} : memref<1024xi32, #tpu.memory_space<vmem>>, vector<16xi32>,
        %gather3A = tpu.vector_load_idx %arg8[%get3A_625] : memref<50000xi32, #tpu.memory_space<vmem>>[vector<16xi32>], vector<16xi32>,
        %mul3A_626 = arith.constant 16 : i32
        %mul3A_627 = arith.muli %scan3A_621, %mul3A_626 : i32
        %swap3A_628 = arith.index_cast %mul3A_627 : i32 to index
        %swap3A_629 = tpu.vector_load %arg21[%swap3A_628] {strides = array<i32>} : memref<1024xi32, #tpu.memory_space<vmem>>, vector<16xi32>,
        tpu.vector_store %arg21[%swap3A_628], %gather3A {strides = array<i32>} : memref<1024xi32, #tpu.memory_space<vmem>>, vector<16xi32>,
        %scan3A_630 = arith.constant 0 : i32
        scf.yield %scan3A_630 : i32
      }
      %scan3A_620 = arith.constant 64 : i32
      "tpu.region"() ({
        %run_scoped3A = tpu.sem_alloc : memref<!tpu.dma_semaphore, #tpu.memory_space<semaphore_mem>>
        tpu.enqueue_dma source(%arg21 : memref<1024xi32, #tpu.memory_space<vmem>>) target(%arg7 : memref<1024xi32, #tpu.memory_space<hbm>>) target_semaphore(%run_scoped3A : memref<!tpu.dma_semaphore, #tpu.memory_space<semaphore_mem>>)
        tpu.wait_dma2 semaphore(%run_scoped3A : memref<!tpu.dma_semaphore, #tpu.memory_space<semaphore_mem>>) src(%arg21 : memref<1024xi32, #tpu.memory_space<vmem>>) dst(%arg7 : memref<1024xi32, #tpu.memory_space<hbm>>)
        tpu.yield
      }) : () -> ()
    } else {
    }
    return
  }
}

#map = affine_map<(d0, d1) -> (0)>
#map1 = affine_map<(d0, d1) -> (0, 0)>
#map2 = affine_map<(d0, d1) -> (0, 0, 0)>
module attributes {stable_mosaic.version = 14 : i64} {
  func.func @_k3_body(%arg0: i32, %arg1: i32, %arg2: memref<1605632xi32, #tpu.memory_space<hbm>>, %arg3: memref<512xi32, #tpu.memory_space<hbm>>, %arg4: memref<1024xi32, #tpu.memory_space<hbm>>, %arg5: memref<50000x8xf32, #tpu.memory_space<hbm>>, %arg6: memref<50000x32xf32, #tpu.memory_space<hbm>>, %arg7: memref<2x1024x8xf32, #tpu.memory_space<hbm>>, %arg8: memref<2x1024x32xf32, #tpu.memory_space<hbm>>, %arg9: memref<1280xi32, #tpu.memory_space<vmem>>, %arg10: memref<1280xi32, #tpu.memory_space<vmem>>, %arg11: memref<1280xi32, #tpu.memory_space<vmem>>, %arg12: memref<1280x8xf32, #tpu.memory_space<vmem>>, %arg13: memref<1280x32xf32, #tpu.memory_space<vmem>>, %arg14: memref<1280x8xf32, #tpu.memory_space<vmem>>, %arg15: memref<1024x8xf32, #tpu.memory_space<vmem>>, %arg16: memref<1024xi32, #tpu.memory_space<vmem>>, %arg17: memref<16xi32, #tpu.memory_space<vmem>>, %arg18: memref<64x8xf32, #tpu.memory_space<vmem>>, %arg19: memref<64x32xf32, #tpu.memory_space<vmem>>, %arg20: memref<1024x8xf32, #tpu.memory_space<vmem_shared>>, %arg21: memref<1024x32xf32, #tpu.memory_space<vmem_shared>>, %arg22: memref<!tpu.dma_semaphore, #tpu.memory_space<semaphore_mem>>, %arg23: memref<!tpu.dma_semaphore, #tpu.memory_space<semaphore_mem>>) attributes {dimension_semantics = [#tpu.dimension_semantics<core_parallel>, #tpu.dimension_semantics<subcore_parallel>], iteration_bounds = array<i64: 2, 16>, scalar_prefetch = 0 : i64, scratch_operands = 15 : i64, tpu.core_type = #tpu.core_type<sc_vector_subcore>, window_params = [{transform_indices = #map}, {transform_indices = #map}, {transform_indices = #map}, {transform_indices = #map1}, {transform_indices = #map1}, {transform_indices = #map2}, {transform_indices = #map2}]} {
    %mul3A = arith.constant 2 : i32
    %mul3A_0 = arith.muli %arg1, %mul3A : i32
    %add3A = arith.addi %mul3A_0, %arg0 : i32
    %iota3A = tpu.iota {dimensions = array<i32: 0>} : vector<16xi32>
    %broadcast_in_dim3A = arith.constant 0.000000e+00 : f32
    %broadcast_in_dim3A_1 = vector.broadcast %broadcast_in_dim3A : f32 to vector<16xf32>
    %scan3A = arith.constant 0 : i32
    %scan3A_2 = arith.constant 0 : i32
    %scan3A_3 = arith.constant 128 : i32
    %scan3A_4 = arith.addi %scan3A_2, %scan3A_3 : i32
    %scan3A_5 = arith.constant 1 : i32
    %scan3A_6 = scf.for %scan3A_68 = %scan3A_2 to %scan3A_4 step %scan3A_5 iter_args(%scan3A_69 = %scan3A) -> (i32)  : i32 {
      %mul3A_70 = arith.constant 16 : i32
      %mul3A_71 = arith.muli %scan3A_68, %mul3A_70 : i32
      %add3A_72 = vector.broadcast %mul3A_71 : i32 to vector<16xi32>
      %add3A_73 = arith.addi %add3A_72, %iota3A : vector<16xi32>
      %shift_right_logical3A = arith.constant 5 : i32
      %shift_right_logical3A_74 = vector.broadcast %shift_right_logical3A : i32 to vector<16xi32>
      %shift_right_logical3A_75 = arith.shrui %add3A_73, %shift_right_logical3A_74 : vector<16xi32>
      %and3A_76 = arith.constant 31 : i32
      %and3A_77 = vector.broadcast %and3A_76 : i32 to vector<16xi32>
      %and3A_78 = arith.andi %add3A_73, %and3A_77 : vector<16xi32>
      tpu.vector_store_idx %arg19[%shift_right_logical3A_75, %and3A_78], %broadcast_in_dim3A_1 : memref<64x32xf32, #tpu.memory_space<vmem>>[vector<16xi32>, vector<16xi32>], vector<16xf32>,
      %scan3A_79 = arith.constant 0 : i32
      scf.yield %scan3A_79 : i32
    }
    %scan3A_7 = arith.constant 128 : i32
    %scan3A_8 = arith.constant 0 : i32
    %scan3A_9 = arith.constant 0 : i32
    %scan3A_10 = arith.constant 32 : i32
    %scan3A_11 = arith.addi %scan3A_9, %scan3A_10 : i32
    %scan3A_12 = arith.constant 1 : i32
    %scan3A_13 = scf.for %scan3A_68 = %scan3A_9 to %scan3A_11 step %scan3A_12 iter_args(%scan3A_69 = %scan3A_8) -> (i32)  : i32 {
      %mul3A_70 = arith.constant 16 : i32
      %mul3A_71 = arith.muli %scan3A_68, %mul3A_70 : i32
      %add3A_72 = vector.broadcast %mul3A_71 : i32 to vector<16xi32>
      %add3A_73 = arith.addi %add3A_72, %iota3A : vector<16xi32>
      %shift_right_logical3A = arith.constant 3 : i32
      %shift_right_logical3A_74 = vector.broadcast %shift_right_logical3A : i32 to vector<16xi32>
      %shift_right_logical3A_75 = arith.shrui %add3A_73, %shift_right_logical3A_74 : vector<16xi32>
      %and3A_76 = arith.constant 7 : i32
      %and3A_77 = vector.broadcast %and3A_76 : i32 to vector<16xi32>
      %and3A_78 = arith.andi %add3A_73, %and3A_77 : vector<16xi32>
      tpu.vector_store_idx %arg18[%shift_right_logical3A_75, %and3A_78], %broadcast_in_dim3A_1 : memref<64x8xf32, #tpu.memory_space<vmem>>[vector<16xi32>, vector<16xi32>], vector<16xf32>,
      %scan3A_79 = arith.constant 0 : i32
      scf.yield %scan3A_79 : i32
    }
    %scan3A_14 = arith.constant 32 : i32
    %mul3A_15 = arith.constant 64 : i32
    %mul3A_16 = arith.muli %arg1, %mul3A_15 : i32
    "tpu.region"() ({
      %run_scoped3A = tpu.sem_alloc : memref<!tpu.dma_semaphore, #tpu.memory_space<semaphore_mem>>
      %dma_start3A_68 = arith.constant 0 : i32
      %dma_start3A_69 = tpu.memref_slice %arg20[%mul3A_16, %dma_start3A_68] : memref<1024x8xf32, #tpu.memory_space<vmem_shared>> -> memref<64x8xf32, #tpu.memory_space<vmem_shared>>
      %dma_start3A_70 = arith.constant 0 : i32
      %dma_start3A_71 = tpu.memref_slice %arg20[%mul3A_16, %dma_start3A_70] : memref<1024x8xf32, #tpu.memory_space<vmem_shared>> -> memref<64x8xf32, #tpu.memory_space<vmem_shared>>
      tpu.enqueue_dma source(%arg18 : memref<64x8xf32, #tpu.memory_space<vmem>>) target(%dma_start3A_71 : memref<64x8xf32, #tpu.memory_space<vmem_shared>>) target_semaphore(%run_scoped3A : memref<!tpu.dma_semaphore, #tpu.memory_space<semaphore_mem>>)
      %dma_wait3A_72 = arith.constant 0 : i32
      %dma_wait3A_73 = tpu.memref_slice %arg20[%mul3A_16, %dma_wait3A_72] : memref<1024x8xf32, #tpu.memory_space<vmem_shared>> -> memref<64x8xf32, #tpu.memory_space<vmem_shared>>
      %dma_wait3A_74 = arith.constant 0 : i32
      %dma_wait3A_75 = tpu.memref_slice %arg20[%mul3A_16, %dma_wait3A_74] : memref<1024x8xf32, #tpu.memory_space<vmem_shared>> -> memref<64x8xf32, #tpu.memory_space<vmem_shared>>
      tpu.wait_dma2 semaphore(%run_scoped3A : memref<!tpu.dma_semaphore, #tpu.memory_space<semaphore_mem>>) src(%arg18 : memref<64x8xf32, #tpu.memory_space<vmem>>) dst(%dma_wait3A_75 : memref<64x8xf32, #tpu.memory_space<vmem_shared>>)
      tpu.yield
    }) : () -> ()
    %mul3A_17 = arith.constant 64 : i32
    %mul3A_18 = arith.muli %arg1, %mul3A_17 : i32
    "tpu.region"() ({
      %run_scoped3A = tpu.sem_alloc : memref<!tpu.dma_semaphore, #tpu.memory_space<semaphore_mem>>
      %dma_start3A_68 = arith.constant 0 : i32
      %dma_start3A_69 = tpu.memref_slice %arg21[%mul3A_18, %dma_start3A_68] : memref<1024x32xf32, #tpu.memory_space<vmem_shared>> -> memref<64x32xf32, #tpu.memory_space<vmem_shared>>
      %dma_start3A_70 = arith.constant 0 : i32
      %dma_start3A_71 = tpu.memref_slice %arg21[%mul3A_18, %dma_start3A_70] : memref<1024x32xf32, #tpu.memory_space<vmem_shared>> -> memref<64x32xf32, #tpu.memory_space<vmem_shared>>
      tpu.enqueue_dma source(%arg19 : memref<64x32xf32, #tpu.memory_space<vmem>>) target(%dma_start3A_71 : memref<64x32xf32, #tpu.memory_space<vmem_shared>>) target_semaphore(%run_scoped3A : memref<!tpu.dma_semaphore, #tpu.memory_space<semaphore_mem>>)
      %dma_wait3A_72 = arith.constant 0 : i32
      %dma_wait3A_73 = tpu.memref_slice %arg21[%mul3A_18, %dma_wait3A_72] : memref<1024x32xf32, #tpu.memory_space<vmem_shared>> -> memref<64x32xf32, #tpu.memory_space<vmem_shared>>
      %dma_wait3A_74 = arith.constant 0 : i32
      %dma_wait3A_75 = tpu.memref_slice %arg21[%mul3A_18, %dma_wait3A_74] : memref<1024x32xf32, #tpu.memory_space<vmem_shared>> -> memref<64x32xf32, #tpu.memory_space<vmem_shared>>
      tpu.wait_dma2 semaphore(%run_scoped3A : memref<!tpu.dma_semaphore, #tpu.memory_space<semaphore_mem>>) src(%arg19 : memref<64x32xf32, #tpu.memory_space<vmem>>) dst(%dma_wait3A_75 : memref<64x32xf32, #tpu.memory_space<vmem_shared>>)
      tpu.yield
    }) : () -> ()
    %barrier3A = arith.constant 0 : index
    tpu.barrier barrier_id(%barrier3A)
    "tpu.region"() ({
      %run_scoped3A = tpu.sem_alloc : memref<!tpu.dma_semaphore, #tpu.memory_space<semaphore_mem>>
      tpu.enqueue_dma source(%arg4 : memref<1024xi32, #tpu.memory_space<hbm>>) target(%arg16 : memref<1024xi32, #tpu.memory_space<vmem>>) target_semaphore(%run_scoped3A : memref<!tpu.dma_semaphore, #tpu.memory_space<semaphore_mem>>)
      tpu.wait_dma2 semaphore(%run_scoped3A : memref<!tpu.dma_semaphore, #tpu.memory_space<semaphore_mem>>) src(%arg4 : memref<1024xi32, #tpu.memory_space<hbm>>) dst(%arg16 : memref<1024xi32, #tpu.memory_space<vmem>>)
      tpu.yield
    }) : () -> ()
    %dma_start3A = arith.constant 0 : i32
    %dma_start3A_19 = arith.constant 0 : i32
    %dma_start3A_20 = tpu.memref_slice %arg5[%dma_start3A, %dma_start3A_19] : memref<50000x8xf32, #tpu.memory_space<hbm>> -> memref<50000x8xf32, #tpu.memory_space<hbm>>
    tpu.enqueue_indirect_dma source(%dma_start3A_20 : memref<50000x8xf32, #tpu.memory_space<hbm>>) target(%arg15 : memref<1024x8xf32, #tpu.memory_space<vmem>>) offsets(%arg16 : memref<1024xi32, #tpu.memory_space<vmem>>) semaphore(%arg22 : memref<!tpu.dma_semaphore, #tpu.memory_space<semaphore_mem>>)
    %dma_wait3A = arith.constant 0 : i32
    %dma_wait3A_21 = arith.constant 0 : i32
    %dma_wait3A_22 = tpu.memref_slice %arg5[%dma_wait3A, %dma_wait3A_21] : memref<50000x8xf32, #tpu.memory_space<hbm>> -> memref<50000x8xf32, #tpu.memory_space<hbm>>
    tpu.wait_indirect_dma semaphore(%arg22 : memref<!tpu.dma_semaphore, #tpu.memory_space<semaphore_mem>>) src(%dma_wait3A_22 : memref<50000x8xf32, #tpu.memory_space<hbm>>) dst(%arg15 : memref<1024x8xf32, #tpu.memory_space<vmem>>)
    %mul3A_23 = arith.constant 16 : i32
    %mul3A_24 = arith.muli %add3A, %mul3A_23 : i32
    "tpu.region"() ({
      %run_scoped3A = tpu.sem_alloc : memref<!tpu.dma_semaphore, #tpu.memory_space<semaphore_mem>>
      %dma_start3A_68 = tpu.memref_slice %arg3[%mul3A_24] : memref<512xi32, #tpu.memory_space<hbm>> -> memref<16xi32, #tpu.memory_space<hbm>>
      %dma_start3A_69 = tpu.memref_slice %arg3[%mul3A_24] : memref<512xi32, #tpu.memory_space<hbm>> -> memref<16xi32, #tpu.memory_space<hbm>>
      tpu.enqueue_dma source(%dma_start3A_69 : memref<16xi32, #tpu.memory_space<hbm>>) target(%arg17 : memref<16xi32, #tpu.memory_space<vmem>>) target_semaphore(%run_scoped3A : memref<!tpu.dma_semaphore, #tpu.memory_space<semaphore_mem>>)
      %dma_wait3A_70 = tpu.memref_slice %arg3[%mul3A_24] : memref<512xi32, #tpu.memory_space<hbm>> -> memref<16xi32, #tpu.memory_space<hbm>>
      %dma_wait3A_71 = tpu.memref_slice %arg3[%mul3A_24] : memref<512xi32, #tpu.memory_space<hbm>> -> memref<16xi32, #tpu.memory_space<hbm>>
      tpu.wait_dma2 semaphore(%run_scoped3A : memref<!tpu.dma_semaphore, #tpu.memory_space<semaphore_mem>>) src(%dma_wait3A_71 : memref<16xi32, #tpu.memory_space<hbm>>) dst(%arg17 : memref<16xi32, #tpu.memory_space<vmem>>)
      tpu.yield
    }) : () -> ()
    %get3A = arith.constant 0 : index
    %get3A_25 = tpu.vector_load %arg17[%get3A] {strides = array<i32>} : memref<16xi32, #tpu.memory_space<vmem>>, vector<16xi32>,
    %reduce_max3A = arith.constant true
    %reduce_max3A_26 = vector.broadcast %reduce_max3A : i1 to vector<16xi1>
    %reduce_max3A_27 = arith.constant -2147483648 : i32
    %reduce_max3A_28 = vector.broadcast %reduce_max3A_27 : i32 to vector<16xi32>
    %reduce_max3A_29 = arith.xori %get3A_25, %reduce_max3A_28 : vector<16xi32>
    %reduce_max3A_30 = tpu.scan <max>, %reduce_max3A_29 masked %reduce_max3A_26 : vector<16xi32>, vector<16xi1> -> vector<16xi32>
    %reduce_max3A_31 = arith.xori %reduce_max3A_30, %reduce_max3A_28 : vector<16xi32>
    %reduce_max3A_32 = vector.extract %reduce_max3A_31[15] : i32 from vector<16xi32>
    %broadcast_in_dim3A_33 = vector.broadcast %reduce_max3A_32 : i32 to vector<16xi32>
    %add3A_34 = arith.constant 1280 : i32
    %add3A_35 = arith.addi %reduce_max3A_32, %add3A_34 : i32
    %sub3A = arith.constant 1 : i32
    %sub3A_36 = arith.subi %add3A_35, %sub3A : i32
    %jit3A = arith.constant 1280 : i32
    %div3A = arith.divsi %sub3A_36, %jit3A : i32
    %sign3A = arith.constant 0 : i32
    %sign3A_37 = arith.cmpi sgt, %sub3A_36, %sign3A : i32
    %sign3A_38 = arith.extui %sign3A_37 : i1 to i32
    %sign3A_39 = arith.constant 0 : i32
    %sign3A_40 = arith.cmpi slt, %sub3A_36, %sign3A_39 : i32
    %sign3A_41 = arith.extui %sign3A_40 : i1 to i32
    %sign3A_42 = arith.subi %sign3A_38, %sign3A_41 : i32
    %sign3A_43 = arith.constant 0 : i32
    %sign3A_44 = arith.cmpi sgt, %jit3A, %sign3A_43 : i32
    %sign3A_45 = arith.extui %sign3A_44 : i1 to i32
    %sign3A_46 = arith.constant 0 : i32
    %sign3A_47 = arith.cmpi slt, %jit3A, %sign3A_46 : i32
    %sign3A_48 = arith.extui %sign3A_47 : i1 to i32
    %sign3A_49 = arith.subi %sign3A_45, %sign3A_48 : i32
    %ne3A = arith.cmpi ne, %sign3A_42, %sign3A_49 : i32
    %rem3A = arith.remsi %sub3A_36, %jit3A : i32
    %ne3A_50 = arith.constant 0 : i32
    %ne3A_51 = arith.cmpi ne, %rem3A, %ne3A_50 : i32
    %and3A = arith.andi %ne3A, %ne3A_51 : i1
    %sub3A_52 = arith.constant 1 : i32
    %sub3A_53 = arith.subi %div3A, %sub3A_52 : i32
    %select_n3A = arith.select %and3A, %sub3A_53, %div3A : i32
    %while3A = arith.constant 0 : i32
    %while3A_54 = arith.constant 0 : i32
    %while3A_55 = arith.subi %select_n3A, %while3A : i32
    %while3A_56 = arith.addi %while3A, %while3A_55 : i32
    %while3A_57 = arith.constant 1 : i32
    %while3A_58 = arith.divsi %while3A_55, %while3A_57 : i32
    %while3A_59 = arith.muli %while3A_58, %while3A_57 : i32
    %while3A_60 = arith.addi %while3A, %while3A_59 : i32
    %while3A_61 = arith.constant 1 : i32
    %while3A_62 = scf.for %while3A_68 = %while3A to %while3A_60 step %while3A_61 iter_args(%while3A_69 = %while3A_54) -> (i32)  : i32 {
      %mul3A_70 = arith.constant 50176 : i32
      %mul3A_71 = arith.muli %add3A, %mul3A_70 : i32
      %multiple_of3A = tpu.assume_multiple %mul3A_71, 8 : i32
      %mul3A_72 = arith.constant 1280 : i32
      %mul3A_73 = arith.muli %while3A_68, %mul3A_72 : i32
      %add3A_74 = arith.addi %multiple_of3A, %mul3A_73 : i32
      "tpu.region"() ({
        %run_scoped3A = tpu.sem_alloc : memref<!tpu.dma_semaphore, #tpu.memory_space<semaphore_mem>>
        %dma_start3A_114 = tpu.memref_slice %arg2[%add3A_74] : memref<1605632xi32, #tpu.memory_space<hbm>> -> memref<1280xi32, #tpu.memory_space<hbm>>
        %dma_start3A_115 = tpu.memref_slice %arg2[%add3A_74] : memref<1605632xi32, #tpu.memory_space<hbm>> -> memref<1280xi32, #tpu.memory_space<hbm>>
        tpu.enqueue_dma source(%dma_start3A_115 : memref<1280xi32, #tpu.memory_space<hbm>>) target(%arg9 : memref<1280xi32, #tpu.memory_space<vmem>>) target_semaphore(%run_scoped3A : memref<!tpu.dma_semaphore, #tpu.memory_space<semaphore_mem>>)
        %dma_wait3A_116 = tpu.memref_slice %arg2[%add3A_74] : memref<1605632xi32, #tpu.memory_space<hbm>> -> memref<1280xi32, #tpu.memory_space<hbm>>
        %dma_wait3A_117 = tpu.memref_slice %arg2[%add3A_74] : memref<1605632xi32, #tpu.memory_space<hbm>> -> memref<1280xi32, #tpu.memory_space<hbm>>
        tpu.wait_dma2 semaphore(%run_scoped3A : memref<!tpu.dma_semaphore, #tpu.memory_space<semaphore_mem>>) src(%dma_wait3A_117 : memref<1280xi32, #tpu.memory_space<hbm>>) dst(%arg9 : memref<1280xi32, #tpu.memory_space<vmem>>)
        tpu.yield
      }) : () -> ()
      %scan3A_75 = arith.constant 0 : i32
      %scan3A_76 = arith.constant 0 : i32
      %scan3A_77 = arith.constant 80 : i32
      %scan3A_78 = arith.addi %scan3A_76, %scan3A_77 : i32
      %scan3A_79 = arith.constant 1 : i32
      %scan3A_80 = scf.for %scan3A_114 = %scan3A_76 to %scan3A_78 step %scan3A_79 iter_args(%scan3A_115 = %scan3A_75) -> (i32)  : i32 {
        %mul3A_116 = arith.constant 16 : i32
        %mul3A_117 = arith.muli %scan3A_114, %mul3A_116 : i32
        %get3A_118 = arith.index_cast %mul3A_117 : i32 to index
        %get3A_119 = tpu.vector_load %arg9[%get3A_118] {strides = array<i32>} : memref<1280xi32, #tpu.memory_space<vmem>>, vector<16xi32>,
        %shift_right_logical3A = arith.constant 10 : i32
        %shift_right_logical3A_120 = vector.broadcast %shift_right_logical3A : i32 to vector<16xi32>
        %shift_right_logical3A_121 = arith.shrui %get3A_119, %shift_right_logical3A_120 : vector<16xi32>
        %min3A = arith.constant 49999 : i32
        %min3A_122 = vector.broadcast %min3A : i32 to vector<16xi32>
        %min3A_123 = arith.minsi %shift_right_logical3A_121, %min3A_122 : vector<16xi32>
        %and3A_124 = arith.constant 1023 : i32
        %and3A_125 = vector.broadcast %and3A_124 : i32 to vector<16xi32>
        %and3A_126 = arith.andi %get3A_119, %and3A_125 : vector<16xi32>
        %mul3A_127 = arith.constant 16 : i32
        %mul3A_128 = arith.muli %scan3A_114, %mul3A_127 : i32
        %swap3A = arith.index_cast %mul3A_128 : i32 to index
        %swap3A_129 = tpu.vector_load %arg10[%swap3A] {strides = array<i32>} : memref<1280xi32, #tpu.memory_space<vmem>>, vector<16xi32>,
        tpu.vector_store %arg10[%swap3A], %min3A_123 {strides = array<i32>} : memref<1280xi32, #tpu.memory_space<vmem>>, vector<16xi32>,
        %mul3A_130 = arith.constant 16 : i32
        %mul3A_131 = arith.muli %scan3A_114, %mul3A_130 : i32
        %swap3A_132 = arith.index_cast %mul3A_131 : i32 to index
        %swap3A_133 = tpu.vector_load %arg11[%swap3A_132] {strides = array<i32>} : memref<1280xi32, #tpu.memory_space<vmem>>, vector<16xi32>,
        tpu.vector_store %arg11[%swap3A_132], %and3A_126 {strides = array<i32>} : memref<1280xi32, #tpu.memory_space<vmem>>, vector<16xi32>,
        %scan3A_134 = arith.constant 0 : i32
        scf.yield %scan3A_134 : i32
      }
      %scan3A_81 = arith.constant 80 : i32
      %dma_start3A_82 = arith.constant 0 : i32
      %dma_start3A_83 = arith.constant 0 : i32
      %dma_start3A_84 = tpu.memref_slice %arg5[%dma_start3A_82, %dma_start3A_83] : memref<50000x8xf32, #tpu.memory_space<hbm>> -> memref<50000x8xf32, #tpu.memory_space<hbm>>
      tpu.enqueue_indirect_dma source(%dma_start3A_84 : memref<50000x8xf32, #tpu.memory_space<hbm>>) target(%arg12 : memref<1280x8xf32, #tpu.memory_space<vmem>>) offsets(%arg10 : memref<1280xi32, #tpu.memory_space<vmem>>) semaphore(%arg22 : memref<!tpu.dma_semaphore, #tpu.memory_space<semaphore_mem>>)
      %dma_start3A_85 = arith.constant 0 : i32
      %dma_start3A_86 = arith.constant 0 : i32
      %dma_start3A_87 = tpu.memref_slice %arg6[%dma_start3A_85, %dma_start3A_86] : memref<50000x32xf32, #tpu.memory_space<hbm>> -> memref<50000x32xf32, #tpu.memory_space<hbm>>
      tpu.enqueue_indirect_dma source(%dma_start3A_87 : memref<50000x32xf32, #tpu.memory_space<hbm>>) target(%arg13 : memref<1280x32xf32, #tpu.memory_space<vmem>>) offsets(%arg10 : memref<1280xi32, #tpu.memory_space<vmem>>) semaphore(%arg23 : memref<!tpu.dma_semaphore, #tpu.memory_space<semaphore_mem>>)
      %dma_wait3A_88 = arith.constant 0 : i32
      %dma_wait3A_89 = arith.constant 0 : i32
      %dma_wait3A_90 = tpu.memref_slice %arg5[%dma_wait3A_88, %dma_wait3A_89] : memref<50000x8xf32, #tpu.memory_space<hbm>> -> memref<50000x8xf32, #tpu.memory_space<hbm>>
      tpu.wait_indirect_dma semaphore(%arg22 : memref<!tpu.dma_semaphore, #tpu.memory_space<semaphore_mem>>) src(%dma_wait3A_90 : memref<50000x8xf32, #tpu.memory_space<hbm>>) dst(%arg12 : memref<1280x8xf32, #tpu.memory_space<vmem>>)
      %dma_wait3A_91 = arith.constant 0 : i32
      %dma_wait3A_92 = arith.constant 0 : i32
      %dma_wait3A_93 = tpu.memref_slice %arg6[%dma_wait3A_91, %dma_wait3A_92] : memref<50000x32xf32, #tpu.memory_space<hbm>> -> memref<50000x32xf32, #tpu.memory_space<hbm>>
      tpu.wait_indirect_dma semaphore(%arg23 : memref<!tpu.dma_semaphore, #tpu.memory_space<semaphore_mem>>) src(%dma_wait3A_93 : memref<50000x32xf32, #tpu.memory_space<hbm>>) dst(%arg13 : memref<1280x32xf32, #tpu.memory_space<vmem>>)
      %scan3A_94 = arith.constant 0 : i32
      %scan3A_95 = arith.constant 0 : i32
      %scan3A_96 = arith.constant 80 : i32
      %scan3A_97 = arith.addi %scan3A_95, %scan3A_96 : i32
      %scan3A_98 = arith.constant 1 : i32
      %scan3A_99 = scf.for %scan3A_114 = %scan3A_95 to %scan3A_97 step %scan3A_98 iter_args(%scan3A_115 = %scan3A_94) -> (i32)  : i32 {
        %mul3A_116 = arith.constant 16 : i32
        %mul3A_117 = arith.muli %scan3A_114, %mul3A_116 : i32
        %add3A_118 = vector.broadcast %mul3A_117 : i32 to vector<16xi32>
        %add3A_119 = arith.addi %iota3A, %add3A_118 : vector<16xi32>
        %mul3A_120 = arith.constant 16 : i32
        %mul3A_121 = arith.muli %scan3A_114, %mul3A_120 : i32
        %get3A_122 = arith.index_cast %mul3A_121 : i32 to index
        %get3A_123 = tpu.vector_load %arg11[%get3A_122] {strides = array<i32>} : memref<1280xi32, #tpu.memory_space<vmem>>, vector<16xi32>,
        %mul3A_124 = arith.constant 1280 : i32
        %mul3A_125 = arith.muli %while3A_68, %mul3A_124 : i32
        %add3A_126 = vector.broadcast %mul3A_125 : i32 to vector<16xi32>
        %add3A_127 = arith.addi %add3A_119, %add3A_126 : vector<16xi32>
        %lt3A = arith.cmpi slt, %add3A_127, %broadcast_in_dim3A_33 : vector<16xi32>
        %broadcast_in_dim3A_128 = arith.constant 0 : i32
        %broadcast_in_dim3A_129 = vector.broadcast %broadcast_in_dim3A_128 : i32 to vector<16xi32>
        %gather3A = tpu.vector_load_idx %arg12[%add3A_119, %broadcast_in_dim3A_129] : memref<1280x8xf32, #tpu.memory_space<vmem>>[vector<16xi32>, vector<16xi32>], vector<16xf32>,
        %add3A_130 = arith.constant 4 : i32
        %add3A_131 = vector.broadcast %add3A_130 : i32 to vector<16xi32>
        %add3A_132 = arith.addi %broadcast_in_dim3A_129, %add3A_131 : vector<16xi32>
        %gather3A_133 = tpu.vector_load_idx %arg15[%get3A_123, %add3A_132] : memref<1024x8xf32, #tpu.memory_space<vmem>>[vector<16xi32>, vector<16xi32>], vector<16xf32>,
        %add3A_134 = arith.addf %gather3A, %gather3A_133 : vector<16xf32>
        %mul3A_135 = arith.constant 2.000000e-01 : f32
        %mul3A_136 = vector.broadcast %mul3A_135 : f32 to vector<16xf32>
        %mul3A_137 = arith.mulf %mul3A_136, %add3A_134 : vector<16xf32>
        %max3A = arith.maximumf %add3A_134, %mul3A_137 : vector<16xf32>
        %exp3A = math.exp %max3A : vector<16xf32>
        %jit3A_138 = arith.constant 0.000000e+00 : f32
        %broadcast_in_dim3A_139 = vector.broadcast %jit3A_138 : f32 to vector<16xf32>
        %select_n3A_140 = arith.select %lt3A, %exp3A, %broadcast_in_dim3A_139 : vector<16xi1>, vector<16xf32>
        tpu.vector_store_idx %arg14[%add3A_119, %broadcast_in_dim3A_129], %select_n3A_140 : memref<1280x8xf32, #tpu.memory_space<vmem>>[vector<16xi32>, vector<16xi32>], vector<16xf32>,
        %broadcast_in_dim3A_141 = arith.constant 1 : i32
        %broadcast_in_dim3A_142 = vector.broadcast %broadcast_in_dim3A_141 : i32 to vector<16xi32>
        %gather3A_143 = tpu.vector_load_idx %arg12[%add3A_119, %broadcast_in_dim3A_142] : memref<1280x8xf32, #tpu.memory_space<vmem>>[vector<16xi32>, vector<16xi32>], vector<16xf32>,
        %add3A_144 = arith.constant 4 : i32
        %add3A_145 = vector.broadcast %add3A_144 : i32 to vector<16xi32>
        %add3A_146 = arith.addi %broadcast_in_dim3A_142, %add3A_145 : vector<16xi32>
        %gather3A_147 = tpu.vector_load_idx %arg15[%get3A_123, %add3A_146] : memref<1024x8xf32, #tpu.memory_space<vmem>>[vector<16xi32>, vector<16xi32>], vector<16xf32>,
        %add3A_148 = arith.addf %gather3A_143, %gather3A_147 : vector<16xf32>
        %mul3A_149 = arith.constant 2.000000e-01 : f32
        %mul3A_150 = vector.broadcast %mul3A_149 : f32 to vector<16xf32>
        %mul3A_151 = arith.mulf %mul3A_150, %add3A_148 : vector<16xf32>
        %max3A_152 = arith.maximumf %add3A_148, %mul3A_151 : vector<16xf32>
        %exp3A_153 = math.exp %max3A_152 : vector<16xf32>
        %jit3A_154 = arith.constant 0.000000e+00 : f32
        %broadcast_in_dim3A_155 = vector.broadcast %jit3A_154 : f32 to vector<16xf32>
        %select_n3A_156 = arith.select %lt3A, %exp3A_153, %broadcast_in_dim3A_155 : vector<16xi1>, vector<16xf32>
        tpu.vector_store_idx %arg14[%add3A_119, %broadcast_in_dim3A_142], %select_n3A_156 : memref<1280x8xf32, #tpu.memory_space<vmem>>[vector<16xi32>, vector<16xi32>], vector<16xf32>,
        %broadcast_in_dim3A_157 = arith.constant 2 : i32
        %broadcast_in_dim3A_158 = vector.broadcast %broadcast_in_dim3A_157 : i32 to vector<16xi32>
        %gather3A_159 = tpu.vector_load_idx %arg12[%add3A_119, %broadcast_in_dim3A_158] : memref<1280x8xf32, #tpu.memory_space<vmem>>[vector<16xi32>, vector<16xi32>], vector<16xf32>,
        %add3A_160 = arith.constant 4 : i32
        %add3A_161 = vector.broadcast %add3A_160 : i32 to vector<16xi32>
        %add3A_162 = arith.addi %broadcast_in_dim3A_158, %add3A_161 : vector<16xi32>
        %gather3A_163 = tpu.vector_load_idx %arg15[%get3A_123, %add3A_162] : memref<1024x8xf32, #tpu.memory_space<vmem>>[vector<16xi32>, vector<16xi32>], vector<16xf32>,
        %add3A_164 = arith.addf %gather3A_159, %gather3A_163 : vector<16xf32>
        %mul3A_165 = arith.constant 2.000000e-01 : f32
        %mul3A_166 = vector.broadcast %mul3A_165 : f32 to vector<16xf32>
        %mul3A_167 = arith.mulf %mul3A_166, %add3A_164 : vector<16xf32>
        %max3A_168 = arith.maximumf %add3A_164, %mul3A_167 : vector<16xf32>
        %exp3A_169 = math.exp %max3A_168 : vector<16xf32>
        %jit3A_170 = arith.constant 0.000000e+00 : f32
        %broadcast_in_dim3A_171 = vector.broadcast %jit3A_170 : f32 to vector<16xf32>
        %select_n3A_172 = arith.select %lt3A, %exp3A_169, %broadcast_in_dim3A_171 : vector<16xi1>, vector<16xf32>
        tpu.vector_store_idx %arg14[%add3A_119, %broadcast_in_dim3A_158], %select_n3A_172 : memref<1280x8xf32, #tpu.memory_space<vmem>>[vector<16xi32>, vector<16xi32>], vector<16xf32>,
        %broadcast_in_dim3A_173 = arith.constant 3 : i32
        %broadcast_in_dim3A_174 = vector.broadcast %broadcast_in_dim3A_173 : i32 to vector<16xi32>
        %gather3A_175 = tpu.vector_load_idx %arg12[%add3A_119, %broadcast_in_dim3A_174] : memref<1280x8xf32, #tpu.memory_space<vmem>>[vector<16xi32>, vector<16xi32>], vector<16xf32>,
        %add3A_176 = arith.constant 4 : i32
        %add3A_177 = vector.broadcast %add3A_176 : i32 to vector<16xi32>
        %add3A_178 = arith.addi %broadcast_in_dim3A_174, %add3A_177 : vector<16xi32>
        %gather3A_179 = tpu.vector_load_idx %arg15[%get3A_123, %add3A_178] : memref<1024x8xf32, #tpu.memory_space<vmem>>[vector<16xi32>, vector<16xi32>], vector<16xf32>,
        %add3A_180 = arith.addf %gather3A_175, %gather3A_179 : vector<16xf32>
        %mul3A_181 = arith.constant 2.000000e-01 : f32
        %mul3A_182 = vector.broadcast %mul3A_181 : f32 to vector<16xf32>
        %mul3A_183 = arith.mulf %mul3A_182, %add3A_180 : vector<16xf32>
        %max3A_184 = arith.maximumf %add3A_180, %mul3A_183 : vector<16xf32>
        %exp3A_185 = math.exp %max3A_184 : vector<16xf32>
        %jit3A_186 = arith.constant 0.000000e+00 : f32
        %broadcast_in_dim3A_187 = vector.broadcast %jit3A_186 : f32 to vector<16xf32>
        %select_n3A_188 = arith.select %lt3A, %exp3A_185, %broadcast_in_dim3A_187 : vector<16xi1>, vector<16xf32>
        tpu.vector_store_idx %arg14[%add3A_119, %broadcast_in_dim3A_174], %select_n3A_188 : memref<1280x8xf32, #tpu.memory_space<vmem>>[vector<16xi32>, vector<16xi32>], vector<16xf32>,
        %mul3A_189 = arith.constant 16 : i32
        %mul3A_190 = arith.muli %scan3A_114, %mul3A_189 : i32
        %add3A_191 = vector.broadcast %mul3A_190 : i32 to vector<16xi32>
        %add3A_192 = arith.addi %iota3A, %add3A_191 : vector<16xi32>
        %broadcast_in_dim3A_193 = arith.constant 0 : i32
        %broadcast_in_dim3A_194 = vector.broadcast %broadcast_in_dim3A_193 : i32 to vector<16xi32>
        %gather3A_195 = tpu.vector_load_idx %arg13[%add3A_192, %broadcast_in_dim3A_194] : memref<1280x32xf32, #tpu.memory_space<vmem>>[vector<16xi32>, vector<16xi32>], vector<16xf32>,
        %mul3A_196 = arith.mulf %gather3A_195, %select_n3A_140 : vector<16xf32>
        tpu.vector_store_idx %arg13[%add3A_192, %broadcast_in_dim3A_194], %mul3A_196 : memref<1280x32xf32, #tpu.memory_space<vmem>>[vector<16xi32>, vector<16xi32>], vector<16xf32>,
        %broadcast_in_dim3A_197 = arith.constant 1 : i32
        %broadcast_in_dim3A_198 = vector.broadcast %broadcast_in_dim3A_197 : i32 to vector<16xi32>
        %gather3A_199 = tpu.vector_load_idx %arg13[%add3A_192, %broadcast_in_dim3A_198] : memref<1280x32xf32, #tpu.memory_space<vmem>>[vector<16xi32>, vector<16xi32>], vector<16xf32>,
        %mul3A_200 = arith.mulf %gather3A_199, %select_n3A_140 : vector<16xf32>
        tpu.vector_store_idx %arg13[%add3A_192, %broadcast_in_dim3A_198], %mul3A_200 : memref<1280x32xf32, #tpu.memory_space<vmem>>[vector<16xi32>, vector<16xi32>], vector<16xf32>,
        %broadcast_in_dim3A_201 = arith.constant 2 : i32
        %broadcast_in_dim3A_202 = vector.broadcast %broadcast_in_dim3A_201 : i32 to vector<16xi32>
        %gather3A_203 = tpu.vector_load_idx %arg13[%add3A_192, %broadcast_in_dim3A_202] : memref<1280x32xf32, #tpu.memory_space<vmem>>[vector<16xi32>, vector<16xi32>], vector<16xf32>,
        %mul3A_204 = arith.mulf %gather3A_203, %select_n3A_140 : vector<16xf32>
        tpu.vector_store_idx %arg13[%add3A_192, %broadcast_in_dim3A_202], %mul3A_204 : memref<1280x32xf32, #tpu.memory_space<vmem>>[vector<16xi32>, vector<16xi32>], vector<16xf32>,
        %broadcast_in_dim3A_205 = arith.constant 3 : i32
        %broadcast_in_dim3A_206 = vector.broadcast %broadcast_in_dim3A_205 : i32 to vector<16xi32>
        %gather3A_207 = tpu.vector_load_idx %arg13[%add3A_192, %broadcast_in_dim3A_206] : memref<1280x32xf32, #tpu.memory_space<vmem>>[vector<16xi32>, vector<16xi32>], vector<16xf32>,
        %mul3A_208 = arith.mulf %gather3A_207, %select_n3A_140 : vector<16xf32>
        tpu.vector_store_idx %arg13[%add3A_192, %broadcast_in_dim3A_206], %mul3A_208 : memref<1280x32xf32, #tpu.memory_space<vmem>>[vector<16xi32>, vector<16xi32>], vector<16xf32>,
        %broadcast_in_dim3A_209 = arith.constant 4 : i32
        %broadcast_in_dim3A_210 = vector.broadcast %broadcast_in_dim3A_209 : i32 to vector<16xi32>
        %gather3A_211 = tpu.vector_load_idx %arg13[%add3A_192, %broadcast_in_dim3A_210] : memref<1280x32xf32, #tpu.memory_space<vmem>>[vector<16xi32>, vector<16xi32>], vector<16xf32>,
        %mul3A_212 = arith.mulf %gather3A_211, %select_n3A_140 : vector<16xf32>
        tpu.vector_store_idx %arg13[%add3A_192, %broadcast_in_dim3A_210], %mul3A_212 : memref<1280x32xf32, #tpu.memory_space<vmem>>[vector<16xi32>, vector<16xi32>], vector<16xf32>,
        %broadcast_in_dim3A_213 = arith.constant 5 : i32
        %broadcast_in_dim3A_214 = vector.broadcast %broadcast_in_dim3A_213 : i32 to vector<16xi32>
        %gather3A_215 = tpu.vector_load_idx %arg13[%add3A_192, %broadcast_in_dim3A_214] : memref<1280x32xf32, #tpu.memory_space<vmem>>[vector<16xi32>, vector<16xi32>], vector<16xf32>,
        %mul3A_216 = arith.mulf %gather3A_215, %select_n3A_140 : vector<16xf32>
        tpu.vector_store_idx %arg13[%add3A_192, %broadcast_in_dim3A_214], %mul3A_216 : memref<1280x32xf32, #tpu.memory_space<vmem>>[vector<16xi32>, vector<16xi32>], vector<16xf32>,
        %broadcast_in_dim3A_217 = arith.constant 6 : i32
        %broadcast_in_dim3A_218 = vector.broadcast %broadcast_in_dim3A_217 : i32 to vector<16xi32>
        %gather3A_219 = tpu.vector_load_idx %arg13[%add3A_192, %broadcast_in_dim3A_218] : memref<1280x32xf32, #tpu.memory_space<vmem>>[vector<16xi32>, vector<16xi32>], vector<16xf32>,
        %mul3A_220 = arith.mulf %gather3A_219, %select_n3A_140 : vector<16xf32>
        tpu.vector_store_idx %arg13[%add3A_192, %broadcast_in_dim3A_218], %mul3A_220 : memref<1280x32xf32, #tpu.memory_space<vmem>>[vector<16xi32>, vector<16xi32>], vector<16xf32>,
        %broadcast_in_dim3A_221 = arith.constant 7 : i32
        %broadcast_in_dim3A_222 = vector.broadcast %broadcast_in_dim3A_221 : i32 to vector<16xi32>
        %gather3A_223 = tpu.vector_load_idx %arg13[%add3A_192, %broadcast_in_dim3A_222] : memref<1280x32xf32, #tpu.memory_space<vmem>>[vector<16xi32>, vector<16xi32>], vector<16xf32>,
        %mul3A_224 = arith.mulf %gather3A_223, %select_n3A_140 : vector<16xf32>
        tpu.vector_store_idx %arg13[%add3A_192, %broadcast_in_dim3A_222], %mul3A_224 : memref<1280x32xf32, #tpu.memory_space<vmem>>[vector<16xi32>, vector<16xi32>], vector<16xf32>,
        %broadcast_in_dim3A_225 = arith.constant 8 : i32
        %broadcast_in_dim3A_226 = vector.broadcast %broadcast_in_dim3A_225 : i32 to vector<16xi32>
        %gather3A_227 = tpu.vector_load_idx %arg13[%add3A_192, %broadcast_in_dim3A_226] : memref<1280x32xf32, #tpu.memory_space<vmem>>[vector<16xi32>, vector<16xi32>], vector<16xf32>,
        %mul3A_228 = arith.mulf %gather3A_227, %select_n3A_156 : vector<16xf32>
        tpu.vector_store_idx %arg13[%add3A_192, %broadcast_in_dim3A_226], %mul3A_228 : memref<1280x32xf32, #tpu.memory_space<vmem>>[vector<16xi32>, vector<16xi32>], vector<16xf32>,
        %broadcast_in_dim3A_229 = arith.constant 9 : i32
        %broadcast_in_dim3A_230 = vector.broadcast %broadcast_in_dim3A_229 : i32 to vector<16xi32>
        %gather3A_231 = tpu.vector_load_idx %arg13[%add3A_192, %broadcast_in_dim3A_230] : memref<1280x32xf32, #tpu.memory_space<vmem>>[vector<16xi32>, vector<16xi32>], vector<16xf32>,
        %mul3A_232 = arith.mulf %gather3A_231, %select_n3A_156 : vector<16xf32>
        tpu.vector_store_idx %arg13[%add3A_192, %broadcast_in_dim3A_230], %mul3A_232 : memref<1280x32xf32, #tpu.memory_space<vmem>>[vector<16xi32>, vector<16xi32>], vector<16xf32>,
        %broadcast_in_dim3A_233 = arith.constant 10 : i32
        %broadcast_in_dim3A_234 = vector.broadcast %broadcast_in_dim3A_233 : i32 to vector<16xi32>
        %gather3A_235 = tpu.vector_load_idx %arg13[%add3A_192, %broadcast_in_dim3A_234] : memref<1280x32xf32, #tpu.memory_space<vmem>>[vector<16xi32>, vector<16xi32>], vector<16xf32>,
        %mul3A_236 = arith.mulf %gather3A_235, %select_n3A_156 : vector<16xf32>
        tpu.vector_store_idx %arg13[%add3A_192, %broadcast_in_dim3A_234], %mul3A_236 : memref<1280x32xf32, #tpu.memory_space<vmem>>[vector<16xi32>, vector<16xi32>], vector<16xf32>,
        %broadcast_in_dim3A_237 = arith.constant 11 : i32
        %broadcast_in_dim3A_238 = vector.broadcast %broadcast_in_dim3A_237 : i32 to vector<16xi32>
        %gather3A_239 = tpu.vector_load_idx %arg13[%add3A_192, %broadcast_in_dim3A_238] : memref<1280x32xf32, #tpu.memory_space<vmem>>[vector<16xi32>, vector<16xi32>], vector<16xf32>,
        %mul3A_240 = arith.mulf %gather3A_239, %select_n3A_156 : vector<16xf32>
        tpu.vector_store_idx %arg13[%add3A_192, %broadcast_in_dim3A_238], %mul3A_240 : memref<1280x32xf32, #tpu.memory_space<vmem>>[vector<16xi32>, vector<16xi32>], vector<16xf32>,
        %broadcast_in_dim3A_241 = arith.constant 12 : i32
        %broadcast_in_dim3A_242 = vector.broadcast %broadcast_in_dim3A_241 : i32 to vector<16xi32>
        %gather3A_243 = tpu.vector_load_idx %arg13[%add3A_192, %broadcast_in_dim3A_242] : memref<1280x32xf32, #tpu.memory_space<vmem>>[vector<16xi32>, vector<16xi32>], vector<16xf32>,
        %mul3A_244 = arith.mulf %gather3A_243, %select_n3A_156 : vector<16xf32>
        tpu.vector_store_idx %arg13[%add3A_192, %broadcast_in_dim3A_242], %mul3A_244 : memref<1280x32xf32, #tpu.memory_space<vmem>>[vector<16xi32>, vector<16xi32>], vector<16xf32>,
        %broadcast_in_dim3A_245 = arith.constant 13 : i32
        %broadcast_in_dim3A_246 = vector.broadcast %broadcast_in_dim3A_245 : i32 to vector<16xi32>
        %gather3A_247 = tpu.vector_load_idx %arg13[%add3A_192, %broadcast_in_dim3A_246] : memref<1280x32xf32, #tpu.memory_space<vmem>>[vector<16xi32>, vector<16xi32>], vector<16xf32>,
        %mul3A_248 = arith.mulf %gather3A_247, %select_n3A_156 : vector<16xf32>
        tpu.vector_store_idx %arg13[%add3A_192, %broadcast_in_dim3A_246], %mul3A_248 : memref<1280x32xf32, #tpu.memory_space<vmem>>[vector<16xi32>, vector<16xi32>], vector<16xf32>,
        %broadcast_in_dim3A_249 = arith.constant 14 : i32
        %broadcast_in_dim3A_250 = vector.broadcast %broadcast_in_dim3A_249 : i32 to vector<16xi32>
        %gather3A_251 = tpu.vector_load_idx %arg13[%add3A_192, %broadcast_in_dim3A_250] : memref<1280x32xf32, #tpu.memory_space<vmem>>[vector<16xi32>, vector<16xi32>], vector<16xf32>,
        %mul3A_252 = arith.mulf %gather3A_251, %select_n3A_156 : vector<16xf32>
        tpu.vector_store_idx %arg13[%add3A_192, %broadcast_in_dim3A_250], %mul3A_252 : memref<1280x32xf32, #tpu.memory_space<vmem>>[vector<16xi32>, vector<16xi32>], vector<16xf32>,
        %broadcast_in_dim3A_253 = arith.constant 15 : i32
        %broadcast_in_dim3A_254 = vector.broadcast %broadcast_in_dim3A_253 : i32 to vector<16xi32>
        %gather3A_255 = tpu.vector_load_idx %arg13[%add3A_192, %broadcast_in_dim3A_254] : memref<1280x32xf32, #tpu.memory_space<vmem>>[vector<16xi32>, vector<16xi32>], vector<16xf32>,
        %mul3A_256 = arith.mulf %gather3A_255, %select_n3A_156 : vector<16xf32>
        tpu.vector_store_idx %arg13[%add3A_192, %broadcast_in_dim3A_254], %mul3A_256 : memref<1280x32xf32, #tpu.memory_space<vmem>>[vector<16xi32>, vector<16xi32>], vector<16xf32>,
        %broadcast_in_dim3A_257 = arith.constant 16 : i32
        %broadcast_in_dim3A_258 = vector.broadcast %broadcast_in_dim3A_257 : i32 to vector<16xi32>
        %gather3A_259 = tpu.vector_load_idx %arg13[%add3A_192, %broadcast_in_dim3A_258] : memref<1280x32xf32, #tpu.memory_space<vmem>>[vector<16xi32>, vector<16xi32>], vector<16xf32>,
        %mul3A_260 = arith.mulf %gather3A_259, %select_n3A_172 : vector<16xf32>
        tpu.vector_store_idx %arg13[%add3A_192, %broadcast_in_dim3A_258], %mul3A_260 : memref<1280x32xf32, #tpu.memory_space<vmem>>[vector<16xi32>, vector<16xi32>], vector<16xf32>,
        %broadcast_in_dim3A_261 = arith.constant 17 : i32
        %broadcast_in_dim3A_262 = vector.broadcast %broadcast_in_dim3A_261 : i32 to vector<16xi32>
        %gather3A_263 = tpu.vector_load_idx %arg13[%add3A_192, %broadcast_in_dim3A_262] : memref<1280x32xf32, #tpu.memory_space<vmem>>[vector<16xi32>, vector<16xi32>], vector<16xf32>,
        %mul3A_264 = arith.mulf %gather3A_263, %select_n3A_172 : vector<16xf32>
        tpu.vector_store_idx %arg13[%add3A_192, %broadcast_in_dim3A_262], %mul3A_264 : memref<1280x32xf32, #tpu.memory_space<vmem>>[vector<16xi32>, vector<16xi32>], vector<16xf32>,
        %broadcast_in_dim3A_265 = arith.constant 18 : i32
        %broadcast_in_dim3A_266 = vector.broadcast %broadcast_in_dim3A_265 : i32 to vector<16xi32>
        %gather3A_267 = tpu.vector_load_idx %arg13[%add3A_192, %broadcast_in_dim3A_266] : memref<1280x32xf32, #tpu.memory_space<vmem>>[vector<16xi32>, vector<16xi32>], vector<16xf32>,
        %mul3A_268 = arith.mulf %gather3A_267, %select_n3A_172 : vector<16xf32>
        tpu.vector_store_idx %arg13[%add3A_192, %broadcast_in_dim3A_266], %mul3A_268 : memref<1280x32xf32, #tpu.memory_space<vmem>>[vector<16xi32>, vector<16xi32>], vector<16xf32>,
        %broadcast_in_dim3A_269 = arith.constant 19 : i32
        %broadcast_in_dim3A_270 = vector.broadcast %broadcast_in_dim3A_269 : i32 to vector<16xi32>
        %gather3A_271 = tpu.vector_load_idx %arg13[%add3A_192, %broadcast_in_dim3A_270] : memref<1280x32xf32, #tpu.memory_space<vmem>>[vector<16xi32>, vector<16xi32>], vector<16xf32>,
        %mul3A_272 = arith.mulf %gather3A_271, %select_n3A_172 : vector<16xf32>
        tpu.vector_store_idx %arg13[%add3A_192, %broadcast_in_dim3A_270], %mul3A_272 : memref<1280x32xf32, #tpu.memory_space<vmem>>[vector<16xi32>, vector<16xi32>], vector<16xf32>,
        %broadcast_in_dim3A_273 = arith.constant 20 : i32
        %broadcast_in_dim3A_274 = vector.broadcast %broadcast_in_dim3A_273 : i32 to vector<16xi32>
        %gather3A_275 = tpu.vector_load_idx %arg13[%add3A_192, %broadcast_in_dim3A_274] : memref<1280x32xf32, #tpu.memory_space<vmem>>[vector<16xi32>, vector<16xi32>], vector<16xf32>,
        %mul3A_276 = arith.mulf %gather3A_275, %select_n3A_172 : vector<16xf32>
        tpu.vector_store_idx %arg13[%add3A_192, %broadcast_in_dim3A_274], %mul3A_276 : memref<1280x32xf32, #tpu.memory_space<vmem>>[vector<16xi32>, vector<16xi32>], vector<16xf32>,
        %broadcast_in_dim3A_277 = arith.constant 21 : i32
        %broadcast_in_dim3A_278 = vector.broadcast %broadcast_in_dim3A_277 : i32 to vector<16xi32>
        %gather3A_279 = tpu.vector_load_idx %arg13[%add3A_192, %broadcast_in_dim3A_278] : memref<1280x32xf32, #tpu.memory_space<vmem>>[vector<16xi32>, vector<16xi32>], vector<16xf32>,
        %mul3A_280 = arith.mulf %gather3A_279, %select_n3A_172 : vector<16xf32>
        tpu.vector_store_idx %arg13[%add3A_192, %broadcast_in_dim3A_278], %mul3A_280 : memref<1280x32xf32, #tpu.memory_space<vmem>>[vector<16xi32>, vector<16xi32>], vector<16xf32>,
        %broadcast_in_dim3A_281 = arith.constant 22 : i32
        %broadcast_in_dim3A_282 = vector.broadcast %broadcast_in_dim3A_281 : i32 to vector<16xi32>
        %gather3A_283 = tpu.vector_load_idx %arg13[%add3A_192, %broadcast_in_dim3A_282] : memref<1280x32xf32, #tpu.memory_space<vmem>>[vector<16xi32>, vector<16xi32>], vector<16xf32>,
        %mul3A_284 = arith.mulf %gather3A_283, %select_n3A_172 : vector<16xf32>
        tpu.vector_store_idx %arg13[%add3A_192, %broadcast_in_dim3A_282], %mul3A_284 : memref<1280x32xf32, #tpu.memory_space<vmem>>[vector<16xi32>, vector<16xi32>], vector<16xf32>,
        %broadcast_in_dim3A_285 = arith.constant 23 : i32
        %broadcast_in_dim3A_286 = vector.broadcast %broadcast_in_dim3A_285 : i32 to vector<16xi32>
        %gather3A_287 = tpu.vector_load_idx %arg13[%add3A_192, %broadcast_in_dim3A_286] : memref<1280x32xf32, #tpu.memory_space<vmem>>[vector<16xi32>, vector<16xi32>], vector<16xf32>,
        %mul3A_288 = arith.mulf %gather3A_287, %select_n3A_172 : vector<16xf32>
        tpu.vector_store_idx %arg13[%add3A_192, %broadcast_in_dim3A_286], %mul3A_288 : memref<1280x32xf32, #tpu.memory_space<vmem>>[vector<16xi32>, vector<16xi32>], vector<16xf32>,
        %broadcast_in_dim3A_289 = arith.constant 24 : i32
        %broadcast_in_dim3A_290 = vector.broadcast %broadcast_in_dim3A_289 : i32 to vector<16xi32>
        %gather3A_291 = tpu.vector_load_idx %arg13[%add3A_192, %broadcast_in_dim3A_290] : memref<1280x32xf32, #tpu.memory_space<vmem>>[vector<16xi32>, vector<16xi32>], vector<16xf32>,
        %mul3A_292 = arith.mulf %gather3A_291, %select_n3A_188 : vector<16xf32>
        tpu.vector_store_idx %arg13[%add3A_192, %broadcast_in_dim3A_290], %mul3A_292 : memref<1280x32xf32, #tpu.memory_space<vmem>>[vector<16xi32>, vector<16xi32>], vector<16xf32>,
        %broadcast_in_dim3A_293 = arith.constant 25 : i32
        %broadcast_in_dim3A_294 = vector.broadcast %broadcast_in_dim3A_293 : i32 to vector<16xi32>
        %gather3A_295 = tpu.vector_load_idx %arg13[%add3A_192, %broadcast_in_dim3A_294] : memref<1280x32xf32, #tpu.memory_space<vmem>>[vector<16xi32>, vector<16xi32>], vector<16xf32>,
        %mul3A_296 = arith.mulf %gather3A_295, %select_n3A_188 : vector<16xf32>
        tpu.vector_store_idx %arg13[%add3A_192, %broadcast_in_dim3A_294], %mul3A_296 : memref<1280x32xf32, #tpu.memory_space<vmem>>[vector<16xi32>, vector<16xi32>], vector<16xf32>,
        %broadcast_in_dim3A_297 = arith.constant 26 : i32
        %broadcast_in_dim3A_298 = vector.broadcast %broadcast_in_dim3A_297 : i32 to vector<16xi32>
        %gather3A_299 = tpu.vector_load_idx %arg13[%add3A_192, %broadcast_in_dim3A_298] : memref<1280x32xf32, #tpu.memory_space<vmem>>[vector<16xi32>, vector<16xi32>], vector<16xf32>,
        %mul3A_300 = arith.mulf %gather3A_299, %select_n3A_188 : vector<16xf32>
        tpu.vector_store_idx %arg13[%add3A_192, %broadcast_in_dim3A_298], %mul3A_300 : memref<1280x32xf32, #tpu.memory_space<vmem>>[vector<16xi32>, vector<16xi32>], vector<16xf32>,
        %broadcast_in_dim3A_301 = arith.constant 27 : i32
        %broadcast_in_dim3A_302 = vector.broadcast %broadcast_in_dim3A_301 : i32 to vector<16xi32>
        %gather3A_303 = tpu.vector_load_idx %arg13[%add3A_192, %broadcast_in_dim3A_302] : memref<1280x32xf32, #tpu.memory_space<vmem>>[vector<16xi32>, vector<16xi32>], vector<16xf32>,
        %mul3A_304 = arith.mulf %gather3A_303, %select_n3A_188 : vector<16xf32>
        tpu.vector_store_idx %arg13[%add3A_192, %broadcast_in_dim3A_302], %mul3A_304 : memref<1280x32xf32, #tpu.memory_space<vmem>>[vector<16xi32>, vector<16xi32>], vector<16xf32>,
        %broadcast_in_dim3A_305 = arith.constant 28 : i32
        %broadcast_in_dim3A_306 = vector.broadcast %broadcast_in_dim3A_305 : i32 to vector<16xi32>
        %gather3A_307 = tpu.vector_load_idx %arg13[%add3A_192, %broadcast_in_dim3A_306] : memref<1280x32xf32, #tpu.memory_space<vmem>>[vector<16xi32>, vector<16xi32>], vector<16xf32>,
        %mul3A_308 = arith.mulf %gather3A_307, %select_n3A_188 : vector<16xf32>
        tpu.vector_store_idx %arg13[%add3A_192, %broadcast_in_dim3A_306], %mul3A_308 : memref<1280x32xf32, #tpu.memory_space<vmem>>[vector<16xi32>, vector<16xi32>], vector<16xf32>,
        %broadcast_in_dim3A_309 = arith.constant 29 : i32
        %broadcast_in_dim3A_310 = vector.broadcast %broadcast_in_dim3A_309 : i32 to vector<16xi32>
        %gather3A_311 = tpu.vector_load_idx %arg13[%add3A_192, %broadcast_in_dim3A_310] : memref<1280x32xf32, #tpu.memory_space<vmem>>[vector<16xi32>, vector<16xi32>], vector<16xf32>,
        %mul3A_312 = arith.mulf %gather3A_311, %select_n3A_188 : vector<16xf32>
        tpu.vector_store_idx %arg13[%add3A_192, %broadcast_in_dim3A_310], %mul3A_312 : memref<1280x32xf32, #tpu.memory_space<vmem>>[vector<16xi32>, vector<16xi32>], vector<16xf32>,
        %broadcast_in_dim3A_313 = arith.constant 30 : i32
        %broadcast_in_dim3A_314 = vector.broadcast %broadcast_in_dim3A_313 : i32 to vector<16xi32>
        %gather3A_315 = tpu.vector_load_idx %arg13[%add3A_192, %broadcast_in_dim3A_314] : memref<1280x32xf32, #tpu.memory_space<vmem>>[vector<16xi32>, vector<16xi32>], vector<16xf32>,
        %mul3A_316 = arith.mulf %gather3A_315, %select_n3A_188 : vector<16xf32>
        tpu.vector_store_idx %arg13[%add3A_192, %broadcast_in_dim3A_314], %mul3A_316 : memref<1280x32xf32, #tpu.memory_space<vmem>>[vector<16xi32>, vector<16xi32>], vector<16xf32>,
        %broadcast_in_dim3A_317 = arith.constant 31 : i32
        %broadcast_in_dim3A_318 = vector.broadcast %broadcast_in_dim3A_317 : i32 to vector<16xi32>
        %gather3A_319 = tpu.vector_load_idx %arg13[%add3A_192, %broadcast_in_dim3A_318] : memref<1280x32xf32, #tpu.memory_space<vmem>>[vector<16xi32>, vector<16xi32>], vector<16xf32>,
        %mul3A_320 = arith.mulf %gather3A_319, %select_n3A_188 : vector<16xf32>
        tpu.vector_store_idx %arg13[%add3A_192, %broadcast_in_dim3A_318], %mul3A_320 : memref<1280x32xf32, #tpu.memory_space<vmem>>[vector<16xi32>, vector<16xi32>], vector<16xf32>,
        %scan3A_321 = arith.constant 0 : i32
        scf.yield %scan3A_321 : i32
      }
      %scan3A_100 = arith.constant 80 : i32
      %dma_start3A_101 = arith.constant 0 : i32
      %dma_start3A_102 = arith.constant 0 : i32
      %dma_start3A_103 = tpu.memref_slice %arg20[%dma_start3A_101, %dma_start3A_102] : memref<1024x8xf32, #tpu.memory_space<vmem_shared>> -> memref<1024x8xf32, #tpu.memory_space<vmem_shared>>
      tpu.enqueue_indirect_dma source(%arg14 : memref<1280x8xf32, #tpu.memory_space<vmem>>) target(%dma_start3A_103 : memref<1024x8xf32, #tpu.memory_space<vmem_shared>>) offsets(%arg11 : memref<1280xi32, #tpu.memory_space<vmem>>) semaphore(%arg22 : memref<!tpu.dma_semaphore, #tpu.memory_space<semaphore_mem>>) {add = true}
      %dma_start3A_104 = arith.constant 0 : i32
      %dma_start3A_105 = arith.constant 0 : i32
      %dma_start3A_106 = tpu.memref_slice %arg21[%dma_start3A_104, %dma_start3A_105] : memref<1024x32xf32, #tpu.memory_space<vmem_shared>> -> memref<1024x32xf32, #tpu.memory_space<vmem_shared>>
      tpu.enqueue_indirect_dma source(%arg13 : memref<1280x32xf32, #tpu.memory_space<vmem>>) target(%dma_start3A_106 : memref<1024x32xf32, #tpu.memory_space<vmem_shared>>) offsets(%arg11 : memref<1280xi32, #tpu.memory_space<vmem>>) semaphore(%arg23 : memref<!tpu.dma_semaphore, #tpu.memory_space<semaphore_mem>>) {add = true}
      %dma_wait3A_107 = arith.constant 0 : i32
      %dma_wait3A_108 = arith.constant 0 : i32
      %dma_wait3A_109 = tpu.memref_slice %arg20[%dma_wait3A_107, %dma_wait3A_108] : memref<1024x8xf32, #tpu.memory_space<vmem_shared>> -> memref<1024x8xf32, #tpu.memory_space<vmem_shared>>
      tpu.wait_indirect_dma semaphore(%arg22 : memref<!tpu.dma_semaphore, #tpu.memory_space<semaphore_mem>>) src(%arg14 : memref<1280x8xf32, #tpu.memory_space<vmem>>) dst(%dma_wait3A_109 : memref<1024x8xf32, #tpu.memory_space<vmem_shared>>)
      %dma_wait3A_110 = arith.constant 0 : i32
      %dma_wait3A_111 = arith.constant 0 : i32
      %dma_wait3A_112 = tpu.memref_slice %arg21[%dma_wait3A_110, %dma_wait3A_111] : memref<1024x32xf32, #tpu.memory_space<vmem_shared>> -> memref<1024x32xf32, #tpu.memory_space<vmem_shared>>
      tpu.wait_indirect_dma semaphore(%arg23 : memref<!tpu.dma_semaphore, #tpu.memory_space<semaphore_mem>>) src(%arg13 : memref<1280x32xf32, #tpu.memory_space<vmem>>) dst(%dma_wait3A_112 : memref<1024x32xf32, #tpu.memory_space<vmem_shared>>)
      %while3A_113 = arith.constant 0 : i32
      scf.yield %while3A_113 : i32
    }
    %while3A_63 = arith.constant 1 : i32
    %while3A_64 = scf.for %while3A_68 = %while3A_60 to %while3A_56 step %while3A_63 iter_args(%while3A_69 = %while3A_62) -> (i32)  : i32 {
      %mul3A_70 = arith.constant 50176 : i32
      %mul3A_71 = arith.muli %add3A, %mul3A_70 : i32
      %multiple_of3A = tpu.assume_multiple %mul3A_71, 8 : i32
      %mul3A_72 = arith.constant 1280 : i32
      %mul3A_73 = arith.muli %while3A_68, %mul3A_72 : i32
      %add3A_74 = arith.addi %multiple_of3A, %mul3A_73 : i32
      "tpu.region"() ({
        %run_scoped3A = tpu.sem_alloc : memref<!tpu.dma_semaphore, #tpu.memory_space<semaphore_mem>>
        %dma_start3A_114 = tpu.memref_slice %arg2[%add3A_74] : memref<1605632xi32, #tpu.memory_space<hbm>> -> memref<1280xi32, #tpu.memory_space<hbm>>
        %dma_start3A_115 = tpu.memref_slice %arg2[%add3A_74] : memref<1605632xi32, #tpu.memory_space<hbm>> -> memref<1280xi32, #tpu.memory_space<hbm>>
        tpu.enqueue_dma source(%dma_start3A_115 : memref<1280xi32, #tpu.memory_space<hbm>>) target(%arg9 : memref<1280xi32, #tpu.memory_space<vmem>>) target_semaphore(%run_scoped3A : memref<!tpu.dma_semaphore, #tpu.memory_space<semaphore_mem>>)
        %dma_wait3A_116 = tpu.memref_slice %arg2[%add3A_74] : memref<1605632xi32, #tpu.memory_space<hbm>> -> memref<1280xi32, #tpu.memory_space<hbm>>
        %dma_wait3A_117 = tpu.memref_slice %arg2[%add3A_74] : memref<1605632xi32, #tpu.memory_space<hbm>> -> memref<1280xi32, #tpu.memory_space<hbm>>
        tpu.wait_dma2 semaphore(%run_scoped3A : memref<!tpu.dma_semaphore, #tpu.memory_space<semaphore_mem>>) src(%dma_wait3A_117 : memref<1280xi32, #tpu.memory_space<hbm>>) dst(%arg9 : memref<1280xi32, #tpu.memory_space<vmem>>)
        tpu.yield
      }) : () -> ()
      %scan3A_75 = arith.constant 0 : i32
      %scan3A_76 = arith.constant 0 : i32
      %scan3A_77 = arith.constant 80 : i32
      %scan3A_78 = arith.addi %scan3A_76, %scan3A_77 : i32
      %scan3A_79 = arith.constant 1 : i32
      %scan3A_80 = scf.for %scan3A_114 = %scan3A_76 to %scan3A_78 step %scan3A_79 iter_args(%scan3A_115 = %scan3A_75) -> (i32)  : i32 {
        %mul3A_116 = arith.constant 16 : i32
        %mul3A_117 = arith.muli %scan3A_114, %mul3A_116 : i32
        %get3A_118 = arith.index_cast %mul3A_117 : i32 to index
        %get3A_119 = tpu.vector_load %arg9[%get3A_118] {strides = array<i32>} : memref<1280xi32, #tpu.memory_space<vmem>>, vector<16xi32>,
        %shift_right_logical3A = arith.constant 10 : i32
        %shift_right_logical3A_120 = vector.broadcast %shift_right_logical3A : i32 to vector<16xi32>
        %shift_right_logical3A_121 = arith.shrui %get3A_119, %shift_right_logical3A_120 : vector<16xi32>
        %min3A = arith.constant 49999 : i32
        %min3A_122 = vector.broadcast %min3A : i32 to vector<16xi32>
        %min3A_123 = arith.minsi %shift_right_logical3A_121, %min3A_122 : vector<16xi32>
        %and3A_124 = arith.constant 1023 : i32
        %and3A_125 = vector.broadcast %and3A_124 : i32 to vector<16xi32>
        %and3A_126 = arith.andi %get3A_119, %and3A_125 : vector<16xi32>
        %mul3A_127 = arith.constant 16 : i32
        %mul3A_128 = arith.muli %scan3A_114, %mul3A_127 : i32
        %swap3A = arith.index_cast %mul3A_128 : i32 to index
        %swap3A_129 = tpu.vector_load %arg10[%swap3A] {strides = array<i32>} : memref<1280xi32, #tpu.memory_space<vmem>>, vector<16xi32>,
        tpu.vector_store %arg10[%swap3A], %min3A_123 {strides = array<i32>} : memref<1280xi32, #tpu.memory_space<vmem>>, vector<16xi32>,
        %mul3A_130 = arith.constant 16 : i32
        %mul3A_131 = arith.muli %scan3A_114, %mul3A_130 : i32
        %swap3A_132 = arith.index_cast %mul3A_131 : i32 to index
        %swap3A_133 = tpu.vector_load %arg11[%swap3A_132] {strides = array<i32>} : memref<1280xi32, #tpu.memory_space<vmem>>, vector<16xi32>,
        tpu.vector_store %arg11[%swap3A_132], %and3A_126 {strides = array<i32>} : memref<1280xi32, #tpu.memory_space<vmem>>, vector<16xi32>,
        %scan3A_134 = arith.constant 0 : i32
        scf.yield %scan3A_134 : i32
      }
      %scan3A_81 = arith.constant 80 : i32
      %dma_start3A_82 = arith.constant 0 : i32
      %dma_start3A_83 = arith.constant 0 : i32
      %dma_start3A_84 = tpu.memref_slice %arg5[%dma_start3A_82, %dma_start3A_83] : memref<50000x8xf32, #tpu.memory_space<hbm>> -> memref<50000x8xf32, #tpu.memory_space<hbm>>
      tpu.enqueue_indirect_dma source(%dma_start3A_84 : memref<50000x8xf32, #tpu.memory_space<hbm>>) target(%arg12 : memref<1280x8xf32, #tpu.memory_space<vmem>>) offsets(%arg10 : memref<1280xi32, #tpu.memory_space<vmem>>) semaphore(%arg22 : memref<!tpu.dma_semaphore, #tpu.memory_space<semaphore_mem>>)
      %dma_start3A_85 = arith.constant 0 : i32
      %dma_start3A_86 = arith.constant 0 : i32
      %dma_start3A_87 = tpu.memref_slice %arg6[%dma_start3A_85, %dma_start3A_86] : memref<50000x32xf32, #tpu.memory_space<hbm>> -> memref<50000x32xf32, #tpu.memory_space<hbm>>
      tpu.enqueue_indirect_dma source(%dma_start3A_87 : memref<50000x32xf32, #tpu.memory_space<hbm>>) target(%arg13 : memref<1280x32xf32, #tpu.memory_space<vmem>>) offsets(%arg10 : memref<1280xi32, #tpu.memory_space<vmem>>) semaphore(%arg23 : memref<!tpu.dma_semaphore, #tpu.memory_space<semaphore_mem>>)
      %dma_wait3A_88 = arith.constant 0 : i32
      %dma_wait3A_89 = arith.constant 0 : i32
      %dma_wait3A_90 = tpu.memref_slice %arg5[%dma_wait3A_88, %dma_wait3A_89] : memref<50000x8xf32, #tpu.memory_space<hbm>> -> memref<50000x8xf32, #tpu.memory_space<hbm>>
      tpu.wait_indirect_dma semaphore(%arg22 : memref<!tpu.dma_semaphore, #tpu.memory_space<semaphore_mem>>) src(%dma_wait3A_90 : memref<50000x8xf32, #tpu.memory_space<hbm>>) dst(%arg12 : memref<1280x8xf32, #tpu.memory_space<vmem>>)
      %dma_wait3A_91 = arith.constant 0 : i32
      %dma_wait3A_92 = arith.constant 0 : i32
      %dma_wait3A_93 = tpu.memref_slice %arg6[%dma_wait3A_91, %dma_wait3A_92] : memref<50000x32xf32, #tpu.memory_space<hbm>> -> memref<50000x32xf32, #tpu.memory_space<hbm>>
      tpu.wait_indirect_dma semaphore(%arg23 : memref<!tpu.dma_semaphore, #tpu.memory_space<semaphore_mem>>) src(%dma_wait3A_93 : memref<50000x32xf32, #tpu.memory_space<hbm>>) dst(%arg13 : memref<1280x32xf32, #tpu.memory_space<vmem>>)
      %scan3A_94 = arith.constant 0 : i32
      %scan3A_95 = arith.constant 0 : i32
      %scan3A_96 = arith.constant 80 : i32
      %scan3A_97 = arith.addi %scan3A_95, %scan3A_96 : i32
      %scan3A_98 = arith.constant 1 : i32
      %scan3A_99 = scf.for %scan3A_114 = %scan3A_95 to %scan3A_97 step %scan3A_98 iter_args(%scan3A_115 = %scan3A_94) -> (i32)  : i32 {
        %mul3A_116 = arith.constant 16 : i32
        %mul3A_117 = arith.muli %scan3A_114, %mul3A_116 : i32
        %add3A_118 = vector.broadcast %mul3A_117 : i32 to vector<16xi32>
        %add3A_119 = arith.addi %iota3A, %add3A_118 : vector<16xi32>
        %mul3A_120 = arith.constant 16 : i32
        %mul3A_121 = arith.muli %scan3A_114, %mul3A_120 : i32
        %get3A_122 = arith.index_cast %mul3A_121 : i32 to index
        %get3A_123 = tpu.vector_load %arg11[%get3A_122] {strides = array<i32>} : memref<1280xi32, #tpu.memory_space<vmem>>, vector<16xi32>,
        %mul3A_124 = arith.constant 1280 : i32
        %mul3A_125 = arith.muli %while3A_68, %mul3A_124 : i32
        %add3A_126 = vector.broadcast %mul3A_125 : i32 to vector<16xi32>
        %add3A_127 = arith.addi %add3A_119, %add3A_126 : vector<16xi32>
        %lt3A = arith.cmpi slt, %add3A_127, %broadcast_in_dim3A_33 : vector<16xi32>
        %broadcast_in_dim3A_128 = arith.constant 0 : i32
        %broadcast_in_dim3A_129 = vector.broadcast %broadcast_in_dim3A_128 : i32 to vector<16xi32>
        %gather3A = tpu.vector_load_idx %arg12[%add3A_119, %broadcast_in_dim3A_129] : memref<1280x8xf32, #tpu.memory_space<vmem>>[vector<16xi32>, vector<16xi32>], vector<16xf32>,
        %add3A_130 = arith.constant 4 : i32
        %add3A_131 = vector.broadcast %add3A_130 : i32 to vector<16xi32>
        %add3A_132 = arith.addi %broadcast_in_dim3A_129, %add3A_131 : vector<16xi32>
        %gather3A_133 = tpu.vector_load_idx %arg15[%get3A_123, %add3A_132] : memref<1024x8xf32, #tpu.memory_space<vmem>>[vector<16xi32>, vector<16xi32>], vector<16xf32>,
        %add3A_134 = arith.addf %gather3A, %gather3A_133 : vector<16xf32>
        %mul3A_135 = arith.constant 2.000000e-01 : f32
        %mul3A_136 = vector.broadcast %mul3A_135 : f32 to vector<16xf32>
        %mul3A_137 = arith.mulf %mul3A_136, %add3A_134 : vector<16xf32>
        %max3A = arith.maximumf %add3A_134, %mul3A_137 : vector<16xf32>
        %exp3A = math.exp %max3A : vector<16xf32>
        %jit3A_138 = arith.constant 0.000000e+00 : f32
        %broadcast_in_dim3A_139 = vector.broadcast %jit3A_138 : f32 to vector<16xf32>
        %select_n3A_140 = arith.select %lt3A, %exp3A, %broadcast_in_dim3A_139 : vector<16xi1>, vector<16xf32>
        tpu.vector_store_idx %arg14[%add3A_119, %broadcast_in_dim3A_129], %select_n3A_140 : memref<1280x8xf32, #tpu.memory_space<vmem>>[vector<16xi32>, vector<16xi32>], vector<16xf32>,
        %broadcast_in_dim3A_141 = arith.constant 1 : i32
        %broadcast_in_dim3A_142 = vector.broadcast %broadcast_in_dim3A_141 : i32 to vector<16xi32>
        %gather3A_143 = tpu.vector_load_idx %arg12[%add3A_119, %broadcast_in_dim3A_142] : memref<1280x8xf32, #tpu.memory_space<vmem>>[vector<16xi32>, vector<16xi32>], vector<16xf32>,
        %add3A_144 = arith.constant 4 : i32
        %add3A_145 = vector.broadcast %add3A_144 : i32 to vector<16xi32>
        %add3A_146 = arith.addi %broadcast_in_dim3A_142, %add3A_145 : vector<16xi32>
        %gather3A_147 = tpu.vector_load_idx %arg15[%get3A_123, %add3A_146] : memref<1024x8xf32, #tpu.memory_space<vmem>>[vector<16xi32>, vector<16xi32>], vector<16xf32>,
        %add3A_148 = arith.addf %gather3A_143, %gather3A_147 : vector<16xf32>
        %mul3A_149 = arith.constant 2.000000e-01 : f32
        %mul3A_150 = vector.broadcast %mul3A_149 : f32 to vector<16xf32>
        %mul3A_151 = arith.mulf %mul3A_150, %add3A_148 : vector<16xf32>
        %max3A_152 = arith.maximumf %add3A_148, %mul3A_151 : vector<16xf32>
        %exp3A_153 = math.exp %max3A_152 : vector<16xf32>
        %jit3A_154 = arith.constant 0.000000e+00 : f32
        %broadcast_in_dim3A_155 = vector.broadcast %jit3A_154 : f32 to vector<16xf32>
        %select_n3A_156 = arith.select %lt3A, %exp3A_153, %broadcast_in_dim3A_155 : vector<16xi1>, vector<16xf32>
        tpu.vector_store_idx %arg14[%add3A_119, %broadcast_in_dim3A_142], %select_n3A_156 : memref<1280x8xf32, #tpu.memory_space<vmem>>[vector<16xi32>, vector<16xi32>], vector<16xf32>,
        %broadcast_in_dim3A_157 = arith.constant 2 : i32
        %broadcast_in_dim3A_158 = vector.broadcast %broadcast_in_dim3A_157 : i32 to vector<16xi32>
        %gather3A_159 = tpu.vector_load_idx %arg12[%add3A_119, %broadcast_in_dim3A_158] : memref<1280x8xf32, #tpu.memory_space<vmem>>[vector<16xi32>, vector<16xi32>], vector<16xf32>,
        %add3A_160 = arith.constant 4 : i32
        %add3A_161 = vector.broadcast %add3A_160 : i32 to vector<16xi32>
        %add3A_162 = arith.addi %broadcast_in_dim3A_158, %add3A_161 : vector<16xi32>
        %gather3A_163 = tpu.vector_load_idx %arg15[%get3A_123, %add3A_162] : memref<1024x8xf32, #tpu.memory_space<vmem>>[vector<16xi32>, vector<16xi32>], vector<16xf32>,
        %add3A_164 = arith.addf %gather3A_159, %gather3A_163 : vector<16xf32>
        %mul3A_165 = arith.constant 2.000000e-01 : f32
        %mul3A_166 = vector.broadcast %mul3A_165 : f32 to vector<16xf32>
        %mul3A_167 = arith.mulf %mul3A_166, %add3A_164 : vector<16xf32>
        %max3A_168 = arith.maximumf %add3A_164, %mul3A_167 : vector<16xf32>
        %exp3A_169 = math.exp %max3A_168 : vector<16xf32>
        %jit3A_170 = arith.constant 0.000000e+00 : f32
        %broadcast_in_dim3A_171 = vector.broadcast %jit3A_170 : f32 to vector<16xf32>
        %select_n3A_172 = arith.select %lt3A, %exp3A_169, %broadcast_in_dim3A_171 : vector<16xi1>, vector<16xf32>
        tpu.vector_store_idx %arg14[%add3A_119, %broadcast_in_dim3A_158], %select_n3A_172 : memref<1280x8xf32, #tpu.memory_space<vmem>>[vector<16xi32>, vector<16xi32>], vector<16xf32>,
        %broadcast_in_dim3A_173 = arith.constant 3 : i32
        %broadcast_in_dim3A_174 = vector.broadcast %broadcast_in_dim3A_173 : i32 to vector<16xi32>
        %gather3A_175 = tpu.vector_load_idx %arg12[%add3A_119, %broadcast_in_dim3A_174] : memref<1280x8xf32, #tpu.memory_space<vmem>>[vector<16xi32>, vector<16xi32>], vector<16xf32>,
        %add3A_176 = arith.constant 4 : i32
        %add3A_177 = vector.broadcast %add3A_176 : i32 to vector<16xi32>
        %add3A_178 = arith.addi %broadcast_in_dim3A_174, %add3A_177 : vector<16xi32>
        %gather3A_179 = tpu.vector_load_idx %arg15[%get3A_123, %add3A_178] : memref<1024x8xf32, #tpu.memory_space<vmem>>[vector<16xi32>, vector<16xi32>], vector<16xf32>,
        %add3A_180 = arith.addf %gather3A_175, %gather3A_179 : vector<16xf32>
        %mul3A_181 = arith.constant 2.000000e-01 : f32
        %mul3A_182 = vector.broadcast %mul3A_181 : f32 to vector<16xf32>
        %mul3A_183 = arith.mulf %mul3A_182, %add3A_180 : vector<16xf32>
        %max3A_184 = arith.maximumf %add3A_180, %mul3A_183 : vector<16xf32>
        %exp3A_185 = math.exp %max3A_184 : vector<16xf32>
        %jit3A_186 = arith.constant 0.000000e+00 : f32
        %broadcast_in_dim3A_187 = vector.broadcast %jit3A_186 : f32 to vector<16xf32>
        %select_n3A_188 = arith.select %lt3A, %exp3A_185, %broadcast_in_dim3A_187 : vector<16xi1>, vector<16xf32>
        tpu.vector_store_idx %arg14[%add3A_119, %broadcast_in_dim3A_174], %select_n3A_188 : memref<1280x8xf32, #tpu.memory_space<vmem>>[vector<16xi32>, vector<16xi32>], vector<16xf32>,
        %mul3A_189 = arith.constant 16 : i32
        %mul3A_190 = arith.muli %scan3A_114, %mul3A_189 : i32
        %add3A_191 = vector.broadcast %mul3A_190 : i32 to vector<16xi32>
        %add3A_192 = arith.addi %iota3A, %add3A_191 : vector<16xi32>
        %broadcast_in_dim3A_193 = arith.constant 0 : i32
        %broadcast_in_dim3A_194 = vector.broadcast %broadcast_in_dim3A_193 : i32 to vector<16xi32>
        %gather3A_195 = tpu.vector_load_idx %arg13[%add3A_192, %broadcast_in_dim3A_194] : memref<1280x32xf32, #tpu.memory_space<vmem>>[vector<16xi32>, vector<16xi32>], vector<16xf32>,
        %mul3A_196 = arith.mulf %gather3A_195, %select_n3A_140 : vector<16xf32>
        tpu.vector_store_idx %arg13[%add3A_192, %broadcast_in_dim3A_194], %mul3A_196 : memref<1280x32xf32, #tpu.memory_space<vmem>>[vector<16xi32>, vector<16xi32>], vector<16xf32>,
        %broadcast_in_dim3A_197 = arith.constant 1 : i32
        %broadcast_in_dim3A_198 = vector.broadcast %broadcast_in_dim3A_197 : i32 to vector<16xi32>
        %gather3A_199 = tpu.vector_load_idx %arg13[%add3A_192, %broadcast_in_dim3A_198] : memref<1280x32xf32, #tpu.memory_space<vmem>>[vector<16xi32>, vector<16xi32>], vector<16xf32>,
        %mul3A_200 = arith.mulf %gather3A_199, %select_n3A_140 : vector<16xf32>
        tpu.vector_store_idx %arg13[%add3A_192, %broadcast_in_dim3A_198], %mul3A_200 : memref<1280x32xf32, #tpu.memory_space<vmem>>[vector<16xi32>, vector<16xi32>], vector<16xf32>,
        %broadcast_in_dim3A_201 = arith.constant 2 : i32
        %broadcast_in_dim3A_202 = vector.broadcast %broadcast_in_dim3A_201 : i32 to vector<16xi32>
        %gather3A_203 = tpu.vector_load_idx %arg13[%add3A_192, %broadcast_in_dim3A_202] : memref<1280x32xf32, #tpu.memory_space<vmem>>[vector<16xi32>, vector<16xi32>], vector<16xf32>,
        %mul3A_204 = arith.mulf %gather3A_203, %select_n3A_140 : vector<16xf32>
        tpu.vector_store_idx %arg13[%add3A_192, %broadcast_in_dim3A_202], %mul3A_204 : memref<1280x32xf32, #tpu.memory_space<vmem>>[vector<16xi32>, vector<16xi32>], vector<16xf32>,
        %broadcast_in_dim3A_205 = arith.constant 3 : i32
        %broadcast_in_dim3A_206 = vector.broadcast %broadcast_in_dim3A_205 : i32 to vector<16xi32>
        %gather3A_207 = tpu.vector_load_idx %arg13[%add3A_192, %broadcast_in_dim3A_206] : memref<1280x32xf32, #tpu.memory_space<vmem>>[vector<16xi32>, vector<16xi32>], vector<16xf32>,
        %mul3A_208 = arith.mulf %gather3A_207, %select_n3A_140 : vector<16xf32>
        tpu.vector_store_idx %arg13[%add3A_192, %broadcast_in_dim3A_206], %mul3A_208 : memref<1280x32xf32, #tpu.memory_space<vmem>>[vector<16xi32>, vector<16xi32>], vector<16xf32>,
        %broadcast_in_dim3A_209 = arith.constant 4 : i32
        %broadcast_in_dim3A_210 = vector.broadcast %broadcast_in_dim3A_209 : i32 to vector<16xi32>
        %gather3A_211 = tpu.vector_load_idx %arg13[%add3A_192, %broadcast_in_dim3A_210] : memref<1280x32xf32, #tpu.memory_space<vmem>>[vector<16xi32>, vector<16xi32>], vector<16xf32>,
        %mul3A_212 = arith.mulf %gather3A_211, %select_n3A_140 : vector<16xf32>
        tpu.vector_store_idx %arg13[%add3A_192, %broadcast_in_dim3A_210], %mul3A_212 : memref<1280x32xf32, #tpu.memory_space<vmem>>[vector<16xi32>, vector<16xi32>], vector<16xf32>,
        %broadcast_in_dim3A_213 = arith.constant 5 : i32
        %broadcast_in_dim3A_214 = vector.broadcast %broadcast_in_dim3A_213 : i32 to vector<16xi32>
        %gather3A_215 = tpu.vector_load_idx %arg13[%add3A_192, %broadcast_in_dim3A_214] : memref<1280x32xf32, #tpu.memory_space<vmem>>[vector<16xi32>, vector<16xi32>], vector<16xf32>,
        %mul3A_216 = arith.mulf %gather3A_215, %select_n3A_140 : vector<16xf32>
        tpu.vector_store_idx %arg13[%add3A_192, %broadcast_in_dim3A_214], %mul3A_216 : memref<1280x32xf32, #tpu.memory_space<vmem>>[vector<16xi32>, vector<16xi32>], vector<16xf32>,
        %broadcast_in_dim3A_217 = arith.constant 6 : i32
        %broadcast_in_dim3A_218 = vector.broadcast %broadcast_in_dim3A_217 : i32 to vector<16xi32>
        %gather3A_219 = tpu.vector_load_idx %arg13[%add3A_192, %broadcast_in_dim3A_218] : memref<1280x32xf32, #tpu.memory_space<vmem>>[vector<16xi32>, vector<16xi32>], vector<16xf32>,
        %mul3A_220 = arith.mulf %gather3A_219, %select_n3A_140 : vector<16xf32>
        tpu.vector_store_idx %arg13[%add3A_192, %broadcast_in_dim3A_218], %mul3A_220 : memref<1280x32xf32, #tpu.memory_space<vmem>>[vector<16xi32>, vector<16xi32>], vector<16xf32>,
        %broadcast_in_dim3A_221 = arith.constant 7 : i32
        %broadcast_in_dim3A_222 = vector.broadcast %broadcast_in_dim3A_221 : i32 to vector<16xi32>
        %gather3A_223 = tpu.vector_load_idx %arg13[%add3A_192, %broadcast_in_dim3A_222] : memref<1280x32xf32, #tpu.memory_space<vmem>>[vector<16xi32>, vector<16xi32>], vector<16xf32>,
        %mul3A_224 = arith.mulf %gather3A_223, %select_n3A_140 : vector<16xf32>
        tpu.vector_store_idx %arg13[%add3A_192, %broadcast_in_dim3A_222], %mul3A_224 : memref<1280x32xf32, #tpu.memory_space<vmem>>[vector<16xi32>, vector<16xi32>], vector<16xf32>,
        %broadcast_in_dim3A_225 = arith.constant 8 : i32
        %broadcast_in_dim3A_226 = vector.broadcast %broadcast_in_dim3A_225 : i32 to vector<16xi32>
        %gather3A_227 = tpu.vector_load_idx %arg13[%add3A_192, %broadcast_in_dim3A_226] : memref<1280x32xf32, #tpu.memory_space<vmem>>[vector<16xi32>, vector<16xi32>], vector<16xf32>,
        %mul3A_228 = arith.mulf %gather3A_227, %select_n3A_156 : vector<16xf32>
        tpu.vector_store_idx %arg13[%add3A_192, %broadcast_in_dim3A_226], %mul3A_228 : memref<1280x32xf32, #tpu.memory_space<vmem>>[vector<16xi32>, vector<16xi32>], vector<16xf32>,
        %broadcast_in_dim3A_229 = arith.constant 9 : i32
        %broadcast_in_dim3A_230 = vector.broadcast %broadcast_in_dim3A_229 : i32 to vector<16xi32>
        %gather3A_231 = tpu.vector_load_idx %arg13[%add3A_192, %broadcast_in_dim3A_230] : memref<1280x32xf32, #tpu.memory_space<vmem>>[vector<16xi32>, vector<16xi32>], vector<16xf32>,
        %mul3A_232 = arith.mulf %gather3A_231, %select_n3A_156 : vector<16xf32>
        tpu.vector_store_idx %arg13[%add3A_192, %broadcast_in_dim3A_230], %mul3A_232 : memref<1280x32xf32, #tpu.memory_space<vmem>>[vector<16xi32>, vector<16xi32>], vector<16xf32>,
        %broadcast_in_dim3A_233 = arith.constant 10 : i32
        %broadcast_in_dim3A_234 = vector.broadcast %broadcast_in_dim3A_233 : i32 to vector<16xi32>
        %gather3A_235 = tpu.vector_load_idx %arg13[%add3A_192, %broadcast_in_dim3A_234] : memref<1280x32xf32, #tpu.memory_space<vmem>>[vector<16xi32>, vector<16xi32>], vector<16xf32>,
        %mul3A_236 = arith.mulf %gather3A_235, %select_n3A_156 : vector<16xf32>
        tpu.vector_store_idx %arg13[%add3A_192, %broadcast_in_dim3A_234], %mul3A_236 : memref<1280x32xf32, #tpu.memory_space<vmem>>[vector<16xi32>, vector<16xi32>], vector<16xf32>,
        %broadcast_in_dim3A_237 = arith.constant 11 : i32
        %broadcast_in_dim3A_238 = vector.broadcast %broadcast_in_dim3A_237 : i32 to vector<16xi32>
        %gather3A_239 = tpu.vector_load_idx %arg13[%add3A_192, %broadcast_in_dim3A_238] : memref<1280x32xf32, #tpu.memory_space<vmem>>[vector<16xi32>, vector<16xi32>], vector<16xf32>,
        %mul3A_240 = arith.mulf %gather3A_239, %select_n3A_156 : vector<16xf32>
        tpu.vector_store_idx %arg13[%add3A_192, %broadcast_in_dim3A_238], %mul3A_240 : memref<1280x32xf32, #tpu.memory_space<vmem>>[vector<16xi32>, vector<16xi32>], vector<16xf32>,
        %broadcast_in_dim3A_241 = arith.constant 12 : i32
        %broadcast_in_dim3A_242 = vector.broadcast %broadcast_in_dim3A_241 : i32 to vector<16xi32>
        %gather3A_243 = tpu.vector_load_idx %arg13[%add3A_192, %broadcast_in_dim3A_242] : memref<1280x32xf32, #tpu.memory_space<vmem>>[vector<16xi32>, vector<16xi32>], vector<16xf32>,
        %mul3A_244 = arith.mulf %gather3A_243, %select_n3A_156 : vector<16xf32>
        tpu.vector_store_idx %arg13[%add3A_192, %broadcast_in_dim3A_242], %mul3A_244 : memref<1280x32xf32, #tpu.memory_space<vmem>>[vector<16xi32>, vector<16xi32>], vector<16xf32>,
        %broadcast_in_dim3A_245 = arith.constant 13 : i32
        %broadcast_in_dim3A_246 = vector.broadcast %broadcast_in_dim3A_245 : i32 to vector<16xi32>
        %gather3A_247 = tpu.vector_load_idx %arg13[%add3A_192, %broadcast_in_dim3A_246] : memref<1280x32xf32, #tpu.memory_space<vmem>>[vector<16xi32>, vector<16xi32>], vector<16xf32>,
        %mul3A_248 = arith.mulf %gather3A_247, %select_n3A_156 : vector<16xf32>
        tpu.vector_store_idx %arg13[%add3A_192, %broadcast_in_dim3A_246], %mul3A_248 : memref<1280x32xf32, #tpu.memory_space<vmem>>[vector<16xi32>, vector<16xi32>], vector<16xf32>,
        %broadcast_in_dim3A_249 = arith.constant 14 : i32
        %broadcast_in_dim3A_250 = vector.broadcast %broadcast_in_dim3A_249 : i32 to vector<16xi32>
        %gather3A_251 = tpu.vector_load_idx %arg13[%add3A_192, %broadcast_in_dim3A_250] : memref<1280x32xf32, #tpu.memory_space<vmem>>[vector<16xi32>, vector<16xi32>], vector<16xf32>,
        %mul3A_252 = arith.mulf %gather3A_251, %select_n3A_156 : vector<16xf32>
        tpu.vector_store_idx %arg13[%add3A_192, %broadcast_in_dim3A_250], %mul3A_252 : memref<1280x32xf32, #tpu.memory_space<vmem>>[vector<16xi32>, vector<16xi32>], vector<16xf32>,
        %broadcast_in_dim3A_253 = arith.constant 15 : i32
        %broadcast_in_dim3A_254 = vector.broadcast %broadcast_in_dim3A_253 : i32 to vector<16xi32>
        %gather3A_255 = tpu.vector_load_idx %arg13[%add3A_192, %broadcast_in_dim3A_254] : memref<1280x32xf32, #tpu.memory_space<vmem>>[vector<16xi32>, vector<16xi32>], vector<16xf32>,
        %mul3A_256 = arith.mulf %gather3A_255, %select_n3A_156 : vector<16xf32>
        tpu.vector_store_idx %arg13[%add3A_192, %broadcast_in_dim3A_254], %mul3A_256 : memref<1280x32xf32, #tpu.memory_space<vmem>>[vector<16xi32>, vector<16xi32>], vector<16xf32>,
        %broadcast_in_dim3A_257 = arith.constant 16 : i32
        %broadcast_in_dim3A_258 = vector.broadcast %broadcast_in_dim3A_257 : i32 to vector<16xi32>
        %gather3A_259 = tpu.vector_load_idx %arg13[%add3A_192, %broadcast_in_dim3A_258] : memref<1280x32xf32, #tpu.memory_space<vmem>>[vector<16xi32>, vector<16xi32>], vector<16xf32>,
        %mul3A_260 = arith.mulf %gather3A_259, %select_n3A_172 : vector<16xf32>
        tpu.vector_store_idx %arg13[%add3A_192, %broadcast_in_dim3A_258], %mul3A_260 : memref<1280x32xf32, #tpu.memory_space<vmem>>[vector<16xi32>, vector<16xi32>], vector<16xf32>,
        %broadcast_in_dim3A_261 = arith.constant 17 : i32
        %broadcast_in_dim3A_262 = vector.broadcast %broadcast_in_dim3A_261 : i32 to vector<16xi32>
        %gather3A_263 = tpu.vector_load_idx %arg13[%add3A_192, %broadcast_in_dim3A_262] : memref<1280x32xf32, #tpu.memory_space<vmem>>[vector<16xi32>, vector<16xi32>], vector<16xf32>,
        %mul3A_264 = arith.mulf %gather3A_263, %select_n3A_172 : vector<16xf32>
        tpu.vector_store_idx %arg13[%add3A_192, %broadcast_in_dim3A_262], %mul3A_264 : memref<1280x32xf32, #tpu.memory_space<vmem>>[vector<16xi32>, vector<16xi32>], vector<16xf32>,
        %broadcast_in_dim3A_265 = arith.constant 18 : i32
        %broadcast_in_dim3A_266 = vector.broadcast %broadcast_in_dim3A_265 : i32 to vector<16xi32>
        %gather3A_267 = tpu.vector_load_idx %arg13[%add3A_192, %broadcast_in_dim3A_266] : memref<1280x32xf32, #tpu.memory_space<vmem>>[vector<16xi32>, vector<16xi32>], vector<16xf32>,
        %mul3A_268 = arith.mulf %gather3A_267, %select_n3A_172 : vector<16xf32>
        tpu.vector_store_idx %arg13[%add3A_192, %broadcast_in_dim3A_266], %mul3A_268 : memref<1280x32xf32, #tpu.memory_space<vmem>>[vector<16xi32>, vector<16xi32>], vector<16xf32>,
        %broadcast_in_dim3A_269 = arith.constant 19 : i32
        %broadcast_in_dim3A_270 = vector.broadcast %broadcast_in_dim3A_269 : i32 to vector<16xi32>
        %gather3A_271 = tpu.vector_load_idx %arg13[%add3A_192, %broadcast_in_dim3A_270] : memref<1280x32xf32, #tpu.memory_space<vmem>>[vector<16xi32>, vector<16xi32>], vector<16xf32>,
        %mul3A_272 = arith.mulf %gather3A_271, %select_n3A_172 : vector<16xf32>
        tpu.vector_store_idx %arg13[%add3A_192, %broadcast_in_dim3A_270], %mul3A_272 : memref<1280x32xf32, #tpu.memory_space<vmem>>[vector<16xi32>, vector<16xi32>], vector<16xf32>,
        %broadcast_in_dim3A_273 = arith.constant 20 : i32
        %broadcast_in_dim3A_274 = vector.broadcast %broadcast_in_dim3A_273 : i32 to vector<16xi32>
        %gather3A_275 = tpu.vector_load_idx %arg13[%add3A_192, %broadcast_in_dim3A_274] : memref<1280x32xf32, #tpu.memory_space<vmem>>[vector<16xi32>, vector<16xi32>], vector<16xf32>,
        %mul3A_276 = arith.mulf %gather3A_275, %select_n3A_172 : vector<16xf32>
        tpu.vector_store_idx %arg13[%add3A_192, %broadcast_in_dim3A_274], %mul3A_276 : memref<1280x32xf32, #tpu.memory_space<vmem>>[vector<16xi32>, vector<16xi32>], vector<16xf32>,
        %broadcast_in_dim3A_277 = arith.constant 21 : i32
        %broadcast_in_dim3A_278 = vector.broadcast %broadcast_in_dim3A_277 : i32 to vector<16xi32>
        %gather3A_279 = tpu.vector_load_idx %arg13[%add3A_192, %broadcast_in_dim3A_278] : memref<1280x32xf32, #tpu.memory_space<vmem>>[vector<16xi32>, vector<16xi32>], vector<16xf32>,
        %mul3A_280 = arith.mulf %gather3A_279, %select_n3A_172 : vector<16xf32>
        tpu.vector_store_idx %arg13[%add3A_192, %broadcast_in_dim3A_278], %mul3A_280 : memref<1280x32xf32, #tpu.memory_space<vmem>>[vector<16xi32>, vector<16xi32>], vector<16xf32>,
        %broadcast_in_dim3A_281 = arith.constant 22 : i32
        %broadcast_in_dim3A_282 = vector.broadcast %broadcast_in_dim3A_281 : i32 to vector<16xi32>
        %gather3A_283 = tpu.vector_load_idx %arg13[%add3A_192, %broadcast_in_dim3A_282] : memref<1280x32xf32, #tpu.memory_space<vmem>>[vector<16xi32>, vector<16xi32>], vector<16xf32>,
        %mul3A_284 = arith.mulf %gather3A_283, %select_n3A_172 : vector<16xf32>
        tpu.vector_store_idx %arg13[%add3A_192, %broadcast_in_dim3A_282], %mul3A_284 : memref<1280x32xf32, #tpu.memory_space<vmem>>[vector<16xi32>, vector<16xi32>], vector<16xf32>,
        %broadcast_in_dim3A_285 = arith.constant 23 : i32
        %broadcast_in_dim3A_286 = vector.broadcast %broadcast_in_dim3A_285 : i32 to vector<16xi32>
        %gather3A_287 = tpu.vector_load_idx %arg13[%add3A_192, %broadcast_in_dim3A_286] : memref<1280x32xf32, #tpu.memory_space<vmem>>[vector<16xi32>, vector<16xi32>], vector<16xf32>,
        %mul3A_288 = arith.mulf %gather3A_287, %select_n3A_172 : vector<16xf32>
        tpu.vector_store_idx %arg13[%add3A_192, %broadcast_in_dim3A_286], %mul3A_288 : memref<1280x32xf32, #tpu.memory_space<vmem>>[vector<16xi32>, vector<16xi32>], vector<16xf32>,
        %broadcast_in_dim3A_289 = arith.constant 24 : i32
        %broadcast_in_dim3A_290 = vector.broadcast %broadcast_in_dim3A_289 : i32 to vector<16xi32>
        %gather3A_291 = tpu.vector_load_idx %arg13[%add3A_192, %broadcast_in_dim3A_290] : memref<1280x32xf32, #tpu.memory_space<vmem>>[vector<16xi32>, vector<16xi32>], vector<16xf32>,
        %mul3A_292 = arith.mulf %gather3A_291, %select_n3A_188 : vector<16xf32>
        tpu.vector_store_idx %arg13[%add3A_192, %broadcast_in_dim3A_290], %mul3A_292 : memref<1280x32xf32, #tpu.memory_space<vmem>>[vector<16xi32>, vector<16xi32>], vector<16xf32>,
        %broadcast_in_dim3A_293 = arith.constant 25 : i32
        %broadcast_in_dim3A_294 = vector.broadcast %broadcast_in_dim3A_293 : i32 to vector<16xi32>
        %gather3A_295 = tpu.vector_load_idx %arg13[%add3A_192, %broadcast_in_dim3A_294] : memref<1280x32xf32, #tpu.memory_space<vmem>>[vector<16xi32>, vector<16xi32>], vector<16xf32>,
        %mul3A_296 = arith.mulf %gather3A_295, %select_n3A_188 : vector<16xf32>
        tpu.vector_store_idx %arg13[%add3A_192, %broadcast_in_dim3A_294], %mul3A_296 : memref<1280x32xf32, #tpu.memory_space<vmem>>[vector<16xi32>, vector<16xi32>], vector<16xf32>,
        %broadcast_in_dim3A_297 = arith.constant 26 : i32
        %broadcast_in_dim3A_298 = vector.broadcast %broadcast_in_dim3A_297 : i32 to vector<16xi32>
        %gather3A_299 = tpu.vector_load_idx %arg13[%add3A_192, %broadcast_in_dim3A_298] : memref<1280x32xf32, #tpu.memory_space<vmem>>[vector<16xi32>, vector<16xi32>], vector<16xf32>,
        %mul3A_300 = arith.mulf %gather3A_299, %select_n3A_188 : vector<16xf32>
        tpu.vector_store_idx %arg13[%add3A_192, %broadcast_in_dim3A_298], %mul3A_300 : memref<1280x32xf32, #tpu.memory_space<vmem>>[vector<16xi32>, vector<16xi32>], vector<16xf32>,
        %broadcast_in_dim3A_301 = arith.constant 27 : i32
        %broadcast_in_dim3A_302 = vector.broadcast %broadcast_in_dim3A_301 : i32 to vector<16xi32>
        %gather3A_303 = tpu.vector_load_idx %arg13[%add3A_192, %broadcast_in_dim3A_302] : memref<1280x32xf32, #tpu.memory_space<vmem>>[vector<16xi32>, vector<16xi32>], vector<16xf32>,
        %mul3A_304 = arith.mulf %gather3A_303, %select_n3A_188 : vector<16xf32>
        tpu.vector_store_idx %arg13[%add3A_192, %broadcast_in_dim3A_302], %mul3A_304 : memref<1280x32xf32, #tpu.memory_space<vmem>>[vector<16xi32>, vector<16xi32>], vector<16xf32>,
        %broadcast_in_dim3A_305 = arith.constant 28 : i32
        %broadcast_in_dim3A_306 = vector.broadcast %broadcast_in_dim3A_305 : i32 to vector<16xi32>
        %gather3A_307 = tpu.vector_load_idx %arg13[%add3A_192, %broadcast_in_dim3A_306] : memref<1280x32xf32, #tpu.memory_space<vmem>>[vector<16xi32>, vector<16xi32>], vector<16xf32>,
        %mul3A_308 = arith.mulf %gather3A_307, %select_n3A_188 : vector<16xf32>
        tpu.vector_store_idx %arg13[%add3A_192, %broadcast_in_dim3A_306], %mul3A_308 : memref<1280x32xf32, #tpu.memory_space<vmem>>[vector<16xi32>, vector<16xi32>], vector<16xf32>,
        %broadcast_in_dim3A_309 = arith.constant 29 : i32
        %broadcast_in_dim3A_310 = vector.broadcast %broadcast_in_dim3A_309 : i32 to vector<16xi32>
        %gather3A_311 = tpu.vector_load_idx %arg13[%add3A_192, %broadcast_in_dim3A_310] : memref<1280x32xf32, #tpu.memory_space<vmem>>[vector<16xi32>, vector<16xi32>], vector<16xf32>,
        %mul3A_312 = arith.mulf %gather3A_311, %select_n3A_188 : vector<16xf32>
        tpu.vector_store_idx %arg13[%add3A_192, %broadcast_in_dim3A_310], %mul3A_312 : memref<1280x32xf32, #tpu.memory_space<vmem>>[vector<16xi32>, vector<16xi32>], vector<16xf32>,
        %broadcast_in_dim3A_313 = arith.constant 30 : i32
        %broadcast_in_dim3A_314 = vector.broadcast %broadcast_in_dim3A_313 : i32 to vector<16xi32>
        %gather3A_315 = tpu.vector_load_idx %arg13[%add3A_192, %broadcast_in_dim3A_314] : memref<1280x32xf32, #tpu.memory_space<vmem>>[vector<16xi32>, vector<16xi32>], vector<16xf32>,
        %mul3A_316 = arith.mulf %gather3A_315, %select_n3A_188 : vector<16xf32>
        tpu.vector_store_idx %arg13[%add3A_192, %broadcast_in_dim3A_314], %mul3A_316 : memref<1280x32xf32, #tpu.memory_space<vmem>>[vector<16xi32>, vector<16xi32>], vector<16xf32>,
        %broadcast_in_dim3A_317 = arith.constant 31 : i32
        %broadcast_in_dim3A_318 = vector.broadcast %broadcast_in_dim3A_317 : i32 to vector<16xi32>
        %gather3A_319 = tpu.vector_load_idx %arg13[%add3A_192, %broadcast_in_dim3A_318] : memref<1280x32xf32, #tpu.memory_space<vmem>>[vector<16xi32>, vector<16xi32>], vector<16xf32>,
        %mul3A_320 = arith.mulf %gather3A_319, %select_n3A_188 : vector<16xf32>
        tpu.vector_store_idx %arg13[%add3A_192, %broadcast_in_dim3A_318], %mul3A_320 : memref<1280x32xf32, #tpu.memory_space<vmem>>[vector<16xi32>, vector<16xi32>], vector<16xf32>,
        %scan3A_321 = arith.constant 0 : i32
        scf.yield %scan3A_321 : i32
      }
      %scan3A_100 = arith.constant 80 : i32
      %dma_start3A_101 = arith.constant 0 : i32
      %dma_start3A_102 = arith.constant 0 : i32
      %dma_start3A_103 = tpu.memref_slice %arg20[%dma_start3A_101, %dma_start3A_102] : memref<1024x8xf32, #tpu.memory_space<vmem_shared>> -> memref<1024x8xf32, #tpu.memory_space<vmem_shared>>
      tpu.enqueue_indirect_dma source(%arg14 : memref<1280x8xf32, #tpu.memory_space<vmem>>) target(%dma_start3A_103 : memref<1024x8xf32, #tpu.memory_space<vmem_shared>>) offsets(%arg11 : memref<1280xi32, #tpu.memory_space<vmem>>) semaphore(%arg22 : memref<!tpu.dma_semaphore, #tpu.memory_space<semaphore_mem>>) {add = true}
      %dma_start3A_104 = arith.constant 0 : i32
      %dma_start3A_105 = arith.constant 0 : i32
      %dma_start3A_106 = tpu.memref_slice %arg21[%dma_start3A_104, %dma_start3A_105] : memref<1024x32xf32, #tpu.memory_space<vmem_shared>> -> memref<1024x32xf32, #tpu.memory_space<vmem_shared>>
      tpu.enqueue_indirect_dma source(%arg13 : memref<1280x32xf32, #tpu.memory_space<vmem>>) target(%dma_start3A_106 : memref<1024x32xf32, #tpu.memory_space<vmem_shared>>) offsets(%arg11 : memref<1280xi32, #tpu.memory_space<vmem>>) semaphore(%arg23 : memref<!tpu.dma_semaphore, #tpu.memory_space<semaphore_mem>>) {add = true}
      %dma_wait3A_107 = arith.constant 0 : i32
      %dma_wait3A_108 = arith.constant 0 : i32
      %dma_wait3A_109 = tpu.memref_slice %arg20[%dma_wait3A_107, %dma_wait3A_108] : memref<1024x8xf32, #tpu.memory_space<vmem_shared>> -> memref<1024x8xf32, #tpu.memory_space<vmem_shared>>
      tpu.wait_indirect_dma semaphore(%arg22 : memref<!tpu.dma_semaphore, #tpu.memory_space<semaphore_mem>>) src(%arg14 : memref<1280x8xf32, #tpu.memory_space<vmem>>) dst(%dma_wait3A_109 : memref<1024x8xf32, #tpu.memory_space<vmem_shared>>)
      %dma_wait3A_110 = arith.constant 0 : i32
      %dma_wait3A_111 = arith.constant 0 : i32
      %dma_wait3A_112 = tpu.memref_slice %arg21[%dma_wait3A_110, %dma_wait3A_111] : memref<1024x32xf32, #tpu.memory_space<vmem_shared>> -> memref<1024x32xf32, #tpu.memory_space<vmem_shared>>
      tpu.wait_indirect_dma semaphore(%arg23 : memref<!tpu.dma_semaphore, #tpu.memory_space<semaphore_mem>>) src(%arg13 : memref<1280x32xf32, #tpu.memory_space<vmem>>) dst(%dma_wait3A_112 : memref<1024x32xf32, #tpu.memory_space<vmem_shared>>)
      %while3A_113 = arith.constant 0 : i32
      scf.yield %while3A_113 : i32
    }
    %barrier3A_65 = arith.constant 0 : index
    tpu.barrier barrier_id(%barrier3A_65)
    %eq3A = arith.constant 0 : i32
    %eq3A_66 = arith.cmpi eq, %arg1, %eq3A : i32
    %convert_element_type3A = arith.extui %eq3A_66 : i1 to i32
    %cond3A = arith.constant 0 : i32
    %cond3A_67 = arith.cmpi ne, %convert_element_type3A, %cond3A : i32
    scf.if %cond3A_67 {
      "tpu.region"() ({
        %run_scoped3A = tpu.sem_alloc : memref<!tpu.dma_semaphore, #tpu.memory_space<semaphore_mem>>
        %dma_start3A_68 = arith.constant 0 : i32
        %dma_start3A_69 = arith.constant 0 : i32
        %dma_start3A_70 = tpu.memref_slice %arg7[%arg0, %dma_start3A_68, %dma_start3A_69] : memref<2x1024x8xf32, #tpu.memory_space<hbm>> -> memref<1x1024x8xf32, #tpu.memory_space<hbm>>
        %dma_start3A_71 = tpu.memref_squeeze %dma_start3A_70 : memref<1x1024x8xf32, #tpu.memory_space<hbm>> -> memref<1024x8xf32, #tpu.memory_space<hbm>>
        tpu.enqueue_dma source(%arg20 : memref<1024x8xf32, #tpu.memory_space<vmem_shared>>) target(%dma_start3A_71 : memref<1024x8xf32, #tpu.memory_space<hbm>>) target_semaphore(%run_scoped3A : memref<!tpu.dma_semaphore, #tpu.memory_space<semaphore_mem>>)
        %dma_wait3A_72 = arith.constant 0 : i32
        %dma_wait3A_73 = arith.constant 0 : i32
        %dma_wait3A_74 = tpu.memref_slice %arg7[%arg0, %dma_wait3A_72, %dma_wait3A_73] : memref<2x1024x8xf32, #tpu.memory_space<hbm>> -> memref<1x1024x8xf32, #tpu.memory_space<hbm>>
        %dma_wait3A_75 = tpu.memref_squeeze %dma_wait3A_74 : memref<1x1024x8xf32, #tpu.memory_space<hbm>> -> memref<1024x8xf32, #tpu.memory_space<hbm>>
        tpu.wait_dma2 semaphore(%run_scoped3A : memref<!tpu.dma_semaphore, #tpu.memory_space<semaphore_mem>>) src(%arg20 : memref<1024x8xf32, #tpu.memory_space<vmem_shared>>) dst(%dma_wait3A_75 : memref<1024x8xf32, #tpu.memory_space<hbm>>)
        tpu.yield
      }) : () -> ()
      "tpu.region"() ({
        %run_scoped3A = tpu.sem_alloc : memref<!tpu.dma_semaphore, #tpu.memory_space<semaphore_mem>>
        %dma_start3A_68 = arith.constant 0 : i32
        %dma_start3A_69 = arith.constant 0 : i32
        %dma_start3A_70 = tpu.memref_slice %arg8[%arg0, %dma_start3A_68, %dma_start3A_69] : memref<2x1024x32xf32, #tpu.memory_space<hbm>> -> memref<1x1024x32xf32, #tpu.memory_space<hbm>>
        %dma_start3A_71 = tpu.memref_squeeze %dma_start3A_70 : memref<1x1024x32xf32, #tpu.memory_space<hbm>> -> memref<1024x32xf32, #tpu.memory_space<hbm>>
        tpu.enqueue_dma source(%arg21 : memref<1024x32xf32, #tpu.memory_space<vmem_shared>>) target(%dma_start3A_71 : memref<1024x32xf32, #tpu.memory_space<hbm>>) target_semaphore(%run_scoped3A : memref<!tpu.dma_semaphore, #tpu.memory_space<semaphore_mem>>)
        %dma_wait3A_72 = arith.constant 0 : i32
        %dma_wait3A_73 = arith.constant 0 : i32
        %dma_wait3A_74 = tpu.memref_slice %arg8[%arg0, %dma_wait3A_72, %dma_wait3A_73] : memref<2x1024x32xf32, #tpu.memory_space<hbm>> -> memref<1x1024x32xf32, #tpu.memory_space<hbm>>
        %dma_wait3A_75 = tpu.memref_squeeze %dma_wait3A_74 : memref<1x1024x32xf32, #tpu.memory_space<hbm>> -> memref<1024x32xf32, #tpu.memory_space<hbm>>
        tpu.wait_dma2 semaphore(%run_scoped3A : memref<!tpu.dma_semaphore, #tpu.memory_space<semaphore_mem>>) src(%arg21 : memref<1024x32xf32, #tpu.memory_space<vmem_shared>>) dst(%dma_wait3A_75 : memref<1024x32xf32, #tpu.memory_space<hbm>>)
        tpu.yield
      }) : () -> ()
    } else {
    }
    return
  }
}

module attributes {stable_mosaic.version = 14 : i64} {
  func.func @_k1_body(%arg0: i32, %arg1: memref<10000x4xf32, #tpu.memory_space<vmem>>, %arg2: memref<4x32xf32, #tpu.memory_space<vmem>>, %arg3: memref<4x8xf32, #tpu.memory_space<vmem>>, %arg4: memref<10000x32xf32, #tpu.memory_space<vmem>>, %arg5: memref<10000x8xf32, #tpu.memory_space<vmem>>) attributes {dimension_semantics = [#tpu.dimension_semantics<arbitrary>], iteration_bounds = array<i64: 5>, scalar_prefetch = 0 : i64, scratch_operands = 0 : i64, tpu.core_type = #tpu.core_type<tc>, window_params = [{transform_indices = @transform_0, window_bounds = array<i64: 10000, 4>}, {pipeline_mode = #tpu.pipeline_mode<synchronous>, transform_indices = @transform_1, window_bounds = array<i64: 4, 32>}, {pipeline_mode = #tpu.pipeline_mode<synchronous>, transform_indices = @transform_2, window_bounds = array<i64: 4, 8>}, {transform_indices = @transform_3, window_bounds = array<i64: 10000, 32>}, {transform_indices = @transform_4, window_bounds = array<i64: 10000, 8>}]} {
    %get3A = arith.constant 0 : index
    %get3A_0 = arith.constant 0 : index
    %get3A_1 = vector.load %arg1[%get3A, %get3A_0] : memref<10000x4xf32, #tpu.memory_space<vmem>>, vector<10000x4xf32>
    %get3A_2 = arith.constant 0 : index
    %get3A_3 = arith.constant 0 : index
    %get3A_4 = vector.load %arg2[%get3A_2, %get3A_3] : memref<4x32xf32, #tpu.memory_space<vmem>>, vector<4x32xf32>
    %dot_general3A = arith.constant dense<0.000000e+00> : vector<10000x32xf32>
    %dot_general3A_5 = tpu.matmul %get3A_1, %get3A_4, %dot_general3A {dimension_numbers = #tpu.dot_dimension_numbers<[1], [0], [0], [1], [0, 0, 1, 1], [], []>, transpose_lhs_hint = false} : vector<10000x4xf32>, vector<4x32xf32>, vector<10000x32xf32> -> vector<10000x32xf32>
    %swap3A = arith.constant 0 : index
    %swap3A_6 = arith.constant 0 : index
    %swap3A_7 = vector.load %arg4[%swap3A, %swap3A_6] : memref<10000x32xf32, #tpu.memory_space<vmem>>, vector<10000x32xf32>
    tpu.vector_store %arg4[%swap3A, %swap3A_6], %dot_general3A_5 {strides = array<i32>} : memref<10000x32xf32, #tpu.memory_space<vmem>>, vector<10000x32xf32>,
    %get3A_8 = arith.constant 0 : index
    %get3A_9 = arith.constant 0 : index
    %get3A_10 = vector.load %arg3[%get3A_8, %get3A_9] : memref<4x8xf32, #tpu.memory_space<vmem>>, vector<4x8xf32>
    %dot_general3A_11 = arith.constant dense<0.000000e+00> : vector<10000x8xf32>
    %dot_general3A_12 = tpu.matmul %get3A_1, %get3A_10, %dot_general3A_11 {dimension_numbers = #tpu.dot_dimension_numbers<[1], [0], [0], [1], [0, 0, 1, 1], [], []>, transpose_lhs_hint = false} : vector<10000x4xf32>, vector<4x8xf32>, vector<10000x8xf32> -> vector<10000x8xf32>
    %swap3A_13 = arith.constant 0 : index
    %swap3A_14 = arith.constant 0 : index
    %swap3A_15 = vector.load %arg5[%swap3A_13, %swap3A_14] : memref<10000x8xf32, #tpu.memory_space<vmem>>, vector<10000x8xf32>
    tpu.vector_store %arg5[%swap3A_13, %swap3A_14], %dot_general3A_12 {strides = array<i32>} : memref<10000x8xf32, #tpu.memory_space<vmem>>, vector<10000x8xf32>,
    return
  }
  func.func @transform_0(%arg0: i32) -> (i32, i32) {
    %c0_i32 = arith.constant 0 : i32
    %c0_i32_0 = arith.constant 0 : i32
    return %arg0, %c0_i32 : i32, i32
  }
  func.func @transform_1(%arg0: i32) -> (i32, i32) {
    %c0_i32 = arith.constant 0 : i32
    %c0_i32_0 = arith.constant 0 : i32
    %c0_i32_1 = arith.constant 0 : i32
    return %c0_i32, %c0_i32_0 : i32, i32
  }
  func.func @transform_2(%arg0: i32) -> (i32, i32) {
    %c0_i32 = arith.constant 0 : i32
    %c0_i32_0 = arith.constant 0 : i32
    %c0_i32_1 = arith.constant 0 : i32
    return %c0_i32, %c0_i32_0 : i32, i32
  }
  func.func @transform_3(%arg0: i32) -> (i32, i32) {
    %c0_i32 = arith.constant 0 : i32
    %c0_i32_0 = arith.constant 0 : i32
    return %arg0, %c0_i32 : i32, i32
  }
  func.func @transform_4(%arg0: i32) -> (i32, i32) {
    %c0_i32 = arith.constant 0 : i32
    %c0_i32_0 = arith.constant 0 : i32
    return %arg0, %c0_i32 : i32, i32
  }
}

module attributes {stable_mosaic.version = 14 : i64} {
  func.func @_k6_body(%arg0: memref<1024x32xf32, #tpu.memory_space<vmem>>, %arg1: memref<1x32xf32, #tpu.memory_space<vmem>>, %arg2: memref<32x128xf32, #tpu.memory_space<vmem>>, %arg3: memref<1x128xf32, #tpu.memory_space<vmem>>, %arg4: memref<1024x128xf32, #tpu.memory_space<vmem>>) attributes {dimension_semantics = [], scalar_prefetch = 0 : i64, scratch_operands = 0 : i64, tpu.core_type = #tpu.core_type<tc>} {
    %get3A = arith.constant 0 : index
    %get3A_0 = arith.constant 0 : index
    %get3A_1 = vector.load %arg0[%get3A, %get3A_0] : memref<1024x32xf32, #tpu.memory_space<vmem>>, vector<1024x32xf32>
    %get3A_2 = arith.constant 0 : index
    %get3A_3 = arith.constant 0 : index
    %get3A_4 = vector.load %arg1[%get3A_2, %get3A_3] : memref<1x32xf32, #tpu.memory_space<vmem>>, vector<1x32xf32>
    %add3A = vector.broadcast %get3A_4 : vector<1x32xf32> to vector<1024x32xf32>
    %add3A_5 = arith.addf %get3A_1, %add3A : vector<1024x32xf32>
    %get3A_6 = arith.constant 0 : index
    %get3A_7 = arith.constant 0 : index
    %get3A_8 = vector.load %arg2[%get3A_6, %get3A_7] : memref<32x128xf32, #tpu.memory_space<vmem>>, vector<32x128xf32>
    %dot_general3A = arith.constant dense<0.000000e+00> : vector<1024x128xf32>
    %dot_general3A_9 = tpu.matmul %add3A_5, %get3A_8, %dot_general3A {dimension_numbers = #tpu.dot_dimension_numbers<[1], [0], [0], [1], [0, 0, 1, 1], [], []>, transpose_lhs_hint = false} : vector<1024x32xf32>, vector<32x128xf32>, vector<1024x128xf32> -> vector<1024x128xf32>
    %get3A_10 = arith.constant 0 : index
    %get3A_11 = arith.constant 0 : index
    %get3A_12 = vector.load %arg3[%get3A_10, %get3A_11] : memref<1x128xf32, #tpu.memory_space<vmem>>, vector<1x128xf32>
    %add3A_13 = vector.broadcast %get3A_12 : vector<1x128xf32> to vector<1024x128xf32>
    %add3A_14 = arith.addf %dot_general3A_9, %add3A_13 : vector<1024x128xf32>
    %swap3A = arith.constant 0 : index
    %swap3A_15 = arith.constant 0 : index
    %swap3A_16 = vector.load %arg4[%swap3A, %swap3A_15] : memref<1024x128xf32, #tpu.memory_space<vmem>>, vector<1024x128xf32>
    tpu.vector_store %arg4[%swap3A, %swap3A_15], %add3A_14 {strides = array<i32>} : memref<1024x128xf32, #tpu.memory_space<vmem>>, vector<1024x128xf32>,
    return
  }
}

</mosaic_0001>

<sc_bundles>
// kernel: kernel.10.cloned.1.call-start
scs
__scs_entry_jumppad:
0x0: {  	(pc) =	sbr.rel $0x88, $3  }
0x1: {  	(tag) =	ssettag $0x0;
	lr =	simm.s32 $0x1  }
0x2: {  	[smem:$0x3F98] =	sst lr;
	_ =	strace $0xD0000000  }
0x3: {  	_ = 	snop  }
0x4: {  	_ = 	snop  }
0x5: {  	_ = 	snop  }
0x6: {  	_ = 	snop  }
0x7: {  	_ = 	snop  }
__scs_overlays_trampoline_lowered:
0x8: {  	[smem:$0x3FA7] =	sst s0  }
0x9: {  	[smem:$0x3FA8] =	sst s1  }
0xa: {  	[smem:$0x3FA9] =	sst s2  }
0xb: {  	[smem:$0x3FAA] =	sst s3  }
0xc: {  	[smem:$0x3FAB] =	sst s4  }
0xd: {  	[smem:$0x3FAC] =	sst s5  }
0xe: {  	[smem:$0x3FAD] =	sst s6  }
0xf: {  	[smem:$0x3FAE] =	sst s7  }
0x10: {  	[smem:$0x3FAF] =	sst s8  }
0x11: {  	[smem:$0x3FB0] =	sst s9;
	s0 =	simm.s32 @!p0 $0x0  }
0x12: {  	s1 =	sld [smem:$0x3F96];
	s0 =	simm.s32 @p0 $0x1  }
0x13: {  	[smem:$0x3FB1] =	sst s0;
	s0 =	simm.s32 @!p1 $0x0  }
0x14: {  	s2 =	sld [smem:$0x3F95];
	s0 =	simm.s32 @p1 $0x1  }
0x15: {  	[smem:$0x3FB2] =	sst s0;
	s0 =	simm.s32 @!p2 $0x0  }
0x16: {  	s3 =	sld [smem:$0x3FDB];
	s0 =	simm.s32 @p2 $0x1  }
0x17: {  	s4 =	simm.s32 $0x1BF5;
	[smem:$0x3FB4] =	sst s0  }
0x18: {  	s0 =	sld [smem:$0x3F97];
	_ =	swait.ge [sflag:s4], $0x0  }
0x19: {  	s7 =	sld [smem:$0x3F98]  }
0x1a: {  	s8 =	sadd.s32 $0xFFFFE003, lr  }
0x1b: {  	s9 =	sadd.s32 $0xFFFFFEF7, lr;
	s5 =	simm.s32 $0xFFFFFFFF;
	p2 =	slt.u32 s8, $0xFFFFF086  }
0x1c: {  	p1 =	slt.u32 s9, $0xF7A;
	s5 =	simm.s32 @!p2 $0x0  }
0x1d: {  	s5 =	simm.s32 @p1 $0x1;
	p0 =	seq.s32 s7, s2  }
0x1e: {  	s7 =	smul.u32 @!p0 $0xF7A, s2;
	p2 =	seq.s32 @!p0 s5, $0x0  }
0x1f: {  	s9 =	smul.u32 $0xF7A, s1;
	s8 =	simm.s32 @!p0 $0x1BF5;
	p2 =	por !p2, p0  }
0x20: {  	[sflag:s8] =	ssyncset.s32 @!p0 $0xFFFFF086;
	s6 =	sadd.s32 @!p0 s3, s7;
	s7 =	simm.s32 @!p0 $0x108  }
0x21: {  	s3 =	sadd.s32 s3, s9;
	s6 =	sadd.s32 @!p0 $0x88, s6;
	s7 =	simm.s32 @p2 $0x1082  }
0x22: {  	[simem:s7], [sflag:s8] =	dma.local @!p0 [hbm:s6], $0xF7A  }
0x23: {  	s9 =	sor.u32 $0xD0000000, s2;
	s6 =	simm.s32 $0x108;
	_ =	swait.ge @!p0 [sflag:s8], $0x0  }
0x24: {  	s3 =	sadd.s32 $0x88, s3;
	s6 =	simm.s32 @!p1 $0x1082;
	[sflag:s4] =	ssyncset.s32 $0xFFFFF086  }
0x25: {  	[simem:s6], [sflag:s4] =	dma.local [hbm:s3], $0xF7A  }
0x26: {  	[smem:$0x3F98] =	sst s1;
	(tag) =	ssettag s2;
	_ =	strace s9  }
0x27: {  	s1 =	sld [smem:$0x3FA8]  }
0x28: {  	s2 =	sld [smem:$0x3FA9]  }
0x29: {  	s4 =	sld [smem:$0x3FAB]  }
0x2a: {  	p0 =	seq.s32 s5, $0x0;
	s5 =	sld [smem:$0x3FAC]  }
0x2b: {  	s6 =	sld [smem:$0x3FAD]  }
0x2c: {  	s7 =	sld [smem:$0x3FAE]  }
0x2d: {  	s3 =	simm.s32 $0x108;
	s8 =	sld [smem:$0x3FAF]  }
0x2e: {  	s3 =	simm.s32 @!p0 $0x1082;
	s9 =	sld [smem:$0x3FB0]  }
0x2f: {  	lr =	sadd.s32 s0, s3;
	s0 =	sld [smem:$0x3FA7]  }
0x30: {  	s3 =	sld [smem:$0x3FAA]  }
0x31: {  	[smem:$0x3FB3] =	sst s10  }
0x32: {  	s10 =	sld [smem:$0x3FB1];
	_ =	sdelay $0x3  }
0x33: {  	p0 =	seq.s32 s10, $0x1;
	s10 =	sld [smem:$0x3FB3];
	_ =	sdelay $0x3  }
0x34: {  	[smem:$0x3FB3] =	sst s10  }
0x35: {  	s10 =	sld [smem:$0x3FB2];
	_ =	sdelay $0x3  }
0x36: {  	p1 =	seq.s32 s10, $0x1;
	s10 =	sld [smem:$0x3FB3];
	_ =	sdelay $0x3  }
0x37: {  	[smem:$0x3FB3] =	sst s10  }
0x38: {  	s10 =	sld [smem:$0x3FB4]  }
0x39: {  	_ = 	snop;
	(pc) =	sbr.ind lr, $3  }
0x3a: {  	_ = 	snop  }
0x3b: {  	_ = 	snop  }
0x3c: {  	p2 =	seq.s32 s10, $0x1;
	s10 =	sld [smem:$0x3FB3]  }
0x3d: {  	_ =	shalt  }
0x3e: {  	_ =	shalt  }
0x3f: {  	_ =	shalt  }
0x40: {  	_ =	shalt  }
0x41: {  	_ =	shalt  }
0x42: {  	_ =	shalt  }
0x43: {  	_ =	shalt  }
0x44: {  	_ =	shalt  }
0x45: {  	_ =	shalt  }
0x46: {  	_ =	shalt  }
0x47: {  	_ =	shalt  }
0x48: {  	_ =	shalt  }
0x49: {  	_ =	shalt  }
0x4a: {  	_ =	shalt  }
0x4b: {  	_ =	shalt  }
0x4c: {  	_ =	shalt  }
0x4d: {  	_ =	shalt  }
0x4e: {  	_ =	shalt  }
0x4f: {  	_ =	shalt  }
0x50: {  	_ =	shalt  }
0x51: {  	_ =	shalt  }
0x52: {  	_ =	shalt  }
0x53: {  	_ =	shalt  }
0x54: {  	_ =	shalt  }
0x55: {  	_ =	shalt  }
0x56: {  	_ =	shalt  }
0x57: {  	_ =	shalt  }
0x58: {  	_ =	shalt  }
0x59: {  	_ =	shalt  }
0x5a: {  	_ =	shalt  }
0x5b: {  	_ =	shalt  }
0x5c: {  	_ =	shalt  }
0x5d: {  	_ =	shalt  }
0x5e: {  	_ =	shalt  }
0x5f: {  	_ =	shalt  }
0x60: {  	_ =	shalt  }
0x61: {  	_ =	shalt  }
0x62: {  	_ =	shalt  }
0x63: {  	_ =	shalt  }
0x64: {  	_ =	shalt  }
0x65: {  	_ =	shalt  }
0x66: {  	_ =	shalt  }
0x67: {  	_ =	shalt  }
0x68: {  	_ =	shalt  }
0x69: {  	_ =	shalt  }
0x6a: {  	_ =	shalt  }
0x6b: {  	_ =	shalt  }
0x6c: {  	_ =	shalt  }
0x6d: {  	_ =	shalt  }
0x6e: {  	_ =	shalt  }
0x6f: {  	_ =	shalt  }
0x70: {  	_ =	shalt  }
0x71: {  	_ =	shalt  }
0x72: {  	_ =	shalt  }
0x73: {  	_ =	shalt  }
0x74: {  	_ =	shalt  }
0x75: {  	_ =	shalt  }
0x76: {  	_ =	shalt  }
0x77: {  	_ =	shalt  }
0x78: {  	_ =	shalt  }
0x79: {  	_ =	shalt  }
0x7a: {  	_ =	shalt  }
0x7b: {  	_ =	shalt  }
0x7c: {  	_ =	shalt  }
0x7d: {  	_ =	shalt  }
0x7e: {  	_ =	shalt  }
0x7f: {  	_ =	shalt  }
0x80: {  	_ =	shalt  }
0x81: {  	_ =	shalt  }
0x82: {  	_ =	shalt  }
0x83: {  	_ =	shalt  }
0x84: {  	_ =	shalt  }
0x85: {  	_ =	shalt  }
0x86: {  	_ =	shalt  }
0x87: {  	_ =	shalt  }
.Lfunc_end0:
.L_simem_size_0:
called_computation.1_lowered:
.L_overlay_start_0:
0x88: {  	s2 =	sld [smem:$0x3FD9]  }
0x89: {  	s3 =	sld [smem:$0x3FFE];
	_ =	sdelay $0x1  }
0x8a: {  	s1 =	srdreg.scid  }
0x8b: {  	s0 =	sand.u32 $0x1, s1  }
0x8c: {  	s17 =	sshll.u32 s0, $0xA;
	s2 =	sadd.s32 s3, s2  }
0x8d: {  	s2 =	sadd.s32 s2, s17  }
0x8e: {  	[smem:$0x3FBF] =	sst s2  }
0x8f: {  	_ = 	snop  }
0x90: {  	s2 =	sld [smem:$0x3FC7]  }
0x91: {  	s18 =	sld [smem:$0x3FD0];
	(tm) =	ssettm $0x1  }
0x92: {  	s4 =	sld [smem:$0x3FFB];
	_ =	sdelay $0x3  }
0x93: {  	_ =	strace s4  }
0x94: {  	s4 =	sld [smem:$0x3FFC];
	_ =	sdelay $0x3  }
0x95: {  	_ =	strace s4  }
0x96: {  	s4 =	sld [smem:$0x3FFD];
	_ =	sdelay $0x3  }
0x97: {  	_ =	strace s4  }
0x98: {  	_ =	strace $0x8FFFFFFF  }
0x99: {  	s19 =	sld [smem:$0x3FDB];
	_ =	sdelay $0x1  }
0x9a: {  	s5 =	simm.s32 $_scs_section_size  }
0x9b: {  	s6 =	simm.s32 $_size__tile_overlayer_lowered;
	s7 =	simm.s32 $_tile_overlayer_lowered  }
0x9c: {  	s22 =	simm.s32 $0x1BFF;
	s21 =	sshll.u32 s7, $0x1;
	s4 =	sadd.s32 s5, s19  }
0x9d: {  	s8 =	simm.s32 $0x0;
	s20 =	sshll.u32 s6, $0x1;
	s6 =	sadd.s32 s21, s4  }
0x9e: {  	[timem:s8], [sflag:s22] =	dma.local [hbm:s6], s20  }
0x9f: {  	_ =	swait.ge [sflag:s22], s20  }
0xa0: {  	s5 =	ssub.s32 $0x0, s20;
	[sflag:s22] =	ssyncset.done $0x0  }
0xa1: {  	[sflag:s22] =	ssyncadd.s32 s5;
	_ =	sdelay $0x1  }
0xa2: {  	s23 =	simm.s32 $0x1B8B  }
0xa3: {  	_ =	swait.ge [sflag:s23], $0x1  }
0xa4: {  	[sflag:s23] =	ssyncset.done $0x0  }
0xa5: {  	s25 =	simm.s32 $0x1B8E;
	s24 =	sld [smem:$0x3FFE];
	[sflag:s23] =	ssyncadd.s32 $0xFFFFFFFF  }
0xa6: {  	s26 =	simm.s32 $execute0_lowered;
	[smem:$0x3FD2] =	sst s25  }
0xa7: {  	s6 =	sshll.u32 s26, $0x1;
	_ =	strace $0x80000049;
	[dreg:$0x1] =	wrdreg $0xFFFFFFFF  }
0xa8: {  	s28 =	simm.s32 $_size_execute0_lowered;
	s4 =	sadd.s32 s4, s6;
	[dreg:$0x0] =	wrdreg $0x0  }
0xa9: {  	s6 =	sshll.u32 s28, $0x1;
	[dreg:$0x2] =	wrdreg s4  }
0xaa: {  	[dreg:$0x3] =	wrdreg s6  }
0xab: {  	[dreg:$0x4] =	wrdreg $0xC0  }
0xac: {  	_ =	task [dreg:s8], $0x5FFFF  }
0xad: {  	[dreg:$0x1] =	wrdreg $0xFFFFFFFF  }
0xae: {  	[dreg:$0x0] =	wrdreg $0x60  }
0xaf: {  	[dreg:$0x2] =	wrdreg s24  }
0xb0: {  	[dreg:$0x3] =	wrdreg s2  }
0xb1: {  	[dreg:$0x4] =	wrdreg s18  }
0xb2: {  	[dreg:$0x5] =	wrdreg $0x12D100  }
0xb3: {  	[dreg:$0x6] =	wrdreg $0x12F100  }
0xb4: {  	[dreg:$0x7] =	wrdreg $0x9  }
0xb5: {  	_ =	task.clear_ibuf [dreg:s8], $0x8FFFF;
	_ =	strace $0x90000049  }
0xb6: {  	s29 =	simm.s32 $0x9;
	_ =	strace $0x8000004B  }
0xb7: {  	_ =	swait.ge [sflag:s29], $0x1  }
0xb8: {  	[sflag:s29] =	ssyncadd.s32 $0xFFFFFFFF  }
0xb9: {  	_ =	strace $0x9000004B  }
0xba: {  	_ =	sfence  }
0xbb: {  	s30 =	sld [smem:$0x0];
	_ =	sdelay $0x2  }
0xbc: {  	s31 =	sshll.u32 s1, $0xD;
	s1 =	sshrl.u32 s1, $0x2  }
0xbd: {  	s3 =	sand.u32 $0x4000, s31;
	s1 =	sadd.s32 s1, s30  }
0xbe: {  	s0 =	sor.u32 s3, s0;
	s1 =	sshll.u32 s1, $0x11  }
0xbf: {  	s0 =	sor.u32 s1, s0  }
0xc0: {  	s0 =	sadd.s32 $0x8F2B, s0  }
0xc1: {  	[sflag:s0] =	ssyncadd.remote.s32 $0x1  }
0xc2: {  	_ =	sfence.sel $0xFFFF  }
0xc3: {  	[dreg:$0x0] =	wrdreg $0xFFFFFFFF;
	(pc) =	sbr.abs _section_cstart, $3  }
0xc4: {  	[dreg:$0x1] =	wrdreg $0xFFFFFFFF  }
0xc5: {  	_ =	task.clear_ibuf [dreg:s8], $0x2FFFF;
	_ =	strace $0x9FFFFFFF  }
0xc6: {  	(tm) =	ssettm $0x7FFFFFFF  }
0xc7: {  	_ =	shalt  }
tec
execute0_lowered:
.L_overlay_start_1:
0x0: {  	(tag) =	ssettag $0x1  }
0x1: {  	s0 =	rddreg [dreg:$0x0]  }
0x2: {  	s1 =	rddreg [dreg:$0x2]  }
0x3: {  	s2 =	rddreg [dreg:$0x3]  }
0x4: {  	s3 =	rddreg [dreg:$0x4]  }
0x5: {  	s5 =	srdreg.scid;
	s19 =	stileid.u32  }
0x6: {  	s4 =	simm.s32 $0x0;
	s16 =	simm.s32 $0x12310;
	s17 =	simm.s32 $0x3  }
0x7: {  	s18 =	simm.s32 $0x11F00;
	s20 =	simm.s32 $0xFF00;
	s21 =	simm.s32 $0x1  }
0x8: {  	s23 =	simm.s32 $0x500;
	s28 =	simm.s32 $0xD700;
	s29 =	simm.s32 $0xA00  }
0x9: {  	s30 =	simm.s32 $0x0;
	s12 =	sand.u32 $0x1, s5;
	s24 =	sshll.u32 s19, $0x1  }
0xa: {  	[smem:$0x7FF] =	sst s4;
	s5 =	sadd.s32 $0x64400, s0;
	s7 =	sadd.s32 $0x95800, s0  }
0xb: {  	s13 =	sshll.u32 s19, $0xB;
	p0 =	sne.s32 s19, $0x0;
	s11 =	sor.u32 s12, s24  }
0xc: {  	_ =	strace $0x8000004A;
	s8 =	sshll.u32 s12, $0xA;
	s9 =	ssub.s32 $0x2, s12  }
0xd: {  	s14 =	sshrl.u32 s13, $0x2;
	s31 =	sshll.u32 s12, $0xC;
	s24 =	simm.s32 $0xF00  }
0xe: {  	s6 =	sshll.u32 s11, $0x1;
	s25 =	sshrl.u32 s9, $0x1;
	s11 =	smul.u32 $0xC400, s11  }
.Ltmp0:
0xf: {  	s26 =	sadd.s32 s14, s2;
	s10 =	sadd.s32 s6, s0;
	(pc) =	sbr.rel .LBB2_1-.Ltmp0, $4  }
0x10: {  	s6 =	sadd.s32 $0xC6600, s0;
	s0 =	sadd.s32 s8, s0;
	s15 =	ssub.s32 s9, s25  }
0x11: {  	[dreg:$0x6] =	wrdreg s26;
	s9 =	sadd.s32 s13, s3;
	s13 =	sadd.s32 s1, s31  }
0x12: {  	s25 =	simm.s32 $0x3700;
	s26 =	simm.s32 $0x2;
	s10 =	sadd.s32 $0x95400, s10  }
0x13: {  	v0 =	vlaneseq.u32;
	v1 =	vimm.f32 $0.0e+00;
	s12 =	sadd.s32 $0x2800, s0;
	s14 =	smax.u32 s15, $0x1;
	s15 =	simm.s32 $0x12510  }
.LBB2_12:
0x14: {  	[bflag:$0x0] =	sbarrier.arrive $0xFFFF;
	s0 =	sshrl.u32 @!p0 s2, $0x3;
	s1 =	simm.s32 @!p0 $0x1C03  }
0x15: {  	[hbm:s12], [sflag:s1] =	dma.local @!p0 [spmem:s0], $0x400  }
0x16: {  	s0 =	simm.s32 @!p0 $0x3  }
0x17: {  	s4 =	sadd.s32 $0x1, s4;
	_ =	swait.ge @!p0 [sflag:s0], $0x400  }
0x18: {  	p1 =	sne.s32 s4, s14;
	[sflag:s0] =	ssyncset.done @!p0 $0x0  }
.Ltmp1:
0x19: {  	s8 =	sshrl.u32 @!p0 s3, $0x3;
	[sflag:s0] =	ssyncadd.s32 @!p0 $0xFFFFFC00;
	(pc) =	sbr.rel @!p1 .LBB2_13-.Ltmp1, $4  }
0x1a: {  	[hbm:s13], [sflag:s1] =	dma.local @!p0 [spmem:s8], $0x1000  }
0x1b: {  	_ =	swait.ge @!p0 [sflag:s0], $0x1000  }
0x1c: {  	[sflag:s0] =	ssyncset.done @!p0 $0x0  }
0x1d: {  	[sflag:s0] =	ssyncadd.s32 @!p0 $0xFFFFF000  }
.LBB2_1:
0x1e: {  	s0 =	simm.s32 $0x0  }
.LBB2_2:
0x1f: {  	v2 =	vor.u32 s0, v0;
	p1 =	sne.s32 s0, $0x7F0  }
.Ltmp2:
0x20: {  	_ = 	snop;
	(pc) =	sbr.rel @p1 .LBB2_2-.Ltmp2, $2  }
0x21: {  	_ =	sdelay $0x2  }
0x22: {  	s0 =	sadd.s32 $0x10, s0;
	[tilespmem:v2+s15+$0x0] =	vst.idx.msk $0xffff, v1  }
0x23: {  	s1 =	simm.s32 $0x0  }
0x24: {  	s0 =	simm.s32 $0x10;
	v2 =	vor.u32 s1, v0  }
.LBB2_4:
0x25: {  	p1 =	sne.s32 s0, $0x1F0  }
.Ltmp3:
0x26: {  	_ = 	snop;
	(pc) =	sbr.rel @p1 .LBB2_4-.Ltmp3, $3  }
0x27: {  	_ =	sdelay $0x1  }
0x28: {  	[tilespmem:v2+s16+$0x0] =	vst.idx.msk $0xffff, v1;
	s1 =	smov.u32 s0;
	s0 =	sadd.s32 $0x10, s0  }
0x29: {  	v2 =	vor.u32 s1, v0  }
0x2a: {  	_ =	sdelay $0x3  }
0x2b: {  	[tilespmem:v2+s16+$0x0] =	vst.idx.msk $0xffff, v1;
	s0 =	rddreg [dreg:$0x6]  }
0x2c: {  	[spmem:s0] =	stream.linear.scatter [tilespmem:s16], [sflag:$0x3], $0x200, $0x38;
	[tilespmem:$0x13710] =	vst v63  }
0x2d: {  	_ =	swait.ge [sflag:s17], $0x200  }
0x2e: {  	[sflag:s17] =	ssyncset.done $0x0  }
0x2f: {  	[sflag:s17] =	ssyncadd.s32 $0xFFFFFE00  }
0x30: {  	[spmem:s9] =	stream.linear.scatter [tilespmem:s15], [sflag:$0x3], $0x800, $0x38;
	[tilespmem:$0x13710] =	vst v63  }
0x31: {  	_ =	swait.ge [sflag:s17], $0x800  }
0x32: {  	[sflag:s17] =	ssyncset.done $0x0  }
0x33: {  	[sflag:s17] =	ssyncadd.s32 $0xFFFFF800  }
0x34: {  	[bflag:$0x0] =	sbarrier.arrive $0xFFFF  }
0x35: {  	s8 =	rddreg [dreg:$0x1]  }
0x36: {  	[tilespmem:s18], [sflag:$0x3] =	stream.linear.gather [hbm4b:s8+s30], $0x400, $0x38;
	[tilespmem:$0x13710] =	vst v63  }
0x37: {  	_ =	swait.ge [sflag:s17], $0x400  }
0x38: {  	[sflag:s17] =	ssyncset.done $0x0  }
0x39: {  	s19 =	simm.s32 $0x400;
	[sflag:s17] =	ssyncadd.s32 $0xFFFFFC00  }
0x3a: {  	[tilespmem:s20], [sflag:$0x1] =	stream.indirect.gather [hbm4b:s6+s19], $0x8, s18, s19, $0xb8;
	[tilespmem:$0x13710] =	vst v63  }
0x3b: {  	_ =	swait.ge [sflag:s21], $0x2000  }
0x3c: {  	[sflag:s21] =	ssyncset.done $0x0  }
0x3d: {  	s22 =	simm.s32 $0x12300;
	[sflag:s21] =	ssyncadd.s32 $0xFFFFE000  }
0x3e: {  	[tilespmem:s22], [sflag:$0x3] =	stream.linear.gather [hbm4b:s10+s30], $0x10, $0x38;
	[tilespmem:$0x13710] =	vst v63  }
0x3f: {  	_ =	swait.ge [sflag:s17], $0x10  }
0x40: {  	[sflag:s17] =	ssyncset.done $0x0  }
0x41: {  	[sflag:s17] =	ssyncadd.s32 $0xFFFFFFF0  }
0x42: {  	v2 =	vld [tilespmem:$0x12300];
	_ =	sdelay $0x4  }
0x43: {  	v2 =	vxor.u32 $0x80000000, v2  }
0x44: {  	(xrf0) =	vmax.scan.msk.u32 $0xffff, v2;
	_ =	sdelay $0x5  }
0x45: {  	v2, _, _ =	vpop (xrf0)  }
0x46: {  	(v2sf) =	vpush v2, $0xF;
	_ =	sdelay $0xe  }
0x47: {  	s0 =	spop (v2sf)  }
0x48: {  	s1 =	sadd.s32 $0x800004FF, s0  }
0x49: {  	s19 =	smulhi.u32 $0x66666667, s1;
	s22 =	sshra.s32 s1, $0x1F  }
0x4a: {  	s22 =	smul.u32 $0x66666667, s22;
	_ =	sdelay $0x1  }
0x4b: {  	s19 =	sadd.s32 s22, s19  }
0x4c: {  	s22 =	sshrl.u32 s19, $0x1F;
	s19 =	sshra.s32 s19, $0x9  }
0x4d: {  	s19 =	sadd.s32 s22, s19  }
0x4e: {  	s22 =	smul.u32 $0xFFFFFB00, s19  }
0x4f: {  	s31 =	ssub.s32 $0x7FFFFB01, s0  }
0x50: {  	p1 =	slt.s32 s1, $0x1;
	p2 =	sne.s32 s22, s31  }
0x51: {  	p1 =	por !p1, !p2  }
0x52: {  	s1 =	simm.s32 $0x1;
	p1 =	por !p1, !p1  }
0x53: {  	s1 =	simm.s32 @!p1 $0x0  }
0x54: {  	s31 =	ssub.s32 s19, s1  }
0x55: {  	p1 =	slt.s32 s31, $0x1  }
.Ltmp4:
0x56: {  	_ = 	snop;
	(pc) =	sbr.rel @p1 .LBB2_12-.Ltmp4, $1  }
0x57: {  	_ =	sdelay $0x3  }
0x58: {  	s0 =	sxor.u32 $0x80000000, s0  }
0x59: {  	v2 =	vmov s0;
	s0 =	simm.s32 $0x0  }
.LBB2_7:
0x5a: {  	s1 =	smul.u32 $0x500, s0;
	_ =	sdelay $0x1  }
0x5b: {  	s19 =	sadd.s32 s11, s1  }
0x5c: {  	s19 =	sshrl.u32 s19, $0x3  }
0x5d: {  	s19 =	sadd.s32 s5, s19  }
0x5e: {  	[tilespmem:s30], [sflag:$0x3] =	stream.linear.gather [hbm4b:s19+s30], $0x500, $0x38;
	[tilespmem:$0x13710] =	vst v63  }
0x5f: {  	_ =	swait.ge [sflag:s17], $0x500  }
0x60: {  	[sflag:s17] =	ssyncset.done $0x0  }
0x61: {  	s19 =	simm.s32 $0x0;
	[sflag:s17] =	ssyncadd.s32 $0xFFFFFB00  }
0x62: {  	v3 =	vld [tilespmem:s19+$0x0]  }
0x63: {  	s22 =	simm.s32 $0x40  }
.LBB2_8:
0x64: {  	p1 =	sne.s32 s22, $0x13C0  }
.Ltmp5:
0x65: {  	_ = 	snop;
	(pc) =	sbr.rel @p1 .LBB2_8-.Ltmp5, $4  }
0x66: {  	_ = 	snop  }
0x67: {  	s8 =	sshra.s32 s22, $0x2;
	s22 =	sadd.s32 $0x40, s22;
	v4 =	vshrl.u32 v3, $0xA;
	v5 =	vand.u32 $0x3FF, v3  }
0x68: {  	v3 =	vld [tilespmem:s8+$0x0];
	v4 =	vmin.u32 v4, $0xC34F;
	[tilespmem:s19+$0xA00] =	vst v5  }
0x69: {  	[tilespmem:s19+$0x500] =	vst v4;
	s19 =	smov.u32 s8  }
0x6a: {  	_ =	sdelay $0x2  }
0x6b: {  	v4 =	vshrl.u32 v3, $0xA;
	v3 =	vand.u32 $0x3FF, v3  }
0x6c: {  	v4 =	vmin.u32 v4, $0xC34F;
	[tilespmem:s19+$0xA00] =	vst v3  }
0x6d: {  	[tilespmem:s19+$0x500] =	vst v4  }
0x6e: {  	[tilespmem:s24], [sflag:$0x1] =	stream.indirect.gather [hbm4b:s6+s23], $0x8, s23, s23, $0xb8;
	[tilespmem:$0x13710] =	vst v63  }
0x6f: {  	_ = 	snop  }
0x70: {  	[tilespmem:s25], [sflag:$0x2] =	stream.indirect.gather [hbm4b:s7+s23], $0x20, s23, s23, $0xb8;
	[tilespmem:$0x13710] =	vst v63  }
0x71: {  	_ =	swait.ge [sflag:s21], $0x2800  }
0x72: {  	[sflag:s21] =	ssyncset.done $0x0  }
0x73: {  	[sflag:s21] =	ssyncadd.s32 $0xFFFFD800  }
0x74: {  	_ =	swait.ge [sflag:s26], $0xA000  }
0x75: {  	[sflag:s26] =	ssyncset.done $0x0  }
0x76: {  	v3 =	vmov s1;
	s1 =	simm.s32 $0x0;
	s19 =	simm.s32 $0xA00;
	[sflag:s26] =	ssyncadd.s32 $0xFFFF6000  }
.LBB2_10:
0x77: {  	v4 =	vld [tilespmem:s19+$0x0];
	_ =	sdelay $0x3  }
0x78: {  	v5 =	vor.u32 s1, v0  }
0x79: {  	v6 =	vshll.u32 v5, $0x3;
	v4 =	vshll.u32 v4, $0x3  }
0x7a: {  	v7 =	vor.u32 $0x4, v4;
	_ =	sdelay $0x3  }
0x7b: {  	v8 =	vld.idx.msk [tilespmem:v6+s24+$0x0], $0xffff  }
0x7c: {  	v7 =	vld.idx.msk [tilespmem:v7+s20+$0x0], $0xffff;
	_ =	sdelay $0x4  }
0x7d: {  	v7 =	vadd.f32 v7, v8;
	_ =	sdelay $0x1  }
0x7e: {  	v8 =	vmul.f32 $2.000000030e-01, v7;
	_ =	sdelay $0x1  }
0x7f: {  	v7 =	vmax.f32 v7, v8  }
0x80: {  	v7 =	vmul.f32 $1.442695020e+00, v7;
	_ =	sdelay $0x1  }
0x81: {  	(erf) = vpow2.f32 v7;
	_ =	sdelay $0x6  }
0x82: {  	v29 =	vor.u32 $0x1, v6  }
0x83: {  	v30 =	vadd.s32 v3, v5;
	v9 =	vor.u32 $0x5, v4  }
0x84: {  	vm0 =	vlt.s32 v30, v2;
	v31 =	vpop (erf)  }
0x85: {  	v8 =	vnsel vm0, $0x0, v31  }
0x86: {  	[tilespmem:v6+s28+$0x0] =	vst.idx.msk $0xffff, v8  }
0x87: {  	v10 =	vld.idx.msk [tilespmem:v29+s24+$0x0], $0xffff  }
0x88: {  	v9 =	vld.idx.msk [tilespmem:v9+s20+$0x0], $0xffff;
	_ =	sdelay $0x4  }
0x89: {  	v9 =	vadd.f32 v9, v10;
	_ =	sdelay $0x1  }
0x8a: {  	v10 =	vmul.f32 $2.000000030e-01, v9;
	_ =	sdelay $0x1  }
0x8b: {  	v9 =	vmax.f32 v9, v10  }
0x8c: {  	v9 =	vmul.f32 $1.442695020e+00, v9;
	_ =	sdelay $0x1  }
0x8d: {  	(erf) = vpow2.f32 v9;
	_ =	sdelay $0x6  }
0x8e: {  	v32 =	vor.u32 $0x2, v6  }
0x8f: {  	v33 =	vor.u32 $0x6, v4  }
0x90: {  	v11 =	vpop (erf)  }
0x91: {  	v11 =	vnsel vm0, $0x0, v11  }
0x92: {  	[tilespmem:v29+s28+$0x0] =	vst.idx.msk $0xffff, v11  }
0x93: {  	v7 =	vld.idx.msk [tilespmem:v32+s24+$0x0], $0xffff  }
0x94: {  	v10 =	vld.idx.msk [tilespmem:v33+s20+$0x0], $0xffff;
	_ =	sdelay $0x4  }
0x95: {  	v7 =	vadd.f32 v10, v7;
	_ =	sdelay $0x1  }
0x96: {  	v10 =	vmul.f32 $2.000000030e-01, v7;
	_ =	sdelay $0x1  }
0x97: {  	v7 =	vmax.f32 v7, v10  }
0x98: {  	v7 =	vmul.f32 $1.442695020e+00, v7;
	_ =	sdelay $0x1  }
0x99: {  	(erf) = vpow2.f32 v7;
	_ =	sdelay $0x6  }
0x9a: {  	v6 =	vor.u32 $0x3, v6  }
0x9b: {  	v4 =	vor.u32 $0x7, v4  }
0x9c: {  	v7 =	vpop (erf)  }
0x9d: {  	v7 =	vnsel vm0, $0x0, v7  }
0x9e: {  	[tilespmem:v32+s28+$0x0] =	vst.idx.msk $0xffff, v7  }
0x9f: {  	v9 =	vld.idx.msk [tilespmem:v6+s24+$0x0], $0xffff  }
0xa0: {  	v4 =	vld.idx.msk [tilespmem:v4+s20+$0x0], $0xffff;
	_ =	sdelay $0x4  }
0xa1: {  	v4 =	vadd.f32 v4, v9;
	_ =	sdelay $0x1  }
0xa2: {  	v9 =	vmul.f32 $2.000000030e-01, v4;
	_ =	sdelay $0x1  }
0xa3: {  	v4 =	vmax.f32 v4, v9  }
0xa4: {  	v4 =	vmul.f32 $1.442695020e+00, v4;
	_ =	sdelay $0x1  }
0xa5: {  	(erf) = vpow2.f32 v4;
	_ =	sdelay $0x6  }
0xa6: {  	v4 =	vshll.u32 v5, $0x5;
	_ =	sdelay $0x1  }
0xa7: {  	v5 =	vpop (erf)  }
0xa8: {  	v5 =	vnsel vm0, $0x0, v5  }
0xa9: {  	[tilespmem:v6+s28+$0x0] =	vst.idx.msk $0xffff, v5  }
0xaa: {  	v6 =	vld.idx.msk [tilespmem:v4+s25+$0x0], $0xffff;
	_ =	sdelay $0x2  }
0xab: {  	v34 =	vor.u32 $0x1, v4;
	_ =	sdelay $0x1  }
0xac: {  	v6 =	vmul.f32 v6, v8;
	_ =	sdelay $0x1  }
0xad: {  	[tilespmem:v4+s25+$0x0] =	vst.idx.msk $0xffff, v6  }
0xae: {  	v6 =	vld.idx.msk [tilespmem:v34+s25+$0x0], $0xffff;
	_ =	sdelay $0x2  }
0xaf: {  	v35 =	vor.u32 $0x2, v4;
	_ =	sdelay $0x1  }
0xb0: {  	v6 =	vmul.f32 v6, v8;
	_ =	sdelay $0x1  }
0xb1: {  	[tilespmem:v34+s25+$0x0] =	vst.idx.msk $0xffff, v6  }
0xb2: {  	v6 =	vld.idx.msk [tilespmem:v35+s25+$0x0], $0xffff;
	_ =	sdelay $0x2  }
0xb3: {  	v36 =	vor.u32 $0x3, v4;
	_ =	sdelay $0x1  }
0xb4: {  	v6 =	vmul.f32 v6, v8;
	_ =	sdelay $0x1  }
0xb5: {  	[tilespmem:v35+s25+$0x0] =	vst.idx.msk $0xffff, v6  }
0xb6: {  	v6 =	vld.idx.msk [tilespmem:v36+s25+$0x0], $0xffff;
	_ =	sdelay $0x2  }
0xb7: {  	v37 =	vor.u32 $0x4, v4;
	_ =	sdelay $0x1  }
0xb8: {  	v6 =	vmul.f32 v6, v8;
	_ =	sdelay $0x1  }
0xb9: {  	[tilespmem:v36+s25+$0x0] =	vst.idx.msk $0xffff, v6  }
0xba: {  	v6 =	vld.idx.msk [tilespmem:v37+s25+$0x0], $0xffff;
	_ =	sdelay $0x2  }
0xbb: {  	v38 =	vor.u32 $0x5, v4;
	_ =	sdelay $0x1  }
0xbc: {  	v6 =	vmul.f32 v6, v8;
	_ =	sdelay $0x1  }
0xbd: {  	[tilespmem:v37+s25+$0x0] =	vst.idx.msk $0xffff, v6  }
0xbe: {  	v6 =	vld.idx.msk [tilespmem:v38+s25+$0x0], $0xffff;
	_ =	sdelay $0x2  }
0xbf: {  	v39 =	vor.u32 $0x6, v4;
	_ =	sdelay $0x1  }
0xc0: {  	v6 =	vmul.f32 v6, v8;
	_ =	sdelay $0x1  }
0xc1: {  	[tilespmem:v38+s25+$0x0] =	vst.idx.msk $0xffff, v6  }
0xc2: {  	v6 =	vld.idx.msk [tilespmem:v39+s25+$0x0], $0xffff;
	_ =	sdelay $0x2  }
0xc3: {  	v40 =	vor.u32 $0x7, v4;
	_ =	sdelay $0x1  }
0xc4: {  	v6 =	vmul.f32 v6, v8;
	_ =	sdelay $0x1  }
0xc5: {  	[tilespmem:v39+s25+$0x0] =	vst.idx.msk $0xffff, v6  }
0xc6: {  	v6 =	vld.idx.msk [tilespmem:v40+s25+$0x0], $0xffff;
	_ =	sdelay $0x2  }
0xc7: {  	v41 =	vor.u32 $0x8, v4;
	_ =	sdelay $0x1  }
0xc8: {  	v6 =	vmul.f32 v6, v8;
	_ =	sdelay $0x1  }
0xc9: {  	[tilespmem:v40+s25+$0x0] =	vst.idx.msk $0xffff, v6  }
0xca: {  	v6 =	vld.idx.msk [tilespmem:v41+s25+$0x0], $0xffff;
	_ =	sdelay $0x2  }
0xcb: {  	v42 =	vor.u32 $0x9, v4;
	_ =	sdelay $0x1  }
0xcc: {  	v6 =	vmul.f32 v6, v11;
	_ =	sdelay $0x1  }
0xcd: {  	[tilespmem:v41+s25+$0x0] =	vst.idx.msk $0xffff, v6  }
0xce: {  	v6 =	vld.idx.msk [tilespmem:v42+s25+$0x0], $0xffff;
	_ =	sdelay $0x2  }
0xcf: {  	v43 =	vor.u32 $0xA, v4;
	_ =	sdelay $0x1  }
0xd0: {  	v6 =	vmul.f32 v6, v11;
	_ =	sdelay $0x1  }
0xd1: {  	[tilespmem:v42+s25+$0x0] =	vst.idx.msk $0xffff, v6  }
0xd2: {  	v6 =	vld.idx.msk [tilespmem:v43+s25+$0x0], $0xffff;
	_ =	sdelay $0x2  }
0xd3: {  	v44 =	vor.u32 $0xB, v4;
	_ =	sdelay $0x1  }
0xd4: {  	v6 =	vmul.f32 v6, v11;
	_ =	sdelay $0x1  }
0xd5: {  	[tilespmem:v43+s25+$0x0] =	vst.idx.msk $0xffff, v6  }
0xd6: {  	v6 =	vld.idx.msk [tilespmem:v44+s25+$0x0], $0xffff;
	_ =	sdelay $0x2  }
0xd7: {  	v45 =	vor.u32 $0xC, v4;
	_ =	sdelay $0x1  }
0xd8: {  	v6 =	vmul.f32 v6, v11;
	_ =	sdelay $0x1  }
0xd9: {  	[tilespmem:v44+s25+$0x0] =	vst.idx.msk $0xffff, v6  }
0xda: {  	v6 =	vld.idx.msk [tilespmem:v45+s25+$0x0], $0xffff;
	_ =	sdelay $0x2  }
0xdb: {  	v46 =	vor.u32 $0xD, v4;
	_ =	sdelay $0x1  }
0xdc: {  	v6 =	vmul.f32 v6, v11;
	_ =	sdelay $0x1  }
0xdd: {  	[tilespmem:v45+s25+$0x0] =	vst.idx.msk $0xffff, v6  }
0xde: {  	v6 =	vld.idx.msk [tilespmem:v46+s25+$0x0], $0xffff;
	_ =	sdelay $0x2  }
0xdf: {  	v47 =	vor.u32 $0xE, v4;
	_ =	sdelay $0x1  }
0xe0: {  	v6 =	vmul.f32 v6, v11;
	_ =	sdelay $0x1  }
0xe1: {  	[tilespmem:v46+s25+$0x0] =	vst.idx.msk $0xffff, v6  }
0xe2: {  	v6 =	vld.idx.msk [tilespmem:v47+s25+$0x0], $0xffff;
	_ =	sdelay $0x2  }
0xe3: {  	v48 =	vor.u32 $0xF, v4;
	_ =	sdelay $0x1  }
0xe4: {  	v6 =	vmul.f32 v6, v11;
	_ =	sdelay $0x1  }
0xe5: {  	[tilespmem:v47+s25+$0x0] =	vst.idx.msk $0xffff, v6  }
0xe6: {  	v6 =	vld.idx.msk [tilespmem:v48+s25+$0x0], $0xffff;
	_ =	sdelay $0x2  }
0xe7: {  	v49 =	vor.u32 $0x10, v4;
	_ =	sdelay $0x1  }
0xe8: {  	v6 =	vmul.f32 v6, v11;
	_ =	sdelay $0x1  }
0xe9: {  	[tilespmem:v48+s25+$0x0] =	vst.idx.msk $0xffff, v6  }
0xea: {  	v6 =	vld.idx.msk [tilespmem:v49+s25+$0x0], $0xffff;
	_ =	sdelay $0x2  }
0xeb: {  	v50 =	vor.u32 $0x11, v4;
	_ =	sdelay $0x1  }
0xec: {  	v6 =	vmul.f32 v6, v7;
	_ =	sdelay $0x1  }
0xed: {  	[tilespmem:v49+s25+$0x0] =	vst.idx.msk $0xffff, v6  }
0xee: {  	v6 =	vld.idx.msk [tilespmem:v50+s25+$0x0], $0xffff;
	_ =	sdelay $0x2  }
0xef: {  	v51 =	vor.u32 $0x12, v4;
	_ =	sdelay $0x1  }
0xf0: {  	v6 =	vmul.f32 v6, v7;
	_ =	sdelay $0x1  }
0xf1: {  	[tilespmem:v50+s25+$0x0] =	vst.idx.msk $0xffff, v6  }
0xf2: {  	v6 =	vld.idx.msk [tilespmem:v51+s25+$0x0], $0xffff;
	_ =	sdelay $0x2  }
0xf3: {  	v52 =	vor.u32 $0x13, v4;
	_ =	sdelay $0x1  }
0xf4: {  	v6 =	vmul.f32 v6, v7;
	_ =	sdelay $0x1  }
0xf5: {  	[tilespmem:v51+s25+$0x0] =	vst.idx.msk $0xffff, v6  }
0xf6: {  	v6 =	vld.idx.msk [tilespmem:v52+s25+$0x0], $0xffff;
	_ =	sdelay $0x2  }
0xf7: {  	v53 =	vor.u32 $0x14, v4;
	_ =	sdelay $0x1  }
0xf8: {  	v6 =	vmul.f32 v6, v7;
	_ =	sdelay $0x1  }
0xf9: {  	[tilespmem:v52+s25+$0x0] =	vst.idx.msk $0xffff, v6  }
0xfa: {  	v6 =	vld.idx.msk [tilespmem:v53+s25+$0x0], $0xffff;
	_ =	sdelay $0x2  }
0xfb: {  	v54 =	vor.u32 $0x15, v4;
	_ =	sdelay $0x1  }
0xfc: {  	v6 =	vmul.f32 v6, v7;
	_ =	sdelay $0x1  }
0xfd: {  	[tilespmem:v53+s25+$0x0] =	vst.idx.msk $0xffff, v6  }
0xfe: {  	v6 =	vld.idx.msk [tilespmem:v54+s25+$0x0], $0xffff;
	_ =	sdelay $0x2  }
0xff: {  	v55 =	vor.u32 $0x16, v4;
	_ =	sdelay $0x1  }
0x100: {  	v6 =	vmul.f32 v6, v7;
	_ =	sdelay $0x1  }
0x101: {  	[tilespmem:v54+s25+$0x0] =	vst.idx.msk $0xffff, v6  }
0x102: {  	v6 =	vld.idx.msk [tilespmem:v55+s25+$0x0], $0xffff;
	_ =	sdelay $0x2  }
0x103: {  	v56 =	vor.u32 $0x17, v4;
	_ =	sdelay $0x1  }
0x104: {  	v6 =	vmul.f32 v6, v7;
	_ =	sdelay $0x1  }
0x105: {  	[tilespmem:v55+s25+$0x0] =	vst.idx.msk $0xffff, v6  }
0x106: {  	v6 =	vld.idx.msk [tilespmem:v56+s25+$0x0], $0xffff;
	_ =	sdelay $0x2  }
0x107: {  	v57 =	vor.u32 $0x18, v4;
	_ =	sdelay $0x1  }
0x108: {  	v6 =	vmul.f32 v6, v7;
	_ =	sdelay $0x1  }
0x109: {  	[tilespmem:v56+s25+$0x0] =	vst.idx.msk $0xffff, v6  }
0x10a: {  	v6 =	vld.idx.msk [tilespmem:v57+s25+$0x0], $0xffff;
	_ =	sdelay $0x2  }
0x10b: {  	v58 =	vor.u32 $0x19, v4;
	_ =	sdelay $0x1  }
0x10c: {  	v6 =	vmul.f32 v6, v5;
	_ =	sdelay $0x1  }
0x10d: {  	[tilespmem:v57+s25+$0x0] =	vst.idx.msk $0xffff, v6  }
0x10e: {  	v6 =	vld.idx.msk [tilespmem:v58+s25+$0x0], $0xffff;
	_ =	sdelay $0x2  }
0x10f: {  	v59 =	vor.u32 $0x1A, v4;
	_ =	sdelay $0x1  }
0x110: {  	v6 =	vmul.f32 v6, v5;
	_ =	sdelay $0x1  }
0x111: {  	[tilespmem:v58+s25+$0x0] =	vst.idx.msk $0xffff, v6  }
0x112: {  	v6 =	vld.idx.msk [tilespmem:v59+s25+$0x0], $0xffff;
	_ =	sdelay $0x2  }
0x113: {  	v60 =	vor.u32 $0x1B, v4;
	_ =	sdelay $0x1  }
0x114: {  	v6 =	vmul.f32 v6, v5;
	_ =	sdelay $0x1  }
0x115: {  	[tilespmem:v59+s25+$0x0] =	vst.idx.msk $0xffff, v6  }
0x116: {  	v6 =	vld.idx.msk [tilespmem:v60+s25+$0x0], $0xffff;
	_ =	sdelay $0x2  }
0x117: {  	v61 =	vor.u32 $0x1C, v4;
	_ =	sdelay $0x1  }
0x118: {  	v6 =	vmul.f32 v6, v5;
	_ =	sdelay $0x1  }
0x119: {  	[tilespmem:v60+s25+$0x0] =	vst.idx.msk $0xffff, v6  }
0x11a: {  	v6 =	vld.idx.msk [tilespmem:v61+s25+$0x0], $0xffff;
	_ =	sdelay $0x2  }
0x11b: {  	v62 =	vor.u32 $0x1D, v4;
	_ =	sdelay $0x1  }
0x11c: {  	v6 =	vmul.f32 v6, v5;
	_ =	sdelay $0x1  }
0x11d: {  	[tilespmem:v61+s25+$0x0] =	vst.idx.msk $0xffff, v6  }
0x11e: {  	v6 =	vld.idx.msk [tilespmem:v62+s25+$0x0], $0xffff;
	_ =	sdelay $0x2  }
0x11f: {  	v63 =	vor.u32 $0x1E, v4;
	_ =	sdelay $0x1  }
0x120: {  	v6 =	vmul.f32 v6, v5;
	_ =	sdelay $0x1  }
0x121: {  	[tilespmem:v62+s25+$0x0] =	vst.idx.msk $0xffff, v6  }
0x122: {  	v6 =	vld.idx.msk [tilespmem:v63+s25+$0x0], $0xffff;
	_ =	sdelay $0x2  }
0x123: {  	v4 =	vor.u32 $0x1F, v4;
	_ =	sdelay $0x1  }
0x124: {  	v6 =	vmul.f32 v6, v5;
	_ =	sdelay $0x1  }
0x125: {  	[tilespmem:v63+s25+$0x0] =	vst.idx.msk $0xffff, v6  }
0x126: {  	v6 =	vld.idx.msk [tilespmem:v4+s25+$0x0], $0xffff;
	_ =	sdelay $0x1  }
0x127: {  	p1 =	sne.s32 s1, $0x4F0  }
.Ltmp6:
0x128: {  	_ = 	snop;
	(pc) =	sbr.rel @p1 .LBB2_10-.Ltmp6, $3  }
0x129: {  	_ = 	snop  }
0x12a: {  	v5 =	vmul.f32 v6, v5;
	_ =	sdelay $0x1  }
0x12b: {  	s19 =	sadd.s32 $0x10, s19;
	s1 =	sadd.s32 $0x10, s1;
	[tilespmem:v4+s25+$0x0] =	vst.idx.msk $0xffff, v5  }
0x12c: {  	[spmem:s2] =	stream.indirect.scatter.add.f32 [tilespmem:s28], [sflag:$0x1], $0x8, s29, s23, $0xb8;
	[tilespmem:$0x13710] =	vst v63  }
0x12d: {  	s0 =	sadd.s32 $0x1, s0  }
0x12e: {  	[spmem:s3] =	stream.indirect.scatter.add.f32 [tilespmem:s25], [sflag:$0x2], $0x20, s29, s23, $0xb8;
	[tilespmem:$0x13710] =	vst v63  }
0x12f: {  	p1 =	sne.s32 s0, s31;
	_ =	swait.ge [sflag:s21], $0x2800  }
.Ltmp7:
0x130: {  	[sflag:s21] =	ssyncset.done $0x0;
	(pc) =	sbr.rel @p1 .LBB2_7-.Ltmp7, $4  }
.Ltmp8:
0x131: {  	[sflag:s21] =	ssyncadd.s32 $0xFFFFD800;
	(pc) =	sbr.rel @!p1 .LBB2_12-.Ltmp8, $4  }
0x132: {  	_ =	swait.ge [sflag:s26], $0xA000  }
0x133: {  	[sflag:s26] =	ssyncset.done $0x0  }
0x134: {  	[sflag:s26] =	ssyncadd.s32 $0xFFFF6000  }
0x135: {  	_ = 	snop  }
.LBB2_13:
0x136: {  	_ =	sfence.sel $0x180000  }
0x137: {  	[bflag:$0x0] =	sbarrier.arrive $0xFFFF  }
0x138: {  	_ =	strace $0x9000004A  }
0x139: {  	[bflag:$0x2] =	sbarrier.arrive $0xFFFF  }
0x13a: {  	s0 =	rddreg [dreg:$0x5]  }
0x13b: {  	s0 =	sadd.s32 @!p0 $0x100000, s0  }
0x13c: {  	[sflag:s0] =	ssyncadd.tile.s32 @!p0 $0x1;
	_ =	shalt  }
.Lfunc_end2:
_tile_overlayer_lowered:
.L_overlay_start_2:
0x13d: {  	(tag) =	ssettag $0x2  }
0x13e: {  	s0 =	rddreg [dreg:$0x0];
	s2 =	stileid.u32  }
0x13f: {  	s1 =	rddreg [dreg:$0x1];
	p0 =	sne.s32 s2, $0x0  }
0x140: {  	s3 =	rddreg [dreg:$0x2];
	[bflag:$0x3] =	sbarrier.arrive $0xFFFF;
	s2 =	simm.s32 @!p0 $0x1C03  }
0x141: {  	[timem:s3], [sflag:s2] =	dma.local @!p0 [hbm:s0], s1  }
0x142: {  	s0 =	simm.s32 @!p0 $0x3  }
0x143: {  	_ =	swait.ge @!p0 [sflag:s0], s1  }
0x144: {  	s1 =	ssub.s32 @!p0 $0x0, s1;
	[sflag:s0] =	ssyncset.done @!p0 $0x0  }
0x145: {  	[sflag:s0] =	ssyncadd.s32 @!p0 s1  }
0x146: {  	[bflag:$0x3] =	sbarrier.arrive $0xFFFF  }
0x147: {  	_ =	shalt  }

// kernel: kernel.13.cloned.1.call-start
scs
__scs_entry_jumppad:
0x0: {  	(pc) =	sbr.rel $0x88, $3  }
0x1: {  	(tag) =	ssettag $0x0;
	lr =	simm.s32 $0x1  }
0x2: {  	[smem:$0x3F98] =	sst lr;
	_ =	strace $0xD0000000  }
0x3: {  	_ = 	snop  }
0x4: {  	_ = 	snop  }
0x5: {  	_ = 	snop  }
0x6: {  	_ = 	snop  }
0x7: {  	_ = 	snop  }
__scs_overlays_trampoline_lowered:
0x8: {  	[smem:$0x3FA7] =	sst s0  }
0x9: {  	[smem:$0x3FA8] =	sst s1  }
0xa: {  	[smem:$0x3FA9] =	sst s2  }
0xb: {  	[smem:$0x3FAA] =	sst s3  }
0xc: {  	[smem:$0x3FAB] =	sst s4  }
0xd: {  	[smem:$0x3FAC] =	sst s5  }
0xe: {  	[smem:$0x3FAD] =	sst s6  }
0xf: {  	[smem:$0x3FAE] =	sst s7  }
0x10: {  	[smem:$0x3FAF] =	sst s8  }
0x11: {  	[smem:$0x3FB0] =	sst s9;
	s0 =	simm.s32 @!p0 $0x0  }
0x12: {  	s1 =	sld [smem:$0x3F96];
	s0 =	simm.s32 @p0 $0x1  }
0x13: {  	[smem:$0x3FB1] =	sst s0;
	s0 =	simm.s32 @!p1 $0x0  }
0x14: {  	s2 =	sld [smem:$0x3F95];
	s0 =	simm.s32 @p1 $0x1  }
0x15: {  	[smem:$0x3FB2] =	sst s0;
	s0 =	simm.s32 @!p2 $0x0  }
0x16: {  	s3 =	sld [smem:$0x3FDB];
	s0 =	simm.s32 @p2 $0x1  }
0x17: {  	s4 =	simm.s32 $0x1BF5;
	[smem:$0x3FB4] =	sst s0  }
0x18: {  	s0 =	sld [smem:$0x3F97];
	_ =	swait.ge [sflag:s4], $0x0  }
0x19: {  	s7 =	sld [smem:$0x3F98]  }
0x1a: {  	s8 =	sadd.s32 $0xFFFFE003, lr  }
0x1b: {  	s9 =	sadd.s32 $0xFFFFFEF7, lr;
	s5 =	simm.s32 $0xFFFFFFFF;
	p2 =	slt.u32 s8, $0xFFFFF086  }
0x1c: {  	p1 =	slt.u32 s9, $0xF7A;
	s5 =	simm.s32 @!p2 $0x0  }
0x1d: {  	s5 =	simm.s32 @p1 $0x1;
	p0 =	seq.s32 s7, s2  }
0x1e: {  	s7 =	smul.u32 @!p0 $0xF7A, s2;
	p2 =	seq.s32 @!p0 s5, $0x0  }
0x1f: {  	s9 =	smul.u32 $0xF7A, s1;
	s8 =	simm.s32 @!p0 $0x1BF5;
	p2 =	por !p2, p0  }
0x20: {  	[sflag:s8] =	ssyncset.s32 @!p0 $0xFFFFF086;
	s6 =	sadd.s32 @!p0 s3, s7;
	s7 =	simm.s32 @!p0 $0x108  }
0x21: {  	s3 =	sadd.s32 s3, s9;
	s6 =	sadd.s32 @!p0 $0x88, s6;
	s7 =	simm.s32 @p2 $0x1082  }
0x22: {  	[simem:s7], [sflag:s8] =	dma.local @!p0 [hbm:s6], $0xF7A  }
0x23: {  	s9 =	sor.u32 $0xD0000000, s2;
	s6 =	simm.s32 $0x108;
	_ =	swait.ge @!p0 [sflag:s8], $0x0  }
0x24: {  	s3 =	sadd.s32 $0x88, s3;
	s6 =	simm.s32 @!p1 $0x1082;
	[sflag:s4] =	ssyncset.s32 $0xFFFFF086  }
0x25: {  	[simem:s6], [sflag:s4] =	dma.local [hbm:s3], $0xF7A  }
0x26: {  	[smem:$0x3F98] =	sst s1;
	(tag) =	ssettag s2;
	_ =	strace s9  }
0x27: {  	s1 =	sld [smem:$0x3FA8]  }
0x28: {  	s2 =	sld [smem:$0x3FA9]  }
0x29: {  	s4 =	sld [smem:$0x3FAB]  }
0x2a: {  	p0 =	seq.s32 s5, $0x0;
	s5 =	sld [smem:$0x3FAC]  }
0x2b: {  	s6 =	sld [smem:$0x3FAD]  }
0x2c: {  	s7 =	sld [smem:$0x3FAE]  }
0x2d: {  	s3 =	simm.s32 $0x108;
	s8 =	sld [smem:$0x3FAF]  }
0x2e: {  	s3 =	simm.s32 @!p0 $0x1082;
	s9 =	sld [smem:$0x3FB0]  }
0x2f: {  	lr =	sadd.s32 s0, s3;
	s0 =	sld [smem:$0x3FA7]  }
0x30: {  	s3 =	sld [smem:$0x3FAA]  }
0x31: {  	[smem:$0x3FB3] =	sst s10  }
0x32: {  	s10 =	sld [smem:$0x3FB1];
	_ =	sdelay $0x3  }
0x33: {  	p0 =	seq.s32 s10, $0x1;
	s10 =	sld [smem:$0x3FB3];
	_ =	sdelay $0x3  }
0x34: {  	[smem:$0x3FB3] =	sst s10  }
0x35: {  	s10 =	sld [smem:$0x3FB2];
	_ =	sdelay $0x3  }
0x36: {  	p1 =	seq.s32 s10, $0x1;
	s10 =	sld [smem:$0x3FB3];
	_ =	sdelay $0x3  }
0x37: {  	[smem:$0x3FB3] =	sst s10  }
0x38: {  	s10 =	sld [smem:$0x3FB4]  }
0x39: {  	_ = 	snop;
	(pc) =	sbr.ind lr, $3  }
0x3a: {  	_ = 	snop  }
0x3b: {  	_ = 	snop  }
0x3c: {  	p2 =	seq.s32 s10, $0x1;
	s10 =	sld [smem:$0x3FB3]  }
0x3d: {  	_ =	shalt  }
0x3e: {  	_ =	shalt  }
0x3f: {  	_ =	shalt  }
0x40: {  	_ =	shalt  }
0x41: {  	_ =	shalt  }
0x42: {  	_ =	shalt  }
0x43: {  	_ =	shalt  }
0x44: {  	_ =	shalt  }
0x45: {  	_ =	shalt  }
0x46: {  	_ =	shalt  }
0x47: {  	_ =	shalt  }
0x48: {  	_ =	shalt  }
0x49: {  	_ =	shalt  }
0x4a: {  	_ =	shalt  }
0x4b: {  	_ =	shalt  }
0x4c: {  	_ =	shalt  }
0x4d: {  	_ =	shalt  }
0x4e: {  	_ =	shalt  }
0x4f: {  	_ =	shalt  }
0x50: {  	_ =	shalt  }
0x51: {  	_ =	shalt  }
0x52: {  	_ =	shalt  }
0x53: {  	_ =	shalt  }
0x54: {  	_ =	shalt  }
0x55: {  	_ =	shalt  }
0x56: {  	_ =	shalt  }
0x57: {  	_ =	shalt  }
0x58: {  	_ =	shalt  }
0x59: {  	_ =	shalt  }
0x5a: {  	_ =	shalt  }
0x5b: {  	_ =	shalt  }
0x5c: {  	_ =	shalt  }
0x5d: {  	_ =	shalt  }
0x5e: {  	_ =	shalt  }
0x5f: {  	_ =	shalt  }
0x60: {  	_ =	shalt  }
0x61: {  	_ =	shalt  }
0x62: {  	_ =	shalt  }
0x63: {  	_ =	shalt  }
0x64: {  	_ =	shalt  }
0x65: {  	_ =	shalt  }
0x66: {  	_ =	shalt  }
0x67: {  	_ =	shalt  }
0x68: {  	_ =	shalt  }
0x69: {  	_ =	shalt  }
0x6a: {  	_ =	shalt  }
0x6b: {  	_ =	shalt  }
0x6c: {  	_ =	shalt  }
0x6d: {  	_ =	shalt  }
0x6e: {  	_ =	shalt  }
0x6f: {  	_ =	shalt  }
0x70: {  	_ =	shalt  }
0x71: {  	_ =	shalt  }
0x72: {  	_ =	shalt  }
0x73: {  	_ =	shalt  }
0x74: {  	_ =	shalt  }
0x75: {  	_ =	shalt  }
0x76: {  	_ =	shalt  }
0x77: {  	_ =	shalt  }
0x78: {  	_ =	shalt  }
0x79: {  	_ =	shalt  }
0x7a: {  	_ =	shalt  }
0x7b: {  	_ =	shalt  }
0x7c: {  	_ =	shalt  }
0x7d: {  	_ =	shalt  }
0x7e: {  	_ =	shalt  }
0x7f: {  	_ =	shalt  }
0x80: {  	_ =	shalt  }
0x81: {  	_ =	shalt  }
0x82: {  	_ =	shalt  }
0x83: {  	_ =	shalt  }
0x84: {  	_ =	shalt  }
0x85: {  	_ =	shalt  }
0x86: {  	_ =	shalt  }
0x87: {  	_ =	shalt  }
.Lfunc_end0:
.L_simem_size_0:
called_computation.2_lowered:
.L_overlay_start_0:
0x88: {  	s2 =	sld [smem:$0x3FD9]  }
0x89: {  	s3 =	sld [smem:$0x3FFE];
	_ =	sdelay $0x1  }
0x8a: {  	s1 =	srdreg.scid  }
0x8b: {  	s0 =	sand.u32 $0x1, s1  }
0x8c: {  	s17 =	sshll.u32 s0, $0xA;
	s2 =	sadd.s32 s3, s2  }
0x8d: {  	s2 =	sadd.s32 s2, s17  }
0x8e: {  	[smem:$0x3FBF] =	sst s2  }
0x8f: {  	_ = 	snop  }
0x90: {  	s2 =	sld [smem:$0x3FD0];
	(tm) =	ssettm $0x1  }
0x91: {  	s18 =	sld [smem:$0x3FFB];
	_ =	sdelay $0x3  }
0x92: {  	_ =	strace s18  }
0x93: {  	s3 =	sld [smem:$0x3FFC];
	_ =	sdelay $0x3  }
0x94: {  	_ =	strace s3  }
0x95: {  	s3 =	sld [smem:$0x3FFD];
	_ =	sdelay $0x3  }
0x96: {  	_ =	strace s3  }
0x97: {  	_ =	strace $0x8FFFFFFF  }
0x98: {  	s19 =	sld [smem:$0x3FDB];
	_ =	sdelay $0x1  }
0x99: {  	s4 =	simm.s32 $_scs_section_size  }
0x9a: {  	s5 =	simm.s32 $_size__tile_overlayer_lowered;
	s6 =	simm.s32 $_tile_overlayer_lowered  }
0x9b: {  	s22 =	simm.s32 $0x1BFF;
	s21 =	sshll.u32 s6, $0x1;
	s3 =	sadd.s32 s4, s19  }
0x9c: {  	s7 =	simm.s32 $0x0;
	s20 =	sshll.u32 s5, $0x1;
	s5 =	sadd.s32 s21, s3  }
0x9d: {  	[timem:s7], [sflag:s22] =	dma.local [hbm:s5], s20  }
0x9e: {  	_ =	swait.ge [sflag:s22], s20  }
0x9f: {  	s4 =	ssub.s32 $0x0, s20;
	[sflag:s22] =	ssyncset.done $0x0  }
0xa0: {  	[sflag:s22] =	ssyncadd.s32 s4;
	_ =	sdelay $0x1  }
0xa1: {  	s23 =	simm.s32 $0x1B8B  }
0xa2: {  	_ =	swait.ge [sflag:s23], $0x1  }
0xa3: {  	[sflag:s23] =	ssyncset.done $0x0  }
0xa4: {  	s25 =	simm.s32 $0x1B8E;
	s24 =	sld [smem:$0x3FFE];
	[sflag:s23] =	ssyncadd.s32 $0xFFFFFFFF  }
0xa5: {  	s26 =	simm.s32 $execute0_lowered;
	[smem:$0x3FD2] =	sst s25  }
0xa6: {  	s5 =	sshll.u32 s26, $0x1;
	_ =	strace $0x8000004C;
	[dreg:$0x1] =	wrdreg $0xFFFFFFFF  }
0xa7: {  	s28 =	simm.s32 $_size_execute0_lowered;
	s3 =	sadd.s32 s3, s5;
	[dreg:$0x0] =	wrdreg $0x0  }
0xa8: {  	s5 =	sshll.u32 s28, $0x1;
	[dreg:$0x2] =	wrdreg s3  }
0xa9: {  	[dreg:$0x3] =	wrdreg s5  }
0xaa: {  	[dreg:$0x4] =	wrdreg $0xC0  }
0xab: {  	_ =	task [dreg:s7], $0x5FFFF  }
0xac: {  	[dreg:$0x1] =	wrdreg $0xFFFFFFFF  }
0xad: {  	[dreg:$0x0] =	wrdreg $0x60  }
0xae: {  	[dreg:$0x2] =	wrdreg s24  }
0xaf: {  	[dreg:$0x3] =	wrdreg s2  }
0xb0: {  	[dreg:$0x4] =	wrdreg $0x9  }
0xb1: {  	_ =	task.clear_ibuf [dreg:s7], $0x5FFFF;
	_ =	strace $0x9000004C  }
0xb2: {  	s29 =	simm.s32 $0x9;
	_ =	strace $0x8000004E  }
0xb3: {  	_ =	swait.ge [sflag:s29], $0x1  }
0xb4: {  	[sflag:s29] =	ssyncadd.s32 $0xFFFFFFFF  }
0xb5: {  	_ =	strace $0x9000004E  }
0xb6: {  	_ =	sfence  }
0xb7: {  	s30 =	sld [smem:$0x0];
	_ =	sdelay $0x2  }
0xb8: {  	s31 =	sshll.u32 s1, $0xD;
	s1 =	sshrl.u32 s1, $0x2  }
0xb9: {  	s3 =	sand.u32 $0x4000, s31;
	s1 =	sadd.s32 s1, s30  }
0xba: {  	s0 =	sor.u32 s3, s0;
	s1 =	sshll.u32 s1, $0x11  }
0xbb: {  	s0 =	sor.u32 s1, s0  }
0xbc: {  	s0 =	sadd.s32 $0x8F2B, s0  }
0xbd: {  	[sflag:s0] =	ssyncadd.remote.s32 $0x1  }
0xbe: {  	_ =	sfence.sel $0xFFFF  }
0xbf: {  	[dreg:$0x0] =	wrdreg $0xFFFFFFFF;
	(pc) =	sbr.abs _section_cstart, $3  }
0xc0: {  	[dreg:$0x1] =	wrdreg $0xFFFFFFFF  }
0xc1: {  	_ =	task.clear_ibuf [dreg:s7], $0x2FFFF;
	_ =	strace $0x9FFFFFFF  }
0xc2: {  	(tm) =	ssettm $0x7FFFFFFF  }
0xc3: {  	_ =	shalt  }
tec
execute0_lowered:
.L_overlay_start_1:
0x0: {  	(tag) =	ssettag $0x1  }
0x1: {  	s5 =	rddreg [dreg:$0x0]  }
0x2: {  	s2 =	rddreg [dreg:$0x1]  }
0x3: {  	s0 =	rddreg [dreg:$0x2];
	s4 =	srdreg.scid  }
0x4: {  	s3 =	simm.s32 $0x0;
	s1 =	stileid.u32;
	s10 =	simm.s32 $0x40  }
0x5: {  	s11 =	simm.s32 $0x140;
	s12 =	simm.s32 $0x240;
	s13 =	simm.s32 $0x640  }
0x6: {  	s14 =	simm.s32 $0x1;
	s15 =	simm.s32 $0x0;
	s6 =	sand.u32 $0x1, s4  }
0x7: {  	[smem:$0x7FF] =	sst s3;
	s7 =	sshll.u32 s1, $0x6;
	s8 =	sshll.u32 s6, $0x5  }
0x8: {  	s4 =	sadd.s32 $0x2800, s5;
	_ =	strace $0x8000004D;
	s7 =	sor.u32 s8, s7  }
0x9: {  	s6 =	ssub.s32 $0x2, s6;
	s8 =	sshrl.u32 s7, $0x3;
	s7 =	sshll.u32 s7, $0x2  }
0xa: {  	s31 =	sshrl.u32 s6, $0x1;
	s8 =	sadd.s32 s8, s5;
	s7 =	sadd.s32 s7, s5  }
0xb: {  	s9 =	ssub.s32 s6, s31;
	s5 =	sadd.s32 $0x95600, s8;
	s6 =	sadd.s32 $0x3000, s7  }
0xc: {  	v0 =	vlaneseq.u32;
	s7 =	smax.u32 s9, $0x1;
	s8 =	simm.s32 $0x2;
	s9 =	simm.s32 $0x20  }
.LBB2_1:
0xd: {  	[tilespmem:s3], [sflag:$0x2] =	stream.linear.gather [hbm4b:s5+s3], $0x20, $0x38;
	[tilespmem:$0xA40] =	vst v63  }
0xe: {  	_ =	swait.ge [sflag:s8], $0x20  }
0xf: {  	[sflag:s8] =	ssyncset.done $0x0  }
0x10: {  	[sflag:s8] =	ssyncadd.s32 $0xFFFFFFE0  }
0x11: {  	v1 =	vld [tilespmem:$0x0]  }
0x12: {  	v2 =	vld [tilespmem:$0x10];
	_ =	sdelay $0x3  }
0x13: {  	v1 =	vadd.s32 $0x400, v1  }
0x14: {  	[tilespmem:$0x20] =	vst v1;
	v1 =	vadd.s32 $0x400, v2  }
0x15: {  	[tilespmem:$0x30] =	vst v1  }
0x16: {  	[tilespmem:s10], [sflag:$0x1] =	stream.indirect.gather [hbm4b:s4+s9], $0x8, s3, s9, $0xb8;
	[tilespmem:$0xA40] =	vst v63  }
0x17: {  	_ = 	snop  }
0x18: {  	[tilespmem:s11], [sflag:$0x1] =	stream.indirect.gather [hbm4b:s4+s9], $0x8, s9, s9, $0xb8;
	[tilespmem:$0xA40] =	vst v63  }
0x19: {  	_ = 	snop  }
0x1a: {  	[tilespmem:s12], [sflag:$0x1] =	stream.indirect.gather [hbm4b:s2+s9], $0x20, s3, s9, $0xb8;
	[tilespmem:$0xA40] =	vst v63  }
0x1b: {  	_ = 	snop  }
0x1c: {  	[tilespmem:s13], [sflag:$0x1] =	stream.indirect.gather [hbm4b:s2+s9], $0x20, s9, s9, $0xb8;
	[tilespmem:$0xA40] =	vst v63  }
0x1d: {  	_ =	swait.ge [sflag:s14], $0x100  }
0x1e: {  	[sflag:s14] =	ssyncset.done $0x0  }
0x1f: {  	[sflag:s14] =	ssyncadd.s32 $0xFFFFFF00  }
0x20: {  	_ =	swait.ge [sflag:s14], $0x100  }
0x21: {  	[sflag:s14] =	ssyncset.done $0x0  }
0x22: {  	[sflag:s14] =	ssyncadd.s32 $0xFFFFFF00  }
0x23: {  	_ =	swait.ge [sflag:s14], $0x400  }
0x24: {  	[sflag:s14] =	ssyncset.done $0x0  }
0x25: {  	[sflag:s14] =	ssyncadd.s32 $0xFFFFFC00  }
0x26: {  	_ =	swait.ge [sflag:s14], $0x400  }
0x27: {  	[sflag:s14] =	ssyncset.done $0x0  }
0x28: {  	p0 =	por $0x1, $0x1;
	s16 =	simm.s32 $0x0;
	[sflag:s14] =	ssyncadd.s32 $0xFFFFFC00  }
.LBB2_2:
0x29: {  	v1 =	vor.u32 s16, v0  }
0x2a: {  	v2 =	vshll.u32 v1, $0x3;
	_ =	sdelay $0x4  }
0x2b: {  	v3 =	vld.idx.msk [tilespmem:v2+s10+$0x0], $0xffff  }
0x2c: {  	v4 =	vld.idx.msk [tilespmem:v2+s11+$0x0], $0xffff;
	_ =	sdelay $0x4  }
0x2d: {  	v3 =	vadd.f32 v4, v3  }
0x2e: {  	v1 =	vshll.u32 v1, $0x5  }
0x2f: {  	v3 =	vadd.f32 $1.000000020e-16, v3;
	_ =	sdelay $0x1  }
0x30: {  	(erf) = vrcp.f32 v3;
	_ =	sdelay $0x1  }
0x31: {  	v27 =	vld.idx.msk [tilespmem:v1+s12+$0x0], $0xffff;
	v3 =	vor.u32 $0x1, v2  }
0x32: {  	v6 =	vld.idx.msk [tilespmem:v1+s13+$0x0], $0xffff  }
0x33: {  	v5 =	vor.u32 $0x2, v2;
	_ =	sdelay $0x1  }
0x34: {  	v7 =	vor.u32 $0x3, v2  }
0x35: {  	v8 =	vld.idx.msk [tilespmem:v3+s10+$0x0], $0xffff  }
0x36: {  	v28 =	vor.u32 $0x1, v1;
	v9 =	vld.idx.msk [tilespmem:v3+s11+$0x0], $0xffff;
	v3 =	vadd.f32 v6, v27  }
0x37: {  	v10 =	vld.idx.msk [tilespmem:v5+s10+$0x0], $0xffff;
	v29 =	vpop (erf)  }
0x38: {  	v5 =	vld.idx.msk [tilespmem:v5+s11+$0x0], $0xffff;
	v11 =	vmul.f32 v3, v29  }
0x39: {  	v2 =	vld.idx.msk [tilespmem:v7+s10+$0x0], $0xffff  }
0x3a: {  	v3 =	vld.idx.msk [tilespmem:v7+s11+$0x0], $0xffff;
	[tilespmem:v1+s12+$0x0] =	vst.idx.msk $0xffff, v11  }
0x3b: {  	v30 =	vld.idx.msk [tilespmem:v28+s12+$0x0], $0xffff  }
0x3c: {  	v11 =	vld.idx.msk [tilespmem:v28+s13+$0x0], $0xffff;
	_ =	sdelay $0x4  }
0x3d: {  	v31 =	vor.u32 $0x2, v1;
	v7 =	vadd.f32 v11, v30;
	_ =	sdelay $0x1  }
0x3e: {  	v7 =	vmul.f32 v7, v29;
	_ =	sdelay $0x1  }
0x3f: {  	[tilespmem:v28+s12+$0x0] =	vst.idx.msk $0xffff, v7  }
0x40: {  	v4 =	vld.idx.msk [tilespmem:v31+s12+$0x0], $0xffff  }
0x41: {  	v7 =	vld.idx.msk [tilespmem:v31+s13+$0x0], $0xffff;
	_ =	sdelay $0x4  }
0x42: {  	v32 =	vor.u32 $0x3, v1;
	v4 =	vadd.f32 v7, v4;
	_ =	sdelay $0x1  }
0x43: {  	v4 =	vmul.f32 v4, v29;
	_ =	sdelay $0x1  }
0x44: {  	[tilespmem:v31+s12+$0x0] =	vst.idx.msk $0xffff, v4  }
0x45: {  	v4 =	vld.idx.msk [tilespmem:v32+s12+$0x0], $0xffff  }
0x46: {  	v11 =	vld.idx.msk [tilespmem:v32+s13+$0x0], $0xffff;
	_ =	sdelay $0x4  }
0x47: {  	v33 =	vor.u32 $0x4, v1;
	v4 =	vadd.f32 v11, v4;
	_ =	sdelay $0x1  }
0x48: {  	v4 =	vmul.f32 v4, v29;
	_ =	sdelay $0x1  }
0x49: {  	[tilespmem:v32+s12+$0x0] =	vst.idx.msk $0xffff, v4  }
0x4a: {  	v4 =	vld.idx.msk [tilespmem:v33+s12+$0x0], $0xffff  }
0x4b: {  	v7 =	vld.idx.msk [tilespmem:v33+s13+$0x0], $0xffff;
	_ =	sdelay $0x4  }
0x4c: {  	v34 =	vor.u32 $0x5, v1;
	v4 =	vadd.f32 v7, v4;
	_ =	sdelay $0x1  }
0x4d: {  	v4 =	vmul.f32 v4, v29;
	_ =	sdelay $0x1  }
0x4e: {  	[tilespmem:v33+s12+$0x0] =	vst.idx.msk $0xffff, v4  }
0x4f: {  	v4 =	vld.idx.msk [tilespmem:v34+s12+$0x0], $0xffff  }
0x50: {  	v11 =	vld.idx.msk [tilespmem:v34+s13+$0x0], $0xffff;
	_ =	sdelay $0x4  }
0x51: {  	v35 =	vor.u32 $0x6, v1;
	v4 =	vadd.f32 v11, v4;
	_ =	sdelay $0x1  }
0x52: {  	v4 =	vmul.f32 v4, v29;
	_ =	sdelay $0x1  }
0x53: {  	[tilespmem:v34+s12+$0x0] =	vst.idx.msk $0xffff, v4  }
0x54: {  	v4 =	vld.idx.msk [tilespmem:v35+s12+$0x0], $0xffff  }
0x55: {  	v7 =	vld.idx.msk [tilespmem:v35+s13+$0x0], $0xffff;
	_ =	sdelay $0x4  }
0x56: {  	v36 =	vor.u32 $0x7, v1;
	v4 =	vadd.f32 v7, v4;
	_ =	sdelay $0x1  }
0x57: {  	v4 =	vmul.f32 v4, v29;
	_ =	sdelay $0x1  }
0x58: {  	[tilespmem:v35+s12+$0x0] =	vst.idx.msk $0xffff, v4  }
0x59: {  	v4 =	vld.idx.msk [tilespmem:v36+s12+$0x0], $0xffff  }
0x5a: {  	v11 =	vld.idx.msk [tilespmem:v36+s13+$0x0], $0xffff;
	_ =	sdelay $0x3  }
0x5b: {  	v8 =	vadd.f32 v9, v8  }
0x5c: {  	v37 =	vor.u32 $0x8, v1;
	v4 =	vadd.f32 v11, v4  }
0x5d: {  	v8 =	vadd.f32 $1.000000020e-16, v8  }
0x5e: {  	v4 =	vmul.f32 v4, v29  }
0x5f: {  	(erf) = vrcp.f32 v8  }
0x60: {  	[tilespmem:v36+s12+$0x0] =	vst.idx.msk $0xffff, v4  }
0x61: {  	v4 =	vld.idx.msk [tilespmem:v37+s12+$0x0], $0xffff  }
0x62: {  	v38 =	vld.idx.msk [tilespmem:v37+s13+$0x0], $0xffff;
	_ =	sdelay $0x4  }
0x63: {  	v39 =	vor.u32 $0x9, v1;
	v4 =	vadd.f32 v38, v4  }
0x64: {  	v40 =	vpop (erf)  }
0x65: {  	v4 =	vmul.f32 v4, v40;
	_ =	sdelay $0x1  }
0x66: {  	[tilespmem:v37+s12+$0x0] =	vst.idx.msk $0xffff, v4  }
0x67: {  	v4 =	vld.idx.msk [tilespmem:v39+s12+$0x0], $0xffff  }
0x68: {  	v41 =	vld.idx.msk [tilespmem:v39+s13+$0x0], $0xffff;
	_ =	sdelay $0x4  }
0x69: {  	v42 =	vor.u32 $0xA, v1;
	v4 =	vadd.f32 v41, v4;
	_ =	sdelay $0x1  }
0x6a: {  	v4 =	vmul.f32 v4, v40;
	_ =	sdelay $0x1  }
0x6b: {  	[tilespmem:v39+s12+$0x0] =	vst.idx.msk $0xffff, v4  }
0x6c: {  	v4 =	vld.idx.msk [tilespmem:v42+s12+$0x0], $0xffff  }
0x6d: {  	v6 =	vld.idx.msk [tilespmem:v42+s13+$0x0], $0xffff;
	_ =	sdelay $0x4  }
0x6e: {  	v43 =	vor.u32 $0xB, v1;
	v4 =	vadd.f32 v6, v4;
	_ =	sdelay $0x1  }
0x6f: {  	v4 =	vmul.f32 v4, v40;
	_ =	sdelay $0x1  }
0x70: {  	[tilespmem:v42+s12+$0x0] =	vst.idx.msk $0xffff, v4  }
0x71: {  	v4 =	vld.idx.msk [tilespmem:v43+s12+$0x0], $0xffff  }
0x72: {  	v8 =	vld.idx.msk [tilespmem:v43+s13+$0x0], $0xffff;
	_ =	sdelay $0x4  }
0x73: {  	v44 =	vor.u32 $0xC, v1;
	v4 =	vadd.f32 v8, v4;
	_ =	sdelay $0x1  }
0x74: {  	v4 =	vmul.f32 v4, v40;
	_ =	sdelay $0x1  }
0x75: {  	[tilespmem:v43+s12+$0x0] =	vst.idx.msk $0xffff, v4  }
0x76: {  	v4 =	vld.idx.msk [tilespmem:v44+s12+$0x0], $0xffff  }
0x77: {  	v6 =	vld.idx.msk [tilespmem:v44+s13+$0x0], $0xffff;
	_ =	sdelay $0x4  }
0x78: {  	v45 =	vor.u32 $0xD, v1;
	v4 =	vadd.f32 v6, v4;
	_ =	sdelay $0x1  }
0x79: {  	v4 =	vmul.f32 v4, v40;
	_ =	sdelay $0x1  }
0x7a: {  	[tilespmem:v44+s12+$0x0] =	vst.idx.msk $0xffff, v4  }
0x7b: {  	v4 =	vld.idx.msk [tilespmem:v45+s12+$0x0], $0xffff  }
0x7c: {  	v8 =	vld.idx.msk [tilespmem:v45+s13+$0x0], $0xffff;
	_ =	sdelay $0x4  }
0x7d: {  	v46 =	vor.u32 $0xE, v1;
	v4 =	vadd.f32 v8, v4;
	_ =	sdelay $0x1  }
0x7e: {  	v4 =	vmul.f32 v4, v40;
	_ =	sdelay $0x1  }
0x7f: {  	[tilespmem:v45+s12+$0x0] =	vst.idx.msk $0xffff, v4  }
0x80: {  	v4 =	vld.idx.msk [tilespmem:v46+s12+$0x0], $0xffff  }
0x81: {  	v6 =	vld.idx.msk [tilespmem:v46+s13+$0x0], $0xffff;
	_ =	sdelay $0x4  }
0x82: {  	v47 =	vor.u32 $0xF, v1;
	v4 =	vadd.f32 v6, v4;
	_ =	sdelay $0x1  }
0x83: {  	v4 =	vmul.f32 v4, v40;
	_ =	sdelay $0x1  }
0x84: {  	[tilespmem:v46+s12+$0x0] =	vst.idx.msk $0xffff, v4  }
0x85: {  	v4 =	vld.idx.msk [tilespmem:v47+s12+$0x0], $0xffff  }
0x86: {  	v8 =	vld.idx.msk [tilespmem:v47+s13+$0x0], $0xffff;
	_ =	sdelay $0x3  }
0x87: {  	v5 =	vadd.f32 v5, v10  }
0x88: {  	v48 =	vor.u32 $0x10, v1;
	v4 =	vadd.f32 v8, v4  }
0x89: {  	v5 =	vadd.f32 $1.000000020e-16, v5  }
0x8a: {  	v4 =	vmul.f32 v4, v40  }
0x8b: {  	(erf) = vrcp.f32 v5  }
0x8c: {  	[tilespmem:v47+s12+$0x0] =	vst.idx.msk $0xffff, v4  }
0x8d: {  	v4 =	vld.idx.msk [tilespmem:v48+s12+$0x0], $0xffff  }
0x8e: {  	v49 =	vld.idx.msk [tilespmem:v48+s13+$0x0], $0xffff;
	_ =	sdelay $0x4  }
0x8f: {  	v50 =	vor.u32 $0x11, v1;
	v4 =	vadd.f32 v49, v4  }
0x90: {  	v51 =	vpop (erf)  }
0x91: {  	v4 =	vmul.f32 v4, v51;
	_ =	sdelay $0x1  }
0x92: {  	[tilespmem:v48+s12+$0x0] =	vst.idx.msk $0xffff, v4  }
0x93: {  	v4 =	vld.idx.msk [tilespmem:v50+s12+$0x0], $0xffff  }
0x94: {  	v52 =	vld.idx.msk [tilespmem:v50+s13+$0x0], $0xffff;
	_ =	sdelay $0x4  }
0x95: {  	v53 =	vor.u32 $0x12, v1;
	v4 =	vadd.f32 v52, v4;
	_ =	sdelay $0x1  }
0x96: {  	v4 =	vmul.f32 v4, v51;
	_ =	sdelay $0x1  }
0x97: {  	[tilespmem:v50+s12+$0x0] =	vst.idx.msk $0xffff, v4  }
0x98: {  	v4 =	vld.idx.msk [tilespmem:v53+s12+$0x0], $0xffff  }
0x99: {  	v5 =	vld.idx.msk [tilespmem:v53+s13+$0x0], $0xffff;
	_ =	sdelay $0x4  }
0x9a: {  	v54 =	vor.u32 $0x13, v1;
	v4 =	vadd.f32 v5, v4;
	_ =	sdelay $0x1  }
0x9b: {  	v4 =	vmul.f32 v4, v51;
	_ =	sdelay $0x1  }
0x9c: {  	[tilespmem:v53+s12+$0x0] =	vst.idx.msk $0xffff, v4  }
0x9d: {  	v4 =	vld.idx.msk [tilespmem:v54+s12+$0x0], $0xffff  }
0x9e: {  	v7 =	vld.idx.msk [tilespmem:v54+s13+$0x0], $0xffff;
	_ =	sdelay $0x4  }
0x9f: {  	v55 =	vor.u32 $0x14, v1;
	v4 =	vadd.f32 v7, v4;
	_ =	sdelay $0x1  }
0xa0: {  	v4 =	vmul.f32 v4, v51;
	_ =	sdelay $0x1  }
0xa1: {  	[tilespmem:v54+s12+$0x0] =	vst.idx.msk $0xffff, v4  }
0xa2: {  	v4 =	vld.idx.msk [tilespmem:v55+s12+$0x0], $0xffff  }
0xa3: {  	v5 =	vld.idx.msk [tilespmem:v55+s13+$0x0], $0xffff;
	_ =	sdelay $0x4  }
0xa4: {  	v56 =	vor.u32 $0x15, v1;
	v4 =	vadd.f32 v5, v4;
	_ =	sdelay $0x1  }
0xa5: {  	v4 =	vmul.f32 v4, v51;
	_ =	sdelay $0x1  }
0xa6: {  	[tilespmem:v55+s12+$0x0] =	vst.idx.msk $0xffff, v4  }
0xa7: {  	v4 =	vld.idx.msk [tilespmem:v56+s12+$0x0], $0xffff  }
0xa8: {  	v7 =	vld.idx.msk [tilespmem:v56+s13+$0x0], $0xffff;
	_ =	sdelay $0x4  }
0xa9: {  	v57 =	vor.u32 $0x16, v1;
	v4 =	vadd.f32 v7, v4;
	_ =	sdelay $0x1  }
0xaa: {  	v4 =	vmul.f32 v4, v51;
	_ =	sdelay $0x1  }
0xab: {  	[tilespmem:v56+s12+$0x0] =	vst.idx.msk $0xffff, v4  }
0xac: {  	v4 =	vld.idx.msk [tilespmem:v57+s12+$0x0], $0xffff  }
0xad: {  	v5 =	vld.idx.msk [tilespmem:v57+s13+$0x0], $0xffff;
	_ =	sdelay $0x4  }
0xae: {  	v58 =	vor.u32 $0x17, v1;
	v4 =	vadd.f32 v5, v4;
	_ =	sdelay $0x1  }
0xaf: {  	v4 =	vmul.f32 v4, v51;
	_ =	sdelay $0x1  }
0xb0: {  	[tilespmem:v57+s12+$0x0] =	vst.idx.msk $0xffff, v4  }
0xb1: {  	v4 =	vld.idx.msk [tilespmem:v58+s12+$0x0], $0xffff  }
0xb2: {  	v7 =	vld.idx.msk [tilespmem:v58+s13+$0x0], $0xffff;
	_ =	sdelay $0x3  }
0xb3: {  	v2 =	vadd.f32 v3, v2  }
0xb4: {  	v59 =	vor.u32 $0x18, v1;
	v3 =	vadd.f32 v7, v4  }
0xb5: {  	v2 =	vadd.f32 $1.000000020e-16, v2  }
0xb6: {  	v3 =	vmul.f32 v3, v51  }
0xb7: {  	(erf) = vrcp.f32 v2  }
0xb8: {  	[tilespmem:v58+s12+$0x0] =	vst.idx.msk $0xffff, v3  }
0xb9: {  	v2 =	vld.idx.msk [tilespmem:v59+s12+$0x0], $0xffff  }
0xba: {  	v3 =	vld.idx.msk [tilespmem:v59+s13+$0x0], $0xffff;
	_ =	sdelay $0x4  }
0xbb: {  	v2 =	vadd.f32 v3, v2;
	v3 =	vor.u32 $0x19, v1  }
0xbc: {  	v60 =	vpop (erf)  }
0xbd: {  	v2 =	vmul.f32 v2, v60;
	_ =	sdelay $0x1  }
0xbe: {  	[tilespmem:v59+s12+$0x0] =	vst.idx.msk $0xffff, v2  }
0xbf: {  	v2 =	vld.idx.msk [tilespmem:v3+s12+$0x0], $0xffff  }
0xc0: {  	v4 =	vld.idx.msk [tilespmem:v3+s13+$0x0], $0xffff;
	_ =	sdelay $0x4  }
0xc1: {  	v61 =	vor.u32 $0x1A, v1;
	v2 =	vadd.f32 v4, v2;
	_ =	sdelay $0x1  }
0xc2: {  	v2 =	vmul.f32 v2, v60;
	_ =	sdelay $0x1  }
0xc3: {  	[tilespmem:v3+s12+$0x0] =	vst.idx.msk $0xffff, v2  }
0xc4: {  	v2 =	vld.idx.msk [tilespmem:v61+s12+$0x0], $0xffff  }
0xc5: {  	v3 =	vld.idx.msk [tilespmem:v61+s13+$0x0], $0xffff;
	_ =	sdelay $0x4  }
0xc6: {  	v2 =	vadd.f32 v3, v2;
	v3 =	vor.u32 $0x1B, v1;
	_ =	sdelay $0x1  }
0xc7: {  	v2 =	vmul.f32 v2, v60;
	_ =	sdelay $0x1  }
0xc8: {  	[tilespmem:v61+s12+$0x0] =	vst.idx.msk $0xffff, v2  }
0xc9: {  	v2 =	vld.idx.msk [tilespmem:v3+s12+$0x0], $0xffff  }
0xca: {  	v4 =	vld.idx.msk [tilespmem:v3+s13+$0x0], $0xffff;
	_ =	sdelay $0x4  }
0xcb: {  	v62 =	vor.u32 $0x1C, v1;
	v2 =	vadd.f32 v4, v2;
	_ =	sdelay $0x1  }
0xcc: {  	v2 =	vmul.f32 v2, v60;
	_ =	sdelay $0x1  }
0xcd: {  	[tilespmem:v3+s12+$0x0] =	vst.idx.msk $0xffff, v2  }
0xce: {  	v2 =	vld.idx.msk [tilespmem:v62+s12+$0x0], $0xffff  }
0xcf: {  	v3 =	vld.idx.msk [tilespmem:v62+s13+$0x0], $0xffff;
	_ =	sdelay $0x4  }
0xd0: {  	v2 =	vadd.f32 v3, v2;
	v3 =	vor.u32 $0x1D, v1;
	_ =	sdelay $0x1  }
0xd1: {  	v2 =	vmul.f32 v2, v60;
	_ =	sdelay $0x1  }
0xd2: {  	[tilespmem:v62+s12+$0x0] =	vst.idx.msk $0xffff, v2  }
0xd3: {  	v2 =	vld.idx.msk [tilespmem:v3+s12+$0x0], $0xffff  }
0xd4: {  	v4 =	vld.idx.msk [tilespmem:v3+s13+$0x0], $0xffff;
	_ =	sdelay $0x4  }
0xd5: {  	v63 =	vor.u32 $0x1E, v1;
	v2 =	vadd.f32 v4, v2;
	_ =	sdelay $0x1  }
0xd6: {  	v2 =	vmul.f32 v2, v60;
	_ =	sdelay $0x1  }
0xd7: {  	[tilespmem:v3+s12+$0x0] =	vst.idx.msk $0xffff, v2  }
0xd8: {  	v2 =	vld.idx.msk [tilespmem:v63+s12+$0x0], $0xffff  }
0xd9: {  	v3 =	vld.idx.msk [tilespmem:v63+s13+$0x0], $0xffff;
	_ =	sdelay $0x4  }
0xda: {  	v1 =	vor.u32 $0x1F, v1;
	v2 =	vadd.f32 v3, v2;
	_ =	sdelay $0x1  }
0xdb: {  	v2 =	vmul.f32 v2, v60;
	_ =	sdelay $0x1  }
0xdc: {  	[tilespmem:v63+s12+$0x0] =	vst.idx.msk $0xffff, v2  }
0xdd: {  	v2 =	vld.idx.msk [tilespmem:v1+s12+$0x0], $0xffff  }
0xde: {  	v3 =	vld.idx.msk [tilespmem:v1+s13+$0x0], $0xffff;
	_ =	sdelay $0x3  }
0xdf: {  	p1 =	por p0, p0  }
.Ltmp0:
0xe0: {  	v2 =	vadd.f32 v3, v2;
	(pc) =	sbr.rel @p1 .LBB2_2-.Ltmp0, $3  }
0xe1: {  	_ = 	snop  }
0xe2: {  	v2 =	vmul.f32 v2, v60;
	_ =	sdelay $0x1  }
0xe3: {  	s16 =	simm.s32 $0x10;
	p0 =	por $0x0, $0x0;
	[tilespmem:v1+s12+$0x0] =	vst.idx.msk $0xffff, v2  }
0xe4: {  	s15 =	sadd.s32 $0x1, s15  }
0xe5: {  	p0 =	sne.s32 s15, s7  }
.Ltmp1:
0xe6: {  	_ = 	snop;
	(pc) =	sbr.rel @p0 .LBB2_1-.Ltmp1, $4  }
0xe7: {  	[hbm4b:s6+s3] =	stream.linear.scatter [tilespmem:s12], [sflag:$0x2], $0x400, $0x38;
	[tilespmem:$0xA40] =	vst v63  }
0xe8: {  	_ =	swait.ge [sflag:s8], $0x400  }
0xe9: {  	[sflag:s8] =	ssyncset.done $0x0  }
0xea: {  	[sflag:s8] =	ssyncadd.s32 $0xFFFFFC00  }
0xeb: {  	_ =	sfence.sel $0x180000  }
0xec: {  	[bflag:$0x0] =	sbarrier.arrive $0xFFFF  }
0xed: {  	p0 =	sne.s32 s1, $0x0;
	_ =	strace $0x9000004D  }
0xee: {  	s0 =	sadd.s32 @!p0 $0x100000, s0;
	[bflag:$0x2] =	sbarrier.arrive $0xFFFF  }
0xef: {  	[sflag:s0] =	ssyncadd.tile.s32 @!p0 $0x1;
	_ =	shalt  }
.Lfunc_end2:
_tile_overlayer_lowered:
.L_overlay_start_2:
0xf0: {  	(tag) =	ssettag $0x2  }
0xf1: {  	s0 =	rddreg [dreg:$0x0];
	s2 =	stileid.u32  }
0xf2: {  	s1 =	rddreg [dreg:$0x1];
	p0 =	sne.s32 s2, $0x0  }
0xf3: {  	s3 =	rddreg [dreg:$0x2];
	[bflag:$0x3] =	sbarrier.arrive $0xFFFF;
	s2 =	simm.s32 @!p0 $0x1C02  }
0xf4: {  	[timem:s3], [sflag:s2] =	dma.local @!p0 [hbm:s0], s1  }
0xf5: {  	s0 =	simm.s32 @!p0 $0x2  }
0xf6: {  	_ =	swait.ge @!p0 [sflag:s0], s1  }
0xf7: {  	s1 =	ssub.s32 @!p0 $0x0, s1;
	[sflag:s0] =	ssyncset.done @!p0 $0x0  }
0xf8: {  	[sflag:s0] =	ssyncadd.s32 @!p0 s1  }
0xf9: {  	[bflag:$0x3] =	sbarrier.arrive $0xFFFF  }
0xfa: {  	_ =	shalt  }

// kernel: kernel.7.cloned.1.call-start
scs
__scs_entry_jumppad:
0x0: {  	(pc) =	sbr.rel $0x88, $3  }
0x1: {  	(tag) =	ssettag $0x0;
	lr =	simm.s32 $0x1  }
0x2: {  	[smem:$0x3F98] =	sst lr;
	_ =	strace $0xD0000000  }
0x3: {  	_ = 	snop  }
0x4: {  	_ = 	snop  }
0x5: {  	_ = 	snop  }
0x6: {  	_ = 	snop  }
0x7: {  	_ = 	snop  }
__scs_overlays_trampoline_lowered:
0x8: {  	[smem:$0x3FA7] =	sst s0  }
0x9: {  	[smem:$0x3FA8] =	sst s1  }
0xa: {  	[smem:$0x3FA9] =	sst s2  }
0xb: {  	[smem:$0x3FAA] =	sst s3  }
0xc: {  	[smem:$0x3FAB] =	sst s4  }
0xd: {  	[smem:$0x3FAC] =	sst s5  }
0xe: {  	[smem:$0x3FAD] =	sst s6  }
0xf: {  	[smem:$0x3FAE] =	sst s7  }
0x10: {  	[smem:$0x3FAF] =	sst s8  }
0x11: {  	[smem:$0x3FB0] =	sst s9;
	s0 =	simm.s32 @!p0 $0x0  }
0x12: {  	s1 =	sld [smem:$0x3F96];
	s0 =	simm.s32 @p0 $0x1  }
0x13: {  	[smem:$0x3FB1] =	sst s0;
	s0 =	simm.s32 @!p1 $0x0  }
0x14: {  	s2 =	sld [smem:$0x3F95];
	s0 =	simm.s32 @p1 $0x1  }
0x15: {  	[smem:$0x3FB2] =	sst s0;
	s0 =	simm.s32 @!p2 $0x0  }
0x16: {  	s3 =	sld [smem:$0x3FDB];
	s0 =	simm.s32 @p2 $0x1  }
0x17: {  	s4 =	simm.s32 $0x1BF5;
	[smem:$0x3FB4] =	sst s0  }
0x18: {  	s0 =	sld [smem:$0x3F97];
	_ =	swait.ge [sflag:s4], $0x0  }
0x19: {  	s7 =	sld [smem:$0x3F98]  }
0x1a: {  	s8 =	sadd.s32 $0xFFFFE003, lr  }
0x1b: {  	s9 =	sadd.s32 $0xFFFFFEF7, lr;
	s5 =	simm.s32 $0xFFFFFFFF;
	p2 =	slt.u32 s8, $0xFFFFF086  }
0x1c: {  	p1 =	slt.u32 s9, $0xF7A;
	s5 =	simm.s32 @!p2 $0x0  }
0x1d: {  	s5 =	simm.s32 @p1 $0x1;
	p0 =	seq.s32 s7, s2  }
0x1e: {  	s7 =	smul.u32 @!p0 $0xF7A, s2;
	p2 =	seq.s32 @!p0 s5, $0x0  }
0x1f: {  	s9 =	smul.u32 $0xF7A, s1;
	s8 =	simm.s32 @!p0 $0x1BF5;
	p2 =	por !p2, p0  }
0x20: {  	[sflag:s8] =	ssyncset.s32 @!p0 $0xFFFFF086;
	s6 =	sadd.s32 @!p0 s3, s7;
	s7 =	simm.s32 @!p0 $0x108  }
0x21: {  	s3 =	sadd.s32 s3, s9;
	s6 =	sadd.s32 @!p0 $0x88, s6;
	s7 =	simm.s32 @p2 $0x1082  }
0x22: {  	[simem:s7], [sflag:s8] =	dma.local @!p0 [hbm:s6], $0xF7A  }
0x23: {  	s9 =	sor.u32 $0xD0000000, s2;
	s6 =	simm.s32 $0x108;
	_ =	swait.ge @!p0 [sflag:s8], $0x0  }
0x24: {  	s3 =	sadd.s32 $0x88, s3;
	s6 =	simm.s32 @!p1 $0x1082;
	[sflag:s4] =	ssyncset.s32 $0xFFFFF086  }
0x25: {  	[simem:s6], [sflag:s4] =	dma.local [hbm:s3], $0xF7A  }
0x26: {  	[smem:$0x3F98] =	sst s1;
	(tag) =	ssettag s2;
	_ =	strace s9  }
0x27: {  	s1 =	sld [smem:$0x3FA8]  }
0x28: {  	s2 =	sld [smem:$0x3FA9]  }
0x29: {  	s4 =	sld [smem:$0x3FAB]  }
0x2a: {  	p0 =	seq.s32 s5, $0x0;
	s5 =	sld [smem:$0x3FAC]  }
0x2b: {  	s6 =	sld [smem:$0x3FAD]  }
0x2c: {  	s7 =	sld [smem:$0x3FAE]  }
0x2d: {  	s3 =	simm.s32 $0x108;
	s8 =	sld [smem:$0x3FAF]  }
0x2e: {  	s3 =	simm.s32 @!p0 $0x1082;
	s9 =	sld [smem:$0x3FB0]  }
0x2f: {  	lr =	sadd.s32 s0, s3;
	s0 =	sld [smem:$0x3FA7]  }
0x30: {  	s3 =	sld [smem:$0x3FAA]  }
0x31: {  	[smem:$0x3FB3] =	sst s10  }
0x32: {  	s10 =	sld [smem:$0x3FB1];
	_ =	sdelay $0x3  }
0x33: {  	p0 =	seq.s32 s10, $0x1;
	s10 =	sld [smem:$0x3FB3];
	_ =	sdelay $0x3  }
0x34: {  	[smem:$0x3FB3] =	sst s10  }
0x35: {  	s10 =	sld [smem:$0x3FB2];
	_ =	sdelay $0x3  }
0x36: {  	p1 =	seq.s32 s10, $0x1;
	s10 =	sld [smem:$0x3FB3];
	_ =	sdelay $0x3  }
0x37: {  	[smem:$0x3FB3] =	sst s10  }
0x38: {  	s10 =	sld [smem:$0x3FB4]  }
0x39: {  	_ = 	snop;
	(pc) =	sbr.ind lr, $3  }
0x3a: {  	_ = 	snop  }
0x3b: {  	_ = 	snop  }
0x3c: {  	p2 =	seq.s32 s10, $0x1;
	s10 =	sld [smem:$0x3FB3]  }
0x3d: {  	_ =	shalt  }
0x3e: {  	_ =	shalt  }
0x3f: {  	_ =	shalt  }
0x40: {  	_ =	shalt  }
0x41: {  	_ =	shalt  }
0x42: {  	_ =	shalt  }
0x43: {  	_ =	shalt  }
0x44: {  	_ =	shalt  }
0x45: {  	_ =	shalt  }
0x46: {  	_ =	shalt  }
0x47: {  	_ =	shalt  }
0x48: {  	_ =	shalt  }
0x49: {  	_ =	shalt  }
0x4a: {  	_ =	shalt  }
0x4b: {  	_ =	shalt  }
0x4c: {  	_ =	shalt  }
0x4d: {  	_ =	shalt  }
0x4e: {  	_ =	shalt  }
0x4f: {  	_ =	shalt  }
0x50: {  	_ =	shalt  }
0x51: {  	_ =	shalt  }
0x52: {  	_ =	shalt  }
0x53: {  	_ =	shalt  }
0x54: {  	_ =	shalt  }
0x55: {  	_ =	shalt  }
0x56: {  	_ =	shalt  }
0x57: {  	_ =	shalt  }
0x58: {  	_ =	shalt  }
0x59: {  	_ =	shalt  }
0x5a: {  	_ =	shalt  }
0x5b: {  	_ =	shalt  }
0x5c: {  	_ =	shalt  }
0x5d: {  	_ =	shalt  }
0x5e: {  	_ =	shalt  }
0x5f: {  	_ =	shalt  }
0x60: {  	_ =	shalt  }
0x61: {  	_ =	shalt  }
0x62: {  	_ =	shalt  }
0x63: {  	_ =	shalt  }
0x64: {  	_ =	shalt  }
0x65: {  	_ =	shalt  }
0x66: {  	_ =	shalt  }
0x67: {  	_ =	shalt  }
0x68: {  	_ =	shalt  }
0x69: {  	_ =	shalt  }
0x6a: {  	_ =	shalt  }
0x6b: {  	_ =	shalt  }
0x6c: {  	_ =	shalt  }
0x6d: {  	_ =	shalt  }
0x6e: {  	_ =	shalt  }
0x6f: {  	_ =	shalt  }
0x70: {  	_ =	shalt  }
0x71: {  	_ =	shalt  }
0x72: {  	_ =	shalt  }
0x73: {  	_ =	shalt  }
0x74: {  	_ =	shalt  }
0x75: {  	_ =	shalt  }
0x76: {  	_ =	shalt  }
0x77: {  	_ =	shalt  }
0x78: {  	_ =	shalt  }
0x79: {  	_ =	shalt  }
0x7a: {  	_ =	shalt  }
0x7b: {  	_ =	shalt  }
0x7c: {  	_ =	shalt  }
0x7d: {  	_ =	shalt  }
0x7e: {  	_ =	shalt  }
0x7f: {  	_ =	shalt  }
0x80: {  	_ =	shalt  }
0x81: {  	_ =	shalt  }
0x82: {  	_ =	shalt  }
0x83: {  	_ =	shalt  }
0x84: {  	_ =	shalt  }
0x85: {  	_ =	shalt  }
0x86: {  	_ =	shalt  }
0x87: {  	_ =	shalt  }
.Lfunc_end0:
.L_simem_size_0:
called_computation_lowered:
.L_overlay_start_0:
0x88: {  	s2 =	sld [smem:$0x3FD9]  }
0x89: {  	s3 =	sld [smem:$0x3FFE];
	_ =	sdelay $0x1  }
0x8a: {  	s1 =	srdreg.scid  }
0x8b: {  	s0 =	sand.u32 $0x1, s1  }
0x8c: {  	s17 =	sshll.u32 s0, $0xA;
	s2 =	sadd.s32 s3, s2  }
0x8d: {  	s2 =	sadd.s32 s2, s17  }
0x8e: {  	[smem:$0x3FBF] =	sst s2  }
0x8f: {  	_ = 	snop  }
0x90: {  	s2 =	sld [smem:$0x3FC7]  }
0x91: {  	s18 =	sld [smem:$0x3FD0];
	(tm) =	ssettm $0x1  }
0x92: {  	s4 =	sld [smem:$0x3FFB];
	_ =	sdelay $0x3  }
0x93: {  	_ =	strace s4  }
0x94: {  	s4 =	sld [smem:$0x3FFC];
	_ =	sdelay $0x3  }
0x95: {  	_ =	strace s4  }
0x96: {  	s4 =	sld [smem:$0x3FFD];
	_ =	sdelay $0x3  }
0x97: {  	_ =	strace s4  }
0x98: {  	_ =	strace $0x8FFFFFFF  }
0x99: {  	s19 =	sld [smem:$0x3FDB];
	_ =	sdelay $0x1  }
0x9a: {  	s5 =	simm.s32 $_scs_section_size  }
0x9b: {  	s6 =	simm.s32 $_size__tile_overlayer_lowered;
	s7 =	simm.s32 $_tile_overlayer_lowered  }
0x9c: {  	s22 =	simm.s32 $0x1BFF;
	s21 =	sshll.u32 s7, $0x1;
	s4 =	sadd.s32 s5, s19  }
0x9d: {  	s8 =	simm.s32 $0x0;
	s20 =	sshll.u32 s6, $0x1;
	s6 =	sadd.s32 s21, s4  }
0x9e: {  	[timem:s8], [sflag:s22] =	dma.local [hbm:s6], s20  }
0x9f: {  	_ =	swait.ge [sflag:s22], s20  }
0xa0: {  	s5 =	ssub.s32 $0x0, s20;
	[sflag:s22] =	ssyncset.done $0x0  }
0xa1: {  	[sflag:s22] =	ssyncadd.s32 s5;
	_ =	sdelay $0x1  }
0xa2: {  	s23 =	simm.s32 $0x1B8B  }
0xa3: {  	_ =	swait.ge [sflag:s23], $0x1  }
0xa4: {  	[sflag:s23] =	ssyncset.done $0x0  }
0xa5: {  	s25 =	simm.s32 $0x1B8E;
	s24 =	sld [smem:$0x3FFE];
	[sflag:s23] =	ssyncadd.s32 $0xFFFFFFFF  }
0xa6: {  	s26 =	simm.s32 $execute0_lowered;
	[smem:$0x3FD2] =	sst s25  }
0xa7: {  	s6 =	sshll.u32 s26, $0x1;
	_ =	strace $0x80000046;
	[dreg:$0x1] =	wrdreg $0xFFFFFFFF  }
0xa8: {  	s28 =	simm.s32 $_size_execute0_lowered;
	s4 =	sadd.s32 s4, s6;
	[dreg:$0x0] =	wrdreg $0x0  }
0xa9: {  	s6 =	sshll.u32 s28, $0x1;
	[dreg:$0x2] =	wrdreg s4  }
0xaa: {  	[dreg:$0x3] =	wrdreg s6  }
0xab: {  	[dreg:$0x4] =	wrdreg $0xC0  }
0xac: {  	_ =	task [dreg:s8], $0x5FFFF  }
0xad: {  	[dreg:$0x1] =	wrdreg $0xFFFFFFFF  }
0xae: {  	[dreg:$0x0] =	wrdreg $0x60  }
0xaf: {  	[dreg:$0x2] =	wrdreg s24  }
0xb0: {  	[dreg:$0x3] =	wrdreg s18  }
0xb1: {  	[dreg:$0x4] =	wrdreg s2  }
0xb2: {  	[dreg:$0x5] =	wrdreg $0x9  }
0xb3: {  	_ =	task.clear_ibuf [dreg:s8], $0x6FFFF;
	_ =	strace $0x90000046  }
0xb4: {  	s29 =	simm.s32 $0x9;
	_ =	strace $0x80000048  }
0xb5: {  	_ =	swait.ge [sflag:s29], $0x1  }
0xb6: {  	[sflag:s29] =	ssyncadd.s32 $0xFFFFFFFF  }
0xb7: {  	_ =	strace $0x90000048  }
0xb8: {  	_ =	sfence  }
0xb9: {  	s30 =	sld [smem:$0x0];
	_ =	sdelay $0x2  }
0xba: {  	s31 =	sshll.u32 s1, $0xD;
	s1 =	sshrl.u32 s1, $0x2  }
0xbb: {  	s3 =	sand.u32 $0x4000, s31;
	s1 =	sadd.s32 s1, s30  }
0xbc: {  	s0 =	sor.u32 s3, s0;
	s1 =	sshll.u32 s1, $0x11  }
0xbd: {  	s0 =	sor.u32 s1, s0  }
0xbe: {  	s0 =	sadd.s32 $0x8F2B, s0  }
0xbf: {  	[sflag:s0] =	ssyncadd.remote.s32 $0x1  }
0xc0: {  	_ =	sfence.sel $0xFFFF  }
0xc1: {  	[dreg:$0x0] =	wrdreg $0xFFFFFFFF;
	(pc) =	sbr.abs _section_cstart, $3  }
0xc2: {  	[dreg:$0x1] =	wrdreg $0xFFFFFFFF  }
0xc3: {  	_ =	task.clear_ibuf [dreg:s8], $0x2FFFF;
	_ =	strace $0x9FFFFFFF  }
0xc4: {  	(tm) =	ssettm $0x7FFFFFFF  }
0xc5: {  	_ =	shalt  }
tec
execute0_lowered:
.L_overlay_start_1:
0x0: {  	(tag) =	ssettag $0x1  }
0x1: {  	s0 =	rddreg [dreg:$0x0]  }
0x2: {  	s1 =	srdreg.scid;
	s5 =	stileid.u32  }
0x3: {  	s4 =	simm.s32 $0x0;
	s28 =	simm.s32 $0xC350;
	s29 =	simm.s32 $0xCB20  }
0x4: {  	s30 =	simm.s32 $0xD2F0;
	s31 =	simm.s32 $0xDAC0;
	s11 =	simm.s32 $0x1  }
0x5: {  	s1 =	sand.u32 $0x1, s1;
	s2 =	smul.u32 $0x18800, s5;
	[smem:$0x7FF] =	sst s4  }
0x6: {  	s5 =	sshll.u32 s5, $0x1;
	s10 =	sadd.s32 $0x95600, s0;
	s3 =	smul.u32 $0xC400, s1  }
0x7: {  	_ =	strace $0x80000047;
	s15 =	sor.u32 s1, s5;
	s5 =	sadd.s32 $0x2800, s0  }
0x8: {  	s1 =	ssub.s32 $0x2, s1;
	[dreg:$0x5] =	wrdreg s10;
	s10 =	simm.s32 $0x109A0  }
0x9: {  	s7 =	smul.u32 $0xC350, s15;
	s6 =	sshll.u32 s15, $0x1;
	s9 =	sshrl.u32 s1, $0x1  }
0xa: {  	p0 =	sne.s32 s15, $0x0;
	s15 =	simm.s32 $0x11170;
	s2 =	sadd.s32 s3, s2  }
0xb: {  	s8 =	sadd.s32 s6, s0;
	s1 =	ssub.s32 s1, s9;
	s9 =	sadd.s32 $0x33540, s0  }
0xc: {  	s3 =	simm.s32 $0xF230;
	s2 =	sshrl.u32 s2, $0x3;
	s16 =	sshrl.u32 s7, $0x3  }
0xd: {  	s24 =	sadd.s32 $0x95400, s8;
	s25 =	smax.u32 s1, $0x1;
	[dreg:$0x4] =	wrdreg s16  }
0xe: {  	s1 =	simm.s32 $0xE290;
	s8 =	simm.s32 $0x0;
	[dreg:$0xf] =	wrdreg s24  }
0xf: {  	s2 =	sadd.s32 s2, s0;
	s18 =	sadd.s32 s5, s16;
	[dreg:$0x10] =	wrdreg s25  }
0x10: {  	s17 =	sadd.s32 $0xFA, s16;
	s20 =	sadd.s32 $0x1F4, s16;
	[dreg:$0x7] =	wrdreg s18  }
0x11: {  	s21 =	sadd.s32 $0x2EE, s16;
	s6 =	sadd.s32 $0x3E8, s16;
	[dreg:$0x6] =	wrdreg s17  }
0x12: {  	s16 =	simm.s32 $0x2;
	s24 =	simm.s32 $0x5;
	[dreg:$0x9] =	wrdreg s20  }
0x13: {  	s19 =	sadd.s32 s5, s17;
	s0 =	sadd.s32 s5, s20;
	[dreg:$0xa] =	wrdreg s21  }
0x14: {  	s22 =	sadd.s32 s5, s21;
	[dreg:$0xb] =	wrdreg s6;
	s23 =	sadd.s32 s5, s6  }
0x15: {  	s18 =	sadd.s32 $0x2710, s7;
	s20 =	sadd.s32 $0x36B0, s7;
	[dreg:$0x8] =	wrdreg s19  }
.Ltmp0:
0x16: {  	s21 =	sadd.s32 $0x3E80, s7;
	[dreg:$0xc] =	wrdreg s0;
	(pc) =	sbr.rel .LBB2_1-.Ltmp0, $4  }
0x17: {  	s26 =	sadd.s32 $0x64400, s2;
	s2 =	simm.s32 $0x101D0;
	[dreg:$0xd] =	wrdreg s22  }
0x18: {  	s17 =	simm.s32 $0x3;
	[dreg:$0xe] =	wrdreg s23;
	s19 =	sadd.s32 $0x2EE0, s7  }
0x19: {  	s22 =	sadd.s32 $0x4650, s7;
	[dreg:$0x11] =	wrdreg s26;
	s26 =	simm.s32 $0x6  }
0x1a: {  	v0 =	vimm.s32 $0x0;
	v1 =	vlaneseq.u32;
	s0 =	simm.s32 $0xEA60;
	s7 =	simm.s32 $0xFA00;
	s23 =	simm.s32 $0x4  }
.LBB2_30:
0x1b: {  	v3 =	vld [tilespmem:s13+$0x1D6C0];
	_ =	sdelay $0x6  }
0x1c: {  	[tilespmem:s12+$0x1DAC0] =	vst v2  }
0x1d: {  	v2 =	vld.idx.msk [tilespmem:v3+s4+$0x0], $0xffff;
	_ =	sdelay $0x4  }
0x1e: {  	s6 =	rddreg [dreg:$0x5];
	s25 =	simm.s32 $0x1DAC0;
	[tilespmem:s13+$0x1DAC0] =	vst v2  }
0x1f: {  	[hbm4b:s6+s4] =	stream.linear.scatter [tilespmem:s25], [sflag:$0x6], $0x400, $0x38;
	[tilespmem:$0x1DED0] =	vst v63  }
0x20: {  	_ =	swait.ge [sflag:s26], $0x400  }
0x21: {  	[sflag:s26] =	ssyncset.done $0x0  }
0x22: {  	[sflag:s26] =	ssyncadd.s32 $0xFFFFFC00  }
.LBB2_31:
0x23: {  	s8 =	sadd.s32 $0x1, s8;
	s6 =	rddreg [dreg:$0x10]  }
0x24: {  	p1 =	sne.s32 s8, s6  }
.Ltmp1:
0x25: {  	_ = 	snop;
	(pc) =	sbr.rel @!p1 .LBB2_32-.Ltmp1, $1  }
0x26: {  	_ =	sdelay $0x3  }
.LBB2_1:
0x27: {  	s6 =	rddreg [dreg:$0x1]  }
0x28: {  	[tilespmem:s4], [sflag:$0x6] =	stream.linear.gather [hbm4b:s6+s4], $0xC350, $0x38;
	[tilespmem:$0x1DED0] =	vst v63  }
0x29: {  	_ =	swait.ge [sflag:s26], $0xC350  }
0x2a: {  	[sflag:s26] =	ssyncset.done $0x0;
	s25 =	rddreg [dreg:$0x4]  }
0x2b: {  	s13 =	rddreg [dreg:$0x6];
	[sflag:s26] =	ssyncadd.s32 $0xFFFF3CB0;
	s12 =	sadd.s32 s25, s9  }
0x2c: {  	[tilespmem:s28], [sflag:$0x1] =	stream.linear.gather [hbm4b:s12+s4], $0x7D0, $0x38;
	[tilespmem:$0x1DED0] =	vst v63  }
0x2d: {  	s12 =	rddreg [dreg:$0x7]  }
0x2e: {  	[tilespmem:s29], [sflag:$0x1] =	stream.linear.gather [hbm4b:s12+s4], $0x7D0, $0x38;
	[tilespmem:$0x1DED0] =	vst v63  }
0x2f: {  	s14 =	sadd.s32 s13, s9;
	s25 =	rddreg [dreg:$0x8]  }
0x30: {  	[tilespmem:s30], [sflag:$0x2] =	stream.linear.gather [hbm4b:s14+s4], $0x7D0, $0x38;
	[tilespmem:$0x1DED0] =	vst v63  }
0x31: {  	s12 =	rddreg [dreg:$0x9]  }
0x32: {  	[tilespmem:s31], [sflag:$0x2] =	stream.linear.gather [hbm4b:s25+s4], $0x7D0, $0x38;
	[tilespmem:$0x1DED0] =	vst v63  }
0x33: {  	s13 =	sadd.s32 s12, s9;
	s14 =	rddreg [dreg:$0xc]  }
0x34: {  	[tilespmem:s1], [sflag:$0x3] =	stream.linear.gather [hbm4b:s13+s4], $0x7D0, $0x38;
	[tilespmem:$0x1DED0] =	vst v63  }
0x35: {  	s25 =	rddreg [dreg:$0xa]  }
0x36: {  	[tilespmem:s0], [sflag:$0x3] =	stream.linear.gather [hbm4b:s14+s4], $0x7D0, $0x38;
	[tilespmem:$0x1DED0] =	vst v63  }
0x37: {  	s12 =	rddreg [dreg:$0xd];
	s6 =	sadd.s32 s25, s9  }
0x38: {  	[tilespmem:s3], [sflag:$0x4] =	stream.linear.gather [hbm4b:s6+s4], $0x7D0, $0x38;
	[tilespmem:$0x1DED0] =	vst v63  }
0x39: {  	s13 =	rddreg [dreg:$0xb]  }
0x3a: {  	[tilespmem:s7], [sflag:$0x4] =	stream.linear.gather [hbm4b:s12+s4], $0x7D0, $0x38;
	[tilespmem:$0x1DED0] =	vst v63  }
0x3b: {  	s14 =	sadd.s32 s13, s9  }
0x3c: {  	[tilespmem:s2], [sflag:$0x5] =	stream.linear.gather [hbm4b:s14+s4], $0x7D0, $0x38;
	[tilespmem:$0x1DED0] =	vst v63  }
0x3d: {  	s25 =	rddreg [dreg:$0xe];
	s12 =	simm.s32 $0x0  }
0x3e: {  	v2 =	vimm.s32 $0x0;
	[tilespmem:s10], [sflag:$0x5] =	stream.linear.gather [hbm4b:s25+s4], $0x7D0, $0x38;
	[tilespmem:$0x1DED0] =	vst v63  }
.LBB2_2:
0x3f: {  	_ =	swait.ge [sflag:s11], $0x7D0  }
0x40: {  	[sflag:s11] =	ssyncset.done $0x0  }
0x41: {  	[sflag:s11] =	ssyncadd.s32 $0xFFFFF830  }
0x42: {  	_ =	swait.ge [sflag:s11], $0x7D0  }
0x43: {  	[sflag:s11] =	ssyncset.done $0x0  }
0x44: {  	s13 =	simm.s32 $0x0;
	[sflag:s11] =	ssyncadd.s32 $0xFFFFF830  }
.LBB2_3:
0x45: {  	s14 =	sshra.s32 s13, $0x2  }
0x46: {  	v3 =	vld [tilespmem:s14+$0xC350];
	_ =	sdelay $0x7  }
0x47: {  	v3 =	vld.idx.msk [tilespmem:v3+s4+$0x0], $0xffff;
	_ =	sdelay $0x4  }
0x48: {  	vm0 =	vgt.s32 v3, $0xFFFFFFFF  }
0x49: {  	v4 =	vsel vm0, $0x1, v0  }
0x4a: {  	(xrf0) =	vadd.scan.msk.s32 $0xffff, v4;
	_ =	sdelay $0x5  }
0x4b: {  	v47 =	vld [tilespmem:s14+$0xCB20];
	v5, _, _ =	vpop (xrf0)  }
0x4c: {  	v5 =	vadd.s32 v5, v2  }
0x4d: {  	v5 =	vadd.s32 $0xFFFFFFFF, v5;
	_ =	sdelay $0x2  }
0x4e: {  	v4 =	vshll.u32 v47, $0xA  }
0x4f: {  	v3 =	vadd.s32 v3, v4  }
0x50: {  	[tilespmem:v5+s15+$0x0] =	vst.idx.msk vm0, v3  }
0x51: {  	v3 =	vld [tilespmem:s14+$0xC360];
	_ =	sdelay $0x7  }
0x52: {  	v3 =	vld.idx.msk [tilespmem:v3+s4+$0x0], $0xffff;
	_ =	sdelay $0x4  }
0x53: {  	vm1 =	vgt.s32 v3, $0xFFFFFFFF  }
0x54: {  	v48 =	vsel vm1, $0x1, v0  }
0x55: {  	(xrf0) =	vadd.scan.msk.s32 $0xffff, v48;
	_ =	sdelay $0x3  }
0x56: {  	v49 =	vmpcnt.ones.xlane vm0;
	_ =	sdelay $0x1  }
0x57: {  	v2 =	vadd.s32 v2, v49;
	v50 =	vld [tilespmem:s14+$0xCB30];
	v51, _, _ =	vpop (xrf0)  }
0x58: {  	v5 =	vadd.s32 v51, v2  }
0x59: {  	v5 =	vadd.s32 $0xFFFFFFFF, v5;
	_ =	sdelay $0x2  }
0x5a: {  	v4 =	vshll.u32 v50, $0xA  }
0x5b: {  	v3 =	vadd.s32 v3, v4  }
0x5c: {  	[tilespmem:v5+s15+$0x0] =	vst.idx.msk vm1, v3  }
0x5d: {  	v3 =	vld [tilespmem:s14+$0xC370];
	_ =	sdelay $0x7  }
0x5e: {  	v3 =	vld.idx.msk [tilespmem:v3+s4+$0x0], $0xffff;
	_ =	sdelay $0x4  }
0x5f: {  	vm13 =	vgt.s32 v3, $0xFFFFFFFF  }
0x60: {  	v52 =	vsel vm13, $0x1, v0  }
0x61: {  	(xrf0) =	vadd.scan.msk.s32 $0xffff, v52;
	_ =	sdelay $0x3  }
0x62: {  	v53 =	vmpcnt.ones.xlane vm1;
	_ =	sdelay $0x1  }
0x63: {  	v2 =	vadd.s32 v2, v53;
	v54 =	vld [tilespmem:s14+$0xCB40];
	v55, _, _ =	vpop (xrf0)  }
0x64: {  	v5 =	vadd.s32 v55, v2  }
0x65: {  	v5 =	vadd.s32 $0xFFFFFFFF, v5;
	_ =	sdelay $0x2  }
0x66: {  	v4 =	vshll.u32 v54, $0xA  }
0x67: {  	v3 =	vadd.s32 v3, v4  }
0x68: {  	[tilespmem:v5+s15+$0x0] =	vst.idx.msk vm13, v3  }
0x69: {  	v3 =	vld [tilespmem:s14+$0xC380];
	_ =	sdelay $0x7  }
0x6a: {  	v3 =	vld.idx.msk [tilespmem:v3+s4+$0x0], $0xffff;
	_ =	sdelay $0x4  }
0x6b: {  	vm14 =	vgt.s32 v3, $0xFFFFFFFF  }
0x6c: {  	v56 =	vsel vm14, $0x1, v0  }
0x6d: {  	(xrf0) =	vadd.scan.msk.s32 $0xffff, v56;
	_ =	sdelay $0x3  }
0x6e: {  	v57 =	vmpcnt.ones.xlane vm13;
	_ =	sdelay $0x1  }
0x6f: {  	v2 =	vadd.s32 v2, v57;
	v58 =	vld [tilespmem:s14+$0xCB50];
	v59, _, _ =	vpop (xrf0)  }
0x70: {  	v5 =	vadd.s32 v59, v2  }
0x71: {  	v5 =	vadd.s32 $0xFFFFFFFF, v5;
	_ =	sdelay $0x2  }
0x72: {  	v4 =	vshll.u32 v58, $0xA  }
0x73: {  	v3 =	vadd.s32 v3, v4  }
0x74: {  	[tilespmem:v5+s15+$0x0] =	vst.idx.msk vm14, v3  }
0x75: {  	v3 =	vld [tilespmem:s14+$0xC390];
	_ =	sdelay $0x7  }
0x76: {  	v3 =	vld.idx.msk [tilespmem:v3+s4+$0x0], $0xffff;
	_ =	sdelay $0x4  }
0x77: {  	vm15 =	vgt.s32 v3, $0xFFFFFFFF  }
0x78: {  	v60 =	vsel vm15, $0x1, v0  }
0x79: {  	(xrf0) =	vadd.scan.msk.s32 $0xffff, v60;
	_ =	sdelay $0x3  }
0x7a: {  	v61 =	vmpcnt.ones.xlane vm14;
	_ =	sdelay $0x1  }
0x7b: {  	v2 =	vadd.s32 v2, v61;
	v62 =	vld [tilespmem:s14+$0xCB60];
	v63, _, _ =	vpop (xrf0)  }
0x7c: {  	v5 =	vadd.s32 v63, v2  }
0x7d: {  	p1 =	sne.s32 s13, $0x1E00;
	v5 =	vadd.s32 $0xFFFFFFFF, v5  }
.Ltmp2:
0x7e: {  	_ = 	snop;
	(pc) =	sbr.rel @p1 .LBB2_3-.Ltmp2, $4  }
0x7f: {  	_ = 	snop  }
0x80: {  	v4 =	vshll.u32 v62, $0xA;
	v6 =	vmpcnt.ones.xlane vm15  }
0x81: {  	v3 =	vadd.s32 v3, v4  }
0x82: {  	s13 =	sadd.s32 $0x140, s13;
	v2 =	vadd.s32 v2, v6;
	[tilespmem:v5+s15+$0x0] =	vst.idx.msk vm15, v3  }
0x83: {  	s13 =	smul.u32 $0x2710, s12;
	_ =	sdelay $0x1  }
0x84: {  	s14 =	sadd.s32 s13, s18  }
0x85: {  	s6 =	sshrl.u32 s14, $0x3  }
0x86: {  	s14 =	simm.s32 $0x0;
	s25 =	sadd.s32 s9, s6  }
0x87: {  	[tilespmem:s28], [sflag:$0x1] =	stream.linear.gather [hbm4b:s25+s14], $0x7D0, $0x38;
	[tilespmem:$0x1DED0] =	vst v63  }
0x88: {  	s6 =	sadd.s32 s5, s6  }
0x89: {  	[tilespmem:s29], [sflag:$0x1] =	stream.linear.gather [hbm4b:s6+s14], $0x7D0, $0x38;
	[tilespmem:$0x1DED0] =	vst v63  }
0x8a: {  	_ =	swait.ge [sflag:s16], $0x7D0  }
0x8b: {  	[sflag:s16] =	ssyncset.done $0x0  }
0x8c: {  	[sflag:s16] =	ssyncadd.s32 $0xFFFFF830  }
0x8d: {  	_ =	swait.ge [sflag:s16], $0x7D0  }
0x8e: {  	[sflag:s16] =	ssyncset.done $0x0  }
0x8f: {  	[sflag:s16] =	ssyncadd.s32 $0xFFFFF830  }
.LBB2_5:
0x90: {  	s6 =	sshra.s32 s14, $0x2  }
0x91: {  	v3 =	vld [tilespmem:s6+$0xD2F0];
	_ =	sdelay $0x7  }
0x92: {  	v3 =	vld.idx.msk [tilespmem:v3+s4+$0x0], $0xffff;
	_ =	sdelay $0x4  }
0x93: {  	vm0 =	vgt.s32 v3, $0xFFFFFFFF  }
0x94: {  	v4 =	vsel vm0, $0x1, v0  }
0x95: {  	(xrf0) =	vadd.scan.msk.s32 $0xffff, v4;
	_ =	sdelay $0x5  }
0x96: {  	v47 =	vld [tilespmem:s6+$0xDAC0];
	v5, _, _ =	vpop (xrf0)  }
0x97: {  	v5 =	vadd.s32 v5, v2  }
0x98: {  	v5 =	vadd.s32 $0xFFFFFFFF, v5;
	_ =	sdelay $0x2  }
0x99: {  	v4 =	vshll.u32 v47, $0xA  }
0x9a: {  	v3 =	vadd.s32 v3, v4  }
0x9b: {  	[tilespmem:v5+s15+$0x0] =	vst.idx.msk vm0, v3  }
0x9c: {  	v3 =	vld [tilespmem:s6+$0xD300];
	_ =	sdelay $0x7  }
0x9d: {  	v3 =	vld.idx.msk [tilespmem:v3+s4+$0x0], $0xffff;
	_ =	sdelay $0x4  }
0x9e: {  	vm1 =	vgt.s32 v3, $0xFFFFFFFF  }
0x9f: {  	v48 =	vsel vm1, $0x1, v0  }
0xa0: {  	(xrf0) =	vadd.scan.msk.s32 $0xffff, v48;
	_ =	sdelay $0x3  }
0xa1: {  	v49 =	vmpcnt.ones.xlane vm0;
	_ =	sdelay $0x1  }
0xa2: {  	v2 =	vadd.s32 v2, v49;
	v50 =	vld [tilespmem:s6+$0xDAD0];
	v51, _, _ =	vpop (xrf0)  }
0xa3: {  	v5 =	vadd.s32 v51, v2  }
0xa4: {  	v5 =	vadd.s32 $0xFFFFFFFF, v5;
	_ =	sdelay $0x2  }
0xa5: {  	v4 =	vshll.u32 v50, $0xA  }
0xa6: {  	v3 =	vadd.s32 v3, v4  }
0xa7: {  	[tilespmem:v5+s15+$0x0] =	vst.idx.msk vm1, v3  }
0xa8: {  	v3 =	vld [tilespmem:s6+$0xD310];
	_ =	sdelay $0x7  }
0xa9: {  	v3 =	vld.idx.msk [tilespmem:v3+s4+$0x0], $0xffff;
	_ =	sdelay $0x4  }
0xaa: {  	vm13 =	vgt.s32 v3, $0xFFFFFFFF  }
0xab: {  	v52 =	vsel vm13, $0x1, v0  }
0xac: {  	(xrf0) =	vadd.scan.msk.s32 $0xffff, v52;
	_ =	sdelay $0x3  }
0xad: {  	v53 =	vmpcnt.ones.xlane vm1;
	_ =	sdelay $0x1  }
0xae: {  	v2 =	vadd.s32 v2, v53;
	v54 =	vld [tilespmem:s6+$0xDAE0];
	v55, _, _ =	vpop (xrf0)  }
0xaf: {  	v5 =	vadd.s32 v55, v2  }
0xb0: {  	v5 =	vadd.s32 $0xFFFFFFFF, v5;
	_ =	sdelay $0x2  }
0xb1: {  	v4 =	vshll.u32 v54, $0xA  }
0xb2: {  	v3 =	vadd.s32 v3, v4  }
0xb3: {  	[tilespmem:v5+s15+$0x0] =	vst.idx.msk vm13, v3  }
0xb4: {  	v3 =	vld [tilespmem:s6+$0xD320];
	_ =	sdelay $0x7  }
0xb5: {  	v3 =	vld.idx.msk [tilespmem:v3+s4+$0x0], $0xffff;
	_ =	sdelay $0x4  }
0xb6: {  	vm14 =	vgt.s32 v3, $0xFFFFFFFF  }
0xb7: {  	v56 =	vsel vm14, $0x1, v0  }
0xb8: {  	(xrf0) =	vadd.scan.msk.s32 $0xffff, v56;
	_ =	sdelay $0x3  }
0xb9: {  	v57 =	vmpcnt.ones.xlane vm13;
	_ =	sdelay $0x1  }
0xba: {  	v2 =	vadd.s32 v2, v57;
	v58 =	vld [tilespmem:s6+$0xDAF0];
	v59, _, _ =	vpop (xrf0)  }
0xbb: {  	v5 =	vadd.s32 v59, v2  }
0xbc: {  	v5 =	vadd.s32 $0xFFFFFFFF, v5;
	_ =	sdelay $0x2  }
0xbd: {  	v4 =	vshll.u32 v58, $0xA  }
0xbe: {  	v3 =	vadd.s32 v3, v4  }
0xbf: {  	[tilespmem:v5+s15+$0x0] =	vst.idx.msk vm14, v3  }
0xc0: {  	v3 =	vld [tilespmem:s6+$0xD330];
	_ =	sdelay $0x7  }
0xc1: {  	v3 =	vld.idx.msk [tilespmem:v3+s4+$0x0], $0xffff;
	_ =	sdelay $0x4  }
0xc2: {  	vm15 =	vgt.s32 v3, $0xFFFFFFFF  }
0xc3: {  	v60 =	vsel vm15, $0x1, v0  }
0xc4: {  	(xrf0) =	vadd.scan.msk.s32 $0xffff, v60;
	_ =	sdelay $0x3  }
0xc5: {  	v61 =	vmpcnt.ones.xlane vm14;
	_ =	sdelay $0x1  }
0xc6: {  	v2 =	vadd.s32 v2, v61;
	v62 =	vld [tilespmem:s6+$0xDB00];
	v63, _, _ =	vpop (xrf0)  }
0xc7: {  	v5 =	vadd.s32 v63, v2  }
0xc8: {  	p1 =	sne.s32 s14, $0x1E00;
	v5 =	vadd.s32 $0xFFFFFFFF, v5  }
.Ltmp3:
0xc9: {  	_ = 	snop;
	(pc) =	sbr.rel @p1 .LBB2_5-.Ltmp3, $4  }
0xca: {  	_ = 	snop  }
0xcb: {  	v4 =	vshll.u32 v62, $0xA;
	v6 =	vmpcnt.ones.xlane vm15  }
0xcc: {  	v3 =	vadd.s32 v3, v4  }
0xcd: {  	s14 =	sadd.s32 $0x140, s14;
	v2 =	vadd.s32 v2, v6;
	[tilespmem:v5+s15+$0x0] =	vst.idx.msk vm15, v3  }
0xce: {  	s6 =	sadd.s32 s13, s19  }
0xcf: {  	s6 =	sshrl.u32 s6, $0x3  }
0xd0: {  	s14 =	simm.s32 $0x0;
	s25 =	sadd.s32 s9, s6  }
0xd1: {  	[tilespmem:s30], [sflag:$0x2] =	stream.linear.gather [hbm4b:s25+s14], $0x7D0, $0x38;
	[tilespmem:$0x1DED0] =	vst v63  }
0xd2: {  	s6 =	sadd.s32 s5, s6  }
0xd3: {  	[tilespmem:s31], [sflag:$0x2] =	stream.linear.gather [hbm4b:s6+s14], $0x7D0, $0x38;
	[tilespmem:$0x1DED0] =	vst v63  }
0xd4: {  	_ =	swait.ge [sflag:s17], $0x7D0  }
0xd5: {  	[sflag:s17] =	ssyncset.done $0x0  }
0xd6: {  	[sflag:s17] =	ssyncadd.s32 $0xFFFFF830  }
0xd7: {  	_ =	swait.ge [sflag:s17], $0x7D0  }
0xd8: {  	[sflag:s17] =	ssyncset.done $0x0  }
0xd9: {  	[sflag:s17] =	ssyncadd.s32 $0xFFFFF830  }
.LBB2_7:
0xda: {  	s6 =	sshra.s32 s14, $0x2  }
0xdb: {  	v3 =	vld [tilespmem:s6+$0xE290];
	_ =	sdelay $0x7  }
0xdc: {  	v3 =	vld.idx.msk [tilespmem:v3+s4+$0x0], $0xffff;
	_ =	sdelay $0x4  }
0xdd: {  	vm0 =	vgt.s32 v3, $0xFFFFFFFF  }
0xde: {  	v4 =	vsel vm0, $0x1, v0  }
0xdf: {  	(xrf0) =	vadd.scan.msk.s32 $0xffff, v4;
	_ =	sdelay $0x5  }
0xe0: {  	v47 =	vld [tilespmem:s6+$0xEA60];
	v5, _, _ =	vpop (xrf0)  }
0xe1: {  	v5 =	vadd.s32 v5, v2  }
0xe2: {  	v5 =	vadd.s32 $0xFFFFFFFF, v5;
	_ =	sdelay $0x2  }
0xe3: {  	v4 =	vshll.u32 v47, $0xA  }
0xe4: {  	v3 =	vadd.s32 v3, v4  }
0xe5: {  	[tilespmem:v5+s15+$0x0] =	vst.idx.msk vm0, v3  }
0xe6: {  	v3 =	vld [tilespmem:s6+$0xE2A0];
	_ =	sdelay $0x7  }
0xe7: {  	v3 =	vld.idx.msk [tilespmem:v3+s4+$0x0], $0xffff;
	_ =	sdelay $0x4  }
0xe8: {  	vm1 =	vgt.s32 v3, $0xFFFFFFFF  }
0xe9: {  	v48 =	vsel vm1, $0x1, v0  }
0xea: {  	(xrf0) =	vadd.scan.msk.s32 $0xffff, v48;
	_ =	sdelay $0x3  }
0xeb: {  	v49 =	vmpcnt.ones.xlane vm0;
	_ =	sdelay $0x1  }
0xec: {  	v2 =	vadd.s32 v2, v49;
	v50 =	vld [tilespmem:s6+$0xEA70];
	v51, _, _ =	vpop (xrf0)  }
0xed: {  	v5 =	vadd.s32 v51, v2  }
0xee: {  	v5 =	vadd.s32 $0xFFFFFFFF, v5;
	_ =	sdelay $0x2  }
0xef: {  	v4 =	vshll.u32 v50, $0xA  }
0xf0: {  	v3 =	vadd.s32 v3, v4  }
0xf1: {  	[tilespmem:v5+s15+$0x0] =	vst.idx.msk vm1, v3  }
0xf2: {  	v3 =	vld [tilespmem:s6+$0xE2B0];
	_ =	sdelay $0x7  }
0xf3: {  	v3 =	vld.idx.msk [tilespmem:v3+s4+$0x0], $0xffff;
	_ =	sdelay $0x4  }
0xf4: {  	vm13 =	vgt.s32 v3, $0xFFFFFFFF  }
0xf5: {  	v52 =	vsel vm13, $0x1, v0  }
0xf6: {  	(xrf0) =	vadd.scan.msk.s32 $0xffff, v52;
	_ =	sdelay $0x3  }
0xf7: {  	v53 =	vmpcnt.ones.xlane vm1;
	_ =	sdelay $0x1  }
0xf8: {  	v2 =	vadd.s32 v2, v53;
	v54 =	vld [tilespmem:s6+$0xEA80];
	v55, _, _ =	vpop (xrf0)  }
0xf9: {  	v5 =	vadd.s32 v55, v2  }
0xfa: {  	v5 =	vadd.s32 $0xFFFFFFFF, v5;
	_ =	sdelay $0x2  }
0xfb: {  	v4 =	vshll.u32 v54, $0xA  }
0xfc: {  	v3 =	vadd.s32 v3, v4  }
0xfd: {  	[tilespmem:v5+s15+$0x0] =	vst.idx.msk vm13, v3  }
0xfe: {  	v3 =	vld [tilespmem:s6+$0xE2C0];
	_ =	sdelay $0x7  }
0xff: {  	v3 =	vld.idx.msk [tilespmem:v3+s4+$0x0], $0xffff;
	_ =	sdelay $0x4  }
0x100: {  	vm14 =	vgt.s32 v3, $0xFFFFFFFF  }
0x101: {  	v56 =	vsel vm14, $0x1, v0  }
0x102: {  	(xrf0) =	vadd.scan.msk.s32 $0xffff, v56;
	_ =	sdelay $0x3  }
0x103: {  	v57 =	vmpcnt.ones.xlane vm13;
	_ =	sdelay $0x1  }
0x104: {  	v2 =	vadd.s32 v2, v57;
	v58 =	vld [tilespmem:s6+$0xEA90];
	v59, _, _ =	vpop (xrf0)  }
0x105: {  	v5 =	vadd.s32 v59, v2  }
0x106: {  	v5 =	vadd.s32 $0xFFFFFFFF, v5;
	_ =	sdelay $0x2  }
0x107: {  	v4 =	vshll.u32 v58, $0xA  }
0x108: {  	v3 =	vadd.s32 v3, v4  }
0x109: {  	[tilespmem:v5+s15+$0x0] =	vst.idx.msk vm14, v3  }
0x10a: {  	v3 =	vld [tilespmem:s6+$0xE2D0];
	_ =	sdelay $0x7  }
0x10b: {  	v3 =	vld.idx.msk [tilespmem:v3+s4+$0x0], $0xffff;
	_ =	sdelay $0x4  }
0x10c: {  	vm15 =	vgt.s32 v3, $0xFFFFFFFF  }
0x10d: {  	v60 =	vsel vm15, $0x1, v0  }
0x10e: {  	(xrf0) =	vadd.scan.msk.s32 $0xffff, v60;
	_ =	sdelay $0x3  }
0x10f: {  	v61 =	vmpcnt.ones.xlane vm14;
	_ =	sdelay $0x1  }
0x110: {  	v2 =	vadd.s32 v2, v61;
	v62 =	vld [tilespmem:s6+$0xEAA0];
	v63, _, _ =	vpop (xrf0)  }
0x111: {  	v5 =	vadd.s32 v63, v2  }
0x112: {  	p1 =	sne.s32 s14, $0x1E00;
	v5 =	vadd.s32 $0xFFFFFFFF, v5  }
.Ltmp4:
0x113: {  	_ = 	snop;
	(pc) =	sbr.rel @p1 .LBB2_7-.Ltmp4, $4  }
0x114: {  	_ = 	snop  }
0x115: {  	v4 =	vshll.u32 v62, $0xA;
	v6 =	vmpcnt.ones.xlane vm15  }
0x116: {  	v3 =	vadd.s32 v3, v4  }
0x117: {  	s14 =	sadd.s32 $0x140, s14;
	v2 =	vadd.s32 v2, v6;
	[tilespmem:v5+s15+$0x0] =	vst.idx.msk vm15, v3  }
0x118: {  	s6 =	sadd.s32 s13, s20  }
0x119: {  	s6 =	sshrl.u32 s6, $0x3  }
0x11a: {  	s14 =	simm.s32 $0x0;
	s25 =	sadd.s32 s9, s6  }
0x11b: {  	[tilespmem:s1], [sflag:$0x3] =	stream.linear.gather [hbm4b:s25+s14], $0x7D0, $0x38;
	[tilespmem:$0x1DED0] =	vst v63  }
0x11c: {  	s6 =	sadd.s32 s5, s6  }
0x11d: {  	[tilespmem:s0], [sflag:$0x3] =	stream.linear.gather [hbm4b:s6+s14], $0x7D0, $0x38;
	[tilespmem:$0x1DED0] =	vst v63  }
0x11e: {  	_ =	swait.ge [sflag:s23], $0x7D0  }
0x11f: {  	[sflag:s23] =	ssyncset.done $0x0  }
0x120: {  	[sflag:s23] =	ssyncadd.s32 $0xFFFFF830  }
0x121: {  	_ =	swait.ge [sflag:s23], $0x7D0  }
0x122: {  	[sflag:s23] =	ssyncset.done $0x0  }
0x123: {  	[sflag:s23] =	ssyncadd.s32 $0xFFFFF830  }
.LBB2_9:
0x124: {  	s6 =	sshra.s32 s14, $0x2  }
0x125: {  	v3 =	vld [tilespmem:s6+$0xF230];
	_ =	sdelay $0x7  }
0x126: {  	v3 =	vld.idx.msk [tilespmem:v3+s4+$0x0], $0xffff;
	_ =	sdelay $0x4  }
0x127: {  	vm0 =	vgt.s32 v3, $0xFFFFFFFF  }
0x128: {  	v4 =	vsel vm0, $0x1, v0  }
0x129: {  	(xrf0) =	vadd.scan.msk.s32 $0xffff, v4;
	_ =	sdelay $0x5  }
0x12a: {  	v47 =	vld [tilespmem:s6+$0xFA00];
	v5, _, _ =	vpop (xrf0)  }
0x12b: {  	v5 =	vadd.s32 v5, v2  }
0x12c: {  	v5 =	vadd.s32 $0xFFFFFFFF, v5;
	_ =	sdelay $0x2  }
0x12d: {  	v4 =	vshll.u32 v47, $0xA  }
0x12e: {  	v3 =	vadd.s32 v3, v4  }
0x12f: {  	[tilespmem:v5+s15+$0x0] =	vst.idx.msk vm0, v3  }
0x130: {  	v3 =	vld [tilespmem:s6+$0xF240];
	_ =	sdelay $0x7  }
0x131: {  	v3 =	vld.idx.msk [tilespmem:v3+s4+$0x0], $0xffff;
	_ =	sdelay $0x4  }
0x132: {  	vm1 =	vgt.s32 v3, $0xFFFFFFFF  }
0x133: {  	v48 =	vsel vm1, $0x1, v0  }
0x134: {  	(xrf0) =	vadd.scan.msk.s32 $0xffff, v48;
	_ =	sdelay $0x3  }
0x135: {  	v49 =	vmpcnt.ones.xlane vm0;
	_ =	sdelay $0x1  }
0x136: {  	v2 =	vadd.s32 v2, v49;
	v50 =	vld [tilespmem:s6+$0xFA10];
	v51, _, _ =	vpop (xrf0)  }
0x137: {  	v5 =	vadd.s32 v51, v2  }
0x138: {  	v5 =	vadd.s32 $0xFFFFFFFF, v5;
	_ =	sdelay $0x2  }
0x139: {  	v4 =	vshll.u32 v50, $0xA  }
0x13a: {  	v3 =	vadd.s32 v3, v4  }
0x13b: {  	[tilespmem:v5+s15+$0x0] =	vst.idx.msk vm1, v3  }
0x13c: {  	v3 =	vld [tilespmem:s6+$0xF250];
	_ =	sdelay $0x7  }
0x13d: {  	v3 =	vld.idx.msk [tilespmem:v3+s4+$0x0], $0xffff;
	_ =	sdelay $0x4  }
0x13e: {  	vm13 =	vgt.s32 v3, $0xFFFFFFFF  }
0x13f: {  	v52 =	vsel vm13, $0x1, v0  }
0x140: {  	(xrf0) =	vadd.scan.msk.s32 $0xffff, v52;
	_ =	sdelay $0x3  }
0x141: {  	v53 =	vmpcnt.ones.xlane vm1;
	_ =	sdelay $0x1  }
0x142: {  	v2 =	vadd.s32 v2, v53;
	v54 =	vld [tilespmem:s6+$0xFA20];
	v55, _, _ =	vpop (xrf0)  }
0x143: {  	v5 =	vadd.s32 v55, v2  }
0x144: {  	v5 =	vadd.s32 $0xFFFFFFFF, v5;
	_ =	sdelay $0x2  }
0x145: {  	v4 =	vshll.u32 v54, $0xA  }
0x146: {  	v3 =	vadd.s32 v3, v4  }
0x147: {  	[tilespmem:v5+s15+$0x0] =	vst.idx.msk vm13, v3  }
0x148: {  	v3 =	vld [tilespmem:s6+$0xF260];
	_ =	sdelay $0x7  }
0x149: {  	v3 =	vld.idx.msk [tilespmem:v3+s4+$0x0], $0xffff;
	_ =	sdelay $0x4  }
0x14a: {  	vm14 =	vgt.s32 v3, $0xFFFFFFFF  }
0x14b: {  	v56 =	vsel vm14, $0x1, v0  }
0x14c: {  	(xrf0) =	vadd.scan.msk.s32 $0xffff, v56;
	_ =	sdelay $0x3  }
0x14d: {  	v57 =	vmpcnt.ones.xlane vm13;
	_ =	sdelay $0x1  }
0x14e: {  	v2 =	vadd.s32 v2, v57;
	v58 =	vld [tilespmem:s6+$0xFA30];
	v59, _, _ =	vpop (xrf0)  }
0x14f: {  	v5 =	vadd.s32 v59, v2  }
0x150: {  	v5 =	vadd.s32 $0xFFFFFFFF, v5;
	_ =	sdelay $0x2  }
0x151: {  	v4 =	vshll.u32 v58, $0xA  }
0x152: {  	v3 =	vadd.s32 v3, v4  }
0x153: {  	[tilespmem:v5+s15+$0x0] =	vst.idx.msk vm14, v3  }
0x154: {  	v3 =	vld [tilespmem:s6+$0xF270];
	_ =	sdelay $0x7  }
0x155: {  	v3 =	vld.idx.msk [tilespmem:v3+s4+$0x0], $0xffff;
	_ =	sdelay $0x4  }
0x156: {  	vm15 =	vgt.s32 v3, $0xFFFFFFFF  }
0x157: {  	v60 =	vsel vm15, $0x1, v0  }
0x158: {  	(xrf0) =	vadd.scan.msk.s32 $0xffff, v60;
	_ =	sdelay $0x3  }
0x159: {  	v61 =	vmpcnt.ones.xlane vm14;
	_ =	sdelay $0x1  }
0x15a: {  	v2 =	vadd.s32 v2, v61;
	v62 =	vld [tilespmem:s6+$0xFA40];
	v63, _, _ =	vpop (xrf0)  }
0x15b: {  	v5 =	vadd.s32 v63, v2  }
0x15c: {  	p1 =	sne.s32 s14, $0x1E00;
	v5 =	vadd.s32 $0xFFFFFFFF, v5  }
.Ltmp5:
0x15d: {  	_ = 	snop;
	(pc) =	sbr.rel @p1 .LBB2_9-.Ltmp5, $4  }
0x15e: {  	_ = 	snop  }
0x15f: {  	v4 =	vshll.u32 v62, $0xA;
	v6 =	vmpcnt.ones.xlane vm15  }
0x160: {  	v3 =	vadd.s32 v3, v4  }
0x161: {  	s14 =	sadd.s32 $0x140, s14;
	v2 =	vadd.s32 v2, v6;
	[tilespmem:v5+s15+$0x0] =	vst.idx.msk vm15, v3  }
0x162: {  	s6 =	sadd.s32 s13, s21  }
0x163: {  	s6 =	sshrl.u32 s6, $0x3  }
0x164: {  	s14 =	simm.s32 $0x0;
	s25 =	sadd.s32 s9, s6  }
0x165: {  	[tilespmem:s3], [sflag:$0x4] =	stream.linear.gather [hbm4b:s25+s14], $0x7D0, $0x38;
	[tilespmem:$0x1DED0] =	vst v63  }
0x166: {  	s6 =	sadd.s32 s5, s6  }
0x167: {  	[tilespmem:s7], [sflag:$0x4] =	stream.linear.gather [hbm4b:s6+s14], $0x7D0, $0x38;
	[tilespmem:$0x1DED0] =	vst v63  }
0x168: {  	_ =	swait.ge [sflag:s24], $0x7D0  }
0x169: {  	[sflag:s24] =	ssyncset.done $0x0  }
0x16a: {  	[sflag:s24] =	ssyncadd.s32 $0xFFFFF830  }
0x16b: {  	_ =	swait.ge [sflag:s24], $0x7D0  }
0x16c: {  	[sflag:s24] =	ssyncset.done $0x0  }
0x16d: {  	[sflag:s24] =	ssyncadd.s32 $0xFFFFF830  }
.LBB2_11:
0x16e: {  	s6 =	sshra.s32 s14, $0x2  }
0x16f: {  	v3 =	vld [tilespmem:s6+$0x101D0];
	_ =	sdelay $0x7  }
0x170: {  	v3 =	vld.idx.msk [tilespmem:v3+s4+$0x0], $0xffff;
	_ =	sdelay $0x4  }
0x171: {  	vm0 =	vgt.s32 v3, $0xFFFFFFFF  }
0x172: {  	v4 =	vsel vm0, $0x1, v0  }
0x173: {  	(xrf0) =	vadd.scan.msk.s32 $0xffff, v4;
	_ =	sdelay $0x5  }
0x174: {  	v47 =	vld [tilespmem:s6+$0x109A0];
	v5, _, _ =	vpop (xrf0)  }
0x175: {  	v5 =	vadd.s32 v5, v2  }
0x176: {  	v5 =	vadd.s32 $0xFFFFFFFF, v5;
	_ =	sdelay $0x2  }
0x177: {  	v4 =	vshll.u32 v47, $0xA  }
0x178: {  	v3 =	vadd.s32 v3, v4  }
0x179: {  	[tilespmem:v5+s15+$0x0] =	vst.idx.msk vm0, v3  }
0x17a: {  	v3 =	vld [tilespmem:s6+$0x101E0];
	_ =	sdelay $0x7  }
0x17b: {  	v3 =	vld.idx.msk [tilespmem:v3+s4+$0x0], $0xffff;
	_ =	sdelay $0x4  }
0x17c: {  	vm1 =	vgt.s32 v3, $0xFFFFFFFF  }
0x17d: {  	v48 =	vsel vm1, $0x1, v0  }
0x17e: {  	(xrf0) =	vadd.scan.msk.s32 $0xffff, v48;
	_ =	sdelay $0x3  }
0x17f: {  	v49 =	vmpcnt.ones.xlane vm0;
	_ =	sdelay $0x1  }
0x180: {  	v2 =	vadd.s32 v2, v49;
	v50 =	vld [tilespmem:s6+$0x109B0];
	v51, _, _ =	vpop (xrf0)  }
0x181: {  	v5 =	vadd.s32 v51, v2  }
0x182: {  	v5 =	vadd.s32 $0xFFFFFFFF, v5;
	_ =	sdelay $0x2  }
0x183: {  	v4 =	vshll.u32 v50, $0xA  }
0x184: {  	v3 =	vadd.s32 v3, v4  }
0x185: {  	[tilespmem:v5+s15+$0x0] =	vst.idx.msk vm1, v3  }
0x186: {  	v3 =	vld [tilespmem:s6+$0x101F0];
	_ =	sdelay $0x7  }
0x187: {  	v3 =	vld.idx.msk [tilespmem:v3+s4+$0x0], $0xffff;
	_ =	sdelay $0x4  }
0x188: {  	vm13 =	vgt.s32 v3, $0xFFFFFFFF  }
0x189: {  	v52 =	vsel vm13, $0x1, v0  }
0x18a: {  	(xrf0) =	vadd.scan.msk.s32 $0xffff, v52;
	_ =	sdelay $0x3  }
0x18b: {  	v53 =	vmpcnt.ones.xlane vm1;
	_ =	sdelay $0x1  }
0x18c: {  	v2 =	vadd.s32 v2, v53;
	v54 =	vld [tilespmem:s6+$0x109C0];
	v55, _, _ =	vpop (xrf0)  }
0x18d: {  	v5 =	vadd.s32 v55, v2  }
0x18e: {  	v5 =	vadd.s32 $0xFFFFFFFF, v5;
	_ =	sdelay $0x2  }
0x18f: {  	v4 =	vshll.u32 v54, $0xA  }
0x190: {  	v3 =	vadd.s32 v3, v4  }
0x191: {  	[tilespmem:v5+s15+$0x0] =	vst.idx.msk vm13, v3  }
0x192: {  	v3 =	vld [tilespmem:s6+$0x10200];
	_ =	sdelay $0x7  }
0x193: {  	v3 =	vld.idx.msk [tilespmem:v3+s4+$0x0], $0xffff;
	_ =	sdelay $0x4  }
0x194: {  	vm14 =	vgt.s32 v3, $0xFFFFFFFF  }
0x195: {  	v56 =	vsel vm14, $0x1, v0  }
0x196: {  	(xrf0) =	vadd.scan.msk.s32 $0xffff, v56;
	_ =	sdelay $0x3  }
0x197: {  	v57 =	vmpcnt.ones.xlane vm13;
	_ =	sdelay $0x1  }
0x198: {  	v2 =	vadd.s32 v2, v57;
	v58 =	vld [tilespmem:s6+$0x109D0];
	v59, _, _ =	vpop (xrf0)  }
0x199: {  	v5 =	vadd.s32 v59, v2  }
0x19a: {  	v5 =	vadd.s32 $0xFFFFFFFF, v5;
	_ =	sdelay $0x2  }
0x19b: {  	v4 =	vshll.u32 v58, $0xA  }
0x19c: {  	v3 =	vadd.s32 v3, v4  }
0x19d: {  	[tilespmem:v5+s15+$0x0] =	vst.idx.msk vm14, v3  }
0x19e: {  	v3 =	vld [tilespmem:s6+$0x10210];
	_ =	sdelay $0x7  }
0x19f: {  	v3 =	vld.idx.msk [tilespmem:v3+s4+$0x0], $0xffff;
	_ =	sdelay $0x4  }
0x1a0: {  	vm15 =	vgt.s32 v3, $0xFFFFFFFF  }
0x1a1: {  	v60 =	vsel vm15, $0x1, v0  }
0x1a2: {  	(xrf0) =	vadd.scan.msk.s32 $0xffff, v60;
	_ =	sdelay $0x3  }
0x1a3: {  	v61 =	vmpcnt.ones.xlane vm14;
	_ =	sdelay $0x1  }
0x1a4: {  	v2 =	vadd.s32 v2, v61;
	v62 =	vld [tilespmem:s6+$0x109E0];
	v63, _, _ =	vpop (xrf0)  }
0x1a5: {  	v5 =	vadd.s32 v63, v2  }
0x1a6: {  	p1 =	sne.s32 s14, $0x1E00;
	v5 =	vadd.s32 $0xFFFFFFFF, v5  }
.Ltmp6:
0x1a7: {  	_ = 	snop;
	(pc) =	sbr.rel @p1 .LBB2_11-.Ltmp6, $4  }
0x1a8: {  	_ = 	snop  }
0x1a9: {  	v4 =	vshll.u32 v62, $0xA;
	v6 =	vmpcnt.ones.xlane vm15  }
0x1aa: {  	v3 =	vadd.s32 v3, v4  }
0x1ab: {  	s14 =	sadd.s32 $0x140, s14;
	v2 =	vadd.s32 v2, v6;
	[tilespmem:v5+s15+$0x0] =	vst.idx.msk vm15, v3  }
0x1ac: {  	s12 =	sadd.s32 $0x1, s12  }
0x1ad: {  	s6 =	sadd.s32 s13, s22;
	p1 =	sne.s32 s12, $0x4  }
.Ltmp7:
0x1ae: {  	s6 =	sshrl.u32 s6, $0x3;
	(pc) =	sbr.rel @p1 .LBB2_2-.Ltmp7, $4  }
0x1af: {  	s25 =	sadd.s32 s9, s6  }
0x1b0: {  	[tilespmem:s2], [sflag:$0x5] =	stream.linear.gather [hbm4b:s25+s4], $0x7D0, $0x38;
	[tilespmem:$0x1DED0] =	vst v63  }
0x1b1: {  	s6 =	sadd.s32 s5, s6  }
0x1b2: {  	[tilespmem:s10], [sflag:$0x5] =	stream.linear.gather [hbm4b:s6+s4], $0x7D0, $0x38;
	[tilespmem:$0x1DED0] =	vst v63  }
0x1b3: {  	_ =	swait.ge [sflag:s11], $0x7D0  }
0x1b4: {  	[sflag:s11] =	ssyncset.done $0x0  }
0x1b5: {  	[sflag:s11] =	ssyncadd.s32 $0xFFFFF830  }
0x1b6: {  	_ =	swait.ge [sflag:s11], $0x7D0  }
0x1b7: {  	[sflag:s11] =	ssyncset.done $0x0  }
0x1b8: {  	s12 =	simm.s32 $0x0;
	[sflag:s11] =	ssyncadd.s32 $0xFFFFF830  }
.LBB2_14:
0x1b9: {  	s6 =	sshra.s32 s12, $0x2  }
0x1ba: {  	v3 =	vld [tilespmem:s6+$0xC350];
	_ =	sdelay $0x7  }
0x1bb: {  	v3 =	vld.idx.msk [tilespmem:v3+s4+$0x0], $0xffff;
	_ =	sdelay $0x4  }
0x1bc: {  	vm0 =	vgt.s32 v3, $0xFFFFFFFF  }
0x1bd: {  	v4 =	vsel vm0, $0x1, v0  }
0x1be: {  	(xrf0) =	vadd.scan.msk.s32 $0xffff, v4;
	_ =	sdelay $0x5  }
0x1bf: {  	v47 =	vld [tilespmem:s6+$0xCB20];
	v5, _, _ =	vpop (xrf0)  }
0x1c0: {  	v5 =	vadd.s32 v5, v2  }
0x1c1: {  	v5 =	vadd.s32 $0xFFFFFFFF, v5;
	_ =	sdelay $0x2  }
0x1c2: {  	v4 =	vshll.u32 v47, $0xA  }
0x1c3: {  	v3 =	vadd.s32 v3, v4  }
0x1c4: {  	[tilespmem:v5+s15+$0x0] =	vst.idx.msk vm0, v3  }
0x1c5: {  	v3 =	vld [tilespmem:s6+$0xC360];
	_ =	sdelay $0x7  }
0x1c6: {  	v3 =	vld.idx.msk [tilespmem:v3+s4+$0x0], $0xffff;
	_ =	sdelay $0x4  }
0x1c7: {  	vm1 =	vgt.s32 v3, $0xFFFFFFFF  }
0x1c8: {  	v48 =	vsel vm1, $0x1, v0  }
0x1c9: {  	(xrf0) =	vadd.scan.msk.s32 $0xffff, v48;
	_ =	sdelay $0x3  }
0x1ca: {  	v49 =	vmpcnt.ones.xlane vm0;
	_ =	sdelay $0x1  }
0x1cb: {  	v2 =	vadd.s32 v2, v49;
	v50 =	vld [tilespmem:s6+$0xCB30];
	v51, _, _ =	vpop (xrf0)  }
0x1cc: {  	v5 =	vadd.s32 v51, v2  }
0x1cd: {  	v5 =	vadd.s32 $0xFFFFFFFF, v5;
	_ =	sdelay $0x2  }
0x1ce: {  	v4 =	vshll.u32 v50, $0xA  }
0x1cf: {  	v3 =	vadd.s32 v3, v4  }
0x1d0: {  	[tilespmem:v5+s15+$0x0] =	vst.idx.msk vm1, v3  }
0x1d1: {  	v3 =	vld [tilespmem:s6+$0xC370];
	_ =	sdelay $0x7  }
0x1d2: {  	v3 =	vld.idx.msk [tilespmem:v3+s4+$0x0], $0xffff;
	_ =	sdelay $0x4  }
0x1d3: {  	vm13 =	vgt.s32 v3, $0xFFFFFFFF  }
0x1d4: {  	v52 =	vsel vm13, $0x1, v0  }
0x1d5: {  	(xrf0) =	vadd.scan.msk.s32 $0xffff, v52;
	_ =	sdelay $0x3  }
0x1d6: {  	v53 =	vmpcnt.ones.xlane vm1;
	_ =	sdelay $0x1  }
0x1d7: {  	v2 =	vadd.s32 v2, v53;
	v54 =	vld [tilespmem:s6+$0xCB40];
	v55, _, _ =	vpop (xrf0)  }
0x1d8: {  	v5 =	vadd.s32 v55, v2  }
0x1d9: {  	v5 =	vadd.s32 $0xFFFFFFFF, v5;
	_ =	sdelay $0x2  }
0x1da: {  	v4 =	vshll.u32 v54, $0xA  }
0x1db: {  	v3 =	vadd.s32 v3, v4  }
0x1dc: {  	[tilespmem:v5+s15+$0x0] =	vst.idx.msk vm13, v3  }
0x1dd: {  	v3 =	vld [tilespmem:s6+$0xC380];
	_ =	sdelay $0x7  }
0x1de: {  	v3 =	vld.idx.msk [tilespmem:v3+s4+$0x0], $0xffff;
	_ =	sdelay $0x4  }
0x1df: {  	vm14 =	vgt.s32 v3, $0xFFFFFFFF  }
0x1e0: {  	v56 =	vsel vm14, $0x1, v0  }
0x1e1: {  	(xrf0) =	vadd.scan.msk.s32 $0xffff, v56;
	_ =	sdelay $0x3  }
0x1e2: {  	v57 =	vmpcnt.ones.xlane vm13;
	_ =	sdelay $0x1  }
0x1e3: {  	v2 =	vadd.s32 v2, v57;
	v58 =	vld [tilespmem:s6+$0xCB50];
	v59, _, _ =	vpop (xrf0)  }
0x1e4: {  	v5 =	vadd.s32 v59, v2  }
0x1e5: {  	v5 =	vadd.s32 $0xFFFFFFFF, v5;
	_ =	sdelay $0x2  }
0x1e6: {  	v4 =	vshll.u32 v58, $0xA  }
0x1e7: {  	v3 =	vadd.s32 v3, v4  }
0x1e8: {  	[tilespmem:v5+s15+$0x0] =	vst.idx.msk vm14, v3  }
0x1e9: {  	v3 =	vld [tilespmem:s6+$0xC390];
	_ =	sdelay $0x7  }
0x1ea: {  	v3 =	vld.idx.msk [tilespmem:v3+s4+$0x0], $0xffff;
	_ =	sdelay $0x4  }
0x1eb: {  	vm15 =	vgt.s32 v3, $0xFFFFFFFF  }
0x1ec: {  	v60 =	vsel vm15, $0x1, v0  }
0x1ed: {  	(xrf0) =	vadd.scan.msk.s32 $0xffff, v60;
	_ =	sdelay $0x3  }
0x1ee: {  	v61 =	vmpcnt.ones.xlane vm14;
	_ =	sdelay $0x1  }
0x1ef: {  	v2 =	vadd.s32 v2, v61;
	v62 =	vld [tilespmem:s6+$0xCB60];
	v63, _, _ =	vpop (xrf0)  }
0x1f0: {  	v5 =	vadd.s32 v63, v2  }
0x1f1: {  	p1 =	sne.s32 s12, $0x1E00;
	v5 =	vadd.s32 $0xFFFFFFFF, v5  }
.Ltmp8:
0x1f2: {  	_ = 	snop;
	(pc) =	sbr.rel @p1 .LBB2_14-.Ltmp8, $4  }
0x1f3: {  	_ = 	snop  }
0x1f4: {  	v4 =	vshll.u32 v62, $0xA;
	v6 =	vmpcnt.ones.xlane vm15  }
0x1f5: {  	v3 =	vadd.s32 v3, v4  }
0x1f6: {  	s12 =	sadd.s32 $0x140, s12;
	v2 =	vadd.s32 v2, v6;
	[tilespmem:v5+s15+$0x0] =	vst.idx.msk vm15, v3  }
0x1f7: {  	_ =	swait.ge [sflag:s16], $0x7D0  }
0x1f8: {  	[sflag:s16] =	ssyncset.done $0x0  }
0x1f9: {  	[sflag:s16] =	ssyncadd.s32 $0xFFFFF830  }
0x1fa: {  	_ =	swait.ge [sflag:s16], $0x7D0  }
0x1fb: {  	[sflag:s16] =	ssyncset.done $0x0  }
0x1fc: {  	s12 =	simm.s32 $0x0;
	[sflag:s16] =	ssyncadd.s32 $0xFFFFF830  }
.LBB2_16:
0x1fd: {  	s6 =	sshra.s32 s12, $0x2  }
0x1fe: {  	v3 =	vld [tilespmem:s6+$0xD2F0];
	_ =	sdelay $0x7  }
0x1ff: {  	v3 =	vld.idx.msk [tilespmem:v3+s4+$0x0], $0xffff;
	_ =	sdelay $0x4  }
0x200: {  	vm0 =	vgt.s32 v3, $0xFFFFFFFF  }
0x201: {  	v4 =	vsel vm0, $0x1, v0  }
0x202: {  	(xrf0) =	vadd.scan.msk.s32 $0xffff, v4;
	_ =	sdelay $0x5  }
0x203: {  	v47 =	vld [tilespmem:s6+$0xDAC0];
	v5, _, _ =	vpop (xrf0)  }
0x204: {  	v5 =	vadd.s32 v5, v2  }
0x205: {  	v5 =	vadd.s32 $0xFFFFFFFF, v5;
	_ =	sdelay $0x2  }
0x206: {  	v4 =	vshll.u32 v47, $0xA  }
0x207: {  	v3 =	vadd.s32 v3, v4  }
0x208: {  	[tilespmem:v5+s15+$0x0] =	vst.idx.msk vm0, v3  }
0x209: {  	v3 =	vld [tilespmem:s6+$0xD300];
	_ =	sdelay $0x7  }
0x20a: {  	v3 =	vld.idx.msk [tilespmem:v3+s4+$0x0], $0xffff;
	_ =	sdelay $0x4  }
0x20b: {  	vm1 =	vgt.s32 v3, $0xFFFFFFFF  }
0x20c: {  	v48 =	vsel vm1, $0x1, v0  }
0x20d: {  	(xrf0) =	vadd.scan.msk.s32 $0xffff, v48;
	_ =	sdelay $0x3  }
0x20e: {  	v49 =	vmpcnt.ones.xlane vm0;
	_ =	sdelay $0x1  }
0x20f: {  	v2 =	vadd.s32 v2, v49;
	v50 =	vld [tilespmem:s6+$0xDAD0];
	v51, _, _ =	vpop (xrf0)  }
0x210: {  	v5 =	vadd.s32 v51, v2  }
0x211: {  	v5 =	vadd.s32 $0xFFFFFFFF, v5;
	_ =	sdelay $0x2  }
0x212: {  	v4 =	vshll.u32 v50, $0xA  }
0x213: {  	v3 =	vadd.s32 v3, v4  }
0x214: {  	[tilespmem:v5+s15+$0x0] =	vst.idx.msk vm1, v3  }
0x215: {  	v3 =	vld [tilespmem:s6+$0xD310];
	_ =	sdelay $0x7  }
0x216: {  	v3 =	vld.idx.msk [tilespmem:v3+s4+$0x0], $0xffff;
	_ =	sdelay $0x4  }
0x217: {  	vm13 =	vgt.s32 v3, $0xFFFFFFFF  }
0x218: {  	v52 =	vsel vm13, $0x1, v0  }
0x219: {  	(xrf0) =	vadd.scan.msk.s32 $0xffff, v52;
	_ =	sdelay $0x3  }
0x21a: {  	v53 =	vmpcnt.ones.xlane vm1;
	_ =	sdelay $0x1  }
0x21b: {  	v2 =	vadd.s32 v2, v53;
	v54 =	vld [tilespmem:s6+$0xDAE0];
	v55, _, _ =	vpop (xrf0)  }
0x21c: {  	v5 =	vadd.s32 v55, v2  }
0x21d: {  	v5 =	vadd.s32 $0xFFFFFFFF, v5;
	_ =	sdelay $0x2  }
0x21e: {  	v4 =	vshll.u32 v54, $0xA  }
0x21f: {  	v3 =	vadd.s32 v3, v4  }
0x220: {  	[tilespmem:v5+s15+$0x0] =	vst.idx.msk vm13, v3  }
0x221: {  	v3 =	vld [tilespmem:s6+$0xD320];
	_ =	sdelay $0x7  }
0x222: {  	v3 =	vld.idx.msk [tilespmem:v3+s4+$0x0], $0xffff;
	_ =	sdelay $0x4  }
0x223: {  	vm14 =	vgt.s32 v3, $0xFFFFFFFF  }
0x224: {  	v56 =	vsel vm14, $0x1, v0  }
0x225: {  	(xrf0) =	vadd.scan.msk.s32 $0xffff, v56;
	_ =	sdelay $0x3  }
0x226: {  	v57 =	vmpcnt.ones.xlane vm13;
	_ =	sdelay $0x1  }
0x227: {  	v2 =	vadd.s32 v2, v57;
	v58 =	vld [tilespmem:s6+$0xDAF0];
	v59, _, _ =	vpop (xrf0)  }
0x228: {  	v5 =	vadd.s32 v59, v2  }
0x229: {  	v5 =	vadd.s32 $0xFFFFFFFF, v5;
	_ =	sdelay $0x2  }
0x22a: {  	v4 =	vshll.u32 v58, $0xA  }
0x22b: {  	v3 =	vadd.s32 v3, v4  }
0x22c: {  	[tilespmem:v5+s15+$0x0] =	vst.idx.msk vm14, v3  }
0x22d: {  	v3 =	vld [tilespmem:s6+$0xD330];
	_ =	sdelay $0x7  }
0x22e: {  	v3 =	vld.idx.msk [tilespmem:v3+s4+$0x0], $0xffff;
	_ =	sdelay $0x4  }
0x22f: {  	vm15 =	vgt.s32 v3, $0xFFFFFFFF  }
0x230: {  	v60 =	vsel vm15, $0x1, v0  }
0x231: {  	(xrf0) =	vadd.scan.msk.s32 $0xffff, v60;
	_ =	sdelay $0x3  }
0x232: {  	v61 =	vmpcnt.ones.xlane vm14;
	_ =	sdelay $0x1  }
0x233: {  	v2 =	vadd.s32 v2, v61;
	v62 =	vld [tilespmem:s6+$0xDB00];
	v63, _, _ =	vpop (xrf0)  }
0x234: {  	v5 =	vadd.s32 v63, v2  }
0x235: {  	p1 =	sne.s32 s12, $0x1E00;
	v5 =	vadd.s32 $0xFFFFFFFF, v5  }
.Ltmp9:
0x236: {  	_ = 	snop;
	(pc) =	sbr.rel @p1 .LBB2_16-.Ltmp9, $4  }
0x237: {  	_ = 	snop  }
0x238: {  	v4 =	vshll.u32 v62, $0xA;
	v6 =	vmpcnt.ones.xlane vm15  }
0x239: {  	v3 =	vadd.s32 v3, v4  }
0x23a: {  	s12 =	sadd.s32 $0x140, s12;
	v2 =	vadd.s32 v2, v6;
	[tilespmem:v5+s15+$0x0] =	vst.idx.msk vm15, v3  }
0x23b: {  	_ =	swait.ge [sflag:s17], $0x7D0  }
0x23c: {  	[sflag:s17] =	ssyncset.done $0x0  }
0x23d: {  	[sflag:s17] =	ssyncadd.s32 $0xFFFFF830  }
0x23e: {  	_ =	swait.ge [sflag:s17], $0x7D0  }
0x23f: {  	[sflag:s17] =	ssyncset.done $0x0  }
0x240: {  	s12 =	simm.s32 $0x0;
	[sflag:s17] =	ssyncadd.s32 $0xFFFFF830  }
.LBB2_18:
0x241: {  	s6 =	sshra.s32 s12, $0x2  }
0x242: {  	v3 =	vld [tilespmem:s6+$0xE290];
	_ =	sdelay $0x7  }
0x243: {  	v3 =	vld.idx.msk [tilespmem:v3+s4+$0x0], $0xffff;
	_ =	sdelay $0x4  }
0x244: {  	vm0 =	vgt.s32 v3, $0xFFFFFFFF  }
0x245: {  	v4 =	vsel vm0, $0x1, v0  }
0x246: {  	(xrf0) =	vadd.scan.msk.s32 $0xffff, v4;
	_ =	sdelay $0x5  }
0x247: {  	v47 =	vld [tilespmem:s6+$0xEA60];
	v5, _, _ =	vpop (xrf0)  }
0x248: {  	v5 =	vadd.s32 v5, v2  }
0x249: {  	v5 =	vadd.s32 $0xFFFFFFFF, v5;
	_ =	sdelay $0x2  }
0x24a: {  	v4 =	vshll.u32 v47, $0xA  }
0x24b: {  	v3 =	vadd.s32 v3, v4  }
0x24c: {  	[tilespmem:v5+s15+$0x0] =	vst.idx.msk vm0, v3  }
0x24d: {  	v3 =	vld [tilespmem:s6+$0xE2A0];
	_ =	sdelay $0x7  }
0x24e: {  	v3 =	vld.idx.msk [tilespmem:v3+s4+$0x0], $0xffff;
	_ =	sdelay $0x4  }
0x24f: {  	vm1 =	vgt.s32 v3, $0xFFFFFFFF  }
0x250: {  	v48 =	vsel vm1, $0x1, v0  }
0x251: {  	(xrf0) =	vadd.scan.msk.s32 $0xffff, v48;
	_ =	sdelay $0x3  }
0x252: {  	v49 =	vmpcnt.ones.xlane vm0;
	_ =	sdelay $0x1  }
0x253: {  	v2 =	vadd.s32 v2, v49;
	v50 =	vld [tilespmem:s6+$0xEA70];
	v51, _, _ =	vpop (xrf0)  }
0x254: {  	v5 =	vadd.s32 v51, v2  }
0x255: {  	v5 =	vadd.s32 $0xFFFFFFFF, v5;
	_ =	sdelay $0x2  }
0x256: {  	v4 =	vshll.u32 v50, $0xA  }
0x257: {  	v3 =	vadd.s32 v3, v4  }
0x258: {  	[tilespmem:v5+s15+$0x0] =	vst.idx.msk vm1, v3  }
0x259: {  	v3 =	vld [tilespmem:s6+$0xE2B0];
	_ =	sdelay $0x7  }
0x25a: {  	v3 =	vld.idx.msk [tilespmem:v3+s4+$0x0], $0xffff;
	_ =	sdelay $0x4  }
0x25b: {  	vm13 =	vgt.s32 v3, $0xFFFFFFFF  }
0x25c: {  	v52 =	vsel vm13, $0x1, v0  }
0x25d: {  	(xrf0) =	vadd.scan.msk.s32 $0xffff, v52;
	_ =	sdelay $0x3  }
0x25e: {  	v53 =	vmpcnt.ones.xlane vm1;
	_ =	sdelay $0x1  }
0x25f: {  	v2 =	vadd.s32 v2, v53;
	v54 =	vld [tilespmem:s6+$0xEA80];
	v55, _, _ =	vpop (xrf0)  }
0x260: {  	v5 =	vadd.s32 v55, v2  }
0x261: {  	v5 =	vadd.s32 $0xFFFFFFFF, v5;
	_ =	sdelay $0x2  }
0x262: {  	v4 =	vshll.u32 v54, $0xA  }
0x263: {  	v3 =	vadd.s32 v3, v4  }
0x264: {  	[tilespmem:v5+s15+$0x0] =	vst.idx.msk vm13, v3  }
0x265: {  	v3 =	vld [tilespmem:s6+$0xE2C0];
	_ =	sdelay $0x7  }
0x266: {  	v3 =	vld.idx.msk [tilespmem:v3+s4+$0x0], $0xffff;
	_ =	sdelay $0x4  }
0x267: {  	vm14 =	vgt.s32 v3, $0xFFFFFFFF  }
0x268: {  	v56 =	vsel vm14, $0x1, v0  }
0x269: {  	(xrf0) =	vadd.scan.msk.s32 $0xffff, v56;
	_ =	sdelay $0x3  }
0x26a: {  	v57 =	vmpcnt.ones.xlane vm13;
	_ =	sdelay $0x1  }
0x26b: {  	v2 =	vadd.s32 v2, v57;
	v58 =	vld [tilespmem:s6+$0xEA90];
	v59, _, _ =	vpop (xrf0)  }
0x26c: {  	v5 =	vadd.s32 v59, v2  }
0x26d: {  	v5 =	vadd.s32 $0xFFFFFFFF, v5;
	_ =	sdelay $0x2  }
0x26e: {  	v4 =	vshll.u32 v58, $0xA  }
0x26f: {  	v3 =	vadd.s32 v3, v4  }
0x270: {  	[tilespmem:v5+s15+$0x0] =	vst.idx.msk vm14, v3  }
0x271: {  	v3 =	vld [tilespmem:s6+$0xE2D0];
	_ =	sdelay $0x7  }
0x272: {  	v3 =	vld.idx.msk [tilespmem:v3+s4+$0x0], $0xffff;
	_ =	sdelay $0x4  }
0x273: {  	vm15 =	vgt.s32 v3, $0xFFFFFFFF  }
0x274: {  	v60 =	vsel vm15, $0x1, v0  }
0x275: {  	(xrf0) =	vadd.scan.msk.s32 $0xffff, v60;
	_ =	sdelay $0x3  }
0x276: {  	v61 =	vmpcnt.ones.xlane vm14;
	_ =	sdelay $0x1  }
0x277: {  	v2 =	vadd.s32 v2, v61;
	v62 =	vld [tilespmem:s6+$0xEAA0];
	v63, _, _ =	vpop (xrf0)  }
0x278: {  	v5 =	vadd.s32 v63, v2  }
0x279: {  	p1 =	sne.s32 s12, $0x1E00;
	v5 =	vadd.s32 $0xFFFFFFFF, v5  }
.Ltmp10:
0x27a: {  	_ = 	snop;
	(pc) =	sbr.rel @p1 .LBB2_18-.Ltmp10, $4  }
0x27b: {  	_ = 	snop  }
0x27c: {  	v4 =	vshll.u32 v62, $0xA;
	v6 =	vmpcnt.ones.xlane vm15  }
0x27d: {  	v3 =	vadd.s32 v3, v4  }
0x27e: {  	s12 =	sadd.s32 $0x140, s12;
	v2 =	vadd.s32 v2, v6;
	[tilespmem:v5+s15+$0x0] =	vst.idx.msk vm15, v3  }
0x27f: {  	_ =	swait.ge [sflag:s23], $0x7D0  }
0x280: {  	[sflag:s23] =	ssyncset.done $0x0  }
0x281: {  	[sflag:s23] =	ssyncadd.s32 $0xFFFFF830  }
0x282: {  	_ =	swait.ge [sflag:s23], $0x7D0  }
0x283: {  	[sflag:s23] =	ssyncset.done $0x0  }
0x284: {  	s12 =	simm.s32 $0x0;
	[sflag:s23] =	ssyncadd.s32 $0xFFFFF830  }
.LBB2_20:
0x285: {  	s6 =	sshra.s32 s12, $0x2  }
0x286: {  	v3 =	vld [tilespmem:s6+$0xF230];
	_ =	sdelay $0x7  }
0x287: {  	v3 =	vld.idx.msk [tilespmem:v3+s4+$0x0], $0xffff;
	_ =	sdelay $0x4  }
0x288: {  	vm0 =	vgt.s32 v3, $0xFFFFFFFF  }
0x289: {  	v4 =	vsel vm0, $0x1, v0  }
0x28a: {  	(xrf0) =	vadd.scan.msk.s32 $0xffff, v4;
	_ =	sdelay $0x5  }
0x28b: {  	v47 =	vld [tilespmem:s6+$0xFA00];
	v5, _, _ =	vpop (xrf0)  }
0x28c: {  	v5 =	vadd.s32 v5, v2  }
0x28d: {  	v5 =	vadd.s32 $0xFFFFFFFF, v5;
	_ =	sdelay $0x2  }
0x28e: {  	v4 =	vshll.u32 v47, $0xA  }
0x28f: {  	v3 =	vadd.s32 v3, v4  }
0x290: {  	[tilespmem:v5+s15+$0x0] =	vst.idx.msk vm0, v3  }
0x291: {  	v3 =	vld [tilespmem:s6+$0xF240];
	_ =	sdelay $0x7  }
0x292: {  	v3 =	vld.idx.msk [tilespmem:v3+s4+$0x0], $0xffff;
	_ =	sdelay $0x4  }
0x293: {  	vm1 =	vgt.s32 v3, $0xFFFFFFFF  }
0x294: {  	v48 =	vsel vm1, $0x1, v0  }
0x295: {  	(xrf0) =	vadd.scan.msk.s32 $0xffff, v48;
	_ =	sdelay $0x3  }
0x296: {  	v49 =	vmpcnt.ones.xlane vm0;
	_ =	sdelay $0x1  }
0x297: {  	v2 =	vadd.s32 v2, v49;
	v50 =	vld [tilespmem:s6+$0xFA10];
	v51, _, _ =	vpop (xrf0)  }
0x298: {  	v5 =	vadd.s32 v51, v2  }
0x299: {  	v5 =	vadd.s32 $0xFFFFFFFF, v5;
	_ =	sdelay $0x2  }
0x29a: {  	v4 =	vshll.u32 v50, $0xA  }
0x29b: {  	v3 =	vadd.s32 v3, v4  }
0x29c: {  	[tilespmem:v5+s15+$0x0] =	vst.idx.msk vm1, v3  }
0x29d: {  	v3 =	vld [tilespmem:s6+$0xF250];
	_ =	sdelay $0x7  }
0x29e: {  	v3 =	vld.idx.msk [tilespmem:v3+s4+$0x0], $0xffff;
	_ =	sdelay $0x4  }
0x29f: {  	vm13 =	vgt.s32 v3, $0xFFFFFFFF  }
0x2a0: {  	v52 =	vsel vm13, $0x1, v0  }
0x2a1: {  	(xrf0) =	vadd.scan.msk.s32 $0xffff, v52;
	_ =	sdelay $0x3  }
0x2a2: {  	v53 =	vmpcnt.ones.xlane vm1;
	_ =	sdelay $0x1  }
0x2a3: {  	v2 =	vadd.s32 v2, v53;
	v54 =	vld [tilespmem:s6+$0xFA20];
	v55, _, _ =	vpop (xrf0)  }
0x2a4: {  	v5 =	vadd.s32 v55, v2  }
0x2a5: {  	v5 =	vadd.s32 $0xFFFFFFFF, v5;
	_ =	sdelay $0x2  }
0x2a6: {  	v4 =	vshll.u32 v54, $0xA  }
0x2a7: {  	v3 =	vadd.s32 v3, v4  }
0x2a8: {  	[tilespmem:v5+s15+$0x0] =	vst.idx.msk vm13, v3  }
0x2a9: {  	v3 =	vld [tilespmem:s6+$0xF260];
	_ =	sdelay $0x7  }
0x2aa: {  	v3 =	vld.idx.msk [tilespmem:v3+s4+$0x0], $0xffff;
	_ =	sdelay $0x4  }
0x2ab: {  	vm14 =	vgt.s32 v3, $0xFFFFFFFF  }
0x2ac: {  	v56 =	vsel vm14, $0x1, v0  }
0x2ad: {  	(xrf0) =	vadd.scan.msk.s32 $0xffff, v56;
	_ =	sdelay $0x3  }
0x2ae: {  	v57 =	vmpcnt.ones.xlane vm13;
	_ =	sdelay $0x1  }
0x2af: {  	v2 =	vadd.s32 v2, v57;
	v58 =	vld [tilespmem:s6+$0xFA30];
	v59, _, _ =	vpop (xrf0)  }
0x2b0: {  	v5 =	vadd.s32 v59, v2  }
0x2b1: {  	v5 =	vadd.s32 $0xFFFFFFFF, v5;
	_ =	sdelay $0x2  }
0x2b2: {  	v4 =	vshll.u32 v58, $0xA  }
0x2b3: {  	v3 =	vadd.s32 v3, v4  }
0x2b4: {  	[tilespmem:v5+s15+$0x0] =	vst.idx.msk vm14, v3  }
0x2b5: {  	v3 =	vld [tilespmem:s6+$0xF270];
	_ =	sdelay $0x7  }
0x2b6: {  	v3 =	vld.idx.msk [tilespmem:v3+s4+$0x0], $0xffff;
	_ =	sdelay $0x4  }
0x2b7: {  	vm15 =	vgt.s32 v3, $0xFFFFFFFF  }
0x2b8: {  	v60 =	vsel vm15, $0x1, v0  }
0x2b9: {  	(xrf0) =	vadd.scan.msk.s32 $0xffff, v60;
	_ =	sdelay $0x3  }
0x2ba: {  	v61 =	vmpcnt.ones.xlane vm14;
	_ =	sdelay $0x1  }
0x2bb: {  	v2 =	vadd.s32 v2, v61;
	v62 =	vld [tilespmem:s6+$0xFA40];
	v63, _, _ =	vpop (xrf0)  }
0x2bc: {  	v5 =	vadd.s32 v63, v2  }
0x2bd: {  	p1 =	sne.s32 s12, $0x1E00;
	v5 =	vadd.s32 $0xFFFFFFFF, v5  }
.Ltmp11:
0x2be: {  	_ = 	snop;
	(pc) =	sbr.rel @p1 .LBB2_20-.Ltmp11, $4  }
0x2bf: {  	_ = 	snop  }
0x2c0: {  	v4 =	vshll.u32 v62, $0xA;
	v6 =	vmpcnt.ones.xlane vm15  }
0x2c1: {  	v3 =	vadd.s32 v3, v4  }
0x2c2: {  	s12 =	sadd.s32 $0x140, s12;
	v2 =	vadd.s32 v2, v6;
	[tilespmem:v5+s15+$0x0] =	vst.idx.msk vm15, v3  }
0x2c3: {  	_ =	swait.ge [sflag:s24], $0x7D0  }
0x2c4: {  	[sflag:s24] =	ssyncset.done $0x0  }
0x2c5: {  	[sflag:s24] =	ssyncadd.s32 $0xFFFFF830  }
0x2c6: {  	_ =	swait.ge [sflag:s24], $0x7D0  }
0x2c7: {  	[sflag:s24] =	ssyncset.done $0x0  }
0x2c8: {  	s12 =	simm.s32 $0x0;
	[sflag:s24] =	ssyncadd.s32 $0xFFFFF830  }
.LBB2_22:
0x2c9: {  	s6 =	sshra.s32 s12, $0x2  }
0x2ca: {  	v3 =	vld [tilespmem:s6+$0x101D0];
	_ =	sdelay $0x7  }
0x2cb: {  	v3 =	vld.idx.msk [tilespmem:v3+s4+$0x0], $0xffff;
	_ =	sdelay $0x4  }
0x2cc: {  	vm0 =	vgt.s32 v3, $0xFFFFFFFF  }
0x2cd: {  	v4 =	vsel vm0, $0x1, v0  }
0x2ce: {  	(xrf0) =	vadd.scan.msk.s32 $0xffff, v4;
	_ =	sdelay $0x5  }
0x2cf: {  	v47 =	vld [tilespmem:s6+$0x109A0];
	v5, _, _ =	vpop (xrf0)  }
0x2d0: {  	v5 =	vadd.s32 v5, v2  }
0x2d1: {  	v5 =	vadd.s32 $0xFFFFFFFF, v5;
	_ =	sdelay $0x2  }
0x2d2: {  	v4 =	vshll.u32 v47, $0xA  }
0x2d3: {  	v3 =	vadd.s32 v3, v4  }
0x2d4: {  	[tilespmem:v5+s15+$0x0] =	vst.idx.msk vm0, v3  }
0x2d5: {  	v3 =	vld [tilespmem:s6+$0x101E0];
	_ =	sdelay $0x7  }
0x2d6: {  	v3 =	vld.idx.msk [tilespmem:v3+s4+$0x0], $0xffff;
	_ =	sdelay $0x4  }
0x2d7: {  	vm1 =	vgt.s32 v3, $0xFFFFFFFF  }
0x2d8: {  	v48 =	vsel vm1, $0x1, v0  }
0x2d9: {  	(xrf0) =	vadd.scan.msk.s32 $0xffff, v48;
	_ =	sdelay $0x3  }
0x2da: {  	v49 =	vmpcnt.ones.xlane vm0;
	_ =	sdelay $0x1  }
0x2db: {  	v2 =	vadd.s32 v2, v49;
	v50 =	vld [tilespmem:s6+$0x109B0];
	v51, _, _ =	vpop (xrf0)  }
0x2dc: {  	v5 =	vadd.s32 v51, v2  }
0x2dd: {  	v5 =	vadd.s32 $0xFFFFFFFF, v5;
	_ =	sdelay $0x2  }
0x2de: {  	v4 =	vshll.u32 v50, $0xA  }
0x2df: {  	v3 =	vadd.s32 v3, v4  }
0x2e0: {  	[tilespmem:v5+s15+$0x0] =	vst.idx.msk vm1, v3  }
0x2e1: {  	v3 =	vld [tilespmem:s6+$0x101F0];
	_ =	sdelay $0x7  }
0x2e2: {  	v3 =	vld.idx.msk [tilespmem:v3+s4+$0x0], $0xffff;
	_ =	sdelay $0x4  }
0x2e3: {  	vm13 =	vgt.s32 v3, $0xFFFFFFFF  }
0x2e4: {  	v52 =	vsel vm13, $0x1, v0  }
0x2e5: {  	(xrf0) =	vadd.scan.msk.s32 $0xffff, v52;
	_ =	sdelay $0x3  }
0x2e6: {  	v53 =	vmpcnt.ones.xlane vm1;
	_ =	sdelay $0x1  }
0x2e7: {  	v2 =	vadd.s32 v2, v53;
	v54 =	vld [tilespmem:s6+$0x109C0];
	v55, _, _ =	vpop (xrf0)  }
0x2e8: {  	v5 =	vadd.s32 v55, v2  }
0x2e9: {  	v5 =	vadd.s32 $0xFFFFFFFF, v5;
	_ =	sdelay $0x2  }
0x2ea: {  	v4 =	vshll.u32 v54, $0xA  }
0x2eb: {  	v3 =	vadd.s32 v3, v4  }
0x2ec: {  	[tilespmem:v5+s15+$0x0] =	vst.idx.msk vm13, v3  }
0x2ed: {  	v3 =	vld [tilespmem:s6+$0x10200];
	_ =	sdelay $0x7  }
0x2ee: {  	v3 =	vld.idx.msk [tilespmem:v3+s4+$0x0], $0xffff;
	_ =	sdelay $0x4  }
0x2ef: {  	vm14 =	vgt.s32 v3, $0xFFFFFFFF  }
0x2f0: {  	v56 =	vsel vm14, $0x1, v0  }
0x2f1: {  	(xrf0) =	vadd.scan.msk.s32 $0xffff, v56;
	_ =	sdelay $0x3  }
0x2f2: {  	v57 =	vmpcnt.ones.xlane vm13;
	_ =	sdelay $0x1  }
0x2f3: {  	v2 =	vadd.s32 v2, v57;
	v58 =	vld [tilespmem:s6+$0x109D0];
	v59, _, _ =	vpop (xrf0)  }
0x2f4: {  	v5 =	vadd.s32 v59, v2  }
0x2f5: {  	v5 =	vadd.s32 $0xFFFFFFFF, v5;
	_ =	sdelay $0x2  }
0x2f6: {  	v4 =	vshll.u32 v58, $0xA  }
0x2f7: {  	v3 =	vadd.s32 v3, v4  }
0x2f8: {  	[tilespmem:v5+s15+$0x0] =	vst.idx.msk vm14, v3  }
0x2f9: {  	v3 =	vld [tilespmem:s6+$0x10210];
	_ =	sdelay $0x7  }
0x2fa: {  	v3 =	vld.idx.msk [tilespmem:v3+s4+$0x0], $0xffff;
	_ =	sdelay $0x4  }
0x2fb: {  	vm15 =	vgt.s32 v3, $0xFFFFFFFF  }
0x2fc: {  	v60 =	vsel vm15, $0x1, v0  }
0x2fd: {  	(xrf0) =	vadd.scan.msk.s32 $0xffff, v60;
	_ =	sdelay $0x3  }
0x2fe: {  	v61 =	vmpcnt.ones.xlane vm14;
	_ =	sdelay $0x1  }
0x2ff: {  	v2 =	vadd.s32 v2, v61;
	v62 =	vld [tilespmem:s6+$0x109E0];
	v63, _, _ =	vpop (xrf0)  }
0x300: {  	v5 =	vadd.s32 v63, v2  }
0x301: {  	p1 =	sne.s32 s12, $0x1E00;
	v5 =	vadd.s32 $0xFFFFFFFF, v5  }
.Ltmp12:
0x302: {  	_ = 	snop;
	(pc) =	sbr.rel @p1 .LBB2_22-.Ltmp12, $4  }
0x303: {  	_ = 	snop  }
0x304: {  	v4 =	vshll.u32 v62, $0xA;
	v6 =	vmpcnt.ones.xlane vm15  }
0x305: {  	v3 =	vadd.s32 v3, v4  }
0x306: {  	s12 =	sadd.s32 $0x140, s12;
	v2 =	vadd.s32 v2, v6;
	[tilespmem:v5+s15+$0x0] =	vst.idx.msk vm15, v3  }
0x307: {  	v3 =	vxor.u32 $0x80000000, v2;
	v4 =	vadd.s32 v1, v2  }
0x308: {  	v5 =	vor.u32 $0x10, v1;
	v6 =	vor.u32 $0x20, v1;
	v8 =	vor.u32 $0x30, v1  }
0x309: {  	v11 =	vor.u32 $0x40, v1;
	v12 =	vor.u32 $0x50, v1;
	v14 =	vor.u32 $0x60, v1  }
0x30a: {  	v17 =	vor.u32 $0x70, v1;
	v18 =	vor.u32 $0x80, v1;
	v20 =	vor.u32 $0x90, v1  }
0x30b: {  	v23 =	vor.u32 $0xA0, v1;
	v58 =	vor.u32 $0xB0, v1;
	v61 =	vor.u32 $0xC0, v1  }
0x30c: {  	v24 =	vor.u32 $0xE0, v1;
	v26 =	vor.u32 $0xF0, v1;
	v29 =	vor.u32 $0x100, v1;
	(xrf0) =	vmax.scan.msk.u32 $0xffff, v3  }
0x30d: {  	v30 =	vor.u32 $0x110, v1;
	v31 =	vor.u32 $0x120, v1;
	v35 =	vor.u32 $0x130, v1  }
0x30e: {  	v36 =	vor.u32 $0x140, v1;
	v38 =	vor.u32 $0x150, v1;
	v41 =	vor.u32 $0x160, v1  }
0x30f: {  	v43 =	vor.u32 $0x170, v1;
	v45 =	vor.u32 $0x180, v1;
	v49 =	vor.u32 $0x190, v1  }
0x310: {  	v51 =	vor.u32 $0x1A0, v1;
	v52 =	vor.u32 $0x1B0, v1;
	v54 =	vor.u32 $0x1C0, v1  }
0x311: {  	v56 =	vor.u32 $0x1D0, v1;
	v5 =	vadd.s32 v5, v2;
	v6 =	vadd.s32 v6, v2  }
0x312: {  	v8 =	vadd.s32 v8, v2;
	v11 =	vadd.s32 v11, v2;
	v12 =	vadd.s32 v12, v2;
	v3, _, _ =	vpop (xrf0)  }
0x313: {  	v14 =	vadd.s32 v14, v2;
	(v2sf) =	vpush v3, $0xF;
	v3 =	vshll.u32 v4, $0xA  }
0x314: {  	s12 =	simm.s32 $0x11170;
	v17 =	vadd.s32 v17, v2;
	v7 =	vshll.u32 v5, $0xA;
	v3 =	vand.u32 $0x7FFC00, v3  }
0x315: {  	v18 =	vadd.s32 v18, v2;
	v9 =	vshll.u32 v6, $0xA;
	v7 =	vand.u32 $0x7FFC00, v7;
	[tilespmem:v4+s12+$0x0] =	vst.idx.msk $0xffff, v3  }
0x316: {  	v20 =	vadd.s32 v20, v2;
	v10 =	vshll.u32 v8, $0xA;
	v9 =	vand.u32 $0x7FFC00, v9;
	[tilespmem:v5+s12+$0x0] =	vst.idx.msk $0xffff, v7  }
0x317: {  	v57 =	vadd.s32 v23, v2;
	v13 =	vshll.u32 v11, $0xA;
	v10 =	vand.u32 $0x7FFC00, v10;
	[tilespmem:v6+s12+$0x0] =	vst.idx.msk $0xffff, v9  }
0x318: {  	v60 =	vadd.s32 v58, v2;
	v15 =	vshll.u32 v12, $0xA;
	v13 =	vand.u32 $0x7FFC00, v13;
	[tilespmem:v8+s12+$0x0] =	vst.idx.msk $0xffff, v10  }
0x319: {  	v63 =	vadd.s32 v61, v2;
	v16 =	vshll.u32 v14, $0xA;
	v15 =	vand.u32 $0x7FFC00, v15;
	[tilespmem:v11+s12+$0x0] =	vst.idx.msk $0xffff, v13  }
0x31a: {  	v23 =	vor.u32 $0xD0, v1;
	v19 =	vshll.u32 v17, $0xA;
	v16 =	vand.u32 $0x7FFC00, v16;
	[tilespmem:v12+s12+$0x0] =	vst.idx.msk $0xffff, v15  }
0x31b: {  	v33 =	vadd.s32 v31, v2;
	v21 =	vshll.u32 v18, $0xA;
	v19 =	vand.u32 $0x7FFC00, v19;
	[tilespmem:v14+s12+$0x0] =	vst.idx.msk $0xffff, v16  }
0x31c: {  	v42 =	vadd.s32 v41, v2;
	v22 =	vshll.u32 v20, $0xA;
	v21 =	vand.u32 $0x7FFC00, v21;
	[tilespmem:v17+s12+$0x0] =	vst.idx.msk $0xffff, v19  }
0x31d: {  	v59 =	vshll.u32 v57, $0xA;
	v3 =	vand.u32 $0x7FFC00, v22;
	v10 =	vadd.s32 v23, v2;
	[tilespmem:v18+s12+$0x0] =	vst.idx.msk $0xffff, v21  }
0x31e: {  	v62 =	vshll.u32 v60, $0xA;
	v5 =	vand.u32 $0x7FFC00, v59;
	v11 =	vadd.s32 v24, v2;
	[tilespmem:v20+s12+$0x0] =	vst.idx.msk $0xffff, v3  }
0x31f: {  	v22 =	vshll.u32 v63, $0xA;
	v6 =	vand.u32 $0x7FFC00, v62;
	v13 =	vadd.s32 v26, v2;
	[tilespmem:v57+s12+$0x0] =	vst.idx.msk $0xffff, v5  }
0x320: {  	v8 =	vand.u32 $0x7FFC00, v22;
	v25 =	vshll.u32 v10, $0xA;
	v16 =	vadd.s32 v29, v2;
	[tilespmem:v60+s12+$0x0] =	vst.idx.msk $0xffff, v6  }
0x321: {  	v12 =	vand.u32 $0x7FFC00, v25;
	v27 =	vshll.u32 v11, $0xA;
	v17 =	vadd.s32 v30, v2;
	[tilespmem:v63+s12+$0x0] =	vst.idx.msk $0xffff, v8  }
0x322: {  	v47 =	vadd.s32 v45, v2;
	v28 =	vshll.u32 v13, $0xA;
	v14 =	vand.u32 $0x7FFC00, v27;
	[tilespmem:v10+s12+$0x0] =	vst.idx.msk $0xffff, v12  }
0x323: {  	v7 =	vadd.s32 v35, v2;
	v15 =	vand.u32 $0x7FFC00, v28;
	v3 =	vshll.u32 v16, $0xA;
	[tilespmem:v11+s12+$0x0] =	vst.idx.msk $0xffff, v14  }
0x324: {  	v32 =	vshll.u32 v17, $0xA;
	v3 =	vand.u32 $0x7FFC00, v3;
	v8 =	vadd.s32 v36, v2;
	[tilespmem:v13+s12+$0x0] =	vst.idx.msk $0xffff, v15  }
0x325: {  	v34 =	vshll.u32 v33, $0xA;
	v4 =	vand.u32 $0x7FFC00, v32;
	v10 =	vadd.s32 v38, v2;
	[tilespmem:v16+s12+$0x0] =	vst.idx.msk $0xffff, v3  }
0x326: {  	v50 =	vadd.s32 v49, v2;
	v37 =	vshll.u32 v7, $0xA;
	v6 =	vand.u32 $0x7FFC00, v34;
	[tilespmem:v17+s12+$0x0] =	vst.idx.msk $0xffff, v4  }
0x327: {  	v9 =	vand.u32 $0x7FFC00, v37;
	v39 =	vshll.u32 v8, $0xA;
	s6 =	spop (v2sf);
	v13 =	vadd.s32 v43, v2;
	[tilespmem:v33+s12+$0x0] =	vst.idx.msk $0xffff, v6  }
0x328: {  	v53 =	vadd.s32 v52, v2;
	v11 =	vand.u32 $0x7FFC00, v39;
	v40 =	vshll.u32 v10, $0xA;
	s6 =	sadd.s32 $0x800001FF, s6;
	[tilespmem:v7+s12+$0x0] =	vst.idx.msk $0xffff, v9  }
0x329: {  	v58 =	vor.u32 $0x1E0, v1;
	v44 =	vshll.u32 v42, $0xA;
	s13 =	sand.u32 $0x1FF, s6;
	v3 =	vand.u32 $0x7FFC00, v40;
	[tilespmem:v8+s12+$0x0] =	vst.idx.msk $0xffff, v11  }
0x32a: {  	s25 =	sshra.s32 s6, $0x1F;
	p2 =	slt.s32 s6, $0x1;
	v46 =	vshll.u32 v13, $0xA;
	p1 =	sne.s32 s13, $0x0;
	v4 =	vand.u32 $0x7FFC00, v44;
	v9 =	vadd.s32 v51, v2;
	[tilespmem:v10+s12+$0x0] =	vst.idx.msk $0xffff, v3  }
0x32b: {  	v48 =	vshll.u32 v47, $0xA;
	v59 =	vor.u32 $0x1F0, v1;
	s13 =	sshrl.u32 s25, $0x17;
	v5 =	vand.u32 $0x7FFC00, v46;
	p1 =	por !p2, !p1;
	[tilespmem:v42+s12+$0x0] =	vst.idx.msk $0xffff, v4  }
0x32c: {  	s6 =	sadd.s32 s13, s6;
	s13 =	simm.s32 $0x1;
	p1 =	por !p1, !p1;
	v7 =	vand.u32 $0x7FFC00, v48;
	v3 =	vshll.u32 v50, $0xA;
	v10 =	vadd.s32 v54, v2;
	[tilespmem:v13+s12+$0x0] =	vst.idx.msk $0xffff, v5  }
0x32d: {  	v57 =	vadd.s32 v56, v2;
	s6 =	sshra.s32 s6, $0x9;
	s13 =	simm.s32 @!p1 $0x0;
	v55 =	vshll.u32 v9, $0xA;
	v3 =	vand.u32 $0x7FFC00, v3;
	[tilespmem:v47+s12+$0x0] =	vst.idx.msk $0xffff, v7  }
0x32e: {  	s13 =	ssub.s32 s6, s13;
	v5 =	vand.u32 $0x7FFC00, v55;
	v7 =	vadd.s32 v58, v2;
	[tilespmem:v50+s12+$0x0] =	vst.idx.msk $0xffff, v3;
	v3 =	vshll.u32 v53, $0xA  }
0x32f: {  	v8 =	vadd.s32 v59, v2;
	p1 =	slt.s32 s13, $0x1;
	v60 =	vshll.u32 v10, $0xA;
	[tilespmem:v9+s12+$0x0] =	vst.idx.msk $0xffff, v5;
	v3 =	vand.u32 $0x7FFC00, v3  }
.Ltmp13:
0x330: {  	v61 =	vshll.u32 v57, $0xA;
	[tilespmem:v53+s12+$0x0] =	vst.idx.msk $0xffff, v3;
	v3 =	vand.u32 $0x7FFC00, v60;
	(pc) =	sbr.rel @p1 .LBB2_27-.Ltmp13, $4  }
0x331: {  	v62 =	vshll.u32 v7, $0xA;
	[tilespmem:v10+s12+$0x0] =	vst.idx.msk $0xffff, v3;
	v3 =	vand.u32 $0x7FFC00, v61  }
0x332: {  	v63 =	vshll.u32 v8, $0xA;
	[tilespmem:v57+s12+$0x0] =	vst.idx.msk $0xffff, v3;
	v3 =	vand.u32 $0x7FFC00, v62  }
0x333: {  	[tilespmem:v7+s12+$0x0] =	vst.idx.msk $0xffff, v3;
	v3 =	vand.u32 $0x7FFC00, v63  }
0x334: {  	[tilespmem:v8+s12+$0x0] =	vst.idx.msk $0xffff, v3  }
0x335: {  	p1 =	sne.s32 s13, $0x1  }
.Ltmp14:
0x336: {  	_ = 	snop;
	(pc) =	sbr.rel @!p1 .LBB2_26-.Ltmp14, $4  }
0x337: {  	s14 =	rddreg [dreg:$0x11]  }
0x338: {  	[hbm4b:s14+s4] =	stream.linear.scatter [tilespmem:s12], [sflag:$0x6], $0x200, $0x38;
	[tilespmem:$0x1DED0] =	vst v63  }
0x339: {  	_ =	swait.ge [sflag:s26], $0x200  }
0x33a: {  	s13 =	sadd.s32 $0xFFFFFFFF, s13;
	[sflag:s26] =	ssyncset.done $0x0  }
.LBB2_25:
0x33b: {  	[sflag:s26] =	ssyncadd.s32 $0xFFFFFE00  }
0x33c: {  	s12 =	sadd.s32 $0x200, s12;
	s14 =	sadd.s32 $0x40, s14;
	p1 =	sne.s32 s13, $0x1  }
.Ltmp15:
0x33d: {  	s13 =	sadd.s32 $0xFFFFFFFF, s13;
	(pc) =	sbr.rel @p1 .LBB2_25-.Ltmp15, $4  }
0x33e: {  	_ = 	snop  }
0x33f: {  	[hbm4b:s14+s4] =	stream.linear.scatter [tilespmem:s12], [sflag:$0x6], $0x200, $0x38;
	[tilespmem:$0x1DED0] =	vst v63  }
0x340: {  	_ =	swait.ge [sflag:s26], $0x200  }
0x341: {  	[sflag:s26] =	ssyncset.done $0x0  }
.LBB2_26:
0x342: {  	[sflag:s26] =	ssyncadd.s32 $0xFFFFFE00  }
.LBB2_27:
.Ltmp16:
0x343: {  	[tilespmem:$0x1DEC0] =	vst v2;
	s6 =	rddreg [dreg:$0xf];
	s12 =	simm.s32 $0x1DEC0;
	(pc) =	sbr.rel @p0 .LBB2_31-.Ltmp16, $4  }
0x344: {  	[hbm4b:s6+s4] =	stream.linear.scatter [tilespmem:s12], [sflag:$0x6], $0x10, $0x38;
	[tilespmem:$0x1DED0] =	vst v63  }
0x345: {  	_ =	swait.ge [sflag:s26], $0x10  }
0x346: {  	[sflag:s26] =	ssyncset.done $0x0  }
0x347: {  	[sflag:s26] =	ssyncadd.s32 $0xFFFFFFF0  }
0x348: {  	s6 =	simm.s32 $0x0;
	s12 =	rddreg [dreg:$0x2];
	s13 =	simm.s32 $0x1D6C0  }
0x349: {  	[tilespmem:s13], [sflag:$0x6] =	stream.linear.gather [hbm4b:s12+s6], $0x400, $0x38;
	[tilespmem:$0x1DED0] =	vst v63  }
0x34a: {  	_ =	swait.ge [sflag:s26], $0x400  }
0x34b: {  	[sflag:s26] =	ssyncset.done $0x0  }
0x34c: {  	s12 =	simm.s32 $0x0;
	[sflag:s26] =	ssyncadd.s32 $0xFFFFFC00  }
0x34d: {  	v2 =	vld [tilespmem:s12+$0x1D6C0];
	_ =	sdelay $0x7  }
0x34e: {  	s14 =	simm.s32 $0x80;
	s13 =	simm.s32 $0x10;
	v2 =	vld.idx.msk [tilespmem:v2+s4+$0x0], $0xffff  }
.LBB2_29:
0x34f: {  	p1 =	sne.s32 s14, $0xFC0;
	v3 =	vld [tilespmem:s13+$0x1D6C0];
	_ =	sdelay $0x3  }
.Ltmp17:
0x350: {  	(pc) =	sbr.rel @p1 .LBB2_29-.Ltmp17, $2  }
0x351: {  	[tilespmem:s12+$0x1DAC0] =	vst v2;
	s12 =	smov.u32 s13;
	_ =	sdelay $0x2  }
0x352: {  	s13 =	sshra.s32 s14, $0x2;
	s14 =	sadd.s32 $0x40, s14;
	v2 =	vld.idx.msk [tilespmem:v3+s4+$0x0], $0xffff  }
.Ltmp18:
0x353: {  	_ = 	snop;
	(pc) =	sbr.rel .LBB2_30-.Ltmp18, $1  }
0x354: {  	_ =	sdelay $0x3  }
.LBB2_32:
0x355: {  	_ =	sfence.sel $0x180000  }
0x356: {  	[bflag:$0x0] =	sbarrier.arrive $0xFFFF  }
0x357: {  	_ =	strace $0x90000047  }
0x358: {  	s0 =	stileid.u32;
	[bflag:$0x2] =	sbarrier.arrive $0xFFFF  }
0x359: {  	p0 =	sne.s32 s0, $0x0;
	s0 =	rddreg [dreg:$0x3]  }
0x35a: {  	s0 =	sadd.s32 @!p0 $0x100000, s0  }
0x35b: {  	[sflag:s0] =	ssyncadd.tile.s32 @!p0 $0x1;
	_ =	shalt  }
.Lfunc_end2:
_tile_overlayer_lowered:
.L_overlay_start_2:
0x35c: {  	(tag) =	ssettag $0x2  }
0x35d: {  	s0 =	rddreg [dreg:$0x0];
	s2 =	stileid.u32  }
0x35e: {  	s1 =	rddreg [dreg:$0x1];
	p0 =	sne.s32 s2, $0x0  }
0x35f: {  	s3 =	rddreg [dreg:$0x2];
	[bflag:$0x3] =	sbarrier.arrive $0xFFFF;
	s2 =	simm.s32 @!p0 $0x1C06  }
0x360: {  	[timem:s3], [sflag:s2] =	dma.local @!p0 [hbm:s0], s1  }
0x361: {  	s0 =	simm.s32 @!p0 $0x6  }
0x362: {  	_ =	swait.ge @!p0 [sflag:s0], s1  }
0x363: {  	s1 =	ssub.s32 @!p0 $0x0, s1;
	[sflag:s0] =	ssyncset.done @!p0 $0x0  }
0x364: {  	[sflag:s0] =	ssyncadd.s32 @!p0 s1  }
0x365: {  	[bflag:$0x3] =	sbarrier.arrive $0xFFFF  }
0x366: {  	_ =	shalt  }

</sc_bundles>
